<compile_context>
chip_gen: v7x
topology: tpu7x:2x2x1
jax: 0.10.2.dev20260603
libtpu: 0.0.44.dev20260713+nightly
codegen_flags: <defaults>
</compile_context>

<pallas_src>
import functools

import jax
import jax.numpy as jnp
from jax import lax
from jax.experimental import pallas as pl
from jax.experimental.pallas import tpu as pltpu
from jax.experimental.pallas import tpu_sc as plsc

N = 10000
E = 320000
D = 128
H = 64
R = 64
L = 4
G = 64
CUTOFF = 6.0
GAMMA = 10.0

N_PAD = 10240
NC, NS = 2, 16
NW = NC * NS
K = 128
E_PAD = 323584
EPW = E_PAD // NW
NB = 1024
NBLK = N_PAD // NB
EB = 1024
EBLK = E_PAD // EB
ROWS_PER_TILE = N_PAD // NS
D2CH = 512


def _mesh():
  return plsc.VectorSubcoreMesh(
      core_axis_name="c", subcore_axis_name="s", num_cores=NC, num_subcores=NS)


def _make_d2_kernel(interpret=False):
  CH = D2CH

  @functools.partial(
      pl.kernel, mesh=_mesh(),
      out_type=jax.ShapeDtypeStruct((E_PAD,), jnp.float32),
      scratch_types=[
          pltpu.VMEM((N_PAD,), jnp.float32),
          pltpu.VMEM((N_PAD,), jnp.float32),
          pltpu.VMEM((N_PAD,), jnp.float32),
          pltpu.VMEM((CH,), jnp.int32),
          pltpu.VMEM((CH,), jnp.int32),
          pltpu.VMEM((CH,), jnp.float32),
      ],
      compiler_params=pltpu.CompilerParams(needs_layout_passes=False),
      interpret=interpret)
  def d2_kernel(px_hbm, py_hbm, pz_hbm, row_hbm, col_hbm, d2_hbm,
                px_v, py_v, pz_v, row_v, col_v, d2_v):
    wid = lax.axis_index("c") * NS + lax.axis_index("s")
    base = wid * EPW
    pltpu.sync_copy(px_hbm, px_v)
    pltpu.sync_copy(py_hbm, py_v)
    pltpu.sync_copy(pz_hbm, pz_v)

    def step(st, _):
      off = base + st * CH
      pltpu.sync_copy(row_hbm.at[pl.ds(off, CH)], row_v)
      pltpu.sync_copy(col_hbm.at[pl.ds(off, CH)], col_v)

      def inner(j, _):
        ri = row_v[pl.ds(j * 16, 16)]
        ci = col_v[pl.ds(j * 16, 16)]
        dx = plsc.load_gather(px_v, [ri]) - plsc.load_gather(px_v, [ci])
        dy = plsc.load_gather(py_v, [ri]) - plsc.load_gather(py_v, [ci])
        dz = plsc.load_gather(pz_v, [ri]) - plsc.load_gather(pz_v, [ci])
        d2_v[pl.ds(j * 16, 16)] = dx * dx + dy * dy + dz * dz
        return 0

      lax.fori_loop(0, CH // 16, inner, 0)
      pltpu.sync_copy(d2_v, d2_hbm.at[pl.ds(off, CH)])
      return 0

    lax.fori_loop(0, EPW // CH, step, 0)

  return d2_kernel


def _make_edge_kernel(with_deg, interpret=False):
  outs = [jax.ShapeDtypeStruct((NC * N_PAD, H), jnp.float32)]
  if with_deg:
    outs = outs + [jax.ShapeDtypeStruct((NC * N_PAD, H), jnp.float32)]

  @functools.partial(
      pl.kernel, mesh=_mesh(),
      out_type=outs,
      scratch_types=[
          pltpu.VMEM((K,), jnp.int32),
          pltpu.VMEM((K,), jnp.int32),
          pltpu.VMEM((1, K), jnp.int32),
          pltpu.VMEM((K, H), jnp.float32),
          pltpu.VMEM((K, H), jnp.float32),
          pltpu.VMEM((K, H), jnp.float32),
          pltpu.VMEM((K, H), jnp.float32),
          pltpu.VMEM_SHARED((N_PAD, H), jnp.float32),
          pltpu.VMEM_SHARED((N_PAD, H), jnp.float32),
          pltpu.SemaphoreType.DMA,
          pltpu.SemaphoreType.DMA,
      ],
      compiler_params=pltpu.CompilerParams(needs_layout_passes=False,
                                           use_tc_tiling_on_sc=False),
      interpret=interpret)
  def edge_kernel(*args):
    if with_deg:
      (p_hbm, q_hbm, t_hbm, row_hbm, col_hbm, s_hbm, deg_hbm,
       row_v, col_v, cols_v, t_v, gp_v, gq_v, s_v, aggr_s, deg_s,
       sem1, sem2) = args
    else:
      (p_hbm, q_hbm, t_hbm, row_hbm, col_hbm, s_hbm,
       row_v, col_v, cols_v, t_v, gp_v, gq_v, s_v, aggr_s, deg_s,
       sem1, sem2) = args
      deg_hbm = None
    cid = lax.axis_index("c")
    sid = lax.axis_index("s")
    wid = cid * NS + sid
    ebase = wid * EPW

    def zloop(i, _):
      for kk in range(H // 16):
        s_v[i, pl.ds(kk * 16, 16)] = jnp.zeros((16,), jnp.float32)
      return 0
    lax.fori_loop(0, K, zloop, 0)
    for j in range(ROWS_PER_TILE // K):
      pltpu.sync_copy(s_v, aggr_s.at[pl.ds(sid * ROWS_PER_TILE + j * K, K)])
      if with_deg:
        pltpu.sync_copy(s_v, deg_s.at[pl.ds(sid * ROWS_PER_TILE + j * K, K)])
    plsc.subcore_barrier()

    def step(st, _):
      off = ebase + st * K
      pltpu.sync_copy(row_hbm.at[pl.ds(off, K)], row_v)
      pltpu.sync_copy(col_hbm.at[pl.ds(off, K)], col_v)
      pltpu.sync_copy(col_hbm.at[pl.ds(off, K)], cols_v.at[0])
      pltpu.sync_copy(t_hbm.at[pl.ds(off, K)], t_v)
      cp = pltpu.async_copy(p_hbm.at[col_v], gp_v, sem1)
      cq = pltpu.async_copy(q_hbm.at[row_v], gq_v, sem2)
      cp.wait()
      cq.wait()

      def body(i, _):
        for kk in range(H // 16):
          k = kk * 16
          z = (gp_v[i, pl.ds(k, 16)] + gq_v[i, pl.ds(k, 16)]
               + t_v[i, pl.ds(k, 16)])
          s_v[i, pl.ds(k, 16)] = z / (1.0 + jnp.exp(-z))
        return 0

      lax.fori_loop(0, K, body, 0)
      pltpu.sync_copy(s_v, aggr_s.at[cols_v.at[0]], add=True)
      return 0

    lax.fori_loop(0, EPW // K, step, 0)

    if with_deg:
      def oloop(i, _):
        for kk in range(H // 16):
          s_v[i, pl.ds(kk * 16, 16)] = jnp.ones((16,), jnp.float32)
        return 0
      lax.fori_loop(0, K, oloop, 0)

      def dstep(st, _):
        off = ebase + st * K
        pltpu.sync_copy(col_hbm.at[pl.ds(off, K)], cols_v.at[0])
        pltpu.sync_copy(s_v, deg_s.at[cols_v.at[0]], add=True)
        return 0
      lax.fori_loop(0, EPW // K, dstep, 0)

    plsc.subcore_barrier()

    nbase = cid * N_PAD + sid * ROWS_PER_TILE
    for j in range(ROWS_PER_TILE // K):
      pltpu.sync_copy(aggr_s.at[pl.ds(sid * ROWS_PER_TILE + j * K, K)], s_v)
      pltpu.sync_copy(s_v, s_hbm.at[pl.ds(nbase + j * K, K)])
    if with_deg:
      for j in range(ROWS_PER_TILE // K):
        pltpu.sync_copy(deg_s.at[pl.ds(sid * ROWS_PER_TILE + j * K, K)], s_v)
        pltpu.sync_copy(s_v, deg_hbm.at[pl.ds(nbase + j * K, K)])

  return edge_kernel


def _t_body(d2_ref, wc_ref, bt_ref, out_ref):
  d = jnp.sqrt(d2_ref[...])
  c = (lax.broadcasted_iota(jnp.int32, (1, R), 1).astype(jnp.float32)
       * (CUTOFF / (R - 1)))
  a = d - c
  rbf = jnp.exp(-GAMMA * a * a)
  out_ref[...] = (jnp.dot(rbf, wc_ref[0], preferred_element_type=jnp.float32)
                  + bt_ref[0])


def _t_all_layers(d2, wc, bt, interpret=False):
  return pl.pallas_call(
      _t_body,
      grid=(L, EBLK),
      in_specs=[
          pl.BlockSpec((EB, 1), lambda l, i: (i, 0)),
          pl.BlockSpec((1, R, H), lambda l, i: (l, 0, 0)),
          pl.BlockSpec((1, 1, H), lambda l, i: (l, 0, 0)),
      ],
      out_specs=pl.BlockSpec((EB, H), lambda l, i: (l * EBLK + i, 0)),
      out_shape=jax.ShapeDtypeStruct((L * E_PAD, H), jnp.float32),
      interpret=interpret,
  )(d2, wc, bt)


def _pq_body(h_ref, wp_ref, wq_ref, bp_ref, bq_ref, p_ref, q_ref):
  hb = h_ref[...]
  p_ref[...] = (jnp.dot(hb, wp_ref[...], preferred_element_type=jnp.float32)
                + bp_ref[...])
  q_ref[...] = (jnp.dot(hb, wq_ref[...], preferred_element_type=jnp.float32)
                + bq_ref[...])


def _pq(h, wp, wq, bp, bq, interpret=False):
  return pl.pallas_call(
      _pq_body,
      grid=(NBLK,),
      in_specs=[
          pl.BlockSpec((NB, D), lambda i: (i, 0)),
          pl.BlockSpec((D, H), lambda i: (0, 0)),
          pl.BlockSpec((D, H), lambda i: (0, 0)),
          pl.BlockSpec((1, H), lambda i: (0, 0)),
          pl.BlockSpec((1, H), lambda i: (0, 0)),
      ],
      out_specs=[pl.BlockSpec((NB, H), lambda i: (i, 0)),
                 pl.BlockSpec((NB, H), lambda i: (i, 0))],
      out_shape=[jax.ShapeDtypeStruct((N_PAD, H), jnp.float32),
                 jax.ShapeDtypeStruct((N_PAD, H), jnp.float32)],
      interpret=interpret,
  )(h, wp, wq, bp, bq)


def _silu(v):
  return v * jax.nn.sigmoid(v)


def _upd_body(s0_ref, s1_ref, d0_ref, d1_ref, wu_ref, bv_ref, bu1_ref,
              wu2_ref, bu2_ref, h_ref):
  sb = s0_ref[...] + s1_ref[...]
  deg = d0_ref[...] + d1_ref[...]
  u = _silu(jnp.dot(sb, wu_ref[...], preferred_element_type=jnp.float32)
            + deg * bv_ref[...] + bu1_ref[...])
  h_ref[...] = (jnp.dot(u, wu2_ref[...], preferred_element_type=jnp.float32)
                + bu2_ref[...])


def _node_update(s, deg, wu, bv, bu1, wu2, bu2, interpret=False):
  return pl.pallas_call(
      _upd_body,
      grid=(NBLK,),
      in_specs=[
          pl.BlockSpec((NB, H), lambda i: (i, 0)),
          pl.BlockSpec((NB, H), lambda i: (NBLK + i, 0)),
          pl.BlockSpec((NB, 1), lambda i: (i, 0)),
          pl.BlockSpec((NB, 1), lambda i: (NBLK + i, 0)),
          pl.BlockSpec((H, H), lambda i: (0, 0)),
          pl.BlockSpec((1, H), lambda i: (0, 0)),
          pl.BlockSpec((1, H), lambda i: (0, 0)),
          pl.BlockSpec((H, D), lambda i: (0, 0)),
          pl.BlockSpec((1, D), lambda i: (0, 0)),
      ],
      out_specs=pl.BlockSpec((NB, D), lambda i: (i, 0)),
      out_shape=jax.ShapeDtypeStruct((N_PAD, D), jnp.float32),
      interpret=interpret,
  )(s, s, deg, deg, wu, bv, bu1, wu2, bu2)


def _pool_body(h_ref, b_ref, wf1_ref, bf1_ref, wf2_ref, bf2_ref, o_ref,
               acc_ref):
  i = pl.program_id(0)

  @pl.when(i == 0)
  def _():
    acc_ref[...] = jnp.zeros_like(acc_ref)

  seg = lax.broadcasted_iota(jnp.int32, (G, NB), 0)
  onehot = (seg == b_ref[...].reshape(1, NB)).astype(jnp.float32)
  acc_ref[...] += jnp.dot(onehot, h_ref[...],
                          preferred_element_type=jnp.float32)

  @pl.when(i == NBLK - 1)
  def _():
    g = acc_ref[...]
    s = _silu(jnp.dot(g, wf1_ref[...], preferred_element_type=jnp.float32)
              + bf1_ref[...])
    o_ref[...] = (jnp.sum(s * wf2_ref[...], axis=1, keepdims=True)
                  + bf2_ref[...])


def _pool(h, batch2d, wf1, bf1, wf2row, bf2, interpret=False):
  return pl.pallas_call(
      _pool_body,
      grid=(NBLK,),
      in_specs=[
          pl.BlockSpec((NB, D), lambda i: (i, 0)),
          pl.BlockSpec((NB, 1), lambda i: (i, 0)),
          pl.BlockSpec((D, H), lambda i: (0, 0)),
          pl.BlockSpec((1, H), lambda i: (0, 0)),
          pl.BlockSpec((1, H), lambda i: (0, 0)),
          pl.BlockSpec((1, 1), lambda i: (0, 0)),
      ],
      out_specs=pl.BlockSpec((G, 1), lambda i: (0, 0)),
      out_shape=jax.ShapeDtypeStruct((G, 1), jnp.float32),
      scratch_shapes=[pltpu.VMEM((G, D), jnp.float32)],
      interpret=interpret,
  )(h, batch2d, wf1, bf1, wf2row, bf2)


def _run(x, edge_index, pos, batch, W_node, b_node, W_rbf, b_rbf,
         W_e1, b_e1, W_e2, b_e2, W_u1, b_u1, W_u2, b_u2,
         W_f1, b_f1, W_f2, b_f2, interpret=False):
  f32 = jnp.float32
  A1 = W_e1[:, 0:H, :]
  B1 = W_e1[:, H:2 * H, :]
  C1 = W_e1[:, 2 * H:3 * H, :]
  Wp = jnp.einsum("ldh,lhk->ldk", jnp.broadcast_to(W_node, (L, D, H)), A1)
  Wq = jnp.einsum("ldh,lhk->ldk", jnp.broadcast_to(W_node, (L, D, H)), B1)
  bp = jnp.einsum("lh,lhk->lk", b_node, A1)
  bq = jnp.einsum("lh,lhk->lk", b_node, B1)
  Wc = jnp.einsum("lrh,lhk->lrk", W_rbf, C1)
  bT = (jnp.einsum("lh,lhk->lk", b_rbf, C1) + b_e1)[:, None, :]
  Wu = jnp.einsum("lhk,lkm->lhm", W_e2, W_u1)
  bv = jnp.einsum("lh,lhk->lk", b_e2, W_u1)[:, None, :]
  bu1 = b_u1[:, None, :]
  bu2 = b_u2[:, None, :]

  row = jnp.concatenate([edge_index[0],
                         jnp.full((E_PAD - E,), N, jnp.int32)])
  col = jnp.concatenate([edge_index[1],
                         jnp.full((E_PAD - E,), N, jnp.int32)])
  posp = jnp.concatenate([pos.astype(f32),
                          jnp.zeros((N_PAD - N, 3), f32)], axis=0)
  px = jnp.asarray(posp[:, 0])
  py = jnp.asarray(posp[:, 1])
  pz = jnp.asarray(posp[:, 2])
  xp = jnp.concatenate([x, jnp.zeros((N_PAD - N, D), f32)], axis=0)
  batchp = jnp.concatenate([batch.astype(jnp.int32),
                            jnp.full((N_PAD - N,), G, jnp.int32)])[:, None]

  d2k = _make_d2_kernel(interpret=interpret)
  d2 = d2k(px, py, pz, row, col)
  t_all = _t_all_layers(d2[:, None], Wc, bT, interpret=interpret)

  ek_deg = _make_edge_kernel(True, interpret=interpret)
  ek = _make_edge_kernel(False, interpret=interpret)

  h = xp
  deg = None
  for l in range(L):
    p, q = _pq(h, Wp[l], Wq[l], bp[l][None, :], bq[l][None, :],
               interpret=interpret)
    t_l = lax.slice_in_dim(t_all, l * E_PAD, (l + 1) * E_PAD, axis=0)
    if l == 0:
      s, deg64 = ek_deg(p, q, t_l, row, col)
      deg = deg64[:, :1]
    else:
      (s,) = ek(p, q, t_l, row, col)
    h = _node_update(s, deg, Wu[l], bv[l], bu1[l], W_u2[l], bu2[l],
                     interpret=interpret)

  o = _pool(h, batchp, W_f1, b_f1[None, :], W_f2.T, b_f2[None, :],
            interpret=interpret)
  return o.reshape(-1)


def kernel(x, edge_index, pos, batch, W_node, b_node, W_rbf, b_rbf,
           W_e1, b_e1, W_e2, b_e2, W_u1, b_u1, W_u2, b_u2,
           W_f1, b_f1, W_f2, b_f2):
  return _run(x, edge_index, pos, batch, W_node, b_node, W_rbf, b_rbf,
              W_e1, b_e1, W_e2, b_e2, W_u1, b_u1, W_u2, b_u2,
              W_f1, b_f1, W_f2, b_f2)

# --- scband reference (transcript-rebuilt; emitter-appended) ---
"""Pipeline reference for scband-gem-net-model-53790170415615 (READ-ONLY COPY).

The authoritative reference and input builder live on the scoring server;
editing this copy changes nothing except your own understanding.
"""

import jax, jax.numpy as jnp
import numpy as np

N = 10000
E = 320000
D = 128
H = 64
R = 64
L = 4
G = 64
CUTOFF = 6.0
GAMMA = 10.0


def setup_inputs(seed: int = 0) -> dict:
    key = jax.random.key(seed)
    ks = jax.random.split(key, 16)
    x = jax.random.normal(ks[0], (N, D), dtype=jnp.float32)
    pos = jax.random.normal(ks[1], (N, 3), dtype=jnp.float32)
    edge_index = jax.random.randint(ks[2], (2, E), 0, N, dtype=jnp.int32)
    batch = jnp.sort(jax.random.randint(ks[3], (N,), 0, G, dtype=jnp.int32))
    s = 0.05
    W_node = jax.random.normal(ks[4], (L, D, H), dtype=jnp.float32) * s
    b_node = jnp.zeros((L, H), dtype=jnp.float32)
    W_rbf = jax.random.normal(ks[5], (L, R, H), dtype=jnp.float32) * s
    b_rbf = jnp.zeros((L, H), dtype=jnp.float32)
    W_e1 = jax.random.normal(ks[6], (L, 3 * H, H), dtype=jnp.float32) * s
    b_e1 = jnp.zeros((L, H), dtype=jnp.float32)
    W_e2 = jax.random.normal(ks[7], (L, H, H), dtype=jnp.float32) * s
    b_e2 = jnp.zeros((L, H), dtype=jnp.float32)
    W_u1 = jax.random.normal(ks[8], (L, H, H), dtype=jnp.float32) * s
    b_u1 = jnp.zeros((L, H), dtype=jnp.float32)
    W_u2 = jax.random.normal(ks[9], (L, H, D), dtype=jnp.float32) * s
    b_u2 = jnp.zeros((L, D), dtype=jnp.float32)
    W_f1 = jax.random.normal(ks[10], (D, H), dtype=jnp.float32) * s
    b_f1 = jnp.zeros((H,), dtype=jnp.float32)
    W_f2 = jax.random.normal(ks[11], (H, 1), dtype=jnp.float32) * s
    b_f2 = jnp.zeros((1,), dtype=jnp.float32)
    return {"x": x, "edge_index": edge_index, "pos": pos, "batch": batch,
            "W_node": W_node, "b_node": b_node, "W_rbf": W_rbf, "b_rbf": b_rbf,
            "W_e1": W_e1, "b_e1": b_e1, "W_e2": W_e2, "b_e2": b_e2,
            "W_u1": W_u1, "b_u1": b_u1, "W_u2": W_u2, "b_u2": b_u2,
            "W_f1": W_f1, "b_f1": b_f1, "W_f2": W_f2, "b_f2": b_f2}


def _silu(v):
    return v * jax.nn.sigmoid(v)


def reference(x, edge_index, pos, batch, W_node, b_node, W_rbf, b_rbf,
              W_e1, b_e1, W_e2, b_e2, W_u1, b_u1, W_u2, b_u2,
              W_f1, b_f1, W_f2, b_f2):
    centers = jnp.linspace(0.0, CUTOFF, R)
    row = edge_index[0]
    col = edge_index[1]
    n_nodes = x.shape[0]
    h = x
    for l in range(L):
        x_emb = h @ W_node[l] + b_node[l]
        dvec = pos[row] - pos[col]
        dist = jnp.sqrt(jnp.sum(dvec * dvec, axis=-1))
        rbf = jnp.exp(-GAMMA * (dist[:, None] - centers[None, :]) ** 2)
        edge_attr = rbf @ W_rbf[l] + b_rbf[l]
        # PyG default flow source_to_target: x_j = x[row] (source), x_i = x[col] (target)
        x_i = x_emb[col]
        x_j = x_emb[row]
        msg = jnp.concatenate([x_i, x_j, edge_attr], axis=-1)
        m = _silu(msg @ W_e1[l] + b_e1[l])
        m = m @ W_e2[l] + b_e2[l]
        aggr = jax.ops.segment_sum(m, col, num_segments=n_nodes)
        u = _silu(aggr @ W_u1[l] + b_u1[l])
        h = u @ W_u2[l] + b_u2[l]
    g = jax.ops.segment_sum(h, batch, num_segments=G)
    o = _silu(g @ W_f1 + b_f1)
    o = o @ W_f2 + b_f2
    return o.reshape(-1)

if __name__ == "__main__":
    import jax
    _d = setup_inputs()
    print(jax.jit(kernel)(*tuple(_d.values())))

</pallas_src>

<mosaic_0001>
#map = affine_map<(d0, d1) -> (0, 0)>
#map1 = affine_map<(d0, d1) -> (0)>
module attributes {stable_mosaic.version = 14 : i64} {
  func.func @edge_kernel(%arg0: i32, %arg1: i32, %arg2: memref<10240x64xf32, #tpu.memory_space<hbm>>, %arg3: memref<10240x64xf32, #tpu.memory_space<hbm>>, %arg4: memref<323584x64xf32, #tpu.memory_space<hbm>>, %arg5: memref<323584xi32, #tpu.memory_space<hbm>>, %arg6: memref<323584xi32, #tpu.memory_space<hbm>>, %arg7: memref<20480x64xf32, #tpu.memory_space<hbm>>, %arg8: memref<128xi32, #tpu.memory_space<vmem>>, %arg9: memref<128xi32, #tpu.memory_space<vmem>>, %arg10: memref<1x128xi32, #tpu.memory_space<vmem>>, %arg11: memref<128x64xf32, #tpu.memory_space<vmem>>, %arg12: memref<128x64xf32, #tpu.memory_space<vmem>>, %arg13: memref<128x64xf32, #tpu.memory_space<vmem>>, %arg14: memref<128x64xf32, #tpu.memory_space<vmem>>, %arg15: memref<10240x64xf32, #tpu.memory_space<vmem_shared>>, %arg16: memref<10240x64xf32, #tpu.memory_space<vmem_shared>>, %arg17: memref<!tpu.dma_semaphore, #tpu.memory_space<semaphore_mem>>, %arg18: memref<!tpu.dma_semaphore, #tpu.memory_space<semaphore_mem>>) attributes {dimension_semantics = [#tpu.dimension_semantics<core_parallel>, #tpu.dimension_semantics<subcore_parallel>], iteration_bounds = array<i64: 2, 16>, scalar_prefetch = 0 : i64, scratch_operands = 11 : i64, tpu.core_type = #tpu.core_type<sc_vector_subcore>, window_params = [{transform_indices = #map}, {transform_indices = #map}, {transform_indices = #map}, {transform_indices = #map1}, {transform_indices = #map1}, {transform_indices = #map}]} {
    %mul3A = arith.constant 16 : i32
    %mul3A_0 = arith.muli %arg0, %mul3A : i32
    %add3A = arith.addi %mul3A_0, %arg1 : i32
    %mul3A_1 = arith.constant 10112 : i32
    %mul3A_2 = arith.muli %add3A, %mul3A_1 : i32
    %scan3A = arith.constant 0 : i32
    %scan3A_3 = arith.constant 0 : i32
    %scan3A_4 = arith.constant 128 : i32
    %scan3A_5 = arith.addi %scan3A_3, %scan3A_4 : i32
    %scan3A_6 = arith.constant 1 : i32
    %scan3A_7 = scf.for %scan3A_72 = %scan3A_3 to %scan3A_5 step %scan3A_6 iter_args(%scan3A_73 = %scan3A) -> (i32)  : i32 {
      %broadcast_in_dim3A = arith.constant 0.000000e+00 : f32
      %broadcast_in_dim3A_74 = vector.broadcast %broadcast_in_dim3A : f32 to vector<16xf32>
      %swap3A = arith.index_cast %scan3A_72 : i32 to index
      %swap3A_75 = arith.constant 0 : index
      %swap3A_76 = tpu.vector_load %arg14[%swap3A, %swap3A_75] {strides = array<i32>} : memref<128x64xf32, #tpu.memory_space<vmem>>, vector<16xf32>,
      tpu.vector_store %arg14[%swap3A, %swap3A_75], %broadcast_in_dim3A_74 {strides = array<i32>} : memref<128x64xf32, #tpu.memory_space<vmem>>, vector<16xf32>,
      %broadcast_in_dim3A_77 = arith.constant 0.000000e+00 : f32
      %broadcast_in_dim3A_78 = vector.broadcast %broadcast_in_dim3A_77 : f32 to vector<16xf32>
      %swap3A_79 = arith.index_cast %scan3A_72 : i32 to index
      %swap3A_80 = arith.constant 16 : index
      %swap3A_81 = tpu.vector_load %arg14[%swap3A_79, %swap3A_80] {strides = array<i32>} : memref<128x64xf32, #tpu.memory_space<vmem>>, vector<16xf32>,
      tpu.vector_store %arg14[%swap3A_79, %swap3A_80], %broadcast_in_dim3A_78 {strides = array<i32>} : memref<128x64xf32, #tpu.memory_space<vmem>>, vector<16xf32>,
      %broadcast_in_dim3A_82 = arith.constant 0.000000e+00 : f32
      %broadcast_in_dim3A_83 = vector.broadcast %broadcast_in_dim3A_82 : f32 to vector<16xf32>
      %swap3A_84 = arith.index_cast %scan3A_72 : i32 to index
      %swap3A_85 = arith.constant 32 : index
      %swap3A_86 = tpu.vector_load %arg14[%swap3A_84, %swap3A_85] {strides = array<i32>} : memref<128x64xf32, #tpu.memory_space<vmem>>, vector<16xf32>,
      tpu.vector_store %arg14[%swap3A_84, %swap3A_85], %broadcast_in_dim3A_83 {strides = array<i32>} : memref<128x64xf32, #tpu.memory_space<vmem>>, vector<16xf32>,
      %broadcast_in_dim3A_87 = arith.constant 0.000000e+00 : f32
      %broadcast_in_dim3A_88 = vector.broadcast %broadcast_in_dim3A_87 : f32 to vector<16xf32>
      %swap3A_89 = arith.index_cast %scan3A_72 : i32 to index
      %swap3A_90 = arith.constant 48 : index
      %swap3A_91 = tpu.vector_load %arg14[%swap3A_89, %swap3A_90] {strides = array<i32>} : memref<128x64xf32, #tpu.memory_space<vmem>>, vector<16xf32>,
      tpu.vector_store %arg14[%swap3A_89, %swap3A_90], %broadcast_in_dim3A_88 {strides = array<i32>} : memref<128x64xf32, #tpu.memory_space<vmem>>, vector<16xf32>,
      %scan3A_92 = arith.constant 0 : i32
      scf.yield %scan3A_92 : i32
    }
    %scan3A_8 = arith.constant 128 : i32
    %mul3A_9 = arith.constant 640 : i32
    %mul3A_10 = arith.muli %arg1, %mul3A_9 : i32
    %add3A_11 = arith.constant 0 : i32
    %add3A_12 = arith.addi %mul3A_10, %add3A_11 : i32
    "tpu.region"() ({
      %run_scoped3A = tpu.sem_alloc : memref<!tpu.dma_semaphore, #tpu.memory_space<semaphore_mem>>
      %dma_start3A = arith.constant 0 : i32
      %dma_start3A_72 = tpu.memref_slice %arg15[%add3A_12, %dma_start3A] : memref<10240x64xf32, #tpu.memory_space<vmem_shared>> -> memref<128x64xf32, #tpu.memory_space<vmem_shared>>
      %dma_start3A_73 = arith.constant 0 : i32
      %dma_start3A_74 = tpu.memref_slice %arg15[%add3A_12, %dma_start3A_73] : memref<10240x64xf32, #tpu.memory_space<vmem_shared>> -> memref<128x64xf32, #tpu.memory_space<vmem_shared>>
      tpu.enqueue_dma source(%arg14 : memref<128x64xf32, #tpu.memory_space<vmem>>) target(%dma_start3A_74 : memref<128x64xf32, #tpu.memory_space<vmem_shared>>) target_semaphore(%run_scoped3A : memref<!tpu.dma_semaphore, #tpu.memory_space<semaphore_mem>>)
      %dma_wait3A = arith.constant 0 : i32
      %dma_wait3A_75 = tpu.memref_slice %arg15[%add3A_12, %dma_wait3A] : memref<10240x64xf32, #tpu.memory_space<vmem_shared>> -> memref<128x64xf32, #tpu.memory_space<vmem_shared>>
      %dma_wait3A_76 = arith.constant 0 : i32
      %dma_wait3A_77 = tpu.memref_slice %arg15[%add3A_12, %dma_wait3A_76] : memref<10240x64xf32, #tpu.memory_space<vmem_shared>> -> memref<128x64xf32, #tpu.memory_space<vmem_shared>>
      tpu.wait_dma2 semaphore(%run_scoped3A : memref<!tpu.dma_semaphore, #tpu.memory_space<semaphore_mem>>) src(%arg14 : memref<128x64xf32, #tpu.memory_space<vmem>>) dst(%dma_wait3A_77 : memref<128x64xf32, #tpu.memory_space<vmem_shared>>)
      tpu.yield
    }) : () -> ()
    %mul3A_13 = arith.constant 640 : i32
    %mul3A_14 = arith.muli %arg1, %mul3A_13 : i32
    %add3A_15 = arith.constant 128 : i32
    %add3A_16 = arith.addi %mul3A_14, %add3A_15 : i32
    "tpu.region"() ({
      %run_scoped3A = tpu.sem_alloc : memref<!tpu.dma_semaphore, #tpu.memory_space<semaphore_mem>>
      %dma_start3A = arith.constant 0 : i32
      %dma_start3A_72 = tpu.memref_slice %arg15[%add3A_16, %dma_start3A] : memref<10240x64xf32, #tpu.memory_space<vmem_shared>> -> memref<128x64xf32, #tpu.memory_space<vmem_shared>>
      %dma_start3A_73 = arith.constant 0 : i32
      %dma_start3A_74 = tpu.memref_slice %arg15[%add3A_16, %dma_start3A_73] : memref<10240x64xf32, #tpu.memory_space<vmem_shared>> -> memref<128x64xf32, #tpu.memory_space<vmem_shared>>
      tpu.enqueue_dma source(%arg14 : memref<128x64xf32, #tpu.memory_space<vmem>>) target(%dma_start3A_74 : memref<128x64xf32, #tpu.memory_space<vmem_shared>>) target_semaphore(%run_scoped3A : memref<!tpu.dma_semaphore, #tpu.memory_space<semaphore_mem>>)
      %dma_wait3A = arith.constant 0 : i32
      %dma_wait3A_75 = tpu.memref_slice %arg15[%add3A_16, %dma_wait3A] : memref<10240x64xf32, #tpu.memory_space<vmem_shared>> -> memref<128x64xf32, #tpu.memory_space<vmem_shared>>
      %dma_wait3A_76 = arith.constant 0 : i32
      %dma_wait3A_77 = tpu.memref_slice %arg15[%add3A_16, %dma_wait3A_76] : memref<10240x64xf32, #tpu.memory_space<vmem_shared>> -> memref<128x64xf32, #tpu.memory_space<vmem_shared>>
      tpu.wait_dma2 semaphore(%run_scoped3A : memref<!tpu.dma_semaphore, #tpu.memory_space<semaphore_mem>>) src(%arg14 : memref<128x64xf32, #tpu.memory_space<vmem>>) dst(%dma_wait3A_77 : memref<128x64xf32, #tpu.memory_space<vmem_shared>>)
      tpu.yield
    }) : () -> ()
    %mul3A_17 = arith.constant 640 : i32
    %mul3A_18 = arith.muli %arg1, %mul3A_17 : i32
    %add3A_19 = arith.constant 256 : i32
    %add3A_20 = arith.addi %mul3A_18, %add3A_19 : i32
    "tpu.region"() ({
      %run_scoped3A = tpu.sem_alloc : memref<!tpu.dma_semaphore, #tpu.memory_space<semaphore_mem>>
      %dma_start3A = arith.constant 0 : i32
      %dma_start3A_72 = tpu.memref_slice %arg15[%add3A_20, %dma_start3A] : memref<10240x64xf32, #tpu.memory_space<vmem_shared>> -> memref<128x64xf32, #tpu.memory_space<vmem_shared>>
      %dma_start3A_73 = arith.constant 0 : i32
      %dma_start3A_74 = tpu.memref_slice %arg15[%add3A_20, %dma_start3A_73] : memref<10240x64xf32, #tpu.memory_space<vmem_shared>> -> memref<128x64xf32, #tpu.memory_space<vmem_shared>>
      tpu.enqueue_dma source(%arg14 : memref<128x64xf32, #tpu.memory_space<vmem>>) target(%dma_start3A_74 : memref<128x64xf32, #tpu.memory_space<vmem_shared>>) target_semaphore(%run_scoped3A : memref<!tpu.dma_semaphore, #tpu.memory_space<semaphore_mem>>)
      %dma_wait3A = arith.constant 0 : i32
      %dma_wait3A_75 = tpu.memref_slice %arg15[%add3A_20, %dma_wait3A] : memref<10240x64xf32, #tpu.memory_space<vmem_shared>> -> memref<128x64xf32, #tpu.memory_space<vmem_shared>>
      %dma_wait3A_76 = arith.constant 0 : i32
      %dma_wait3A_77 = tpu.memref_slice %arg15[%add3A_20, %dma_wait3A_76] : memref<10240x64xf32, #tpu.memory_space<vmem_shared>> -> memref<128x64xf32, #tpu.memory_space<vmem_shared>>
      tpu.wait_dma2 semaphore(%run_scoped3A : memref<!tpu.dma_semaphore, #tpu.memory_space<semaphore_mem>>) src(%arg14 : memref<128x64xf32, #tpu.memory_space<vmem>>) dst(%dma_wait3A_77 : memref<128x64xf32, #tpu.memory_space<vmem_shared>>)
      tpu.yield
    }) : () -> ()
    %mul3A_21 = arith.constant 640 : i32
    %mul3A_22 = arith.muli %arg1, %mul3A_21 : i32
    %add3A_23 = arith.constant 384 : i32
    %add3A_24 = arith.addi %mul3A_22, %add3A_23 : i32
    "tpu.region"() ({
      %run_scoped3A = tpu.sem_alloc : memref<!tpu.dma_semaphore, #tpu.memory_space<semaphore_mem>>
      %dma_start3A = arith.constant 0 : i32
      %dma_start3A_72 = tpu.memref_slice %arg15[%add3A_24, %dma_start3A] : memref<10240x64xf32, #tpu.memory_space<vmem_shared>> -> memref<128x64xf32, #tpu.memory_space<vmem_shared>>
      %dma_start3A_73 = arith.constant 0 : i32
      %dma_start3A_74 = tpu.memref_slice %arg15[%add3A_24, %dma_start3A_73] : memref<10240x64xf32, #tpu.memory_space<vmem_shared>> -> memref<128x64xf32, #tpu.memory_space<vmem_shared>>
      tpu.enqueue_dma source(%arg14 : memref<128x64xf32, #tpu.memory_space<vmem>>) target(%dma_start3A_74 : memref<128x64xf32, #tpu.memory_space<vmem_shared>>) target_semaphore(%run_scoped3A : memref<!tpu.dma_semaphore, #tpu.memory_space<semaphore_mem>>)
      %dma_wait3A = arith.constant 0 : i32
      %dma_wait3A_75 = tpu.memref_slice %arg15[%add3A_24, %dma_wait3A] : memref<10240x64xf32, #tpu.memory_space<vmem_shared>> -> memref<128x64xf32, #tpu.memory_space<vmem_shared>>
      %dma_wait3A_76 = arith.constant 0 : i32
      %dma_wait3A_77 = tpu.memref_slice %arg15[%add3A_24, %dma_wait3A_76] : memref<10240x64xf32, #tpu.memory_space<vmem_shared>> -> memref<128x64xf32, #tpu.memory_space<vmem_shared>>
      tpu.wait_dma2 semaphore(%run_scoped3A : memref<!tpu.dma_semaphore, #tpu.memory_space<semaphore_mem>>) src(%arg14 : memref<128x64xf32, #tpu.memory_space<vmem>>) dst(%dma_wait3A_77 : memref<128x64xf32, #tpu.memory_space<vmem_shared>>)
      tpu.yield
    }) : () -> ()
    %mul3A_25 = arith.constant 640 : i32
    %mul3A_26 = arith.muli %arg1, %mul3A_25 : i32
    %add3A_27 = arith.constant 512 : i32
    %add3A_28 = arith.addi %mul3A_26, %add3A_27 : i32
    "tpu.region"() ({
      %run_scoped3A = tpu.sem_alloc : memref<!tpu.dma_semaphore, #tpu.memory_space<semaphore_mem>>
      %dma_start3A = arith.constant 0 : i32
      %dma_start3A_72 = tpu.memref_slice %arg15[%add3A_28, %dma_start3A] : memref<10240x64xf32, #tpu.memory_space<vmem_shared>> -> memref<128x64xf32, #tpu.memory_space<vmem_shared>>
      %dma_start3A_73 = arith.constant 0 : i32
      %dma_start3A_74 = tpu.memref_slice %arg15[%add3A_28, %dma_start3A_73] : memref<10240x64xf32, #tpu.memory_space<vmem_shared>> -> memref<128x64xf32, #tpu.memory_space<vmem_shared>>
      tpu.enqueue_dma source(%arg14 : memref<128x64xf32, #tpu.memory_space<vmem>>) target(%dma_start3A_74 : memref<128x64xf32, #tpu.memory_space<vmem_shared>>) target_semaphore(%run_scoped3A : memref<!tpu.dma_semaphore, #tpu.memory_space<semaphore_mem>>)
      %dma_wait3A = arith.constant 0 : i32
      %dma_wait3A_75 = tpu.memref_slice %arg15[%add3A_28, %dma_wait3A] : memref<10240x64xf32, #tpu.memory_space<vmem_shared>> -> memref<128x64xf32, #tpu.memory_space<vmem_shared>>
      %dma_wait3A_76 = arith.constant 0 : i32
      %dma_wait3A_77 = tpu.memref_slice %arg15[%add3A_28, %dma_wait3A_76] : memref<10240x64xf32, #tpu.memory_space<vmem_shared>> -> memref<128x64xf32, #tpu.memory_space<vmem_shared>>
      tpu.wait_dma2 semaphore(%run_scoped3A : memref<!tpu.dma_semaphore, #tpu.memory_space<semaphore_mem>>) src(%arg14 : memref<128x64xf32, #tpu.memory_space<vmem>>) dst(%dma_wait3A_77 : memref<128x64xf32, #tpu.memory_space<vmem_shared>>)
      tpu.yield
    }) : () -> ()
    %barrier3A = arith.constant 0 : index
    tpu.barrier barrier_id(%barrier3A)
    %scan3A_29 = arith.constant 0 : i32
    %scan3A_30 = arith.constant 0 : i32
    %scan3A_31 = arith.constant 79 : i32
    %scan3A_32 = arith.addi %scan3A_30, %scan3A_31 : i32
    %scan3A_33 = arith.constant 1 : i32
    %scan3A_34 = scf.for %scan3A_72 = %scan3A_30 to %scan3A_32 step %scan3A_33 iter_args(%scan3A_73 = %scan3A_29) -> (i32)  : i32 {
      %mul3A_74 = arith.constant 128 : i32
      %mul3A_75 = arith.muli %scan3A_72, %mul3A_74 : i32
      %add3A_76 = arith.addi %mul3A_2, %mul3A_75 : i32
      "tpu.region"() ({
        %run_scoped3A_96 = tpu.sem_alloc : memref<!tpu.dma_semaphore, #tpu.memory_space<semaphore_mem>>
        %dma_start3A_97 = tpu.memref_slice %arg5[%add3A_76] : memref<323584xi32, #tpu.memory_space<hbm>> -> memref<128xi32, #tpu.memory_space<hbm>>
        %dma_start3A_98 = tpu.memref_slice %arg5[%add3A_76] : memref<323584xi32, #tpu.memory_space<hbm>> -> memref<128xi32, #tpu.memory_space<hbm>>
        tpu.enqueue_dma source(%dma_start3A_98 : memref<128xi32, #tpu.memory_space<hbm>>) target(%arg8 : memref<128xi32, #tpu.memory_space<vmem>>) target_semaphore(%run_scoped3A_96 : memref<!tpu.dma_semaphore, #tpu.memory_space<semaphore_mem>>)
        %dma_wait3A_99 = tpu.memref_slice %arg5[%add3A_76] : memref<323584xi32, #tpu.memory_space<hbm>> -> memref<128xi32, #tpu.memory_space<hbm>>
        %dma_wait3A_100 = tpu.memref_slice %arg5[%add3A_76] : memref<323584xi32, #tpu.memory_space<hbm>> -> memref<128xi32, #tpu.memory_space<hbm>>
        tpu.wait_dma2 semaphore(%run_scoped3A_96 : memref<!tpu.dma_semaphore, #tpu.memory_space<semaphore_mem>>) src(%dma_wait3A_100 : memref<128xi32, #tpu.memory_space<hbm>>) dst(%arg8 : memref<128xi32, #tpu.memory_space<vmem>>)
        tpu.yield
      }) : () -> ()
      "tpu.region"() ({
        %run_scoped3A_96 = tpu.sem_alloc : memref<!tpu.dma_semaphore, #tpu.memory_space<semaphore_mem>>
        %dma_start3A_97 = tpu.memref_slice %arg6[%add3A_76] : memref<323584xi32, #tpu.memory_space<hbm>> -> memref<128xi32, #tpu.memory_space<hbm>>
        %dma_start3A_98 = tpu.memref_slice %arg6[%add3A_76] : memref<323584xi32, #tpu.memory_space<hbm>> -> memref<128xi32, #tpu.memory_space<hbm>>
        tpu.enqueue_dma source(%dma_start3A_98 : memref<128xi32, #tpu.memory_space<hbm>>) target(%arg9 : memref<128xi32, #tpu.memory_space<vmem>>) target_semaphore(%run_scoped3A_96 : memref<!tpu.dma_semaphore, #tpu.memory_space<semaphore_mem>>)
        %dma_wait3A_99 = tpu.memref_slice %arg6[%add3A_76] : memref<323584xi32, #tpu.memory_space<hbm>> -> memref<128xi32, #tpu.memory_space<hbm>>
        %dma_wait3A_100 = tpu.memref_slice %arg6[%add3A_76] : memref<323584xi32, #tpu.memory_space<hbm>> -> memref<128xi32, #tpu.memory_space<hbm>>
        tpu.wait_dma2 semaphore(%run_scoped3A_96 : memref<!tpu.dma_semaphore, #tpu.memory_space<semaphore_mem>>) src(%dma_wait3A_100 : memref<128xi32, #tpu.memory_space<hbm>>) dst(%arg9 : memref<128xi32, #tpu.memory_space<vmem>>)
        tpu.yield
      }) : () -> ()
      %run_scoped3A = arith.constant 0 : i32
      "tpu.region"() ({
        %run_scoped3A_96 = tpu.sem_alloc : memref<!tpu.dma_semaphore, #tpu.memory_space<semaphore_mem>>
        %dma_start3A_97 = arith.constant 0 : i32
        %dma_start3A_98 = tpu.memref_slice %arg10[%run_scoped3A, %dma_start3A_97] : memref<1x128xi32, #tpu.memory_space<vmem>> -> memref<1x128xi32, #tpu.memory_space<vmem>>
        %dma_start3A_99 = tpu.memref_squeeze %dma_start3A_98 : memref<1x128xi32, #tpu.memory_space<vmem>> -> memref<128xi32, #tpu.memory_space<vmem>>
        %dma_start3A_100 = tpu.memref_slice %arg6[%add3A_76] : memref<323584xi32, #tpu.memory_space<hbm>> -> memref<128xi32, #tpu.memory_space<hbm>>
        %dma_start3A_101 = arith.constant 0 : i32
        %dma_start3A_102 = tpu.memref_slice %arg10[%run_scoped3A, %dma_start3A_101] : memref<1x128xi32, #tpu.memory_space<vmem>> -> memref<1x128xi32, #tpu.memory_space<vmem>>
        %dma_start3A_103 = tpu.memref_squeeze %dma_start3A_102 : memref<1x128xi32, #tpu.memory_space<vmem>> -> memref<128xi32, #tpu.memory_space<vmem>>
        %dma_start3A_104 = tpu.memref_slice %arg6[%add3A_76] : memref<323584xi32, #tpu.memory_space<hbm>> -> memref<128xi32, #tpu.memory_space<hbm>>
        tpu.enqueue_dma source(%dma_start3A_104 : memref<128xi32, #tpu.memory_space<hbm>>) target(%dma_start3A_103 : memref<128xi32, #tpu.memory_space<vmem>>) target_semaphore(%run_scoped3A_96 : memref<!tpu.dma_semaphore, #tpu.memory_space<semaphore_mem>>)
        %dma_wait3A_105 = arith.constant 0 : i32
        %dma_wait3A_106 = tpu.memref_slice %arg10[%run_scoped3A, %dma_wait3A_105] : memref<1x128xi32, #tpu.memory_space<vmem>> -> memref<1x128xi32, #tpu.memory_space<vmem>>
        %dma_wait3A_107 = tpu.memref_squeeze %dma_wait3A_106 : memref<1x128xi32, #tpu.memory_space<vmem>> -> memref<128xi32, #tpu.memory_space<vmem>>
        %dma_wait3A_108 = tpu.memref_slice %arg6[%add3A_76] : memref<323584xi32, #tpu.memory_space<hbm>> -> memref<128xi32, #tpu.memory_space<hbm>>
        %dma_wait3A_109 = arith.constant 0 : i32
        %dma_wait3A_110 = tpu.memref_slice %arg10[%run_scoped3A, %dma_wait3A_109] : memref<1x128xi32, #tpu.memory_space<vmem>> -> memref<1x128xi32, #tpu.memory_space<vmem>>
        %dma_wait3A_111 = tpu.memref_squeeze %dma_wait3A_110 : memref<1x128xi32, #tpu.memory_space<vmem>> -> memref<128xi32, #tpu.memory_space<vmem>>
        %dma_wait3A_112 = tpu.memref_slice %arg6[%add3A_76] : memref<323584xi32, #tpu.memory_space<hbm>> -> memref<128xi32, #tpu.memory_space<hbm>>
        tpu.wait_dma2 semaphore(%run_scoped3A_96 : memref<!tpu.dma_semaphore, #tpu.memory_space<semaphore_mem>>) src(%dma_wait3A_112 : memref<128xi32, #tpu.memory_space<hbm>>) dst(%dma_wait3A_111 : memref<128xi32, #tpu.memory_space<vmem>>)
        tpu.yield
      }) : () -> ()
      "tpu.region"() ({
        %run_scoped3A_96 = tpu.sem_alloc : memref<!tpu.dma_semaphore, #tpu.memory_space<semaphore_mem>>
        %dma_start3A_97 = arith.constant 0 : i32
        %dma_start3A_98 = tpu.memref_slice %arg4[%add3A_76, %dma_start3A_97] : memref<323584x64xf32, #tpu.memory_space<hbm>> -> memref<128x64xf32, #tpu.memory_space<hbm>>
        %dma_start3A_99 = arith.constant 0 : i32
        %dma_start3A_100 = tpu.memref_slice %arg4[%add3A_76, %dma_start3A_99] : memref<323584x64xf32, #tpu.memory_space<hbm>> -> memref<128x64xf32, #tpu.memory_space<hbm>>
        tpu.enqueue_dma source(%dma_start3A_100 : memref<128x64xf32, #tpu.memory_space<hbm>>) target(%arg11 : memref<128x64xf32, #tpu.memory_space<vmem>>) target_semaphore(%run_scoped3A_96 : memref<!tpu.dma_semaphore, #tpu.memory_space<semaphore_mem>>)
        %dma_wait3A_101 = arith.constant 0 : i32
        %dma_wait3A_102 = tpu.memref_slice %arg4[%add3A_76, %dma_wait3A_101] : memref<323584x64xf32, #tpu.memory_space<hbm>> -> memref<128x64xf32, #tpu.memory_space<hbm>>
        %dma_wait3A_103 = arith.constant 0 : i32
        %dma_wait3A_104 = tpu.memref_slice %arg4[%add3A_76, %dma_wait3A_103] : memref<323584x64xf32, #tpu.memory_space<hbm>> -> memref<128x64xf32, #tpu.memory_space<hbm>>
        tpu.wait_dma2 semaphore(%run_scoped3A_96 : memref<!tpu.dma_semaphore, #tpu.memory_space<semaphore_mem>>) src(%dma_wait3A_104 : memref<128x64xf32, #tpu.memory_space<hbm>>) dst(%arg11 : memref<128x64xf32, #tpu.memory_space<vmem>>)
        tpu.yield
      }) : () -> ()
      %dma_start3A = arith.constant 0 : i32
      %dma_start3A_77 = arith.constant 0 : i32
      %dma_start3A_78 = tpu.memref_slice %arg2[%dma_start3A, %dma_start3A_77] : memref<10240x64xf32, #tpu.memory_space<hbm>> -> memref<10240x64xf32, #tpu.memory_space<hbm>>
      tpu.enqueue_indirect_dma source(%dma_start3A_78 : memref<10240x64xf32, #tpu.memory_space<hbm>>) target(%arg12 : memref<128x64xf32, #tpu.memory_space<vmem>>) offsets(%arg9 : memref<128xi32, #tpu.memory_space<vmem>>) semaphore(%arg17 : memref<!tpu.dma_semaphore, #tpu.memory_space<semaphore_mem>>)
      %dma_start3A_79 = arith.constant 0 : i32
      %dma_start3A_80 = arith.constant 0 : i32
      %dma_start3A_81 = tpu.memref_slice %arg3[%dma_start3A_79, %dma_start3A_80] : memref<10240x64xf32, #tpu.memory_space<hbm>> -> memref<10240x64xf32, #tpu.memory_space<hbm>>
      tpu.enqueue_indirect_dma source(%dma_start3A_81 : memref<10240x64xf32, #tpu.memory_space<hbm>>) target(%arg13 : memref<128x64xf32, #tpu.memory_space<vmem>>) offsets(%arg8 : memref<128xi32, #tpu.memory_space<vmem>>) semaphore(%arg18 : memref<!tpu.dma_semaphore, #tpu.memory_space<semaphore_mem>>)
      %dma_wait3A = arith.constant 0 : i32
      %dma_wait3A_82 = arith.constant 0 : i32
      %dma_wait3A_83 = tpu.memref_slice %arg2[%dma_wait3A, %dma_wait3A_82] : memref<10240x64xf32, #tpu.memory_space<hbm>> -> memref<10240x64xf32, #tpu.memory_space<hbm>>
      tpu.wait_indirect_dma semaphore(%arg17 : memref<!tpu.dma_semaphore, #tpu.memory_space<semaphore_mem>>) src(%dma_wait3A_83 : memref<10240x64xf32, #tpu.memory_space<hbm>>) dst(%arg12 : memref<128x64xf32, #tpu.memory_space<vmem>>)
      %dma_wait3A_84 = arith.constant 0 : i32
      %dma_wait3A_85 = arith.constant 0 : i32
      %dma_wait3A_86 = tpu.memref_slice %arg3[%dma_wait3A_84, %dma_wait3A_85] : memref<10240x64xf32, #tpu.memory_space<hbm>> -> memref<10240x64xf32, #tpu.memory_space<hbm>>
      tpu.wait_indirect_dma semaphore(%arg18 : memref<!tpu.dma_semaphore, #tpu.memory_space<semaphore_mem>>) src(%dma_wait3A_86 : memref<10240x64xf32, #tpu.memory_space<hbm>>) dst(%arg13 : memref<128x64xf32, #tpu.memory_space<vmem>>)
      %scan3A_87 = arith.constant 0 : i32
      %scan3A_88 = arith.constant 0 : i32
      %scan3A_89 = arith.constant 128 : i32
      %scan3A_90 = arith.addi %scan3A_88, %scan3A_89 : i32
      %scan3A_91 = arith.constant 1 : i32
      %scan3A_92 = scf.for %scan3A_96 = %scan3A_88 to %scan3A_90 step %scan3A_91 iter_args(%scan3A_97 = %scan3A_87) -> (i32)  : i32 {
        %get3A = arith.index_cast %scan3A_96 : i32 to index
        %get3A_98 = arith.constant 0 : index
        %get3A_99 = tpu.vector_load %arg12[%get3A, %get3A_98] {strides = array<i32>} : memref<128x64xf32, #tpu.memory_space<vmem>>, vector<16xf32>,
        %get3A_100 = arith.index_cast %scan3A_96 : i32 to index
        %get3A_101 = arith.constant 0 : index
        %get3A_102 = tpu.vector_load %arg13[%get3A_100, %get3A_101] {strides = array<i32>} : memref<128x64xf32, #tpu.memory_space<vmem>>, vector<16xf32>,
        %add3A_103 = arith.addf %get3A_99, %get3A_102 : vector<16xf32>
        %get3A_104 = arith.index_cast %scan3A_96 : i32 to index
        %get3A_105 = arith.constant 0 : index
        %get3A_106 = tpu.vector_load %arg11[%get3A_104, %get3A_105] {strides = array<i32>} : memref<128x64xf32, #tpu.memory_space<vmem>>, vector<16xf32>,
        %add3A_107 = arith.addf %add3A_103, %get3A_106 : vector<16xf32>
        %neg3A = arith.constant 0.000000e+00 : f32
        %neg3A_108 = vector.broadcast %neg3A : f32 to vector<16xf32>
        %neg3A_109 = arith.subf %neg3A_108, %add3A_107 : vector<16xf32>
        %exp3A = math.exp %neg3A_109 : vector<16xf32>
        %add3A_110 = arith.constant 1.000000e+00 : f32
        %add3A_111 = vector.broadcast %add3A_110 : f32 to vector<16xf32>
        %add3A_112 = arith.addf %add3A_111, %exp3A : vector<16xf32>
        %div3A = arith.divf %add3A_107, %add3A_112 : vector<16xf32>
        %swap3A = arith.index_cast %scan3A_96 : i32 to index
        %swap3A_113 = arith.constant 0 : index
        %swap3A_114 = tpu.vector_load %arg14[%swap3A, %swap3A_113] {strides = array<i32>} : memref<128x64xf32, #tpu.memory_space<vmem>>, vector<16xf32>,
        tpu.vector_store %arg14[%swap3A, %swap3A_113], %div3A {strides = array<i32>} : memref<128x64xf32, #tpu.memory_space<vmem>>, vector<16xf32>,
        %get3A_115 = arith.index_cast %scan3A_96 : i32 to index
        %get3A_116 = arith.constant 16 : index
        %get3A_117 = tpu.vector_load %arg12[%get3A_115, %get3A_116] {strides = array<i32>} : memref<128x64xf32, #tpu.memory_space<vmem>>, vector<16xf32>,
        %get3A_118 = arith.index_cast %scan3A_96 : i32 to index
        %get3A_119 = arith.constant 16 : index
        %get3A_120 = tpu.vector_load %arg13[%get3A_118, %get3A_119] {strides = array<i32>} : memref<128x64xf32, #tpu.memory_space<vmem>>, vector<16xf32>,
        %add3A_121 = arith.addf %get3A_117, %get3A_120 : vector<16xf32>
        %get3A_122 = arith.index_cast %scan3A_96 : i32 to index
        %get3A_123 = arith.constant 16 : index
        %get3A_124 = tpu.vector_load %arg11[%get3A_122, %get3A_123] {strides = array<i32>} : memref<128x64xf32, #tpu.memory_space<vmem>>, vector<16xf32>,
        %add3A_125 = arith.addf %add3A_121, %get3A_124 : vector<16xf32>
        %neg3A_126 = arith.constant 0.000000e+00 : f32
        %neg3A_127 = vector.broadcast %neg3A_126 : f32 to vector<16xf32>
        %neg3A_128 = arith.subf %neg3A_127, %add3A_125 : vector<16xf32>
        %exp3A_129 = math.exp %neg3A_128 : vector<16xf32>
        %add3A_130 = arith.constant 1.000000e+00 : f32
        %add3A_131 = vector.broadcast %add3A_130 : f32 to vector<16xf32>
        %add3A_132 = arith.addf %add3A_131, %exp3A_129 : vector<16xf32>
        %div3A_133 = arith.divf %add3A_125, %add3A_132 : vector<16xf32>
        %swap3A_134 = arith.index_cast %scan3A_96 : i32 to index
        %swap3A_135 = arith.constant 16 : index
        %swap3A_136 = tpu.vector_load %arg14[%swap3A_134, %swap3A_135] {strides = array<i32>} : memref<128x64xf32, #tpu.memory_space<vmem>>, vector<16xf32>,
        tpu.vector_store %arg14[%swap3A_134, %swap3A_135], %div3A_133 {strides = array<i32>} : memref<128x64xf32, #tpu.memory_space<vmem>>, vector<16xf32>,
        %get3A_137 = arith.index_cast %scan3A_96 : i32 to index
        %get3A_138 = arith.constant 32 : index
        %get3A_139 = tpu.vector_load %arg12[%get3A_137, %get3A_138] {strides = array<i32>} : memref<128x64xf32, #tpu.memory_space<vmem>>, vector<16xf32>,
        %get3A_140 = arith.index_cast %scan3A_96 : i32 to index
        %get3A_141 = arith.constant 32 : index
        %get3A_142 = tpu.vector_load %arg13[%get3A_140, %get3A_141] {strides = array<i32>} : memref<128x64xf32, #tpu.memory_space<vmem>>, vector<16xf32>,
        %add3A_143 = arith.addf %get3A_139, %get3A_142 : vector<16xf32>
        %get3A_144 = arith.index_cast %scan3A_96 : i32 to index
        %get3A_145 = arith.constant 32 : index
        %get3A_146 = tpu.vector_load %arg11[%get3A_144, %get3A_145] {strides = array<i32>} : memref<128x64xf32, #tpu.memory_space<vmem>>, vector<16xf32>,
        %add3A_147 = arith.addf %add3A_143, %get3A_146 : vector<16xf32>
        %neg3A_148 = arith.constant 0.000000e+00 : f32
        %neg3A_149 = vector.broadcast %neg3A_148 : f32 to vector<16xf32>
        %neg3A_150 = arith.subf %neg3A_149, %add3A_147 : vector<16xf32>
        %exp3A_151 = math.exp %neg3A_150 : vector<16xf32>
        %add3A_152 = arith.constant 1.000000e+00 : f32
        %add3A_153 = vector.broadcast %add3A_152 : f32 to vector<16xf32>
        %add3A_154 = arith.addf %add3A_153, %exp3A_151 : vector<16xf32>
        %div3A_155 = arith.divf %add3A_147, %add3A_154 : vector<16xf32>
        %swap3A_156 = arith.index_cast %scan3A_96 : i32 to index
        %swap3A_157 = arith.constant 32 : index
        %swap3A_158 = tpu.vector_load %arg14[%swap3A_156, %swap3A_157] {strides = array<i32>} : memref<128x64xf32, #tpu.memory_space<vmem>>, vector<16xf32>,
        tpu.vector_store %arg14[%swap3A_156, %swap3A_157], %div3A_155 {strides = array<i32>} : memref<128x64xf32, #tpu.memory_space<vmem>>, vector<16xf32>,
        %get3A_159 = arith.index_cast %scan3A_96 : i32 to index
        %get3A_160 = arith.constant 48 : index
        %get3A_161 = tpu.vector_load %arg12[%get3A_159, %get3A_160] {strides = array<i32>} : memref<128x64xf32, #tpu.memory_space<vmem>>, vector<16xf32>,
        %get3A_162 = arith.index_cast %scan3A_96 : i32 to index
        %get3A_163 = arith.constant 48 : index
        %get3A_164 = tpu.vector_load %arg13[%get3A_162, %get3A_163] {strides = array<i32>} : memref<128x64xf32, #tpu.memory_space<vmem>>, vector<16xf32>,
        %add3A_165 = arith.addf %get3A_161, %get3A_164 : vector<16xf32>
        %get3A_166 = arith.index_cast %scan3A_96 : i32 to index
        %get3A_167 = arith.constant 48 : index
        %get3A_168 = tpu.vector_load %arg11[%get3A_166, %get3A_167] {strides = array<i32>} : memref<128x64xf32, #tpu.memory_space<vmem>>, vector<16xf32>,
        %add3A_169 = arith.addf %add3A_165, %get3A_168 : vector<16xf32>
        %neg3A_170 = arith.constant 0.000000e+00 : f32
        %neg3A_171 = vector.broadcast %neg3A_170 : f32 to vector<16xf32>
        %neg3A_172 = arith.subf %neg3A_171, %add3A_169 : vector<16xf32>
        %exp3A_173 = math.exp %neg3A_172 : vector<16xf32>
        %add3A_174 = arith.constant 1.000000e+00 : f32
        %add3A_175 = vector.broadcast %add3A_174 : f32 to vector<16xf32>
        %add3A_176 = arith.addf %add3A_175, %exp3A_173 : vector<16xf32>
        %div3A_177 = arith.divf %add3A_169, %add3A_176 : vector<16xf32>
        %swap3A_178 = arith.index_cast %scan3A_96 : i32 to index
        %swap3A_179 = arith.constant 48 : index
        %swap3A_180 = tpu.vector_load %arg14[%swap3A_178, %swap3A_179] {strides = array<i32>} : memref<128x64xf32, #tpu.memory_space<vmem>>, vector<16xf32>,
        tpu.vector_store %arg14[%swap3A_178, %swap3A_179], %div3A_177 {strides = array<i32>} : memref<128x64xf32, #tpu.memory_space<vmem>>, vector<16xf32>,
        %scan3A_181 = arith.constant 0 : i32
        scf.yield %scan3A_181 : i32
      }
      %scan3A_93 = arith.constant 128 : i32
      %run_scoped3A_94 = arith.constant 0 : i32
      "tpu.region"() ({
        %run_scoped3A_96 = tpu.sem_alloc : memref<!tpu.dma_semaphore, #tpu.memory_space<semaphore_mem>>
        %dma_start3A_97 = arith.constant 0 : i32
        %dma_start3A_98 = tpu.memref_slice %arg10[%run_scoped3A_94, %dma_start3A_97] : memref<1x128xi32, #tpu.memory_space<vmem>> -> memref<1x128xi32, #tpu.memory_space<vmem>>
        %dma_start3A_99 = tpu.memref_squeeze %dma_start3A_98 : memref<1x128xi32, #tpu.memory_space<vmem>> -> memref<128xi32, #tpu.memory_space<vmem>>
        %dma_start3A_100 = arith.constant 0 : i32
        %dma_start3A_101 = arith.constant 0 : i32
        %dma_start3A_102 = tpu.memref_slice %arg15[%dma_start3A_100, %dma_start3A_101] : memref<10240x64xf32, #tpu.memory_space<vmem_shared>> -> memref<10240x64xf32, #tpu.memory_space<vmem_shared>>
        tpu.enqueue_indirect_dma source(%arg14 : memref<128x64xf32, #tpu.memory_space<vmem>>) target(%dma_start3A_102 : memref<10240x64xf32, #tpu.memory_space<vmem_shared>>) offsets(%dma_start3A_99 : memref<128xi32, #tpu.memory_space<vmem>>) semaphore(%run_scoped3A_96 : memref<!tpu.dma_semaphore, #tpu.memory_space<semaphore_mem>>) {add = true}
        %dma_wait3A_103 = arith.constant 0 : i32
        %dma_wait3A_104 = tpu.memref_slice %arg10[%run_scoped3A_94, %dma_wait3A_103] : memref<1x128xi32, #tpu.memory_space<vmem>> -> memref<1x128xi32, #tpu.memory_space<vmem>>
        %dma_wait3A_105 = tpu.memref_squeeze %dma_wait3A_104 : memref<1x128xi32, #tpu.memory_space<vmem>> -> memref<128xi32, #tpu.memory_space<vmem>>
        %dma_wait3A_106 = arith.constant 0 : i32
        %dma_wait3A_107 = arith.constant 0 : i32
        %dma_wait3A_108 = tpu.memref_slice %arg15[%dma_wait3A_106, %dma_wait3A_107] : memref<10240x64xf32, #tpu.memory_space<vmem_shared>> -> memref<10240x64xf32, #tpu.memory_space<vmem_shared>>
        tpu.wait_indirect_dma semaphore(%run_scoped3A_96 : memref<!tpu.dma_semaphore, #tpu.memory_space<semaphore_mem>>) src(%arg14 : memref<128x64xf32, #tpu.memory_space<vmem>>) dst(%dma_wait3A_108 : memref<10240x64xf32, #tpu.memory_space<vmem_shared>>)
        tpu.yield
      }) : () -> ()
      %scan3A_95 = arith.constant 0 : i32
      scf.yield %scan3A_95 : i32
    }
    %scan3A_35 = arith.constant 79 : i32
    %barrier3A_36 = arith.constant 0 : index
    tpu.barrier barrier_id(%barrier3A_36)
    %mul3A_37 = arith.constant 10240 : i32
    %mul3A_38 = arith.muli %arg0, %mul3A_37 : i32
    %mul3A_39 = arith.constant 640 : i32
    %mul3A_40 = arith.muli %arg1, %mul3A_39 : i32
    %add3A_41 = arith.addi %mul3A_38, %mul3A_40 : i32
    %mul3A_42 = arith.constant 640 : i32
    %mul3A_43 = arith.muli %arg1, %mul3A_42 : i32
    %add3A_44 = arith.constant 0 : i32
    %add3A_45 = arith.addi %mul3A_43, %add3A_44 : i32
    "tpu.region"() ({
      %run_scoped3A = tpu.sem_alloc : memref<!tpu.dma_semaphore, #tpu.memory_space<semaphore_mem>>
      %dma_start3A = arith.constant 0 : i32
      %dma_start3A_72 = tpu.memref_slice %arg15[%add3A_45, %dma_start3A] : memref<10240x64xf32, #tpu.memory_space<vmem_shared>> -> memref<128x64xf32, #tpu.memory_space<vmem_shared>>
      %dma_start3A_73 = arith.constant 0 : i32
      %dma_start3A_74 = tpu.memref_slice %arg15[%add3A_45, %dma_start3A_73] : memref<10240x64xf32, #tpu.memory_space<vmem_shared>> -> memref<128x64xf32, #tpu.memory_space<vmem_shared>>
      tpu.enqueue_dma source(%dma_start3A_74 : memref<128x64xf32, #tpu.memory_space<vmem_shared>>) target(%arg14 : memref<128x64xf32, #tpu.memory_space<vmem>>) target_semaphore(%run_scoped3A : memref<!tpu.dma_semaphore, #tpu.memory_space<semaphore_mem>>)
      %dma_wait3A = arith.constant 0 : i32
      %dma_wait3A_75 = tpu.memref_slice %arg15[%add3A_45, %dma_wait3A] : memref<10240x64xf32, #tpu.memory_space<vmem_shared>> -> memref<128x64xf32, #tpu.memory_space<vmem_shared>>
      %dma_wait3A_76 = arith.constant 0 : i32
      %dma_wait3A_77 = tpu.memref_slice %arg15[%add3A_45, %dma_wait3A_76] : memref<10240x64xf32, #tpu.memory_space<vmem_shared>> -> memref<128x64xf32, #tpu.memory_space<vmem_shared>>
      tpu.wait_dma2 semaphore(%run_scoped3A : memref<!tpu.dma_semaphore, #tpu.memory_space<semaphore_mem>>) src(%dma_wait3A_77 : memref<128x64xf32, #tpu.memory_space<vmem_shared>>) dst(%arg14 : memref<128x64xf32, #tpu.memory_space<vmem>>)
      tpu.yield
    }) : () -> ()
    %add3A_46 = arith.constant 0 : i32
    %add3A_47 = arith.addi %add3A_41, %add3A_46 : i32
    "tpu.region"() ({
      %run_scoped3A = tpu.sem_alloc : memref<!tpu.dma_semaphore, #tpu.memory_space<semaphore_mem>>
      %dma_start3A = arith.constant 0 : i32
      %dma_start3A_72 = tpu.memref_slice %arg7[%add3A_47, %dma_start3A] : memref<20480x64xf32, #tpu.memory_space<hbm>> -> memref<128x64xf32, #tpu.memory_space<hbm>>
      %dma_start3A_73 = arith.constant 0 : i32
      %dma_start3A_74 = tpu.memref_slice %arg7[%add3A_47, %dma_start3A_73] : memref<20480x64xf32, #tpu.memory_space<hbm>> -> memref<128x64xf32, #tpu.memory_space<hbm>>
      tpu.enqueue_dma source(%arg14 : memref<128x64xf32, #tpu.memory_space<vmem>>) target(%dma_start3A_74 : memref<128x64xf32, #tpu.memory_space<hbm>>) target_semaphore(%run_scoped3A : memref<!tpu.dma_semaphore, #tpu.memory_space<semaphore_mem>>)
      %dma_wait3A = arith.constant 0 : i32
      %dma_wait3A_75 = tpu.memref_slice %arg7[%add3A_47, %dma_wait3A] : memref<20480x64xf32, #tpu.memory_space<hbm>> -> memref<128x64xf32, #tpu.memory_space<hbm>>
      %dma_wait3A_76 = arith.constant 0 : i32
      %dma_wait3A_77 = tpu.memref_slice %arg7[%add3A_47, %dma_wait3A_76] : memref<20480x64xf32, #tpu.memory_space<hbm>> -> memref<128x64xf32, #tpu.memory_space<hbm>>
      tpu.wait_dma2 semaphore(%run_scoped3A : memref<!tpu.dma_semaphore, #tpu.memory_space<semaphore_mem>>) src(%arg14 : memref<128x64xf32, #tpu.memory_space<vmem>>) dst(%dma_wait3A_77 : memref<128x64xf32, #tpu.memory_space<hbm>>)
      tpu.yield
    }) : () -> ()
    %mul3A_48 = arith.constant 640 : i32
    %mul3A_49 = arith.muli %arg1, %mul3A_48 : i32
    %add3A_50 = arith.constant 128 : i32
    %add3A_51 = arith.addi %mul3A_49, %add3A_50 : i32
    "tpu.region"() ({
      %run_scoped3A = tpu.sem_alloc : memref<!tpu.dma_semaphore, #tpu.memory_space<semaphore_mem>>
      %dma_start3A = arith.constant 0 : i32
      %dma_start3A_72 = tpu.memref_slice %arg15[%add3A_51, %dma_start3A] : memref<10240x64xf32, #tpu.memory_space<vmem_shared>> -> memref<128x64xf32, #tpu.memory_space<vmem_shared>>
      %dma_start3A_73 = arith.constant 0 : i32
      %dma_start3A_74 = tpu.memref_slice %arg15[%add3A_51, %dma_start3A_73] : memref<10240x64xf32, #tpu.memory_space<vmem_shared>> -> memref<128x64xf32, #tpu.memory_space<vmem_shared>>
      tpu.enqueue_dma source(%dma_start3A_74 : memref<128x64xf32, #tpu.memory_space<vmem_shared>>) target(%arg14 : memref<128x64xf32, #tpu.memory_space<vmem>>) target_semaphore(%run_scoped3A : memref<!tpu.dma_semaphore, #tpu.memory_space<semaphore_mem>>)
      %dma_wait3A = arith.constant 0 : i32
      %dma_wait3A_75 = tpu.memref_slice %arg15[%add3A_51, %dma_wait3A] : memref<10240x64xf32, #tpu.memory_space<vmem_shared>> -> memref<128x64xf32, #tpu.memory_space<vmem_shared>>
      %dma_wait3A_76 = arith.constant 0 : i32
      %dma_wait3A_77 = tpu.memref_slice %arg15[%add3A_51, %dma_wait3A_76] : memref<10240x64xf32, #tpu.memory_space<vmem_shared>> -> memref<128x64xf32, #tpu.memory_space<vmem_shared>>
      tpu.wait_dma2 semaphore(%run_scoped3A : memref<!tpu.dma_semaphore, #tpu.memory_space<semaphore_mem>>) src(%dma_wait3A_77 : memref<128x64xf32, #tpu.memory_space<vmem_shared>>) dst(%arg14 : memref<128x64xf32, #tpu.memory_space<vmem>>)
      tpu.yield
    }) : () -> ()
    %add3A_52 = arith.constant 128 : i32
    %add3A_53 = arith.addi %add3A_41, %add3A_52 : i32
    "tpu.region"() ({
      %run_scoped3A = tpu.sem_alloc : memref<!tpu.dma_semaphore, #tpu.memory_space<semaphore_mem>>
      %dma_start3A = arith.constant 0 : i32
      %dma_start3A_72 = tpu.memref_slice %arg7[%add3A_53, %dma_start3A] : memref<20480x64xf32, #tpu.memory_space<hbm>> -> memref<128x64xf32, #tpu.memory_space<hbm>>
      %dma_start3A_73 = arith.constant 0 : i32
      %dma_start3A_74 = tpu.memref_slice %arg7[%add3A_53, %dma_start3A_73] : memref<20480x64xf32, #tpu.memory_space<hbm>> -> memref<128x64xf32, #tpu.memory_space<hbm>>
      tpu.enqueue_dma source(%arg14 : memref<128x64xf32, #tpu.memory_space<vmem>>) target(%dma_start3A_74 : memref<128x64xf32, #tpu.memory_space<hbm>>) target_semaphore(%run_scoped3A : memref<!tpu.dma_semaphore, #tpu.memory_space<semaphore_mem>>)
      %dma_wait3A = arith.constant 0 : i32
      %dma_wait3A_75 = tpu.memref_slice %arg7[%add3A_53, %dma_wait3A] : memref<20480x64xf32, #tpu.memory_space<hbm>> -> memref<128x64xf32, #tpu.memory_space<hbm>>
      %dma_wait3A_76 = arith.constant 0 : i32
      %dma_wait3A_77 = tpu.memref_slice %arg7[%add3A_53, %dma_wait3A_76] : memref<20480x64xf32, #tpu.memory_space<hbm>> -> memref<128x64xf32, #tpu.memory_space<hbm>>
      tpu.wait_dma2 semaphore(%run_scoped3A : memref<!tpu.dma_semaphore, #tpu.memory_space<semaphore_mem>>) src(%arg14 : memref<128x64xf32, #tpu.memory_space<vmem>>) dst(%dma_wait3A_77 : memref<128x64xf32, #tpu.memory_space<hbm>>)
      tpu.yield
    }) : () -> ()
    %mul3A_54 = arith.constant 640 : i32
    %mul3A_55 = arith.muli %arg1, %mul3A_54 : i32
    %add3A_56 = arith.constant 256 : i32
    %add3A_57 = arith.addi %mul3A_55, %add3A_56 : i32
    "tpu.region"() ({
      %run_scoped3A = tpu.sem_alloc : memref<!tpu.dma_semaphore, #tpu.memory_space<semaphore_mem>>
      %dma_start3A = arith.constant 0 : i32
      %dma_start3A_72 = tpu.memref_slice %arg15[%add3A_57, %dma_start3A] : memref<10240x64xf32, #tpu.memory_space<vmem_shared>> -> memref<128x64xf32, #tpu.memory_space<vmem_shared>>
      %dma_start3A_73 = arith.constant 0 : i32
      %dma_start3A_74 = tpu.memref_slice %arg15[%add3A_57, %dma_start3A_73] : memref<10240x64xf32, #tpu.memory_space<vmem_shared>> -> memref<128x64xf32, #tpu.memory_space<vmem_shared>>
      tpu.enqueue_dma source(%dma_start3A_74 : memref<128x64xf32, #tpu.memory_space<vmem_shared>>) target(%arg14 : memref<128x64xf32, #tpu.memory_space<vmem>>) target_semaphore(%run_scoped3A : memref<!tpu.dma_semaphore, #tpu.memory_space<semaphore_mem>>)
      %dma_wait3A = arith.constant 0 : i32
      %dma_wait3A_75 = tpu.memref_slice %arg15[%add3A_57, %dma_wait3A] : memref<10240x64xf32, #tpu.memory_space<vmem_shared>> -> memref<128x64xf32, #tpu.memory_space<vmem_shared>>
      %dma_wait3A_76 = arith.constant 0 : i32
      %dma_wait3A_77 = tpu.memref_slice %arg15[%add3A_57, %dma_wait3A_76] : memref<10240x64xf32, #tpu.memory_space<vmem_shared>> -> memref<128x64xf32, #tpu.memory_space<vmem_shared>>
      tpu.wait_dma2 semaphore(%run_scoped3A : memref<!tpu.dma_semaphore, #tpu.memory_space<semaphore_mem>>) src(%dma_wait3A_77 : memref<128x64xf32, #tpu.memory_space<vmem_shared>>) dst(%arg14 : memref<128x64xf32, #tpu.memory_space<vmem>>)
      tpu.yield
    }) : () -> ()
    %add3A_58 = arith.constant 256 : i32
    %add3A_59 = arith.addi %add3A_41, %add3A_58 : i32
    "tpu.region"() ({
      %run_scoped3A = tpu.sem_alloc : memref<!tpu.dma_semaphore, #tpu.memory_space<semaphore_mem>>
      %dma_start3A = arith.constant 0 : i32
      %dma_start3A_72 = tpu.memref_slice %arg7[%add3A_59, %dma_start3A] : memref<20480x64xf32, #tpu.memory_space<hbm>> -> memref<128x64xf32, #tpu.memory_space<hbm>>
      %dma_start3A_73 = arith.constant 0 : i32
      %dma_start3A_74 = tpu.memref_slice %arg7[%add3A_59, %dma_start3A_73] : memref<20480x64xf32, #tpu.memory_space<hbm>> -> memref<128x64xf32, #tpu.memory_space<hbm>>
      tpu.enqueue_dma source(%arg14 : memref<128x64xf32, #tpu.memory_space<vmem>>) target(%dma_start3A_74 : memref<128x64xf32, #tpu.memory_space<hbm>>) target_semaphore(%run_scoped3A : memref<!tpu.dma_semaphore, #tpu.memory_space<semaphore_mem>>)
      %dma_wait3A = arith.constant 0 : i32
      %dma_wait3A_75 = tpu.memref_slice %arg7[%add3A_59, %dma_wait3A] : memref<20480x64xf32, #tpu.memory_space<hbm>> -> memref<128x64xf32, #tpu.memory_space<hbm>>
      %dma_wait3A_76 = arith.constant 0 : i32
      %dma_wait3A_77 = tpu.memref_slice %arg7[%add3A_59, %dma_wait3A_76] : memref<20480x64xf32, #tpu.memory_space<hbm>> -> memref<128x64xf32, #tpu.memory_space<hbm>>
      tpu.wait_dma2 semaphore(%run_scoped3A : memref<!tpu.dma_semaphore, #tpu.memory_space<semaphore_mem>>) src(%arg14 : memref<128x64xf32, #tpu.memory_space<vmem>>) dst(%dma_wait3A_77 : memref<128x64xf32, #tpu.memory_space<hbm>>)
      tpu.yield
    }) : () -> ()
    %mul3A_60 = arith.constant 640 : i32
    %mul3A_61 = arith.muli %arg1, %mul3A_60 : i32
    %add3A_62 = arith.constant 384 : i32
    %add3A_63 = arith.addi %mul3A_61, %add3A_62 : i32
    "tpu.region"() ({
      %run_scoped3A = tpu.sem_alloc : memref<!tpu.dma_semaphore, #tpu.memory_space<semaphore_mem>>
      %dma_start3A = arith.constant 0 : i32
      %dma_start3A_72 = tpu.memref_slice %arg15[%add3A_63, %dma_start3A] : memref<10240x64xf32, #tpu.memory_space<vmem_shared>> -> memref<128x64xf32, #tpu.memory_space<vmem_shared>>
      %dma_start3A_73 = arith.constant 0 : i32
      %dma_start3A_74 = tpu.memref_slice %arg15[%add3A_63, %dma_start3A_73] : memref<10240x64xf32, #tpu.memory_space<vmem_shared>> -> memref<128x64xf32, #tpu.memory_space<vmem_shared>>
      tpu.enqueue_dma source(%dma_start3A_74 : memref<128x64xf32, #tpu.memory_space<vmem_shared>>) target(%arg14 : memref<128x64xf32, #tpu.memory_space<vmem>>) target_semaphore(%run_scoped3A : memref<!tpu.dma_semaphore, #tpu.memory_space<semaphore_mem>>)
      %dma_wait3A = arith.constant 0 : i32
      %dma_wait3A_75 = tpu.memref_slice %arg15[%add3A_63, %dma_wait3A] : memref<10240x64xf32, #tpu.memory_space<vmem_shared>> -> memref<128x64xf32, #tpu.memory_space<vmem_shared>>
      %dma_wait3A_76 = arith.constant 0 : i32
      %dma_wait3A_77 = tpu.memref_slice %arg15[%add3A_63, %dma_wait3A_76] : memref<10240x64xf32, #tpu.memory_space<vmem_shared>> -> memref<128x64xf32, #tpu.memory_space<vmem_shared>>
      tpu.wait_dma2 semaphore(%run_scoped3A : memref<!tpu.dma_semaphore, #tpu.memory_space<semaphore_mem>>) src(%dma_wait3A_77 : memref<128x64xf32, #tpu.memory_space<vmem_shared>>) dst(%arg14 : memref<128x64xf32, #tpu.memory_space<vmem>>)
      tpu.yield
    }) : () -> ()
    %add3A_64 = arith.constant 384 : i32
    %add3A_65 = arith.addi %add3A_41, %add3A_64 : i32
    "tpu.region"() ({
      %run_scoped3A = tpu.sem_alloc : memref<!tpu.dma_semaphore, #tpu.memory_space<semaphore_mem>>
      %dma_start3A = arith.constant 0 : i32
      %dma_start3A_72 = tpu.memref_slice %arg7[%add3A_65, %dma_start3A] : memref<20480x64xf32, #tpu.memory_space<hbm>> -> memref<128x64xf32, #tpu.memory_space<hbm>>
      %dma_start3A_73 = arith.constant 0 : i32
      %dma_start3A_74 = tpu.memref_slice %arg7[%add3A_65, %dma_start3A_73] : memref<20480x64xf32, #tpu.memory_space<hbm>> -> memref<128x64xf32, #tpu.memory_space<hbm>>
      tpu.enqueue_dma source(%arg14 : memref<128x64xf32, #tpu.memory_space<vmem>>) target(%dma_start3A_74 : memref<128x64xf32, #tpu.memory_space<hbm>>) target_semaphore(%run_scoped3A : memref<!tpu.dma_semaphore, #tpu.memory_space<semaphore_mem>>)
      %dma_wait3A = arith.constant 0 : i32
      %dma_wait3A_75 = tpu.memref_slice %arg7[%add3A_65, %dma_wait3A] : memref<20480x64xf32, #tpu.memory_space<hbm>> -> memref<128x64xf32, #tpu.memory_space<hbm>>
      %dma_wait3A_76 = arith.constant 0 : i32
      %dma_wait3A_77 = tpu.memref_slice %arg7[%add3A_65, %dma_wait3A_76] : memref<20480x64xf32, #tpu.memory_space<hbm>> -> memref<128x64xf32, #tpu.memory_space<hbm>>
      tpu.wait_dma2 semaphore(%run_scoped3A : memref<!tpu.dma_semaphore, #tpu.memory_space<semaphore_mem>>) src(%arg14 : memref<128x64xf32, #tpu.memory_space<vmem>>) dst(%dma_wait3A_77 : memref<128x64xf32, #tpu.memory_space<hbm>>)
      tpu.yield
    }) : () -> ()
    %mul3A_66 = arith.constant 640 : i32
    %mul3A_67 = arith.muli %arg1, %mul3A_66 : i32
    %add3A_68 = arith.constant 512 : i32
    %add3A_69 = arith.addi %mul3A_67, %add3A_68 : i32
    "tpu.region"() ({
      %run_scoped3A = tpu.sem_alloc : memref<!tpu.dma_semaphore, #tpu.memory_space<semaphore_mem>>
      %dma_start3A = arith.constant 0 : i32
      %dma_start3A_72 = tpu.memref_slice %arg15[%add3A_69, %dma_start3A] : memref<10240x64xf32, #tpu.memory_space<vmem_shared>> -> memref<128x64xf32, #tpu.memory_space<vmem_shared>>
      %dma_start3A_73 = arith.constant 0 : i32
      %dma_start3A_74 = tpu.memref_slice %arg15[%add3A_69, %dma_start3A_73] : memref<10240x64xf32, #tpu.memory_space<vmem_shared>> -> memref<128x64xf32, #tpu.memory_space<vmem_shared>>
      tpu.enqueue_dma source(%dma_start3A_74 : memref<128x64xf32, #tpu.memory_space<vmem_shared>>) target(%arg14 : memref<128x64xf32, #tpu.memory_space<vmem>>) target_semaphore(%run_scoped3A : memref<!tpu.dma_semaphore, #tpu.memory_space<semaphore_mem>>)
      %dma_wait3A = arith.constant 0 : i32
      %dma_wait3A_75 = tpu.memref_slice %arg15[%add3A_69, %dma_wait3A] : memref<10240x64xf32, #tpu.memory_space<vmem_shared>> -> memref<128x64xf32, #tpu.memory_space<vmem_shared>>
      %dma_wait3A_76 = arith.constant 0 : i32
      %dma_wait3A_77 = tpu.memref_slice %arg15[%add3A_69, %dma_wait3A_76] : memref<10240x64xf32, #tpu.memory_space<vmem_shared>> -> memref<128x64xf32, #tpu.memory_space<vmem_shared>>
      tpu.wait_dma2 semaphore(%run_scoped3A : memref<!tpu.dma_semaphore, #tpu.memory_space<semaphore_mem>>) src(%dma_wait3A_77 : memref<128x64xf32, #tpu.memory_space<vmem_shared>>) dst(%arg14 : memref<128x64xf32, #tpu.memory_space<vmem>>)
      tpu.yield
    }) : () -> ()
    %add3A_70 = arith.constant 512 : i32
    %add3A_71 = arith.addi %add3A_41, %add3A_70 : i32
    "tpu.region"() ({
      %run_scoped3A = tpu.sem_alloc : memref<!tpu.dma_semaphore, #tpu.memory_space<semaphore_mem>>
      %dma_start3A = arith.constant 0 : i32
      %dma_start3A_72 = tpu.memref_slice %arg7[%add3A_71, %dma_start3A] : memref<20480x64xf32, #tpu.memory_space<hbm>> -> memref<128x64xf32, #tpu.memory_space<hbm>>
      %dma_start3A_73 = arith.constant 0 : i32
      %dma_start3A_74 = tpu.memref_slice %arg7[%add3A_71, %dma_start3A_73] : memref<20480x64xf32, #tpu.memory_space<hbm>> -> memref<128x64xf32, #tpu.memory_space<hbm>>
      tpu.enqueue_dma source(%arg14 : memref<128x64xf32, #tpu.memory_space<vmem>>) target(%dma_start3A_74 : memref<128x64xf32, #tpu.memory_space<hbm>>) target_semaphore(%run_scoped3A : memref<!tpu.dma_semaphore, #tpu.memory_space<semaphore_mem>>)
      %dma_wait3A = arith.constant 0 : i32
      %dma_wait3A_75 = tpu.memref_slice %arg7[%add3A_71, %dma_wait3A] : memref<20480x64xf32, #tpu.memory_space<hbm>> -> memref<128x64xf32, #tpu.memory_space<hbm>>
      %dma_wait3A_76 = arith.constant 0 : i32
      %dma_wait3A_77 = tpu.memref_slice %arg7[%add3A_71, %dma_wait3A_76] : memref<20480x64xf32, #tpu.memory_space<hbm>> -> memref<128x64xf32, #tpu.memory_space<hbm>>
      tpu.wait_dma2 semaphore(%run_scoped3A : memref<!tpu.dma_semaphore, #tpu.memory_space<semaphore_mem>>) src(%arg14 : memref<128x64xf32, #tpu.memory_space<vmem>>) dst(%dma_wait3A_77 : memref<128x64xf32, #tpu.memory_space<hbm>>)
      tpu.yield
    }) : () -> ()
    return
  }
}

#map = affine_map<(d0, d1) -> (0)>
module attributes {stable_mosaic.version = 14 : i64} {
  func.func @d2_kernel(%arg0: i32, %arg1: i32, %arg2: memref<10240xf32, #tpu.memory_space<hbm>>, %arg3: memref<10240xf32, #tpu.memory_space<hbm>>, %arg4: memref<10240xf32, #tpu.memory_space<hbm>>, %arg5: memref<323584xi32, #tpu.memory_space<hbm>>, %arg6: memref<323584xi32, #tpu.memory_space<hbm>>, %arg7: memref<323584xf32, #tpu.memory_space<hbm>>, %arg8: memref<10240xf32, #tpu.memory_space<vmem>>, %arg9: memref<10240xf32, #tpu.memory_space<vmem>>, %arg10: memref<10240xf32, #tpu.memory_space<vmem>>, %arg11: memref<512xi32, #tpu.memory_space<vmem>>, %arg12: memref<512xi32, #tpu.memory_space<vmem>>, %arg13: memref<512xf32, #tpu.memory_space<vmem>>) attributes {dimension_semantics = [#tpu.dimension_semantics<core_parallel>, #tpu.dimension_semantics<subcore_parallel>], iteration_bounds = array<i64: 2, 16>, scalar_prefetch = 0 : i64, scratch_operands = 6 : i64, tpu.core_type = #tpu.core_type<sc_vector_subcore>, window_params = [{transform_indices = #map}, {transform_indices = #map}, {transform_indices = #map}, {transform_indices = #map}, {transform_indices = #map}, {transform_indices = #map}]} {
    %mul3A = arith.constant 16 : i32
    %mul3A_0 = arith.muli %arg0, %mul3A : i32
    %add3A = arith.addi %mul3A_0, %arg1 : i32
    %mul3A_1 = arith.constant 10112 : i32
    %mul3A_2 = arith.muli %add3A, %mul3A_1 : i32
    "tpu.region"() ({
      %run_scoped3A = tpu.sem_alloc : memref<!tpu.dma_semaphore, #tpu.memory_space<semaphore_mem>>
      tpu.enqueue_dma source(%arg2 : memref<10240xf32, #tpu.memory_space<hbm>>) target(%arg8 : memref<10240xf32, #tpu.memory_space<vmem>>) target_semaphore(%run_scoped3A : memref<!tpu.dma_semaphore, #tpu.memory_space<semaphore_mem>>)
      tpu.wait_dma2 semaphore(%run_scoped3A : memref<!tpu.dma_semaphore, #tpu.memory_space<semaphore_mem>>) src(%arg2 : memref<10240xf32, #tpu.memory_space<hbm>>) dst(%arg8 : memref<10240xf32, #tpu.memory_space<vmem>>)
      tpu.yield
    }) : () -> ()
    "tpu.region"() ({
      %run_scoped3A = tpu.sem_alloc : memref<!tpu.dma_semaphore, #tpu.memory_space<semaphore_mem>>
      tpu.enqueue_dma source(%arg3 : memref<10240xf32, #tpu.memory_space<hbm>>) target(%arg9 : memref<10240xf32, #tpu.memory_space<vmem>>) target_semaphore(%run_scoped3A : memref<!tpu.dma_semaphore, #tpu.memory_space<semaphore_mem>>)
      tpu.wait_dma2 semaphore(%run_scoped3A : memref<!tpu.dma_semaphore, #tpu.memory_space<semaphore_mem>>) src(%arg3 : memref<10240xf32, #tpu.memory_space<hbm>>) dst(%arg9 : memref<10240xf32, #tpu.memory_space<vmem>>)
      tpu.yield
    }) : () -> ()
    "tpu.region"() ({
      %run_scoped3A = tpu.sem_alloc : memref<!tpu.dma_semaphore, #tpu.memory_space<semaphore_mem>>
      tpu.enqueue_dma source(%arg4 : memref<10240xf32, #tpu.memory_space<hbm>>) target(%arg10 : memref<10240xf32, #tpu.memory_space<vmem>>) target_semaphore(%run_scoped3A : memref<!tpu.dma_semaphore, #tpu.memory_space<semaphore_mem>>)
      tpu.wait_dma2 semaphore(%run_scoped3A : memref<!tpu.dma_semaphore, #tpu.memory_space<semaphore_mem>>) src(%arg4 : memref<10240xf32, #tpu.memory_space<hbm>>) dst(%arg10 : memref<10240xf32, #tpu.memory_space<vmem>>)
      tpu.yield
    }) : () -> ()
    %scan3A = arith.constant 0 : i32
    %scan3A_3 = arith.constant 0 : i32
    %scan3A_4 = arith.constant 19 : i32
    %scan3A_5 = arith.addi %scan3A_3, %scan3A_4 : i32
    %scan3A_6 = arith.constant 1 : i32
    %scan3A_7 = scf.for %scan3A_9 = %scan3A_3 to %scan3A_5 step %scan3A_6 iter_args(%scan3A_10 = %scan3A) -> (i32)  : i32 {
      %mul3A_11 = arith.constant 512 : i32
      %mul3A_12 = arith.muli %scan3A_9, %mul3A_11 : i32
      %add3A_13 = arith.addi %mul3A_2, %mul3A_12 : i32
      "tpu.region"() ({
        %run_scoped3A = tpu.sem_alloc : memref<!tpu.dma_semaphore, #tpu.memory_space<semaphore_mem>>
        %dma_start3A = tpu.memref_slice %arg5[%add3A_13] : memref<323584xi32, #tpu.memory_space<hbm>> -> memref<512xi32, #tpu.memory_space<hbm>>
        %dma_start3A_22 = tpu.memref_slice %arg5[%add3A_13] : memref<323584xi32, #tpu.memory_space<hbm>> -> memref<512xi32, #tpu.memory_space<hbm>>
        tpu.enqueue_dma source(%dma_start3A_22 : memref<512xi32, #tpu.memory_space<hbm>>) target(%arg11 : memref<512xi32, #tpu.memory_space<vmem>>) target_semaphore(%run_scoped3A : memref<!tpu.dma_semaphore, #tpu.memory_space<semaphore_mem>>)
        %dma_wait3A = tpu.memref_slice %arg5[%add3A_13] : memref<323584xi32, #tpu.memory_space<hbm>> -> memref<512xi32, #tpu.memory_space<hbm>>
        %dma_wait3A_23 = tpu.memref_slice %arg5[%add3A_13] : memref<323584xi32, #tpu.memory_space<hbm>> -> memref<512xi32, #tpu.memory_space<hbm>>
        tpu.wait_dma2 semaphore(%run_scoped3A : memref<!tpu.dma_semaphore, #tpu.memory_space<semaphore_mem>>) src(%dma_wait3A_23 : memref<512xi32, #tpu.memory_space<hbm>>) dst(%arg11 : memref<512xi32, #tpu.memory_space<vmem>>)
        tpu.yield
      }) : () -> ()
      "tpu.region"() ({
        %run_scoped3A = tpu.sem_alloc : memref<!tpu.dma_semaphore, #tpu.memory_space<semaphore_mem>>
        %dma_start3A = tpu.memref_slice %arg6[%add3A_13] : memref<323584xi32, #tpu.memory_space<hbm>> -> memref<512xi32, #tpu.memory_space<hbm>>
        %dma_start3A_22 = tpu.memref_slice %arg6[%add3A_13] : memref<323584xi32, #tpu.memory_space<hbm>> -> memref<512xi32, #tpu.memory_space<hbm>>
        tpu.enqueue_dma source(%dma_start3A_22 : memref<512xi32, #tpu.memory_space<hbm>>) target(%arg12 : memref<512xi32, #tpu.memory_space<vmem>>) target_semaphore(%run_scoped3A : memref<!tpu.dma_semaphore, #tpu.memory_space<semaphore_mem>>)
        %dma_wait3A = tpu.memref_slice %arg6[%add3A_13] : memref<323584xi32, #tpu.memory_space<hbm>> -> memref<512xi32, #tpu.memory_space<hbm>>
        %dma_wait3A_23 = tpu.memref_slice %arg6[%add3A_13] : memref<323584xi32, #tpu.memory_space<hbm>> -> memref<512xi32, #tpu.memory_space<hbm>>
        tpu.wait_dma2 semaphore(%run_scoped3A : memref<!tpu.dma_semaphore, #tpu.memory_space<semaphore_mem>>) src(%dma_wait3A_23 : memref<512xi32, #tpu.memory_space<hbm>>) dst(%arg12 : memref<512xi32, #tpu.memory_space<vmem>>)
        tpu.yield
      }) : () -> ()
      %scan3A_14 = arith.constant 0 : i32
      %scan3A_15 = arith.constant 0 : i32
      %scan3A_16 = arith.constant 32 : i32
      %scan3A_17 = arith.addi %scan3A_15, %scan3A_16 : i32
      %scan3A_18 = arith.constant 1 : i32
      %scan3A_19 = scf.for %scan3A_22 = %scan3A_15 to %scan3A_17 step %scan3A_18 iter_args(%scan3A_23 = %scan3A_14) -> (i32)  : i32 {
        %mul3A_24 = arith.constant 16 : i32
        %mul3A_25 = arith.muli %scan3A_22, %mul3A_24 : i32
        %get3A = arith.index_cast %mul3A_25 : i32 to index
        %get3A_26 = tpu.vector_load %arg11[%get3A] {strides = array<i32>} : memref<512xi32, #tpu.memory_space<vmem>>, vector<16xi32>,
        %mul3A_27 = arith.constant 16 : i32
        %mul3A_28 = arith.muli %scan3A_22, %mul3A_27 : i32
        %get3A_29 = arith.index_cast %mul3A_28 : i32 to index
        %get3A_30 = tpu.vector_load %arg12[%get3A_29] {strides = array<i32>} : memref<512xi32, #tpu.memory_space<vmem>>, vector<16xi32>,
        %gather3A = tpu.vector_load_idx %arg8[%get3A_26] : memref<10240xf32, #tpu.memory_space<vmem>>[vector<16xi32>], vector<16xf32>,
        %gather3A_31 = tpu.vector_load_idx %arg8[%get3A_30] : memref<10240xf32, #tpu.memory_space<vmem>>[vector<16xi32>], vector<16xf32>,
        %sub3A = arith.subf %gather3A, %gather3A_31 : vector<16xf32>
        %gather3A_32 = tpu.vector_load_idx %arg9[%get3A_26] : memref<10240xf32, #tpu.memory_space<vmem>>[vector<16xi32>], vector<16xf32>,
        %gather3A_33 = tpu.vector_load_idx %arg9[%get3A_30] : memref<10240xf32, #tpu.memory_space<vmem>>[vector<16xi32>], vector<16xf32>,
        %sub3A_34 = arith.subf %gather3A_32, %gather3A_33 : vector<16xf32>
        %gather3A_35 = tpu.vector_load_idx %arg10[%get3A_26] : memref<10240xf32, #tpu.memory_space<vmem>>[vector<16xi32>], vector<16xf32>,
        %gather3A_36 = tpu.vector_load_idx %arg10[%get3A_30] : memref<10240xf32, #tpu.memory_space<vmem>>[vector<16xi32>], vector<16xf32>,
        %sub3A_37 = arith.subf %gather3A_35, %gather3A_36 : vector<16xf32>
        %mul3A_38 = arith.mulf %sub3A, %sub3A : vector<16xf32>
        %mul3A_39 = arith.mulf %sub3A_34, %sub3A_34 : vector<16xf32>
        %add3A_40 = arith.addf %mul3A_38, %mul3A_39 : vector<16xf32>
        %mul3A_41 = arith.mulf %sub3A_37, %sub3A_37 : vector<16xf32>
        %add3A_42 = arith.addf %add3A_40, %mul3A_41 : vector<16xf32>
        %mul3A_43 = arith.constant 16 : i32
        %mul3A_44 = arith.muli %scan3A_22, %mul3A_43 : i32
        %swap3A = arith.index_cast %mul3A_44 : i32 to index
        %swap3A_45 = tpu.vector_load %arg13[%swap3A] {strides = array<i32>} : memref<512xf32, #tpu.memory_space<vmem>>, vector<16xf32>,
        tpu.vector_store %arg13[%swap3A], %add3A_42 {strides = array<i32>} : memref<512xf32, #tpu.memory_space<vmem>>, vector<16xf32>,
        %scan3A_46 = arith.constant 0 : i32
        scf.yield %scan3A_46 : i32
      }
      %scan3A_20 = arith.constant 32 : i32
      "tpu.region"() ({
        %run_scoped3A = tpu.sem_alloc : memref<!tpu.dma_semaphore, #tpu.memory_space<semaphore_mem>>
        %dma_start3A = tpu.memref_slice %arg7[%add3A_13] : memref<323584xf32, #tpu.memory_space<hbm>> -> memref<512xf32, #tpu.memory_space<hbm>>
        %dma_start3A_22 = tpu.memref_slice %arg7[%add3A_13] : memref<323584xf32, #tpu.memory_space<hbm>> -> memref<512xf32, #tpu.memory_space<hbm>>
        tpu.enqueue_dma source(%arg13 : memref<512xf32, #tpu.memory_space<vmem>>) target(%dma_start3A_22 : memref<512xf32, #tpu.memory_space<hbm>>) target_semaphore(%run_scoped3A : memref<!tpu.dma_semaphore, #tpu.memory_space<semaphore_mem>>)
        %dma_wait3A = tpu.memref_slice %arg7[%add3A_13] : memref<323584xf32, #tpu.memory_space<hbm>> -> memref<512xf32, #tpu.memory_space<hbm>>
        %dma_wait3A_23 = tpu.memref_slice %arg7[%add3A_13] : memref<323584xf32, #tpu.memory_space<hbm>> -> memref<512xf32, #tpu.memory_space<hbm>>
        tpu.wait_dma2 semaphore(%run_scoped3A : memref<!tpu.dma_semaphore, #tpu.memory_space<semaphore_mem>>) src(%arg13 : memref<512xf32, #tpu.memory_space<vmem>>) dst(%dma_wait3A_23 : memref<512xf32, #tpu.memory_space<hbm>>)
        tpu.yield
      }) : () -> ()
      %scan3A_21 = arith.constant 0 : i32
      scf.yield %scan3A_21 : i32
    }
    %scan3A_8 = arith.constant 19 : i32
    return
  }
}

#map = affine_map<(d0, d1) -> (0, 0)>
#map1 = affine_map<(d0, d1) -> (0)>
module attributes {stable_mosaic.version = 14 : i64} {
  func.func @edge_kernel(%arg0: i32, %arg1: i32, %arg2: memref<10240x64xf32, #tpu.memory_space<hbm>>, %arg3: memref<10240x64xf32, #tpu.memory_space<hbm>>, %arg4: memref<323584x64xf32, #tpu.memory_space<hbm>>, %arg5: memref<323584xi32, #tpu.memory_space<hbm>>, %arg6: memref<323584xi32, #tpu.memory_space<hbm>>, %arg7: memref<20480x64xf32, #tpu.memory_space<hbm>>, %arg8: memref<128xi32, #tpu.memory_space<vmem>>, %arg9: memref<128xi32, #tpu.memory_space<vmem>>, %arg10: memref<1x128xi32, #tpu.memory_space<vmem>>, %arg11: memref<128x64xf32, #tpu.memory_space<vmem>>, %arg12: memref<128x64xf32, #tpu.memory_space<vmem>>, %arg13: memref<128x64xf32, #tpu.memory_space<vmem>>, %arg14: memref<128x64xf32, #tpu.memory_space<vmem>>, %arg15: memref<10240x64xf32, #tpu.memory_space<vmem_shared>>, %arg16: memref<10240x64xf32, #tpu.memory_space<vmem_shared>>, %arg17: memref<!tpu.dma_semaphore, #tpu.memory_space<semaphore_mem>>, %arg18: memref<!tpu.dma_semaphore, #tpu.memory_space<semaphore_mem>>) attributes {dimension_semantics = [#tpu.dimension_semantics<core_parallel>, #tpu.dimension_semantics<subcore_parallel>], iteration_bounds = array<i64: 2, 16>, scalar_prefetch = 0 : i64, scratch_operands = 11 : i64, tpu.core_type = #tpu.core_type<sc_vector_subcore>, window_params = [{transform_indices = #map}, {transform_indices = #map}, {transform_indices = #map}, {transform_indices = #map1}, {transform_indices = #map1}, {transform_indices = #map}]} {
    %mul3A = arith.constant 16 : i32
    %mul3A_0 = arith.muli %arg0, %mul3A : i32
    %add3A = arith.addi %mul3A_0, %arg1 : i32
    %mul3A_1 = arith.constant 10112 : i32
    %mul3A_2 = arith.muli %add3A, %mul3A_1 : i32
    %scan3A = arith.constant 0 : i32
    %scan3A_3 = arith.constant 0 : i32
    %scan3A_4 = arith.constant 128 : i32
    %scan3A_5 = arith.addi %scan3A_3, %scan3A_4 : i32
    %scan3A_6 = arith.constant 1 : i32
    %scan3A_7 = scf.for %scan3A_72 = %scan3A_3 to %scan3A_5 step %scan3A_6 iter_args(%scan3A_73 = %scan3A) -> (i32)  : i32 {
      %broadcast_in_dim3A = arith.constant 0.000000e+00 : f32
      %broadcast_in_dim3A_74 = vector.broadcast %broadcast_in_dim3A : f32 to vector<16xf32>
      %swap3A = arith.index_cast %scan3A_72 : i32 to index
      %swap3A_75 = arith.constant 0 : index
      %swap3A_76 = tpu.vector_load %arg14[%swap3A, %swap3A_75] {strides = array<i32>} : memref<128x64xf32, #tpu.memory_space<vmem>>, vector<16xf32>,
      tpu.vector_store %arg14[%swap3A, %swap3A_75], %broadcast_in_dim3A_74 {strides = array<i32>} : memref<128x64xf32, #tpu.memory_space<vmem>>, vector<16xf32>,
      %broadcast_in_dim3A_77 = arith.constant 0.000000e+00 : f32
      %broadcast_in_dim3A_78 = vector.broadcast %broadcast_in_dim3A_77 : f32 to vector<16xf32>
      %swap3A_79 = arith.index_cast %scan3A_72 : i32 to index
      %swap3A_80 = arith.constant 16 : index
      %swap3A_81 = tpu.vector_load %arg14[%swap3A_79, %swap3A_80] {strides = array<i32>} : memref<128x64xf32, #tpu.memory_space<vmem>>, vector<16xf32>,
      tpu.vector_store %arg14[%swap3A_79, %swap3A_80], %broadcast_in_dim3A_78 {strides = array<i32>} : memref<128x64xf32, #tpu.memory_space<vmem>>, vector<16xf32>,
      %broadcast_in_dim3A_82 = arith.constant 0.000000e+00 : f32
      %broadcast_in_dim3A_83 = vector.broadcast %broadcast_in_dim3A_82 : f32 to vector<16xf32>
      %swap3A_84 = arith.index_cast %scan3A_72 : i32 to index
      %swap3A_85 = arith.constant 32 : index
      %swap3A_86 = tpu.vector_load %arg14[%swap3A_84, %swap3A_85] {strides = array<i32>} : memref<128x64xf32, #tpu.memory_space<vmem>>, vector<16xf32>,
      tpu.vector_store %arg14[%swap3A_84, %swap3A_85], %broadcast_in_dim3A_83 {strides = array<i32>} : memref<128x64xf32, #tpu.memory_space<vmem>>, vector<16xf32>,
      %broadcast_in_dim3A_87 = arith.constant 0.000000e+00 : f32
      %broadcast_in_dim3A_88 = vector.broadcast %broadcast_in_dim3A_87 : f32 to vector<16xf32>
      %swap3A_89 = arith.index_cast %scan3A_72 : i32 to index
      %swap3A_90 = arith.constant 48 : index
      %swap3A_91 = tpu.vector_load %arg14[%swap3A_89, %swap3A_90] {strides = array<i32>} : memref<128x64xf32, #tpu.memory_space<vmem>>, vector<16xf32>,
      tpu.vector_store %arg14[%swap3A_89, %swap3A_90], %broadcast_in_dim3A_88 {strides = array<i32>} : memref<128x64xf32, #tpu.memory_space<vmem>>, vector<16xf32>,
      %scan3A_92 = arith.constant 0 : i32
      scf.yield %scan3A_92 : i32
    }
    %scan3A_8 = arith.constant 128 : i32
    %mul3A_9 = arith.constant 640 : i32
    %mul3A_10 = arith.muli %arg1, %mul3A_9 : i32
    %add3A_11 = arith.constant 0 : i32
    %add3A_12 = arith.addi %mul3A_10, %add3A_11 : i32
    "tpu.region"() ({
      %run_scoped3A = tpu.sem_alloc : memref<!tpu.dma_semaphore, #tpu.memory_space<semaphore_mem>>
      %dma_start3A = arith.constant 0 : i32
      %dma_start3A_72 = tpu.memref_slice %arg15[%add3A_12, %dma_start3A] : memref<10240x64xf32, #tpu.memory_space<vmem_shared>> -> memref<128x64xf32, #tpu.memory_space<vmem_shared>>
      %dma_start3A_73 = arith.constant 0 : i32
      %dma_start3A_74 = tpu.memref_slice %arg15[%add3A_12, %dma_start3A_73] : memref<10240x64xf32, #tpu.memory_space<vmem_shared>> -> memref<128x64xf32, #tpu.memory_space<vmem_shared>>
      tpu.enqueue_dma source(%arg14 : memref<128x64xf32, #tpu.memory_space<vmem>>) target(%dma_start3A_74 : memref<128x64xf32, #tpu.memory_space<vmem_shared>>) target_semaphore(%run_scoped3A : memref<!tpu.dma_semaphore, #tpu.memory_space<semaphore_mem>>)
      %dma_wait3A = arith.constant 0 : i32
      %dma_wait3A_75 = tpu.memref_slice %arg15[%add3A_12, %dma_wait3A] : memref<10240x64xf32, #tpu.memory_space<vmem_shared>> -> memref<128x64xf32, #tpu.memory_space<vmem_shared>>
      %dma_wait3A_76 = arith.constant 0 : i32
      %dma_wait3A_77 = tpu.memref_slice %arg15[%add3A_12, %dma_wait3A_76] : memref<10240x64xf32, #tpu.memory_space<vmem_shared>> -> memref<128x64xf32, #tpu.memory_space<vmem_shared>>
      tpu.wait_dma2 semaphore(%run_scoped3A : memref<!tpu.dma_semaphore, #tpu.memory_space<semaphore_mem>>) src(%arg14 : memref<128x64xf32, #tpu.memory_space<vmem>>) dst(%dma_wait3A_77 : memref<128x64xf32, #tpu.memory_space<vmem_shared>>)
      tpu.yield
    }) : () -> ()
    %mul3A_13 = arith.constant 640 : i32
    %mul3A_14 = arith.muli %arg1, %mul3A_13 : i32
    %add3A_15 = arith.constant 128 : i32
    %add3A_16 = arith.addi %mul3A_14, %add3A_15 : i32
    "tpu.region"() ({
      %run_scoped3A = tpu.sem_alloc : memref<!tpu.dma_semaphore, #tpu.memory_space<semaphore_mem>>
      %dma_start3A = arith.constant 0 : i32
      %dma_start3A_72 = tpu.memref_slice %arg15[%add3A_16, %dma_start3A] : memref<10240x64xf32, #tpu.memory_space<vmem_shared>> -> memref<128x64xf32, #tpu.memory_space<vmem_shared>>
      %dma_start3A_73 = arith.constant 0 : i32
      %dma_start3A_74 = tpu.memref_slice %arg15[%add3A_16, %dma_start3A_73] : memref<10240x64xf32, #tpu.memory_space<vmem_shared>> -> memref<128x64xf32, #tpu.memory_space<vmem_shared>>
      tpu.enqueue_dma source(%arg14 : memref<128x64xf32, #tpu.memory_space<vmem>>) target(%dma_start3A_74 : memref<128x64xf32, #tpu.memory_space<vmem_shared>>) target_semaphore(%run_scoped3A : memref<!tpu.dma_semaphore, #tpu.memory_space<semaphore_mem>>)
      %dma_wait3A = arith.constant 0 : i32
      %dma_wait3A_75 = tpu.memref_slice %arg15[%add3A_16, %dma_wait3A] : memref<10240x64xf32, #tpu.memory_space<vmem_shared>> -> memref<128x64xf32, #tpu.memory_space<vmem_shared>>
      %dma_wait3A_76 = arith.constant 0 : i32
      %dma_wait3A_77 = tpu.memref_slice %arg15[%add3A_16, %dma_wait3A_76] : memref<10240x64xf32, #tpu.memory_space<vmem_shared>> -> memref<128x64xf32, #tpu.memory_space<vmem_shared>>
      tpu.wait_dma2 semaphore(%run_scoped3A : memref<!tpu.dma_semaphore, #tpu.memory_space<semaphore_mem>>) src(%arg14 : memref<128x64xf32, #tpu.memory_space<vmem>>) dst(%dma_wait3A_77 : memref<128x64xf32, #tpu.memory_space<vmem_shared>>)
      tpu.yield
    }) : () -> ()
    %mul3A_17 = arith.constant 640 : i32
    %mul3A_18 = arith.muli %arg1, %mul3A_17 : i32
    %add3A_19 = arith.constant 256 : i32
    %add3A_20 = arith.addi %mul3A_18, %add3A_19 : i32
    "tpu.region"() ({
      %run_scoped3A = tpu.sem_alloc : memref<!tpu.dma_semaphore, #tpu.memory_space<semaphore_mem>>
      %dma_start3A = arith.constant 0 : i32
      %dma_start3A_72 = tpu.memref_slice %arg15[%add3A_20, %dma_start3A] : memref<10240x64xf32, #tpu.memory_space<vmem_shared>> -> memref<128x64xf32, #tpu.memory_space<vmem_shared>>
      %dma_start3A_73 = arith.constant 0 : i32
      %dma_start3A_74 = tpu.memref_slice %arg15[%add3A_20, %dma_start3A_73] : memref<10240x64xf32, #tpu.memory_space<vmem_shared>> -> memref<128x64xf32, #tpu.memory_space<vmem_shared>>
      tpu.enqueue_dma source(%arg14 : memref<128x64xf32, #tpu.memory_space<vmem>>) target(%dma_start3A_74 : memref<128x64xf32, #tpu.memory_space<vmem_shared>>) target_semaphore(%run_scoped3A : memref<!tpu.dma_semaphore, #tpu.memory_space<semaphore_mem>>)
      %dma_wait3A = arith.constant 0 : i32
      %dma_wait3A_75 = tpu.memref_slice %arg15[%add3A_20, %dma_wait3A] : memref<10240x64xf32, #tpu.memory_space<vmem_shared>> -> memref<128x64xf32, #tpu.memory_space<vmem_shared>>
      %dma_wait3A_76 = arith.constant 0 : i32
      %dma_wait3A_77 = tpu.memref_slice %arg15[%add3A_20, %dma_wait3A_76] : memref<10240x64xf32, #tpu.memory_space<vmem_shared>> -> memref<128x64xf32, #tpu.memory_space<vmem_shared>>
      tpu.wait_dma2 semaphore(%run_scoped3A : memref<!tpu.dma_semaphore, #tpu.memory_space<semaphore_mem>>) src(%arg14 : memref<128x64xf32, #tpu.memory_space<vmem>>) dst(%dma_wait3A_77 : memref<128x64xf32, #tpu.memory_space<vmem_shared>>)
      tpu.yield
    }) : () -> ()
    %mul3A_21 = arith.constant 640 : i32
    %mul3A_22 = arith.muli %arg1, %mul3A_21 : i32
    %add3A_23 = arith.constant 384 : i32
    %add3A_24 = arith.addi %mul3A_22, %add3A_23 : i32
    "tpu.region"() ({
      %run_scoped3A = tpu.sem_alloc : memref<!tpu.dma_semaphore, #tpu.memory_space<semaphore_mem>>
      %dma_start3A = arith.constant 0 : i32
      %dma_start3A_72 = tpu.memref_slice %arg15[%add3A_24, %dma_start3A] : memref<10240x64xf32, #tpu.memory_space<vmem_shared>> -> memref<128x64xf32, #tpu.memory_space<vmem_shared>>
      %dma_start3A_73 = arith.constant 0 : i32
      %dma_start3A_74 = tpu.memref_slice %arg15[%add3A_24, %dma_start3A_73] : memref<10240x64xf32, #tpu.memory_space<vmem_shared>> -> memref<128x64xf32, #tpu.memory_space<vmem_shared>>
      tpu.enqueue_dma source(%arg14 : memref<128x64xf32, #tpu.memory_space<vmem>>) target(%dma_start3A_74 : memref<128x64xf32, #tpu.memory_space<vmem_shared>>) target_semaphore(%run_scoped3A : memref<!tpu.dma_semaphore, #tpu.memory_space<semaphore_mem>>)
      %dma_wait3A = arith.constant 0 : i32
      %dma_wait3A_75 = tpu.memref_slice %arg15[%add3A_24, %dma_wait3A] : memref<10240x64xf32, #tpu.memory_space<vmem_shared>> -> memref<128x64xf32, #tpu.memory_space<vmem_shared>>
      %dma_wait3A_76 = arith.constant 0 : i32
      %dma_wait3A_77 = tpu.memref_slice %arg15[%add3A_24, %dma_wait3A_76] : memref<10240x64xf32, #tpu.memory_space<vmem_shared>> -> memref<128x64xf32, #tpu.memory_space<vmem_shared>>
      tpu.wait_dma2 semaphore(%run_scoped3A : memref<!tpu.dma_semaphore, #tpu.memory_space<semaphore_mem>>) src(%arg14 : memref<128x64xf32, #tpu.memory_space<vmem>>) dst(%dma_wait3A_77 : memref<128x64xf32, #tpu.memory_space<vmem_shared>>)
      tpu.yield
    }) : () -> ()
    %mul3A_25 = arith.constant 640 : i32
    %mul3A_26 = arith.muli %arg1, %mul3A_25 : i32
    %add3A_27 = arith.constant 512 : i32
    %add3A_28 = arith.addi %mul3A_26, %add3A_27 : i32
    "tpu.region"() ({
      %run_scoped3A = tpu.sem_alloc : memref<!tpu.dma_semaphore, #tpu.memory_space<semaphore_mem>>
      %dma_start3A = arith.constant 0 : i32
      %dma_start3A_72 = tpu.memref_slice %arg15[%add3A_28, %dma_start3A] : memref<10240x64xf32, #tpu.memory_space<vmem_shared>> -> memref<128x64xf32, #tpu.memory_space<vmem_shared>>
      %dma_start3A_73 = arith.constant 0 : i32
      %dma_start3A_74 = tpu.memref_slice %arg15[%add3A_28, %dma_start3A_73] : memref<10240x64xf32, #tpu.memory_space<vmem_shared>> -> memref<128x64xf32, #tpu.memory_space<vmem_shared>>
      tpu.enqueue_dma source(%arg14 : memref<128x64xf32, #tpu.memory_space<vmem>>) target(%dma_start3A_74 : memref<128x64xf32, #tpu.memory_space<vmem_shared>>) target_semaphore(%run_scoped3A : memref<!tpu.dma_semaphore, #tpu.memory_space<semaphore_mem>>)
      %dma_wait3A = arith.constant 0 : i32
      %dma_wait3A_75 = tpu.memref_slice %arg15[%add3A_28, %dma_wait3A] : memref<10240x64xf32, #tpu.memory_space<vmem_shared>> -> memref<128x64xf32, #tpu.memory_space<vmem_shared>>
      %dma_wait3A_76 = arith.constant 0 : i32
      %dma_wait3A_77 = tpu.memref_slice %arg15[%add3A_28, %dma_wait3A_76] : memref<10240x64xf32, #tpu.memory_space<vmem_shared>> -> memref<128x64xf32, #tpu.memory_space<vmem_shared>>
      tpu.wait_dma2 semaphore(%run_scoped3A : memref<!tpu.dma_semaphore, #tpu.memory_space<semaphore_mem>>) src(%arg14 : memref<128x64xf32, #tpu.memory_space<vmem>>) dst(%dma_wait3A_77 : memref<128x64xf32, #tpu.memory_space<vmem_shared>>)
      tpu.yield
    }) : () -> ()
    %barrier3A = arith.constant 0 : index
    tpu.barrier barrier_id(%barrier3A)
    %scan3A_29 = arith.constant 0 : i32
    %scan3A_30 = arith.constant 0 : i32
    %scan3A_31 = arith.constant 79 : i32
    %scan3A_32 = arith.addi %scan3A_30, %scan3A_31 : i32
    %scan3A_33 = arith.constant 1 : i32
    %scan3A_34 = scf.for %scan3A_72 = %scan3A_30 to %scan3A_32 step %scan3A_33 iter_args(%scan3A_73 = %scan3A_29) -> (i32)  : i32 {
      %mul3A_74 = arith.constant 128 : i32
      %mul3A_75 = arith.muli %scan3A_72, %mul3A_74 : i32
      %add3A_76 = arith.addi %mul3A_2, %mul3A_75 : i32
      "tpu.region"() ({
        %run_scoped3A_96 = tpu.sem_alloc : memref<!tpu.dma_semaphore, #tpu.memory_space<semaphore_mem>>
        %dma_start3A_97 = tpu.memref_slice %arg5[%add3A_76] : memref<323584xi32, #tpu.memory_space<hbm>> -> memref<128xi32, #tpu.memory_space<hbm>>
        %dma_start3A_98 = tpu.memref_slice %arg5[%add3A_76] : memref<323584xi32, #tpu.memory_space<hbm>> -> memref<128xi32, #tpu.memory_space<hbm>>
        tpu.enqueue_dma source(%dma_start3A_98 : memref<128xi32, #tpu.memory_space<hbm>>) target(%arg8 : memref<128xi32, #tpu.memory_space<vmem>>) target_semaphore(%run_scoped3A_96 : memref<!tpu.dma_semaphore, #tpu.memory_space<semaphore_mem>>)
        %dma_wait3A_99 = tpu.memref_slice %arg5[%add3A_76] : memref<323584xi32, #tpu.memory_space<hbm>> -> memref<128xi32, #tpu.memory_space<hbm>>
        %dma_wait3A_100 = tpu.memref_slice %arg5[%add3A_76] : memref<323584xi32, #tpu.memory_space<hbm>> -> memref<128xi32, #tpu.memory_space<hbm>>
        tpu.wait_dma2 semaphore(%run_scoped3A_96 : memref<!tpu.dma_semaphore, #tpu.memory_space<semaphore_mem>>) src(%dma_wait3A_100 : memref<128xi32, #tpu.memory_space<hbm>>) dst(%arg8 : memref<128xi32, #tpu.memory_space<vmem>>)
        tpu.yield
      }) : () -> ()
      "tpu.region"() ({
        %run_scoped3A_96 = tpu.sem_alloc : memref<!tpu.dma_semaphore, #tpu.memory_space<semaphore_mem>>
        %dma_start3A_97 = tpu.memref_slice %arg6[%add3A_76] : memref<323584xi32, #tpu.memory_space<hbm>> -> memref<128xi32, #tpu.memory_space<hbm>>
        %dma_start3A_98 = tpu.memref_slice %arg6[%add3A_76] : memref<323584xi32, #tpu.memory_space<hbm>> -> memref<128xi32, #tpu.memory_space<hbm>>
        tpu.enqueue_dma source(%dma_start3A_98 : memref<128xi32, #tpu.memory_space<hbm>>) target(%arg9 : memref<128xi32, #tpu.memory_space<vmem>>) target_semaphore(%run_scoped3A_96 : memref<!tpu.dma_semaphore, #tpu.memory_space<semaphore_mem>>)
        %dma_wait3A_99 = tpu.memref_slice %arg6[%add3A_76] : memref<323584xi32, #tpu.memory_space<hbm>> -> memref<128xi32, #tpu.memory_space<hbm>>
        %dma_wait3A_100 = tpu.memref_slice %arg6[%add3A_76] : memref<323584xi32, #tpu.memory_space<hbm>> -> memref<128xi32, #tpu.memory_space<hbm>>
        tpu.wait_dma2 semaphore(%run_scoped3A_96 : memref<!tpu.dma_semaphore, #tpu.memory_space<semaphore_mem>>) src(%dma_wait3A_100 : memref<128xi32, #tpu.memory_space<hbm>>) dst(%arg9 : memref<128xi32, #tpu.memory_space<vmem>>)
        tpu.yield
      }) : () -> ()
      %run_scoped3A = arith.constant 0 : i32
      "tpu.region"() ({
        %run_scoped3A_96 = tpu.sem_alloc : memref<!tpu.dma_semaphore, #tpu.memory_space<semaphore_mem>>
        %dma_start3A_97 = arith.constant 0 : i32
        %dma_start3A_98 = tpu.memref_slice %arg10[%run_scoped3A, %dma_start3A_97] : memref<1x128xi32, #tpu.memory_space<vmem>> -> memref<1x128xi32, #tpu.memory_space<vmem>>
        %dma_start3A_99 = tpu.memref_squeeze %dma_start3A_98 : memref<1x128xi32, #tpu.memory_space<vmem>> -> memref<128xi32, #tpu.memory_space<vmem>>
        %dma_start3A_100 = tpu.memref_slice %arg6[%add3A_76] : memref<323584xi32, #tpu.memory_space<hbm>> -> memref<128xi32, #tpu.memory_space<hbm>>
        %dma_start3A_101 = arith.constant 0 : i32
        %dma_start3A_102 = tpu.memref_slice %arg10[%run_scoped3A, %dma_start3A_101] : memref<1x128xi32, #tpu.memory_space<vmem>> -> memref<1x128xi32, #tpu.memory_space<vmem>>
        %dma_start3A_103 = tpu.memref_squeeze %dma_start3A_102 : memref<1x128xi32, #tpu.memory_space<vmem>> -> memref<128xi32, #tpu.memory_space<vmem>>
        %dma_start3A_104 = tpu.memref_slice %arg6[%add3A_76] : memref<323584xi32, #tpu.memory_space<hbm>> -> memref<128xi32, #tpu.memory_space<hbm>>
        tpu.enqueue_dma source(%dma_start3A_104 : memref<128xi32, #tpu.memory_space<hbm>>) target(%dma_start3A_103 : memref<128xi32, #tpu.memory_space<vmem>>) target_semaphore(%run_scoped3A_96 : memref<!tpu.dma_semaphore, #tpu.memory_space<semaphore_mem>>)
        %dma_wait3A_105 = arith.constant 0 : i32
        %dma_wait3A_106 = tpu.memref_slice %arg10[%run_scoped3A, %dma_wait3A_105] : memref<1x128xi32, #tpu.memory_space<vmem>> -> memref<1x128xi32, #tpu.memory_space<vmem>>
        %dma_wait3A_107 = tpu.memref_squeeze %dma_wait3A_106 : memref<1x128xi32, #tpu.memory_space<vmem>> -> memref<128xi32, #tpu.memory_space<vmem>>
        %dma_wait3A_108 = tpu.memref_slice %arg6[%add3A_76] : memref<323584xi32, #tpu.memory_space<hbm>> -> memref<128xi32, #tpu.memory_space<hbm>>
        %dma_wait3A_109 = arith.constant 0 : i32
        %dma_wait3A_110 = tpu.memref_slice %arg10[%run_scoped3A, %dma_wait3A_109] : memref<1x128xi32, #tpu.memory_space<vmem>> -> memref<1x128xi32, #tpu.memory_space<vmem>>
        %dma_wait3A_111 = tpu.memref_squeeze %dma_wait3A_110 : memref<1x128xi32, #tpu.memory_space<vmem>> -> memref<128xi32, #tpu.memory_space<vmem>>
        %dma_wait3A_112 = tpu.memref_slice %arg6[%add3A_76] : memref<323584xi32, #tpu.memory_space<hbm>> -> memref<128xi32, #tpu.memory_space<hbm>>
        tpu.wait_dma2 semaphore(%run_scoped3A_96 : memref<!tpu.dma_semaphore, #tpu.memory_space<semaphore_mem>>) src(%dma_wait3A_112 : memref<128xi32, #tpu.memory_space<hbm>>) dst(%dma_wait3A_111 : memref<128xi32, #tpu.memory_space<vmem>>)
        tpu.yield
      }) : () -> ()
      "tpu.region"() ({
        %run_scoped3A_96 = tpu.sem_alloc : memref<!tpu.dma_semaphore, #tpu.memory_space<semaphore_mem>>
        %dma_start3A_97 = arith.constant 0 : i32
        %dma_start3A_98 = tpu.memref_slice %arg4[%add3A_76, %dma_start3A_97] : memref<323584x64xf32, #tpu.memory_space<hbm>> -> memref<128x64xf32, #tpu.memory_space<hbm>>
        %dma_start3A_99 = arith.constant 0 : i32
        %dma_start3A_100 = tpu.memref_slice %arg4[%add3A_76, %dma_start3A_99] : memref<323584x64xf32, #tpu.memory_space<hbm>> -> memref<128x64xf32, #tpu.memory_space<hbm>>
        tpu.enqueue_dma source(%dma_start3A_100 : memref<128x64xf32, #tpu.memory_space<hbm>>) target(%arg11 : memref<128x64xf32, #tpu.memory_space<vmem>>) target_semaphore(%run_scoped3A_96 : memref<!tpu.dma_semaphore, #tpu.memory_space<semaphore_mem>>)
        %dma_wait3A_101 = arith.constant 0 : i32
        %dma_wait3A_102 = tpu.memref_slice %arg4[%add3A_76, %dma_wait3A_101] : memref<323584x64xf32, #tpu.memory_space<hbm>> -> memref<128x64xf32, #tpu.memory_space<hbm>>
        %dma_wait3A_103 = arith.constant 0 : i32
        %dma_wait3A_104 = tpu.memref_slice %arg4[%add3A_76, %dma_wait3A_103] : memref<323584x64xf32, #tpu.memory_space<hbm>> -> memref<128x64xf32, #tpu.memory_space<hbm>>
        tpu.wait_dma2 semaphore(%run_scoped3A_96 : memref<!tpu.dma_semaphore, #tpu.memory_space<semaphore_mem>>) src(%dma_wait3A_104 : memref<128x64xf32, #tpu.memory_space<hbm>>) dst(%arg11 : memref<128x64xf32, #tpu.memory_space<vmem>>)
        tpu.yield
      }) : () -> ()
      %dma_start3A = arith.constant 0 : i32
      %dma_start3A_77 = arith.constant 0 : i32
      %dma_start3A_78 = tpu.memref_slice %arg2[%dma_start3A, %dma_start3A_77] : memref<10240x64xf32, #tpu.memory_space<hbm>> -> memref<10240x64xf32, #tpu.memory_space<hbm>>
      tpu.enqueue_indirect_dma source(%dma_start3A_78 : memref<10240x64xf32, #tpu.memory_space<hbm>>) target(%arg12 : memref<128x64xf32, #tpu.memory_space<vmem>>) offsets(%arg9 : memref<128xi32, #tpu.memory_space<vmem>>) semaphore(%arg17 : memref<!tpu.dma_semaphore, #tpu.memory_space<semaphore_mem>>)
      %dma_start3A_79 = arith.constant 0 : i32
      %dma_start3A_80 = arith.constant 0 : i32
      %dma_start3A_81 = tpu.memref_slice %arg3[%dma_start3A_79, %dma_start3A_80] : memref<10240x64xf32, #tpu.memory_space<hbm>> -> memref<10240x64xf32, #tpu.memory_space<hbm>>
      tpu.enqueue_indirect_dma source(%dma_start3A_81 : memref<10240x64xf32, #tpu.memory_space<hbm>>) target(%arg13 : memref<128x64xf32, #tpu.memory_space<vmem>>) offsets(%arg8 : memref<128xi32, #tpu.memory_space<vmem>>) semaphore(%arg18 : memref<!tpu.dma_semaphore, #tpu.memory_space<semaphore_mem>>)
      %dma_wait3A = arith.constant 0 : i32
      %dma_wait3A_82 = arith.constant 0 : i32
      %dma_wait3A_83 = tpu.memref_slice %arg2[%dma_wait3A, %dma_wait3A_82] : memref<10240x64xf32, #tpu.memory_space<hbm>> -> memref<10240x64xf32, #tpu.memory_space<hbm>>
      tpu.wait_indirect_dma semaphore(%arg17 : memref<!tpu.dma_semaphore, #tpu.memory_space<semaphore_mem>>) src(%dma_wait3A_83 : memref<10240x64xf32, #tpu.memory_space<hbm>>) dst(%arg12 : memref<128x64xf32, #tpu.memory_space<vmem>>)
      %dma_wait3A_84 = arith.constant 0 : i32
      %dma_wait3A_85 = arith.constant 0 : i32
      %dma_wait3A_86 = tpu.memref_slice %arg3[%dma_wait3A_84, %dma_wait3A_85] : memref<10240x64xf32, #tpu.memory_space<hbm>> -> memref<10240x64xf32, #tpu.memory_space<hbm>>
      tpu.wait_indirect_dma semaphore(%arg18 : memref<!tpu.dma_semaphore, #tpu.memory_space<semaphore_mem>>) src(%dma_wait3A_86 : memref<10240x64xf32, #tpu.memory_space<hbm>>) dst(%arg13 : memref<128x64xf32, #tpu.memory_space<vmem>>)
      %scan3A_87 = arith.constant 0 : i32
      %scan3A_88 = arith.constant 0 : i32
      %scan3A_89 = arith.constant 128 : i32
      %scan3A_90 = arith.addi %scan3A_88, %scan3A_89 : i32
      %scan3A_91 = arith.constant 1 : i32
      %scan3A_92 = scf.for %scan3A_96 = %scan3A_88 to %scan3A_90 step %scan3A_91 iter_args(%scan3A_97 = %scan3A_87) -> (i32)  : i32 {
        %get3A = arith.index_cast %scan3A_96 : i32 to index
        %get3A_98 = arith.constant 0 : index
        %get3A_99 = tpu.vector_load %arg12[%get3A, %get3A_98] {strides = array<i32>} : memref<128x64xf32, #tpu.memory_space<vmem>>, vector<16xf32>,
        %get3A_100 = arith.index_cast %scan3A_96 : i32 to index
        %get3A_101 = arith.constant 0 : index
        %get3A_102 = tpu.vector_load %arg13[%get3A_100, %get3A_101] {strides = array<i32>} : memref<128x64xf32, #tpu.memory_space<vmem>>, vector<16xf32>,
        %add3A_103 = arith.addf %get3A_99, %get3A_102 : vector<16xf32>
        %get3A_104 = arith.index_cast %scan3A_96 : i32 to index
        %get3A_105 = arith.constant 0 : index
        %get3A_106 = tpu.vector_load %arg11[%get3A_104, %get3A_105] {strides = array<i32>} : memref<128x64xf32, #tpu.memory_space<vmem>>, vector<16xf32>,
        %add3A_107 = arith.addf %add3A_103, %get3A_106 : vector<16xf32>
        %neg3A = arith.constant 0.000000e+00 : f32
        %neg3A_108 = vector.broadcast %neg3A : f32 to vector<16xf32>
        %neg3A_109 = arith.subf %neg3A_108, %add3A_107 : vector<16xf32>
        %exp3A = math.exp %neg3A_109 : vector<16xf32>
        %add3A_110 = arith.constant 1.000000e+00 : f32
        %add3A_111 = vector.broadcast %add3A_110 : f32 to vector<16xf32>
        %add3A_112 = arith.addf %add3A_111, %exp3A : vector<16xf32>
        %div3A = arith.divf %add3A_107, %add3A_112 : vector<16xf32>
        %swap3A = arith.index_cast %scan3A_96 : i32 to index
        %swap3A_113 = arith.constant 0 : index
        %swap3A_114 = tpu.vector_load %arg14[%swap3A, %swap3A_113] {strides = array<i32>} : memref<128x64xf32, #tpu.memory_space<vmem>>, vector<16xf32>,
        tpu.vector_store %arg14[%swap3A, %swap3A_113], %div3A {strides = array<i32>} : memref<128x64xf32, #tpu.memory_space<vmem>>, vector<16xf32>,
        %get3A_115 = arith.index_cast %scan3A_96 : i32 to index
        %get3A_116 = arith.constant 16 : index
        %get3A_117 = tpu.vector_load %arg12[%get3A_115, %get3A_116] {strides = array<i32>} : memref<128x64xf32, #tpu.memory_space<vmem>>, vector<16xf32>,
        %get3A_118 = arith.index_cast %scan3A_96 : i32 to index
        %get3A_119 = arith.constant 16 : index
        %get3A_120 = tpu.vector_load %arg13[%get3A_118, %get3A_119] {strides = array<i32>} : memref<128x64xf32, #tpu.memory_space<vmem>>, vector<16xf32>,
        %add3A_121 = arith.addf %get3A_117, %get3A_120 : vector<16xf32>
        %get3A_122 = arith.index_cast %scan3A_96 : i32 to index
        %get3A_123 = arith.constant 16 : index
        %get3A_124 = tpu.vector_load %arg11[%get3A_122, %get3A_123] {strides = array<i32>} : memref<128x64xf32, #tpu.memory_space<vmem>>, vector<16xf32>,
        %add3A_125 = arith.addf %add3A_121, %get3A_124 : vector<16xf32>
        %neg3A_126 = arith.constant 0.000000e+00 : f32
        %neg3A_127 = vector.broadcast %neg3A_126 : f32 to vector<16xf32>
        %neg3A_128 = arith.subf %neg3A_127, %add3A_125 : vector<16xf32>
        %exp3A_129 = math.exp %neg3A_128 : vector<16xf32>
        %add3A_130 = arith.constant 1.000000e+00 : f32
        %add3A_131 = vector.broadcast %add3A_130 : f32 to vector<16xf32>
        %add3A_132 = arith.addf %add3A_131, %exp3A_129 : vector<16xf32>
        %div3A_133 = arith.divf %add3A_125, %add3A_132 : vector<16xf32>
        %swap3A_134 = arith.index_cast %scan3A_96 : i32 to index
        %swap3A_135 = arith.constant 16 : index
        %swap3A_136 = tpu.vector_load %arg14[%swap3A_134, %swap3A_135] {strides = array<i32>} : memref<128x64xf32, #tpu.memory_space<vmem>>, vector<16xf32>,
        tpu.vector_store %arg14[%swap3A_134, %swap3A_135], %div3A_133 {strides = array<i32>} : memref<128x64xf32, #tpu.memory_space<vmem>>, vector<16xf32>,
        %get3A_137 = arith.index_cast %scan3A_96 : i32 to index
        %get3A_138 = arith.constant 32 : index
        %get3A_139 = tpu.vector_load %arg12[%get3A_137, %get3A_138] {strides = array<i32>} : memref<128x64xf32, #tpu.memory_space<vmem>>, vector<16xf32>,
        %get3A_140 = arith.index_cast %scan3A_96 : i32 to index
        %get3A_141 = arith.constant 32 : index
        %get3A_142 = tpu.vector_load %arg13[%get3A_140, %get3A_141] {strides = array<i32>} : memref<128x64xf32, #tpu.memory_space<vmem>>, vector<16xf32>,
        %add3A_143 = arith.addf %get3A_139, %get3A_142 : vector<16xf32>
        %get3A_144 = arith.index_cast %scan3A_96 : i32 to index
        %get3A_145 = arith.constant 32 : index
        %get3A_146 = tpu.vector_load %arg11[%get3A_144, %get3A_145] {strides = array<i32>} : memref<128x64xf32, #tpu.memory_space<vmem>>, vector<16xf32>,
        %add3A_147 = arith.addf %add3A_143, %get3A_146 : vector<16xf32>
        %neg3A_148 = arith.constant 0.000000e+00 : f32
        %neg3A_149 = vector.broadcast %neg3A_148 : f32 to vector<16xf32>
        %neg3A_150 = arith.subf %neg3A_149, %add3A_147 : vector<16xf32>
        %exp3A_151 = math.exp %neg3A_150 : vector<16xf32>
        %add3A_152 = arith.constant 1.000000e+00 : f32
        %add3A_153 = vector.broadcast %add3A_152 : f32 to vector<16xf32>
        %add3A_154 = arith.addf %add3A_153, %exp3A_151 : vector<16xf32>
        %div3A_155 = arith.divf %add3A_147, %add3A_154 : vector<16xf32>
        %swap3A_156 = arith.index_cast %scan3A_96 : i32 to index
        %swap3A_157 = arith.constant 32 : index
        %swap3A_158 = tpu.vector_load %arg14[%swap3A_156, %swap3A_157] {strides = array<i32>} : memref<128x64xf32, #tpu.memory_space<vmem>>, vector<16xf32>,
        tpu.vector_store %arg14[%swap3A_156, %swap3A_157], %div3A_155 {strides = array<i32>} : memref<128x64xf32, #tpu.memory_space<vmem>>, vector<16xf32>,
        %get3A_159 = arith.index_cast %scan3A_96 : i32 to index
        %get3A_160 = arith.constant 48 : index
        %get3A_161 = tpu.vector_load %arg12[%get3A_159, %get3A_160] {strides = array<i32>} : memref<128x64xf32, #tpu.memory_space<vmem>>, vector<16xf32>,
        %get3A_162 = arith.index_cast %scan3A_96 : i32 to index
        %get3A_163 = arith.constant 48 : index
        %get3A_164 = tpu.vector_load %arg13[%get3A_162, %get3A_163] {strides = array<i32>} : memref<128x64xf32, #tpu.memory_space<vmem>>, vector<16xf32>,
        %add3A_165 = arith.addf %get3A_161, %get3A_164 : vector<16xf32>
        %get3A_166 = arith.index_cast %scan3A_96 : i32 to index
        %get3A_167 = arith.constant 48 : index
        %get3A_168 = tpu.vector_load %arg11[%get3A_166, %get3A_167] {strides = array<i32>} : memref<128x64xf32, #tpu.memory_space<vmem>>, vector<16xf32>,
        %add3A_169 = arith.addf %add3A_165, %get3A_168 : vector<16xf32>
        %neg3A_170 = arith.constant 0.000000e+00 : f32
        %neg3A_171 = vector.broadcast %neg3A_170 : f32 to vector<16xf32>
        %neg3A_172 = arith.subf %neg3A_171, %add3A_169 : vector<16xf32>
        %exp3A_173 = math.exp %neg3A_172 : vector<16xf32>
        %add3A_174 = arith.constant 1.000000e+00 : f32
        %add3A_175 = vector.broadcast %add3A_174 : f32 to vector<16xf32>
        %add3A_176 = arith.addf %add3A_175, %exp3A_173 : vector<16xf32>
        %div3A_177 = arith.divf %add3A_169, %add3A_176 : vector<16xf32>
        %swap3A_178 = arith.index_cast %scan3A_96 : i32 to index
        %swap3A_179 = arith.constant 48 : index
        %swap3A_180 = tpu.vector_load %arg14[%swap3A_178, %swap3A_179] {strides = array<i32>} : memref<128x64xf32, #tpu.memory_space<vmem>>, vector<16xf32>,
        tpu.vector_store %arg14[%swap3A_178, %swap3A_179], %div3A_177 {strides = array<i32>} : memref<128x64xf32, #tpu.memory_space<vmem>>, vector<16xf32>,
        %scan3A_181 = arith.constant 0 : i32
        scf.yield %scan3A_181 : i32
      }
      %scan3A_93 = arith.constant 128 : i32
      %run_scoped3A_94 = arith.constant 0 : i32
      "tpu.region"() ({
        %run_scoped3A_96 = tpu.sem_alloc : memref<!tpu.dma_semaphore, #tpu.memory_space<semaphore_mem>>
        %dma_start3A_97 = arith.constant 0 : i32
        %dma_start3A_98 = tpu.memref_slice %arg10[%run_scoped3A_94, %dma_start3A_97] : memref<1x128xi32, #tpu.memory_space<vmem>> -> memref<1x128xi32, #tpu.memory_space<vmem>>
        %dma_start3A_99 = tpu.memref_squeeze %dma_start3A_98 : memref<1x128xi32, #tpu.memory_space<vmem>> -> memref<128xi32, #tpu.memory_space<vmem>>
        %dma_start3A_100 = arith.constant 0 : i32
        %dma_start3A_101 = arith.constant 0 : i32
        %dma_start3A_102 = tpu.memref_slice %arg15[%dma_start3A_100, %dma_start3A_101] : memref<10240x64xf32, #tpu.memory_space<vmem_shared>> -> memref<10240x64xf32, #tpu.memory_space<vmem_shared>>
        tpu.enqueue_indirect_dma source(%arg14 : memref<128x64xf32, #tpu.memory_space<vmem>>) target(%dma_start3A_102 : memref<10240x64xf32, #tpu.memory_space<vmem_shared>>) offsets(%dma_start3A_99 : memref<128xi32, #tpu.memory_space<vmem>>) semaphore(%run_scoped3A_96 : memref<!tpu.dma_semaphore, #tpu.memory_space<semaphore_mem>>) {add = true}
        %dma_wait3A_103 = arith.constant 0 : i32
        %dma_wait3A_104 = tpu.memref_slice %arg10[%run_scoped3A_94, %dma_wait3A_103] : memref<1x128xi32, #tpu.memory_space<vmem>> -> memref<1x128xi32, #tpu.memory_space<vmem>>
        %dma_wait3A_105 = tpu.memref_squeeze %dma_wait3A_104 : memref<1x128xi32, #tpu.memory_space<vmem>> -> memref<128xi32, #tpu.memory_space<vmem>>
        %dma_wait3A_106 = arith.constant 0 : i32
        %dma_wait3A_107 = arith.constant 0 : i32
        %dma_wait3A_108 = tpu.memref_slice %arg15[%dma_wait3A_106, %dma_wait3A_107] : memref<10240x64xf32, #tpu.memory_space<vmem_shared>> -> memref<10240x64xf32, #tpu.memory_space<vmem_shared>>
        tpu.wait_indirect_dma semaphore(%run_scoped3A_96 : memref<!tpu.dma_semaphore, #tpu.memory_space<semaphore_mem>>) src(%arg14 : memref<128x64xf32, #tpu.memory_space<vmem>>) dst(%dma_wait3A_108 : memref<10240x64xf32, #tpu.memory_space<vmem_shared>>)
        tpu.yield
      }) : () -> ()
      %scan3A_95 = arith.constant 0 : i32
      scf.yield %scan3A_95 : i32
    }
    %scan3A_35 = arith.constant 79 : i32
    %barrier3A_36 = arith.constant 0 : index
    tpu.barrier barrier_id(%barrier3A_36)
    %mul3A_37 = arith.constant 10240 : i32
    %mul3A_38 = arith.muli %arg0, %mul3A_37 : i32
    %mul3A_39 = arith.constant 640 : i32
    %mul3A_40 = arith.muli %arg1, %mul3A_39 : i32
    %add3A_41 = arith.addi %mul3A_38, %mul3A_40 : i32
    %mul3A_42 = arith.constant 640 : i32
    %mul3A_43 = arith.muli %arg1, %mul3A_42 : i32
    %add3A_44 = arith.constant 0 : i32
    %add3A_45 = arith.addi %mul3A_43, %add3A_44 : i32
    "tpu.region"() ({
      %run_scoped3A = tpu.sem_alloc : memref<!tpu.dma_semaphore, #tpu.memory_space<semaphore_mem>>
      %dma_start3A = arith.constant 0 : i32
      %dma_start3A_72 = tpu.memref_slice %arg15[%add3A_45, %dma_start3A] : memref<10240x64xf32, #tpu.memory_space<vmem_shared>> -> memref<128x64xf32, #tpu.memory_space<vmem_shared>>
      %dma_start3A_73 = arith.constant 0 : i32
      %dma_start3A_74 = tpu.memref_slice %arg15[%add3A_45, %dma_start3A_73] : memref<10240x64xf32, #tpu.memory_space<vmem_shared>> -> memref<128x64xf32, #tpu.memory_space<vmem_shared>>
      tpu.enqueue_dma source(%dma_start3A_74 : memref<128x64xf32, #tpu.memory_space<vmem_shared>>) target(%arg14 : memref<128x64xf32, #tpu.memory_space<vmem>>) target_semaphore(%run_scoped3A : memref<!tpu.dma_semaphore, #tpu.memory_space<semaphore_mem>>)
      %dma_wait3A = arith.constant 0 : i32
      %dma_wait3A_75 = tpu.memref_slice %arg15[%add3A_45, %dma_wait3A] : memref<10240x64xf32, #tpu.memory_space<vmem_shared>> -> memref<128x64xf32, #tpu.memory_space<vmem_shared>>
      %dma_wait3A_76 = arith.constant 0 : i32
      %dma_wait3A_77 = tpu.memref_slice %arg15[%add3A_45, %dma_wait3A_76] : memref<10240x64xf32, #tpu.memory_space<vmem_shared>> -> memref<128x64xf32, #tpu.memory_space<vmem_shared>>
      tpu.wait_dma2 semaphore(%run_scoped3A : memref<!tpu.dma_semaphore, #tpu.memory_space<semaphore_mem>>) src(%dma_wait3A_77 : memref<128x64xf32, #tpu.memory_space<vmem_shared>>) dst(%arg14 : memref<128x64xf32, #tpu.memory_space<vmem>>)
      tpu.yield
    }) : () -> ()
    %add3A_46 = arith.constant 0 : i32
    %add3A_47 = arith.addi %add3A_41, %add3A_46 : i32
    "tpu.region"() ({
      %run_scoped3A = tpu.sem_alloc : memref<!tpu.dma_semaphore, #tpu.memory_space<semaphore_mem>>
      %dma_start3A = arith.constant 0 : i32
      %dma_start3A_72 = tpu.memref_slice %arg7[%add3A_47, %dma_start3A] : memref<20480x64xf32, #tpu.memory_space<hbm>> -> memref<128x64xf32, #tpu.memory_space<hbm>>
      %dma_start3A_73 = arith.constant 0 : i32
      %dma_start3A_74 = tpu.memref_slice %arg7[%add3A_47, %dma_start3A_73] : memref<20480x64xf32, #tpu.memory_space<hbm>> -> memref<128x64xf32, #tpu.memory_space<hbm>>
      tpu.enqueue_dma source(%arg14 : memref<128x64xf32, #tpu.memory_space<vmem>>) target(%dma_start3A_74 : memref<128x64xf32, #tpu.memory_space<hbm>>) target_semaphore(%run_scoped3A : memref<!tpu.dma_semaphore, #tpu.memory_space<semaphore_mem>>)
      %dma_wait3A = arith.constant 0 : i32
      %dma_wait3A_75 = tpu.memref_slice %arg7[%add3A_47, %dma_wait3A] : memref<20480x64xf32, #tpu.memory_space<hbm>> -> memref<128x64xf32, #tpu.memory_space<hbm>>
      %dma_wait3A_76 = arith.constant 0 : i32
      %dma_wait3A_77 = tpu.memref_slice %arg7[%add3A_47, %dma_wait3A_76] : memref<20480x64xf32, #tpu.memory_space<hbm>> -> memref<128x64xf32, #tpu.memory_space<hbm>>
      tpu.wait_dma2 semaphore(%run_scoped3A : memref<!tpu.dma_semaphore, #tpu.memory_space<semaphore_mem>>) src(%arg14 : memref<128x64xf32, #tpu.memory_space<vmem>>) dst(%dma_wait3A_77 : memref<128x64xf32, #tpu.memory_space<hbm>>)
      tpu.yield
    }) : () -> ()
    %mul3A_48 = arith.constant 640 : i32
    %mul3A_49 = arith.muli %arg1, %mul3A_48 : i32
    %add3A_50 = arith.constant 128 : i32
    %add3A_51 = arith.addi %mul3A_49, %add3A_50 : i32
    "tpu.region"() ({
      %run_scoped3A = tpu.sem_alloc : memref<!tpu.dma_semaphore, #tpu.memory_space<semaphore_mem>>
      %dma_start3A = arith.constant 0 : i32
      %dma_start3A_72 = tpu.memref_slice %arg15[%add3A_51, %dma_start3A] : memref<10240x64xf32, #tpu.memory_space<vmem_shared>> -> memref<128x64xf32, #tpu.memory_space<vmem_shared>>
      %dma_start3A_73 = arith.constant 0 : i32
      %dma_start3A_74 = tpu.memref_slice %arg15[%add3A_51, %dma_start3A_73] : memref<10240x64xf32, #tpu.memory_space<vmem_shared>> -> memref<128x64xf32, #tpu.memory_space<vmem_shared>>
      tpu.enqueue_dma source(%dma_start3A_74 : memref<128x64xf32, #tpu.memory_space<vmem_shared>>) target(%arg14 : memref<128x64xf32, #tpu.memory_space<vmem>>) target_semaphore(%run_scoped3A : memref<!tpu.dma_semaphore, #tpu.memory_space<semaphore_mem>>)
      %dma_wait3A = arith.constant 0 : i32
      %dma_wait3A_75 = tpu.memref_slice %arg15[%add3A_51, %dma_wait3A] : memref<10240x64xf32, #tpu.memory_space<vmem_shared>> -> memref<128x64xf32, #tpu.memory_space<vmem_shared>>
      %dma_wait3A_76 = arith.constant 0 : i32
      %dma_wait3A_77 = tpu.memref_slice %arg15[%add3A_51, %dma_wait3A_76] : memref<10240x64xf32, #tpu.memory_space<vmem_shared>> -> memref<128x64xf32, #tpu.memory_space<vmem_shared>>
      tpu.wait_dma2 semaphore(%run_scoped3A : memref<!tpu.dma_semaphore, #tpu.memory_space<semaphore_mem>>) src(%dma_wait3A_77 : memref<128x64xf32, #tpu.memory_space<vmem_shared>>) dst(%arg14 : memref<128x64xf32, #tpu.memory_space<vmem>>)
      tpu.yield
    }) : () -> ()
    %add3A_52 = arith.constant 128 : i32
    %add3A_53 = arith.addi %add3A_41, %add3A_52 : i32
    "tpu.region"() ({
      %run_scoped3A = tpu.sem_alloc : memref<!tpu.dma_semaphore, #tpu.memory_space<semaphore_mem>>
      %dma_start3A = arith.constant 0 : i32
      %dma_start3A_72 = tpu.memref_slice %arg7[%add3A_53, %dma_start3A] : memref<20480x64xf32, #tpu.memory_space<hbm>> -> memref<128x64xf32, #tpu.memory_space<hbm>>
      %dma_start3A_73 = arith.constant 0 : i32
      %dma_start3A_74 = tpu.memref_slice %arg7[%add3A_53, %dma_start3A_73] : memref<20480x64xf32, #tpu.memory_space<hbm>> -> memref<128x64xf32, #tpu.memory_space<hbm>>
      tpu.enqueue_dma source(%arg14 : memref<128x64xf32, #tpu.memory_space<vmem>>) target(%dma_start3A_74 : memref<128x64xf32, #tpu.memory_space<hbm>>) target_semaphore(%run_scoped3A : memref<!tpu.dma_semaphore, #tpu.memory_space<semaphore_mem>>)
      %dma_wait3A = arith.constant 0 : i32
      %dma_wait3A_75 = tpu.memref_slice %arg7[%add3A_53, %dma_wait3A] : memref<20480x64xf32, #tpu.memory_space<hbm>> -> memref<128x64xf32, #tpu.memory_space<hbm>>
      %dma_wait3A_76 = arith.constant 0 : i32
      %dma_wait3A_77 = tpu.memref_slice %arg7[%add3A_53, %dma_wait3A_76] : memref<20480x64xf32, #tpu.memory_space<hbm>> -> memref<128x64xf32, #tpu.memory_space<hbm>>
      tpu.wait_dma2 semaphore(%run_scoped3A : memref<!tpu.dma_semaphore, #tpu.memory_space<semaphore_mem>>) src(%arg14 : memref<128x64xf32, #tpu.memory_space<vmem>>) dst(%dma_wait3A_77 : memref<128x64xf32, #tpu.memory_space<hbm>>)
      tpu.yield
    }) : () -> ()
    %mul3A_54 = arith.constant 640 : i32
    %mul3A_55 = arith.muli %arg1, %mul3A_54 : i32
    %add3A_56 = arith.constant 256 : i32
    %add3A_57 = arith.addi %mul3A_55, %add3A_56 : i32
    "tpu.region"() ({
      %run_scoped3A = tpu.sem_alloc : memref<!tpu.dma_semaphore, #tpu.memory_space<semaphore_mem>>
      %dma_start3A = arith.constant 0 : i32
      %dma_start3A_72 = tpu.memref_slice %arg15[%add3A_57, %dma_start3A] : memref<10240x64xf32, #tpu.memory_space<vmem_shared>> -> memref<128x64xf32, #tpu.memory_space<vmem_shared>>
      %dma_start3A_73 = arith.constant 0 : i32
      %dma_start3A_74 = tpu.memref_slice %arg15[%add3A_57, %dma_start3A_73] : memref<10240x64xf32, #tpu.memory_space<vmem_shared>> -> memref<128x64xf32, #tpu.memory_space<vmem_shared>>
      tpu.enqueue_dma source(%dma_start3A_74 : memref<128x64xf32, #tpu.memory_space<vmem_shared>>) target(%arg14 : memref<128x64xf32, #tpu.memory_space<vmem>>) target_semaphore(%run_scoped3A : memref<!tpu.dma_semaphore, #tpu.memory_space<semaphore_mem>>)
      %dma_wait3A = arith.constant 0 : i32
      %dma_wait3A_75 = tpu.memref_slice %arg15[%add3A_57, %dma_wait3A] : memref<10240x64xf32, #tpu.memory_space<vmem_shared>> -> memref<128x64xf32, #tpu.memory_space<vmem_shared>>
      %dma_wait3A_76 = arith.constant 0 : i32
      %dma_wait3A_77 = tpu.memref_slice %arg15[%add3A_57, %dma_wait3A_76] : memref<10240x64xf32, #tpu.memory_space<vmem_shared>> -> memref<128x64xf32, #tpu.memory_space<vmem_shared>>
      tpu.wait_dma2 semaphore(%run_scoped3A : memref<!tpu.dma_semaphore, #tpu.memory_space<semaphore_mem>>) src(%dma_wait3A_77 : memref<128x64xf32, #tpu.memory_space<vmem_shared>>) dst(%arg14 : memref<128x64xf32, #tpu.memory_space<vmem>>)
      tpu.yield
    }) : () -> ()
    %add3A_58 = arith.constant 256 : i32
    %add3A_59 = arith.addi %add3A_41, %add3A_58 : i32
    "tpu.region"() ({
      %run_scoped3A = tpu.sem_alloc : memref<!tpu.dma_semaphore, #tpu.memory_space<semaphore_mem>>
      %dma_start3A = arith.constant 0 : i32
      %dma_start3A_72 = tpu.memref_slice %arg7[%add3A_59, %dma_start3A] : memref<20480x64xf32, #tpu.memory_space<hbm>> -> memref<128x64xf32, #tpu.memory_space<hbm>>
      %dma_start3A_73 = arith.constant 0 : i32
      %dma_start3A_74 = tpu.memref_slice %arg7[%add3A_59, %dma_start3A_73] : memref<20480x64xf32, #tpu.memory_space<hbm>> -> memref<128x64xf32, #tpu.memory_space<hbm>>
      tpu.enqueue_dma source(%arg14 : memref<128x64xf32, #tpu.memory_space<vmem>>) target(%dma_start3A_74 : memref<128x64xf32, #tpu.memory_space<hbm>>) target_semaphore(%run_scoped3A : memref<!tpu.dma_semaphore, #tpu.memory_space<semaphore_mem>>)
      %dma_wait3A = arith.constant 0 : i32
      %dma_wait3A_75 = tpu.memref_slice %arg7[%add3A_59, %dma_wait3A] : memref<20480x64xf32, #tpu.memory_space<hbm>> -> memref<128x64xf32, #tpu.memory_space<hbm>>
      %dma_wait3A_76 = arith.constant 0 : i32
      %dma_wait3A_77 = tpu.memref_slice %arg7[%add3A_59, %dma_wait3A_76] : memref<20480x64xf32, #tpu.memory_space<hbm>> -> memref<128x64xf32, #tpu.memory_space<hbm>>
      tpu.wait_dma2 semaphore(%run_scoped3A : memref<!tpu.dma_semaphore, #tpu.memory_space<semaphore_mem>>) src(%arg14 : memref<128x64xf32, #tpu.memory_space<vmem>>) dst(%dma_wait3A_77 : memref<128x64xf32, #tpu.memory_space<hbm>>)
      tpu.yield
    }) : () -> ()
    %mul3A_60 = arith.constant 640 : i32
    %mul3A_61 = arith.muli %arg1, %mul3A_60 : i32
    %add3A_62 = arith.constant 384 : i32
    %add3A_63 = arith.addi %mul3A_61, %add3A_62 : i32
    "tpu.region"() ({
      %run_scoped3A = tpu.sem_alloc : memref<!tpu.dma_semaphore, #tpu.memory_space<semaphore_mem>>
      %dma_start3A = arith.constant 0 : i32
      %dma_start3A_72 = tpu.memref_slice %arg15[%add3A_63, %dma_start3A] : memref<10240x64xf32, #tpu.memory_space<vmem_shared>> -> memref<128x64xf32, #tpu.memory_space<vmem_shared>>
      %dma_start3A_73 = arith.constant 0 : i32
      %dma_start3A_74 = tpu.memref_slice %arg15[%add3A_63, %dma_start3A_73] : memref<10240x64xf32, #tpu.memory_space<vmem_shared>> -> memref<128x64xf32, #tpu.memory_space<vmem_shared>>
      tpu.enqueue_dma source(%dma_start3A_74 : memref<128x64xf32, #tpu.memory_space<vmem_shared>>) target(%arg14 : memref<128x64xf32, #tpu.memory_space<vmem>>) target_semaphore(%run_scoped3A : memref<!tpu.dma_semaphore, #tpu.memory_space<semaphore_mem>>)
      %dma_wait3A = arith.constant 0 : i32
      %dma_wait3A_75 = tpu.memref_slice %arg15[%add3A_63, %dma_wait3A] : memref<10240x64xf32, #tpu.memory_space<vmem_shared>> -> memref<128x64xf32, #tpu.memory_space<vmem_shared>>
      %dma_wait3A_76 = arith.constant 0 : i32
      %dma_wait3A_77 = tpu.memref_slice %arg15[%add3A_63, %dma_wait3A_76] : memref<10240x64xf32, #tpu.memory_space<vmem_shared>> -> memref<128x64xf32, #tpu.memory_space<vmem_shared>>
      tpu.wait_dma2 semaphore(%run_scoped3A : memref<!tpu.dma_semaphore, #tpu.memory_space<semaphore_mem>>) src(%dma_wait3A_77 : memref<128x64xf32, #tpu.memory_space<vmem_shared>>) dst(%arg14 : memref<128x64xf32, #tpu.memory_space<vmem>>)
      tpu.yield
    }) : () -> ()
    %add3A_64 = arith.constant 384 : i32
    %add3A_65 = arith.addi %add3A_41, %add3A_64 : i32
    "tpu.region"() ({
      %run_scoped3A = tpu.sem_alloc : memref<!tpu.dma_semaphore, #tpu.memory_space<semaphore_mem>>
      %dma_start3A = arith.constant 0 : i32
      %dma_start3A_72 = tpu.memref_slice %arg7[%add3A_65, %dma_start3A] : memref<20480x64xf32, #tpu.memory_space<hbm>> -> memref<128x64xf32, #tpu.memory_space<hbm>>
      %dma_start3A_73 = arith.constant 0 : i32
      %dma_start3A_74 = tpu.memref_slice %arg7[%add3A_65, %dma_start3A_73] : memref<20480x64xf32, #tpu.memory_space<hbm>> -> memref<128x64xf32, #tpu.memory_space<hbm>>
      tpu.enqueue_dma source(%arg14 : memref<128x64xf32, #tpu.memory_space<vmem>>) target(%dma_start3A_74 : memref<128x64xf32, #tpu.memory_space<hbm>>) target_semaphore(%run_scoped3A : memref<!tpu.dma_semaphore, #tpu.memory_space<semaphore_mem>>)
      %dma_wait3A = arith.constant 0 : i32
      %dma_wait3A_75 = tpu.memref_slice %arg7[%add3A_65, %dma_wait3A] : memref<20480x64xf32, #tpu.memory_space<hbm>> -> memref<128x64xf32, #tpu.memory_space<hbm>>
      %dma_wait3A_76 = arith.constant 0 : i32
      %dma_wait3A_77 = tpu.memref_slice %arg7[%add3A_65, %dma_wait3A_76] : memref<20480x64xf32, #tpu.memory_space<hbm>> -> memref<128x64xf32, #tpu.memory_space<hbm>>
      tpu.wait_dma2 semaphore(%run_scoped3A : memref<!tpu.dma_semaphore, #tpu.memory_space<semaphore_mem>>) src(%arg14 : memref<128x64xf32, #tpu.memory_space<vmem>>) dst(%dma_wait3A_77 : memref<128x64xf32, #tpu.memory_space<hbm>>)
      tpu.yield
    }) : () -> ()
    %mul3A_66 = arith.constant 640 : i32
    %mul3A_67 = arith.muli %arg1, %mul3A_66 : i32
    %add3A_68 = arith.constant 512 : i32
    %add3A_69 = arith.addi %mul3A_67, %add3A_68 : i32
    "tpu.region"() ({
      %run_scoped3A = tpu.sem_alloc : memref<!tpu.dma_semaphore, #tpu.memory_space<semaphore_mem>>
      %dma_start3A = arith.constant 0 : i32
      %dma_start3A_72 = tpu.memref_slice %arg15[%add3A_69, %dma_start3A] : memref<10240x64xf32, #tpu.memory_space<vmem_shared>> -> memref<128x64xf32, #tpu.memory_space<vmem_shared>>
      %dma_start3A_73 = arith.constant 0 : i32
      %dma_start3A_74 = tpu.memref_slice %arg15[%add3A_69, %dma_start3A_73] : memref<10240x64xf32, #tpu.memory_space<vmem_shared>> -> memref<128x64xf32, #tpu.memory_space<vmem_shared>>
      tpu.enqueue_dma source(%dma_start3A_74 : memref<128x64xf32, #tpu.memory_space<vmem_shared>>) target(%arg14 : memref<128x64xf32, #tpu.memory_space<vmem>>) target_semaphore(%run_scoped3A : memref<!tpu.dma_semaphore, #tpu.memory_space<semaphore_mem>>)
      %dma_wait3A = arith.constant 0 : i32
      %dma_wait3A_75 = tpu.memref_slice %arg15[%add3A_69, %dma_wait3A] : memref<10240x64xf32, #tpu.memory_space<vmem_shared>> -> memref<128x64xf32, #tpu.memory_space<vmem_shared>>
      %dma_wait3A_76 = arith.constant 0 : i32
      %dma_wait3A_77 = tpu.memref_slice %arg15[%add3A_69, %dma_wait3A_76] : memref<10240x64xf32, #tpu.memory_space<vmem_shared>> -> memref<128x64xf32, #tpu.memory_space<vmem_shared>>
      tpu.wait_dma2 semaphore(%run_scoped3A : memref<!tpu.dma_semaphore, #tpu.memory_space<semaphore_mem>>) src(%dma_wait3A_77 : memref<128x64xf32, #tpu.memory_space<vmem_shared>>) dst(%arg14 : memref<128x64xf32, #tpu.memory_space<vmem>>)
      tpu.yield
    }) : () -> ()
    %add3A_70 = arith.constant 512 : i32
    %add3A_71 = arith.addi %add3A_41, %add3A_70 : i32
    "tpu.region"() ({
      %run_scoped3A = tpu.sem_alloc : memref<!tpu.dma_semaphore, #tpu.memory_space<semaphore_mem>>
      %dma_start3A = arith.constant 0 : i32
      %dma_start3A_72 = tpu.memref_slice %arg7[%add3A_71, %dma_start3A] : memref<20480x64xf32, #tpu.memory_space<hbm>> -> memref<128x64xf32, #tpu.memory_space<hbm>>
      %dma_start3A_73 = arith.constant 0 : i32
      %dma_start3A_74 = tpu.memref_slice %arg7[%add3A_71, %dma_start3A_73] : memref<20480x64xf32, #tpu.memory_space<hbm>> -> memref<128x64xf32, #tpu.memory_space<hbm>>
      tpu.enqueue_dma source(%arg14 : memref<128x64xf32, #tpu.memory_space<vmem>>) target(%dma_start3A_74 : memref<128x64xf32, #tpu.memory_space<hbm>>) target_semaphore(%run_scoped3A : memref<!tpu.dma_semaphore, #tpu.memory_space<semaphore_mem>>)
      %dma_wait3A = arith.constant 0 : i32
      %dma_wait3A_75 = tpu.memref_slice %arg7[%add3A_71, %dma_wait3A] : memref<20480x64xf32, #tpu.memory_space<hbm>> -> memref<128x64xf32, #tpu.memory_space<hbm>>
      %dma_wait3A_76 = arith.constant 0 : i32
      %dma_wait3A_77 = tpu.memref_slice %arg7[%add3A_71, %dma_wait3A_76] : memref<20480x64xf32, #tpu.memory_space<hbm>> -> memref<128x64xf32, #tpu.memory_space<hbm>>
      tpu.wait_dma2 semaphore(%run_scoped3A : memref<!tpu.dma_semaphore, #tpu.memory_space<semaphore_mem>>) src(%arg14 : memref<128x64xf32, #tpu.memory_space<vmem>>) dst(%dma_wait3A_77 : memref<128x64xf32, #tpu.memory_space<hbm>>)
      tpu.yield
    }) : () -> ()
    return
  }
}

#map = affine_map<(d0, d1) -> (0, 0)>
#map1 = affine_map<(d0, d1) -> (0)>
module attributes {stable_mosaic.version = 14 : i64} {
  func.func @edge_kernel(%arg0: i32, %arg1: i32, %arg2: memref<10240x64xf32, #tpu.memory_space<hbm>>, %arg3: memref<10240x64xf32, #tpu.memory_space<hbm>>, %arg4: memref<323584x64xf32, #tpu.memory_space<hbm>>, %arg5: memref<323584xi32, #tpu.memory_space<hbm>>, %arg6: memref<323584xi32, #tpu.memory_space<hbm>>, %arg7: memref<20480x64xf32, #tpu.memory_space<hbm>>, %arg8: memref<20480x64xf32, #tpu.memory_space<hbm>>, %arg9: memref<128xi32, #tpu.memory_space<vmem>>, %arg10: memref<128xi32, #tpu.memory_space<vmem>>, %arg11: memref<1x128xi32, #tpu.memory_space<vmem>>, %arg12: memref<128x64xf32, #tpu.memory_space<vmem>>, %arg13: memref<128x64xf32, #tpu.memory_space<vmem>>, %arg14: memref<128x64xf32, #tpu.memory_space<vmem>>, %arg15: memref<128x64xf32, #tpu.memory_space<vmem>>, %arg16: memref<10240x64xf32, #tpu.memory_space<vmem_shared>>, %arg17: memref<10240x64xf32, #tpu.memory_space<vmem_shared>>, %arg18: memref<!tpu.dma_semaphore, #tpu.memory_space<semaphore_mem>>, %arg19: memref<!tpu.dma_semaphore, #tpu.memory_space<semaphore_mem>>) attributes {dimension_semantics = [#tpu.dimension_semantics<core_parallel>, #tpu.dimension_semantics<subcore_parallel>], iteration_bounds = array<i64: 2, 16>, scalar_prefetch = 0 : i64, scratch_operands = 11 : i64, tpu.core_type = #tpu.core_type<sc_vector_subcore>, window_params = [{transform_indices = #map}, {transform_indices = #map}, {transform_indices = #map}, {transform_indices = #map1}, {transform_indices = #map1}, {transform_indices = #map}, {transform_indices = #map}]} {
    %mul3A = arith.constant 16 : i32
    %mul3A_0 = arith.muli %arg0, %mul3A : i32
    %add3A = arith.addi %mul3A_0, %arg1 : i32
    %mul3A_1 = arith.constant 10112 : i32
    %mul3A_2 = arith.muli %add3A, %mul3A_1 : i32
    %scan3A = arith.constant 0 : i32
    %scan3A_3 = arith.constant 0 : i32
    %scan3A_4 = arith.constant 128 : i32
    %scan3A_5 = arith.addi %scan3A_3, %scan3A_4 : i32
    %scan3A_6 = arith.constant 1 : i32
    %scan3A_7 = scf.for %scan3A_136 = %scan3A_3 to %scan3A_5 step %scan3A_6 iter_args(%scan3A_137 = %scan3A) -> (i32)  : i32 {
      %broadcast_in_dim3A = arith.constant 0.000000e+00 : f32
      %broadcast_in_dim3A_138 = vector.broadcast %broadcast_in_dim3A : f32 to vector<16xf32>
      %swap3A = arith.index_cast %scan3A_136 : i32 to index
      %swap3A_139 = arith.constant 0 : index
      %swap3A_140 = tpu.vector_load %arg15[%swap3A, %swap3A_139] {strides = array<i32>} : memref<128x64xf32, #tpu.memory_space<vmem>>, vector<16xf32>,
      tpu.vector_store %arg15[%swap3A, %swap3A_139], %broadcast_in_dim3A_138 {strides = array<i32>} : memref<128x64xf32, #tpu.memory_space<vmem>>, vector<16xf32>,
      %broadcast_in_dim3A_141 = arith.constant 0.000000e+00 : f32
      %broadcast_in_dim3A_142 = vector.broadcast %broadcast_in_dim3A_141 : f32 to vector<16xf32>
      %swap3A_143 = arith.index_cast %scan3A_136 : i32 to index
      %swap3A_144 = arith.constant 16 : index
      %swap3A_145 = tpu.vector_load %arg15[%swap3A_143, %swap3A_144] {strides = array<i32>} : memref<128x64xf32, #tpu.memory_space<vmem>>, vector<16xf32>,
      tpu.vector_store %arg15[%swap3A_143, %swap3A_144], %broadcast_in_dim3A_142 {strides = array<i32>} : memref<128x64xf32, #tpu.memory_space<vmem>>, vector<16xf32>,
      %broadcast_in_dim3A_146 = arith.constant 0.000000e+00 : f32
      %broadcast_in_dim3A_147 = vector.broadcast %broadcast_in_dim3A_146 : f32 to vector<16xf32>
      %swap3A_148 = arith.index_cast %scan3A_136 : i32 to index
      %swap3A_149 = arith.constant 32 : index
      %swap3A_150 = tpu.vector_load %arg15[%swap3A_148, %swap3A_149] {strides = array<i32>} : memref<128x64xf32, #tpu.memory_space<vmem>>, vector<16xf32>,
      tpu.vector_store %arg15[%swap3A_148, %swap3A_149], %broadcast_in_dim3A_147 {strides = array<i32>} : memref<128x64xf32, #tpu.memory_space<vmem>>, vector<16xf32>,
      %broadcast_in_dim3A_151 = arith.constant 0.000000e+00 : f32
      %broadcast_in_dim3A_152 = vector.broadcast %broadcast_in_dim3A_151 : f32 to vector<16xf32>
      %swap3A_153 = arith.index_cast %scan3A_136 : i32 to index
      %swap3A_154 = arith.constant 48 : index
      %swap3A_155 = tpu.vector_load %arg15[%swap3A_153, %swap3A_154] {strides = array<i32>} : memref<128x64xf32, #tpu.memory_space<vmem>>, vector<16xf32>,
      tpu.vector_store %arg15[%swap3A_153, %swap3A_154], %broadcast_in_dim3A_152 {strides = array<i32>} : memref<128x64xf32, #tpu.memory_space<vmem>>, vector<16xf32>,
      %scan3A_156 = arith.constant 0 : i32
      scf.yield %scan3A_156 : i32
    }
    %scan3A_8 = arith.constant 128 : i32
    %mul3A_9 = arith.constant 640 : i32
    %mul3A_10 = arith.muli %arg1, %mul3A_9 : i32
    %add3A_11 = arith.constant 0 : i32
    %add3A_12 = arith.addi %mul3A_10, %add3A_11 : i32
    "tpu.region"() ({
      %run_scoped3A = tpu.sem_alloc : memref<!tpu.dma_semaphore, #tpu.memory_space<semaphore_mem>>
      %dma_start3A = arith.constant 0 : i32
      %dma_start3A_136 = tpu.memref_slice %arg16[%add3A_12, %dma_start3A] : memref<10240x64xf32, #tpu.memory_space<vmem_shared>> -> memref<128x64xf32, #tpu.memory_space<vmem_shared>>
      %dma_start3A_137 = arith.constant 0 : i32
      %dma_start3A_138 = tpu.memref_slice %arg16[%add3A_12, %dma_start3A_137] : memref<10240x64xf32, #tpu.memory_space<vmem_shared>> -> memref<128x64xf32, #tpu.memory_space<vmem_shared>>
      tpu.enqueue_dma source(%arg15 : memref<128x64xf32, #tpu.memory_space<vmem>>) target(%dma_start3A_138 : memref<128x64xf32, #tpu.memory_space<vmem_shared>>) target_semaphore(%run_scoped3A : memref<!tpu.dma_semaphore, #tpu.memory_space<semaphore_mem>>)
      %dma_wait3A = arith.constant 0 : i32
      %dma_wait3A_139 = tpu.memref_slice %arg16[%add3A_12, %dma_wait3A] : memref<10240x64xf32, #tpu.memory_space<vmem_shared>> -> memref<128x64xf32, #tpu.memory_space<vmem_shared>>
      %dma_wait3A_140 = arith.constant 0 : i32
      %dma_wait3A_141 = tpu.memref_slice %arg16[%add3A_12, %dma_wait3A_140] : memref<10240x64xf32, #tpu.memory_space<vmem_shared>> -> memref<128x64xf32, #tpu.memory_space<vmem_shared>>
      tpu.wait_dma2 semaphore(%run_scoped3A : memref<!tpu.dma_semaphore, #tpu.memory_space<semaphore_mem>>) src(%arg15 : memref<128x64xf32, #tpu.memory_space<vmem>>) dst(%dma_wait3A_141 : memref<128x64xf32, #tpu.memory_space<vmem_shared>>)
      tpu.yield
    }) : () -> ()
    %mul3A_13 = arith.constant 640 : i32
    %mul3A_14 = arith.muli %arg1, %mul3A_13 : i32
    %add3A_15 = arith.constant 0 : i32
    %add3A_16 = arith.addi %mul3A_14, %add3A_15 : i32
    "tpu.region"() ({
      %run_scoped3A = tpu.sem_alloc : memref<!tpu.dma_semaphore, #tpu.memory_space<semaphore_mem>>
      %dma_start3A = arith.constant 0 : i32
      %dma_start3A_136 = tpu.memref_slice %arg17[%add3A_16, %dma_start3A] : memref<10240x64xf32, #tpu.memory_space<vmem_shared>> -> memref<128x64xf32, #tpu.memory_space<vmem_shared>>
      %dma_start3A_137 = arith.constant 0 : i32
      %dma_start3A_138 = tpu.memref_slice %arg17[%add3A_16, %dma_start3A_137] : memref<10240x64xf32, #tpu.memory_space<vmem_shared>> -> memref<128x64xf32, #tpu.memory_space<vmem_shared>>
      tpu.enqueue_dma source(%arg15 : memref<128x64xf32, #tpu.memory_space<vmem>>) target(%dma_start3A_138 : memref<128x64xf32, #tpu.memory_space<vmem_shared>>) target_semaphore(%run_scoped3A : memref<!tpu.dma_semaphore, #tpu.memory_space<semaphore_mem>>)
      %dma_wait3A = arith.constant 0 : i32
      %dma_wait3A_139 = tpu.memref_slice %arg17[%add3A_16, %dma_wait3A] : memref<10240x64xf32, #tpu.memory_space<vmem_shared>> -> memref<128x64xf32, #tpu.memory_space<vmem_shared>>
      %dma_wait3A_140 = arith.constant 0 : i32
      %dma_wait3A_141 = tpu.memref_slice %arg17[%add3A_16, %dma_wait3A_140] : memref<10240x64xf32, #tpu.memory_space<vmem_shared>> -> memref<128x64xf32, #tpu.memory_space<vmem_shared>>
      tpu.wait_dma2 semaphore(%run_scoped3A : memref<!tpu.dma_semaphore, #tpu.memory_space<semaphore_mem>>) src(%arg15 : memref<128x64xf32, #tpu.memory_space<vmem>>) dst(%dma_wait3A_141 : memref<128x64xf32, #tpu.memory_space<vmem_shared>>)
      tpu.yield
    }) : () -> ()
    %mul3A_17 = arith.constant 640 : i32
    %mul3A_18 = arith.muli %arg1, %mul3A_17 : i32
    %add3A_19 = arith.constant 128 : i32
    %add3A_20 = arith.addi %mul3A_18, %add3A_19 : i32
    "tpu.region"() ({
      %run_scoped3A = tpu.sem_alloc : memref<!tpu.dma_semaphore, #tpu.memory_space<semaphore_mem>>
      %dma_start3A = arith.constant 0 : i32
      %dma_start3A_136 = tpu.memref_slice %arg16[%add3A_20, %dma_start3A] : memref<10240x64xf32, #tpu.memory_space<vmem_shared>> -> memref<128x64xf32, #tpu.memory_space<vmem_shared>>
      %dma_start3A_137 = arith.constant 0 : i32
      %dma_start3A_138 = tpu.memref_slice %arg16[%add3A_20, %dma_start3A_137] : memref<10240x64xf32, #tpu.memory_space<vmem_shared>> -> memref<128x64xf32, #tpu.memory_space<vmem_shared>>
      tpu.enqueue_dma source(%arg15 : memref<128x64xf32, #tpu.memory_space<vmem>>) target(%dma_start3A_138 : memref<128x64xf32, #tpu.memory_space<vmem_shared>>) target_semaphore(%run_scoped3A : memref<!tpu.dma_semaphore, #tpu.memory_space<semaphore_mem>>)
      %dma_wait3A = arith.constant 0 : i32
      %dma_wait3A_139 = tpu.memref_slice %arg16[%add3A_20, %dma_wait3A] : memref<10240x64xf32, #tpu.memory_space<vmem_shared>> -> memref<128x64xf32, #tpu.memory_space<vmem_shared>>
      %dma_wait3A_140 = arith.constant 0 : i32
      %dma_wait3A_141 = tpu.memref_slice %arg16[%add3A_20, %dma_wait3A_140] : memref<10240x64xf32, #tpu.memory_space<vmem_shared>> -> memref<128x64xf32, #tpu.memory_space<vmem_shared>>
      tpu.wait_dma2 semaphore(%run_scoped3A : memref<!tpu.dma_semaphore, #tpu.memory_space<semaphore_mem>>) src(%arg15 : memref<128x64xf32, #tpu.memory_space<vmem>>) dst(%dma_wait3A_141 : memref<128x64xf32, #tpu.memory_space<vmem_shared>>)
      tpu.yield
    }) : () -> ()
    %mul3A_21 = arith.constant 640 : i32
    %mul3A_22 = arith.muli %arg1, %mul3A_21 : i32
    %add3A_23 = arith.constant 128 : i32
    %add3A_24 = arith.addi %mul3A_22, %add3A_23 : i32
    "tpu.region"() ({
      %run_scoped3A = tpu.sem_alloc : memref<!tpu.dma_semaphore, #tpu.memory_space<semaphore_mem>>
      %dma_start3A = arith.constant 0 : i32
      %dma_start3A_136 = tpu.memref_slice %arg17[%add3A_24, %dma_start3A] : memref<10240x64xf32, #tpu.memory_space<vmem_shared>> -> memref<128x64xf32, #tpu.memory_space<vmem_shared>>
      %dma_start3A_137 = arith.constant 0 : i32
      %dma_start3A_138 = tpu.memref_slice %arg17[%add3A_24, %dma_start3A_137] : memref<10240x64xf32, #tpu.memory_space<vmem_shared>> -> memref<128x64xf32, #tpu.memory_space<vmem_shared>>
      tpu.enqueue_dma source(%arg15 : memref<128x64xf32, #tpu.memory_space<vmem>>) target(%dma_start3A_138 : memref<128x64xf32, #tpu.memory_space<vmem_shared>>) target_semaphore(%run_scoped3A : memref<!tpu.dma_semaphore, #tpu.memory_space<semaphore_mem>>)
      %dma_wait3A = arith.constant 0 : i32
      %dma_wait3A_139 = tpu.memref_slice %arg17[%add3A_24, %dma_wait3A] : memref<10240x64xf32, #tpu.memory_space<vmem_shared>> -> memref<128x64xf32, #tpu.memory_space<vmem_shared>>
      %dma_wait3A_140 = arith.constant 0 : i32
      %dma_wait3A_141 = tpu.memref_slice %arg17[%add3A_24, %dma_wait3A_140] : memref<10240x64xf32, #tpu.memory_space<vmem_shared>> -> memref<128x64xf32, #tpu.memory_space<vmem_shared>>
      tpu.wait_dma2 semaphore(%run_scoped3A : memref<!tpu.dma_semaphore, #tpu.memory_space<semaphore_mem>>) src(%arg15 : memref<128x64xf32, #tpu.memory_space<vmem>>) dst(%dma_wait3A_141 : memref<128x64xf32, #tpu.memory_space<vmem_shared>>)
      tpu.yield
    }) : () -> ()
    %mul3A_25 = arith.constant 640 : i32
    %mul3A_26 = arith.muli %arg1, %mul3A_25 : i32
    %add3A_27 = arith.constant 256 : i32
    %add3A_28 = arith.addi %mul3A_26, %add3A_27 : i32
    "tpu.region"() ({
      %run_scoped3A = tpu.sem_alloc : memref<!tpu.dma_semaphore, #tpu.memory_space<semaphore_mem>>
      %dma_start3A = arith.constant 0 : i32
      %dma_start3A_136 = tpu.memref_slice %arg16[%add3A_28, %dma_start3A] : memref<10240x64xf32, #tpu.memory_space<vmem_shared>> -> memref<128x64xf32, #tpu.memory_space<vmem_shared>>
      %dma_start3A_137 = arith.constant 0 : i32
      %dma_start3A_138 = tpu.memref_slice %arg16[%add3A_28, %dma_start3A_137] : memref<10240x64xf32, #tpu.memory_space<vmem_shared>> -> memref<128x64xf32, #tpu.memory_space<vmem_shared>>
      tpu.enqueue_dma source(%arg15 : memref<128x64xf32, #tpu.memory_space<vmem>>) target(%dma_start3A_138 : memref<128x64xf32, #tpu.memory_space<vmem_shared>>) target_semaphore(%run_scoped3A : memref<!tpu.dma_semaphore, #tpu.memory_space<semaphore_mem>>)
      %dma_wait3A = arith.constant 0 : i32
      %dma_wait3A_139 = tpu.memref_slice %arg16[%add3A_28, %dma_wait3A] : memref<10240x64xf32, #tpu.memory_space<vmem_shared>> -> memref<128x64xf32, #tpu.memory_space<vmem_shared>>
      %dma_wait3A_140 = arith.constant 0 : i32
      %dma_wait3A_141 = tpu.memref_slice %arg16[%add3A_28, %dma_wait3A_140] : memref<10240x64xf32, #tpu.memory_space<vmem_shared>> -> memref<128x64xf32, #tpu.memory_space<vmem_shared>>
      tpu.wait_dma2 semaphore(%run_scoped3A : memref<!tpu.dma_semaphore, #tpu.memory_space<semaphore_mem>>) src(%arg15 : memref<128x64xf32, #tpu.memory_space<vmem>>) dst(%dma_wait3A_141 : memref<128x64xf32, #tpu.memory_space<vmem_shared>>)
      tpu.yield
    }) : () -> ()
    %mul3A_29 = arith.constant 640 : i32
    %mul3A_30 = arith.muli %arg1, %mul3A_29 : i32
    %add3A_31 = arith.constant 256 : i32
    %add3A_32 = arith.addi %mul3A_30, %add3A_31 : i32
    "tpu.region"() ({
      %run_scoped3A = tpu.sem_alloc : memref<!tpu.dma_semaphore, #tpu.memory_space<semaphore_mem>>
      %dma_start3A = arith.constant 0 : i32
      %dma_start3A_136 = tpu.memref_slice %arg17[%add3A_32, %dma_start3A] : memref<10240x64xf32, #tpu.memory_space<vmem_shared>> -> memref<128x64xf32, #tpu.memory_space<vmem_shared>>
      %dma_start3A_137 = arith.constant 0 : i32
      %dma_start3A_138 = tpu.memref_slice %arg17[%add3A_32, %dma_start3A_137] : memref<10240x64xf32, #tpu.memory_space<vmem_shared>> -> memref<128x64xf32, #tpu.memory_space<vmem_shared>>
      tpu.enqueue_dma source(%arg15 : memref<128x64xf32, #tpu.memory_space<vmem>>) target(%dma_start3A_138 : memref<128x64xf32, #tpu.memory_space<vmem_shared>>) target_semaphore(%run_scoped3A : memref<!tpu.dma_semaphore, #tpu.memory_space<semaphore_mem>>)
      %dma_wait3A = arith.constant 0 : i32
      %dma_wait3A_139 = tpu.memref_slice %arg17[%add3A_32, %dma_wait3A] : memref<10240x64xf32, #tpu.memory_space<vmem_shared>> -> memref<128x64xf32, #tpu.memory_space<vmem_shared>>
      %dma_wait3A_140 = arith.constant 0 : i32
      %dma_wait3A_141 = tpu.memref_slice %arg17[%add3A_32, %dma_wait3A_140] : memref<10240x64xf32, #tpu.memory_space<vmem_shared>> -> memref<128x64xf32, #tpu.memory_space<vmem_shared>>
      tpu.wait_dma2 semaphore(%run_scoped3A : memref<!tpu.dma_semaphore, #tpu.memory_space<semaphore_mem>>) src(%arg15 : memref<128x64xf32, #tpu.memory_space<vmem>>) dst(%dma_wait3A_141 : memref<128x64xf32, #tpu.memory_space<vmem_shared>>)
      tpu.yield
    }) : () -> ()
    %mul3A_33 = arith.constant 640 : i32
    %mul3A_34 = arith.muli %arg1, %mul3A_33 : i32
    %add3A_35 = arith.constant 384 : i32
    %add3A_36 = arith.addi %mul3A_34, %add3A_35 : i32
    "tpu.region"() ({
      %run_scoped3A = tpu.sem_alloc : memref<!tpu.dma_semaphore, #tpu.memory_space<semaphore_mem>>
      %dma_start3A = arith.constant 0 : i32
      %dma_start3A_136 = tpu.memref_slice %arg16[%add3A_36, %dma_start3A] : memref<10240x64xf32, #tpu.memory_space<vmem_shared>> -> memref<128x64xf32, #tpu.memory_space<vmem_shared>>
      %dma_start3A_137 = arith.constant 0 : i32
      %dma_start3A_138 = tpu.memref_slice %arg16[%add3A_36, %dma_start3A_137] : memref<10240x64xf32, #tpu.memory_space<vmem_shared>> -> memref<128x64xf32, #tpu.memory_space<vmem_shared>>
      tpu.enqueue_dma source(%arg15 : memref<128x64xf32, #tpu.memory_space<vmem>>) target(%dma_start3A_138 : memref<128x64xf32, #tpu.memory_space<vmem_shared>>) target_semaphore(%run_scoped3A : memref<!tpu.dma_semaphore, #tpu.memory_space<semaphore_mem>>)
      %dma_wait3A = arith.constant 0 : i32
      %dma_wait3A_139 = tpu.memref_slice %arg16[%add3A_36, %dma_wait3A] : memref<10240x64xf32, #tpu.memory_space<vmem_shared>> -> memref<128x64xf32, #tpu.memory_space<vmem_shared>>
      %dma_wait3A_140 = arith.constant 0 : i32
      %dma_wait3A_141 = tpu.memref_slice %arg16[%add3A_36, %dma_wait3A_140] : memref<10240x64xf32, #tpu.memory_space<vmem_shared>> -> memref<128x64xf32, #tpu.memory_space<vmem_shared>>
      tpu.wait_dma2 semaphore(%run_scoped3A : memref<!tpu.dma_semaphore, #tpu.memory_space<semaphore_mem>>) src(%arg15 : memref<128x64xf32, #tpu.memory_space<vmem>>) dst(%dma_wait3A_141 : memref<128x64xf32, #tpu.memory_space<vmem_shared>>)
      tpu.yield
    }) : () -> ()
    %mul3A_37 = arith.constant 640 : i32
    %mul3A_38 = arith.muli %arg1, %mul3A_37 : i32
    %add3A_39 = arith.constant 384 : i32
    %add3A_40 = arith.addi %mul3A_38, %add3A_39 : i32
    "tpu.region"() ({
      %run_scoped3A = tpu.sem_alloc : memref<!tpu.dma_semaphore, #tpu.memory_space<semaphore_mem>>
      %dma_start3A = arith.constant 0 : i32
      %dma_start3A_136 = tpu.memref_slice %arg17[%add3A_40, %dma_start3A] : memref<10240x64xf32, #tpu.memory_space<vmem_shared>> -> memref<128x64xf32, #tpu.memory_space<vmem_shared>>
      %dma_start3A_137 = arith.constant 0 : i32
      %dma_start3A_138 = tpu.memref_slice %arg17[%add3A_40, %dma_start3A_137] : memref<10240x64xf32, #tpu.memory_space<vmem_shared>> -> memref<128x64xf32, #tpu.memory_space<vmem_shared>>
      tpu.enqueue_dma source(%arg15 : memref<128x64xf32, #tpu.memory_space<vmem>>) target(%dma_start3A_138 : memref<128x64xf32, #tpu.memory_space<vmem_shared>>) target_semaphore(%run_scoped3A : memref<!tpu.dma_semaphore, #tpu.memory_space<semaphore_mem>>)
      %dma_wait3A = arith.constant 0 : i32
      %dma_wait3A_139 = tpu.memref_slice %arg17[%add3A_40, %dma_wait3A] : memref<10240x64xf32, #tpu.memory_space<vmem_shared>> -> memref<128x64xf32, #tpu.memory_space<vmem_shared>>
      %dma_wait3A_140 = arith.constant 0 : i32
      %dma_wait3A_141 = tpu.memref_slice %arg17[%add3A_40, %dma_wait3A_140] : memref<10240x64xf32, #tpu.memory_space<vmem_shared>> -> memref<128x64xf32, #tpu.memory_space<vmem_shared>>
      tpu.wait_dma2 semaphore(%run_scoped3A : memref<!tpu.dma_semaphore, #tpu.memory_space<semaphore_mem>>) src(%arg15 : memref<128x64xf32, #tpu.memory_space<vmem>>) dst(%dma_wait3A_141 : memref<128x64xf32, #tpu.memory_space<vmem_shared>>)
      tpu.yield
    }) : () -> ()
    %mul3A_41 = arith.constant 640 : i32
    %mul3A_42 = arith.muli %arg1, %mul3A_41 : i32
    %add3A_43 = arith.constant 512 : i32
    %add3A_44 = arith.addi %mul3A_42, %add3A_43 : i32
    "tpu.region"() ({
      %run_scoped3A = tpu.sem_alloc : memref<!tpu.dma_semaphore, #tpu.memory_space<semaphore_mem>>
      %dma_start3A = arith.constant 0 : i32
      %dma_start3A_136 = tpu.memref_slice %arg16[%add3A_44, %dma_start3A] : memref<10240x64xf32, #tpu.memory_space<vmem_shared>> -> memref<128x64xf32, #tpu.memory_space<vmem_shared>>
      %dma_start3A_137 = arith.constant 0 : i32
      %dma_start3A_138 = tpu.memref_slice %arg16[%add3A_44, %dma_start3A_137] : memref<10240x64xf32, #tpu.memory_space<vmem_shared>> -> memref<128x64xf32, #tpu.memory_space<vmem_shared>>
      tpu.enqueue_dma source(%arg15 : memref<128x64xf32, #tpu.memory_space<vmem>>) target(%dma_start3A_138 : memref<128x64xf32, #tpu.memory_space<vmem_shared>>) target_semaphore(%run_scoped3A : memref<!tpu.dma_semaphore, #tpu.memory_space<semaphore_mem>>)
      %dma_wait3A = arith.constant 0 : i32
      %dma_wait3A_139 = tpu.memref_slice %arg16[%add3A_44, %dma_wait3A] : memref<10240x64xf32, #tpu.memory_space<vmem_shared>> -> memref<128x64xf32, #tpu.memory_space<vmem_shared>>
      %dma_wait3A_140 = arith.constant 0 : i32
      %dma_wait3A_141 = tpu.memref_slice %arg16[%add3A_44, %dma_wait3A_140] : memref<10240x64xf32, #tpu.memory_space<vmem_shared>> -> memref<128x64xf32, #tpu.memory_space<vmem_shared>>
      tpu.wait_dma2 semaphore(%run_scoped3A : memref<!tpu.dma_semaphore, #tpu.memory_space<semaphore_mem>>) src(%arg15 : memref<128x64xf32, #tpu.memory_space<vmem>>) dst(%dma_wait3A_141 : memref<128x64xf32, #tpu.memory_space<vmem_shared>>)
      tpu.yield
    }) : () -> ()
    %mul3A_45 = arith.constant 640 : i32
    %mul3A_46 = arith.muli %arg1, %mul3A_45 : i32
    %add3A_47 = arith.constant 512 : i32
    %add3A_48 = arith.addi %mul3A_46, %add3A_47 : i32
    "tpu.region"() ({
      %run_scoped3A = tpu.sem_alloc : memref<!tpu.dma_semaphore, #tpu.memory_space<semaphore_mem>>
      %dma_start3A = arith.constant 0 : i32
      %dma_start3A_136 = tpu.memref_slice %arg17[%add3A_48, %dma_start3A] : memref<10240x64xf32, #tpu.memory_space<vmem_shared>> -> memref<128x64xf32, #tpu.memory_space<vmem_shared>>
      %dma_start3A_137 = arith.constant 0 : i32
      %dma_start3A_138 = tpu.memref_slice %arg17[%add3A_48, %dma_start3A_137] : memref<10240x64xf32, #tpu.memory_space<vmem_shared>> -> memref<128x64xf32, #tpu.memory_space<vmem_shared>>
      tpu.enqueue_dma source(%arg15 : memref<128x64xf32, #tpu.memory_space<vmem>>) target(%dma_start3A_138 : memref<128x64xf32, #tpu.memory_space<vmem_shared>>) target_semaphore(%run_scoped3A : memref<!tpu.dma_semaphore, #tpu.memory_space<semaphore_mem>>)
      %dma_wait3A = arith.constant 0 : i32
      %dma_wait3A_139 = tpu.memref_slice %arg17[%add3A_48, %dma_wait3A] : memref<10240x64xf32, #tpu.memory_space<vmem_shared>> -> memref<128x64xf32, #tpu.memory_space<vmem_shared>>
      %dma_wait3A_140 = arith.constant 0 : i32
      %dma_wait3A_141 = tpu.memref_slice %arg17[%add3A_48, %dma_wait3A_140] : memref<10240x64xf32, #tpu.memory_space<vmem_shared>> -> memref<128x64xf32, #tpu.memory_space<vmem_shared>>
      tpu.wait_dma2 semaphore(%run_scoped3A : memref<!tpu.dma_semaphore, #tpu.memory_space<semaphore_mem>>) src(%arg15 : memref<128x64xf32, #tpu.memory_space<vmem>>) dst(%dma_wait3A_141 : memref<128x64xf32, #tpu.memory_space<vmem_shared>>)
      tpu.yield
    }) : () -> ()
    %barrier3A = arith.constant 0 : index
    tpu.barrier barrier_id(%barrier3A)
    %scan3A_49 = arith.constant 0 : i32
    %scan3A_50 = arith.constant 0 : i32
    %scan3A_51 = arith.constant 79 : i32
    %scan3A_52 = arith.addi %scan3A_50, %scan3A_51 : i32
    %scan3A_53 = arith.constant 1 : i32
    %scan3A_54 = scf.for %scan3A_136 = %scan3A_50 to %scan3A_52 step %scan3A_53 iter_args(%scan3A_137 = %scan3A_49) -> (i32)  : i32 {
      %mul3A_138 = arith.constant 128 : i32
      %mul3A_139 = arith.muli %scan3A_136, %mul3A_138 : i32
      %add3A_140 = arith.addi %mul3A_2, %mul3A_139 : i32
      "tpu.region"() ({
        %run_scoped3A_160 = tpu.sem_alloc : memref<!tpu.dma_semaphore, #tpu.memory_space<semaphore_mem>>
        %dma_start3A_161 = tpu.memref_slice %arg5[%add3A_140] : memref<323584xi32, #tpu.memory_space<hbm>> -> memref<128xi32, #tpu.memory_space<hbm>>
        %dma_start3A_162 = tpu.memref_slice %arg5[%add3A_140] : memref<323584xi32, #tpu.memory_space<hbm>> -> memref<128xi32, #tpu.memory_space<hbm>>
        tpu.enqueue_dma source(%dma_start3A_162 : memref<128xi32, #tpu.memory_space<hbm>>) target(%arg9 : memref<128xi32, #tpu.memory_space<vmem>>) target_semaphore(%run_scoped3A_160 : memref<!tpu.dma_semaphore, #tpu.memory_space<semaphore_mem>>)
        %dma_wait3A_163 = tpu.memref_slice %arg5[%add3A_140] : memref<323584xi32, #tpu.memory_space<hbm>> -> memref<128xi32, #tpu.memory_space<hbm>>
        %dma_wait3A_164 = tpu.memref_slice %arg5[%add3A_140] : memref<323584xi32, #tpu.memory_space<hbm>> -> memref<128xi32, #tpu.memory_space<hbm>>
        tpu.wait_dma2 semaphore(%run_scoped3A_160 : memref<!tpu.dma_semaphore, #tpu.memory_space<semaphore_mem>>) src(%dma_wait3A_164 : memref<128xi32, #tpu.memory_space<hbm>>) dst(%arg9 : memref<128xi32, #tpu.memory_space<vmem>>)
        tpu.yield
      }) : () -> ()
      "tpu.region"() ({
        %run_scoped3A_160 = tpu.sem_alloc : memref<!tpu.dma_semaphore, #tpu.memory_space<semaphore_mem>>
        %dma_start3A_161 = tpu.memref_slice %arg6[%add3A_140] : memref<323584xi32, #tpu.memory_space<hbm>> -> memref<128xi32, #tpu.memory_space<hbm>>
        %dma_start3A_162 = tpu.memref_slice %arg6[%add3A_140] : memref<323584xi32, #tpu.memory_space<hbm>> -> memref<128xi32, #tpu.memory_space<hbm>>
        tpu.enqueue_dma source(%dma_start3A_162 : memref<128xi32, #tpu.memory_space<hbm>>) target(%arg10 : memref<128xi32, #tpu.memory_space<vmem>>) target_semaphore(%run_scoped3A_160 : memref<!tpu.dma_semaphore, #tpu.memory_space<semaphore_mem>>)
        %dma_wait3A_163 = tpu.memref_slice %arg6[%add3A_140] : memref<323584xi32, #tpu.memory_space<hbm>> -> memref<128xi32, #tpu.memory_space<hbm>>
        %dma_wait3A_164 = tpu.memref_slice %arg6[%add3A_140] : memref<323584xi32, #tpu.memory_space<hbm>> -> memref<128xi32, #tpu.memory_space<hbm>>
        tpu.wait_dma2 semaphore(%run_scoped3A_160 : memref<!tpu.dma_semaphore, #tpu.memory_space<semaphore_mem>>) src(%dma_wait3A_164 : memref<128xi32, #tpu.memory_space<hbm>>) dst(%arg10 : memref<128xi32, #tpu.memory_space<vmem>>)
        tpu.yield
      }) : () -> ()
      %run_scoped3A = arith.constant 0 : i32
      "tpu.region"() ({
        %run_scoped3A_160 = tpu.sem_alloc : memref<!tpu.dma_semaphore, #tpu.memory_space<semaphore_mem>>
        %dma_start3A_161 = arith.constant 0 : i32
        %dma_start3A_162 = tpu.memref_slice %arg11[%run_scoped3A, %dma_start3A_161] : memref<1x128xi32, #tpu.memory_space<vmem>> -> memref<1x128xi32, #tpu.memory_space<vmem>>
        %dma_start3A_163 = tpu.memref_squeeze %dma_start3A_162 : memref<1x128xi32, #tpu.memory_space<vmem>> -> memref<128xi32, #tpu.memory_space<vmem>>
        %dma_start3A_164 = tpu.memref_slice %arg6[%add3A_140] : memref<323584xi32, #tpu.memory_space<hbm>> -> memref<128xi32, #tpu.memory_space<hbm>>
        %dma_start3A_165 = arith.constant 0 : i32
        %dma_start3A_166 = tpu.memref_slice %arg11[%run_scoped3A, %dma_start3A_165] : memref<1x128xi32, #tpu.memory_space<vmem>> -> memref<1x128xi32, #tpu.memory_space<vmem>>
        %dma_start3A_167 = tpu.memref_squeeze %dma_start3A_166 : memref<1x128xi32, #tpu.memory_space<vmem>> -> memref<128xi32, #tpu.memory_space<vmem>>
        %dma_start3A_168 = tpu.memref_slice %arg6[%add3A_140] : memref<323584xi32, #tpu.memory_space<hbm>> -> memref<128xi32, #tpu.memory_space<hbm>>
        tpu.enqueue_dma source(%dma_start3A_168 : memref<128xi32, #tpu.memory_space<hbm>>) target(%dma_start3A_167 : memref<128xi32, #tpu.memory_space<vmem>>) target_semaphore(%run_scoped3A_160 : memref<!tpu.dma_semaphore, #tpu.memory_space<semaphore_mem>>)
        %dma_wait3A_169 = arith.constant 0 : i32
        %dma_wait3A_170 = tpu.memref_slice %arg11[%run_scoped3A, %dma_wait3A_169] : memref<1x128xi32, #tpu.memory_space<vmem>> -> memref<1x128xi32, #tpu.memory_space<vmem>>
        %dma_wait3A_171 = tpu.memref_squeeze %dma_wait3A_170 : memref<1x128xi32, #tpu.memory_space<vmem>> -> memref<128xi32, #tpu.memory_space<vmem>>
        %dma_wait3A_172 = tpu.memref_slice %arg6[%add3A_140] : memref<323584xi32, #tpu.memory_space<hbm>> -> memref<128xi32, #tpu.memory_space<hbm>>
        %dma_wait3A_173 = arith.constant 0 : i32
        %dma_wait3A_174 = tpu.memref_slice %arg11[%run_scoped3A, %dma_wait3A_173] : memref<1x128xi32, #tpu.memory_space<vmem>> -> memref<1x128xi32, #tpu.memory_space<vmem>>
        %dma_wait3A_175 = tpu.memref_squeeze %dma_wait3A_174 : memref<1x128xi32, #tpu.memory_space<vmem>> -> memref<128xi32, #tpu.memory_space<vmem>>
        %dma_wait3A_176 = tpu.memref_slice %arg6[%add3A_140] : memref<323584xi32, #tpu.memory_space<hbm>> -> memref<128xi32, #tpu.memory_space<hbm>>
        tpu.wait_dma2 semaphore(%run_scoped3A_160 : memref<!tpu.dma_semaphore, #tpu.memory_space<semaphore_mem>>) src(%dma_wait3A_176 : memref<128xi32, #tpu.memory_space<hbm>>) dst(%dma_wait3A_175 : memref<128xi32, #tpu.memory_space<vmem>>)
        tpu.yield
      }) : () -> ()
      "tpu.region"() ({
        %run_scoped3A_160 = tpu.sem_alloc : memref<!tpu.dma_semaphore, #tpu.memory_space<semaphore_mem>>
        %dma_start3A_161 = arith.constant 0 : i32
        %dma_start3A_162 = tpu.memref_slice %arg4[%add3A_140, %dma_start3A_161] : memref<323584x64xf32, #tpu.memory_space<hbm>> -> memref<128x64xf32, #tpu.memory_space<hbm>>
        %dma_start3A_163 = arith.constant 0 : i32
        %dma_start3A_164 = tpu.memref_slice %arg4[%add3A_140, %dma_start3A_163] : memref<323584x64xf32, #tpu.memory_space<hbm>> -> memref<128x64xf32, #tpu.memory_space<hbm>>
        tpu.enqueue_dma source(%dma_start3A_164 : memref<128x64xf32, #tpu.memory_space<hbm>>) target(%arg12 : memref<128x64xf32, #tpu.memory_space<vmem>>) target_semaphore(%run_scoped3A_160 : memref<!tpu.dma_semaphore, #tpu.memory_space<semaphore_mem>>)
        %dma_wait3A_165 = arith.constant 0 : i32
        %dma_wait3A_166 = tpu.memref_slice %arg4[%add3A_140, %dma_wait3A_165] : memref<323584x64xf32, #tpu.memory_space<hbm>> -> memref<128x64xf32, #tpu.memory_space<hbm>>
        %dma_wait3A_167 = arith.constant 0 : i32
        %dma_wait3A_168 = tpu.memref_slice %arg4[%add3A_140, %dma_wait3A_167] : memref<323584x64xf32, #tpu.memory_space<hbm>> -> memref<128x64xf32, #tpu.memory_space<hbm>>
        tpu.wait_dma2 semaphore(%run_scoped3A_160 : memref<!tpu.dma_semaphore, #tpu.memory_space<semaphore_mem>>) src(%dma_wait3A_168 : memref<128x64xf32, #tpu.memory_space<hbm>>) dst(%arg12 : memref<128x64xf32, #tpu.memory_space<vmem>>)
        tpu.yield
      }) : () -> ()
      %dma_start3A = arith.constant 0 : i32
      %dma_start3A_141 = arith.constant 0 : i32
      %dma_start3A_142 = tpu.memref_slice %arg2[%dma_start3A, %dma_start3A_141] : memref<10240x64xf32, #tpu.memory_space<hbm>> -> memref<10240x64xf32, #tpu.memory_space<hbm>>
      tpu.enqueue_indirect_dma source(%dma_start3A_142 : memref<10240x64xf32, #tpu.memory_space<hbm>>) target(%arg13 : memref<128x64xf32, #tpu.memory_space<vmem>>) offsets(%arg10 : memref<128xi32, #tpu.memory_space<vmem>>) semaphore(%arg18 : memref<!tpu.dma_semaphore, #tpu.memory_space<semaphore_mem>>)
      %dma_start3A_143 = arith.constant 0 : i32
      %dma_start3A_144 = arith.constant 0 : i32
      %dma_start3A_145 = tpu.memref_slice %arg3[%dma_start3A_143, %dma_start3A_144] : memref<10240x64xf32, #tpu.memory_space<hbm>> -> memref<10240x64xf32, #tpu.memory_space<hbm>>
      tpu.enqueue_indirect_dma source(%dma_start3A_145 : memref<10240x64xf32, #tpu.memory_space<hbm>>) target(%arg14 : memref<128x64xf32, #tpu.memory_space<vmem>>) offsets(%arg9 : memref<128xi32, #tpu.memory_space<vmem>>) semaphore(%arg19 : memref<!tpu.dma_semaphore, #tpu.memory_space<semaphore_mem>>)
      %dma_wait3A = arith.constant 0 : i32
      %dma_wait3A_146 = arith.constant 0 : i32
      %dma_wait3A_147 = tpu.memref_slice %arg2[%dma_wait3A, %dma_wait3A_146] : memref<10240x64xf32, #tpu.memory_space<hbm>> -> memref<10240x64xf32, #tpu.memory_space<hbm>>
      tpu.wait_indirect_dma semaphore(%arg18 : memref<!tpu.dma_semaphore, #tpu.memory_space<semaphore_mem>>) src(%dma_wait3A_147 : memref<10240x64xf32, #tpu.memory_space<hbm>>) dst(%arg13 : memref<128x64xf32, #tpu.memory_space<vmem>>)
      %dma_wait3A_148 = arith.constant 0 : i32
      %dma_wait3A_149 = arith.constant 0 : i32
      %dma_wait3A_150 = tpu.memref_slice %arg3[%dma_wait3A_148, %dma_wait3A_149] : memref<10240x64xf32, #tpu.memory_space<hbm>> -> memref<10240x64xf32, #tpu.memory_space<hbm>>
      tpu.wait_indirect_dma semaphore(%arg19 : memref<!tpu.dma_semaphore, #tpu.memory_space<semaphore_mem>>) src(%dma_wait3A_150 : memref<10240x64xf32, #tpu.memory_space<hbm>>) dst(%arg14 : memref<128x64xf32, #tpu.memory_space<vmem>>)
      %scan3A_151 = arith.constant 0 : i32
      %scan3A_152 = arith.constant 0 : i32
      %scan3A_153 = arith.constant 128 : i32
      %scan3A_154 = arith.addi %scan3A_152, %scan3A_153 : i32
      %scan3A_155 = arith.constant 1 : i32
      %scan3A_156 = scf.for %scan3A_160 = %scan3A_152 to %scan3A_154 step %scan3A_155 iter_args(%scan3A_161 = %scan3A_151) -> (i32)  : i32 {
        %get3A = arith.index_cast %scan3A_160 : i32 to index
        %get3A_162 = arith.constant 0 : index
        %get3A_163 = tpu.vector_load %arg13[%get3A, %get3A_162] {strides = array<i32>} : memref<128x64xf32, #tpu.memory_space<vmem>>, vector<16xf32>,
        %get3A_164 = arith.index_cast %scan3A_160 : i32 to index
        %get3A_165 = arith.constant 0 : index
        %get3A_166 = tpu.vector_load %arg14[%get3A_164, %get3A_165] {strides = array<i32>} : memref<128x64xf32, #tpu.memory_space<vmem>>, vector<16xf32>,
        %add3A_167 = arith.addf %get3A_163, %get3A_166 : vector<16xf32>
        %get3A_168 = arith.index_cast %scan3A_160 : i32 to index
        %get3A_169 = arith.constant 0 : index
        %get3A_170 = tpu.vector_load %arg12[%get3A_168, %get3A_169] {strides = array<i32>} : memref<128x64xf32, #tpu.memory_space<vmem>>, vector<16xf32>,
        %add3A_171 = arith.addf %add3A_167, %get3A_170 : vector<16xf32>
        %neg3A = arith.constant 0.000000e+00 : f32
        %neg3A_172 = vector.broadcast %neg3A : f32 to vector<16xf32>
        %neg3A_173 = arith.subf %neg3A_172, %add3A_171 : vector<16xf32>
        %exp3A = math.exp %neg3A_173 : vector<16xf32>
        %add3A_174 = arith.constant 1.000000e+00 : f32
        %add3A_175 = vector.broadcast %add3A_174 : f32 to vector<16xf32>
        %add3A_176 = arith.addf %add3A_175, %exp3A : vector<16xf32>
        %div3A = arith.divf %add3A_171, %add3A_176 : vector<16xf32>
        %swap3A = arith.index_cast %scan3A_160 : i32 to index
        %swap3A_177 = arith.constant 0 : index
        %swap3A_178 = tpu.vector_load %arg15[%swap3A, %swap3A_177] {strides = array<i32>} : memref<128x64xf32, #tpu.memory_space<vmem>>, vector<16xf32>,
        tpu.vector_store %arg15[%swap3A, %swap3A_177], %div3A {strides = array<i32>} : memref<128x64xf32, #tpu.memory_space<vmem>>, vector<16xf32>,
        %get3A_179 = arith.index_cast %scan3A_160 : i32 to index
        %get3A_180 = arith.constant 16 : index
        %get3A_181 = tpu.vector_load %arg13[%get3A_179, %get3A_180] {strides = array<i32>} : memref<128x64xf32, #tpu.memory_space<vmem>>, vector<16xf32>,
        %get3A_182 = arith.index_cast %scan3A_160 : i32 to index
        %get3A_183 = arith.constant 16 : index
        %get3A_184 = tpu.vector_load %arg14[%get3A_182, %get3A_183] {strides = array<i32>} : memref<128x64xf32, #tpu.memory_space<vmem>>, vector<16xf32>,
        %add3A_185 = arith.addf %get3A_181, %get3A_184 : vector<16xf32>
        %get3A_186 = arith.index_cast %scan3A_160 : i32 to index
        %get3A_187 = arith.constant 16 : index
        %get3A_188 = tpu.vector_load %arg12[%get3A_186, %get3A_187] {strides = array<i32>} : memref<128x64xf32, #tpu.memory_space<vmem>>, vector<16xf32>,
        %add3A_189 = arith.addf %add3A_185, %get3A_188 : vector<16xf32>
        %neg3A_190 = arith.constant 0.000000e+00 : f32
        %neg3A_191 = vector.broadcast %neg3A_190 : f32 to vector<16xf32>
        %neg3A_192 = arith.subf %neg3A_191, %add3A_189 : vector<16xf32>
        %exp3A_193 = math.exp %neg3A_192 : vector<16xf32>
        %add3A_194 = arith.constant 1.000000e+00 : f32
        %add3A_195 = vector.broadcast %add3A_194 : f32 to vector<16xf32>
        %add3A_196 = arith.addf %add3A_195, %exp3A_193 : vector<16xf32>
        %div3A_197 = arith.divf %add3A_189, %add3A_196 : vector<16xf32>
        %swap3A_198 = arith.index_cast %scan3A_160 : i32 to index
        %swap3A_199 = arith.constant 16 : index
        %swap3A_200 = tpu.vector_load %arg15[%swap3A_198, %swap3A_199] {strides = array<i32>} : memref<128x64xf32, #tpu.memory_space<vmem>>, vector<16xf32>,
        tpu.vector_store %arg15[%swap3A_198, %swap3A_199], %div3A_197 {strides = array<i32>} : memref<128x64xf32, #tpu.memory_space<vmem>>, vector<16xf32>,
        %get3A_201 = arith.index_cast %scan3A_160 : i32 to index
        %get3A_202 = arith.constant 32 : index
        %get3A_203 = tpu.vector_load %arg13[%get3A_201, %get3A_202] {strides = array<i32>} : memref<128x64xf32, #tpu.memory_space<vmem>>, vector<16xf32>,
        %get3A_204 = arith.index_cast %scan3A_160 : i32 to index
        %get3A_205 = arith.constant 32 : index
        %get3A_206 = tpu.vector_load %arg14[%get3A_204, %get3A_205] {strides = array<i32>} : memref<128x64xf32, #tpu.memory_space<vmem>>, vector<16xf32>,
        %add3A_207 = arith.addf %get3A_203, %get3A_206 : vector<16xf32>
        %get3A_208 = arith.index_cast %scan3A_160 : i32 to index
        %get3A_209 = arith.constant 32 : index
        %get3A_210 = tpu.vector_load %arg12[%get3A_208, %get3A_209] {strides = array<i32>} : memref<128x64xf32, #tpu.memory_space<vmem>>, vector<16xf32>,
        %add3A_211 = arith.addf %add3A_207, %get3A_210 : vector<16xf32>
        %neg3A_212 = arith.constant 0.000000e+00 : f32
        %neg3A_213 = vector.broadcast %neg3A_212 : f32 to vector<16xf32>
        %neg3A_214 = arith.subf %neg3A_213, %add3A_211 : vector<16xf32>
        %exp3A_215 = math.exp %neg3A_214 : vector<16xf32>
        %add3A_216 = arith.constant 1.000000e+00 : f32
        %add3A_217 = vector.broadcast %add3A_216 : f32 to vector<16xf32>
        %add3A_218 = arith.addf %add3A_217, %exp3A_215 : vector<16xf32>
        %div3A_219 = arith.divf %add3A_211, %add3A_218 : vector<16xf32>
        %swap3A_220 = arith.index_cast %scan3A_160 : i32 to index
        %swap3A_221 = arith.constant 32 : index
        %swap3A_222 = tpu.vector_load %arg15[%swap3A_220, %swap3A_221] {strides = array<i32>} : memref<128x64xf32, #tpu.memory_space<vmem>>, vector<16xf32>,
        tpu.vector_store %arg15[%swap3A_220, %swap3A_221], %div3A_219 {strides = array<i32>} : memref<128x64xf32, #tpu.memory_space<vmem>>, vector<16xf32>,
        %get3A_223 = arith.index_cast %scan3A_160 : i32 to index
        %get3A_224 = arith.constant 48 : index
        %get3A_225 = tpu.vector_load %arg13[%get3A_223, %get3A_224] {strides = array<i32>} : memref<128x64xf32, #tpu.memory_space<vmem>>, vector<16xf32>,
        %get3A_226 = arith.index_cast %scan3A_160 : i32 to index
        %get3A_227 = arith.constant 48 : index
        %get3A_228 = tpu.vector_load %arg14[%get3A_226, %get3A_227] {strides = array<i32>} : memref<128x64xf32, #tpu.memory_space<vmem>>, vector<16xf32>,
        %add3A_229 = arith.addf %get3A_225, %get3A_228 : vector<16xf32>
        %get3A_230 = arith.index_cast %scan3A_160 : i32 to index
        %get3A_231 = arith.constant 48 : index
        %get3A_232 = tpu.vector_load %arg12[%get3A_230, %get3A_231] {strides = array<i32>} : memref<128x64xf32, #tpu.memory_space<vmem>>, vector<16xf32>,
        %add3A_233 = arith.addf %add3A_229, %get3A_232 : vector<16xf32>
        %neg3A_234 = arith.constant 0.000000e+00 : f32
        %neg3A_235 = vector.broadcast %neg3A_234 : f32 to vector<16xf32>
        %neg3A_236 = arith.subf %neg3A_235, %add3A_233 : vector<16xf32>
        %exp3A_237 = math.exp %neg3A_236 : vector<16xf32>
        %add3A_238 = arith.constant 1.000000e+00 : f32
        %add3A_239 = vector.broadcast %add3A_238 : f32 to vector<16xf32>
        %add3A_240 = arith.addf %add3A_239, %exp3A_237 : vector<16xf32>
        %div3A_241 = arith.divf %add3A_233, %add3A_240 : vector<16xf32>
        %swap3A_242 = arith.index_cast %scan3A_160 : i32 to index
        %swap3A_243 = arith.constant 48 : index
        %swap3A_244 = tpu.vector_load %arg15[%swap3A_242, %swap3A_243] {strides = array<i32>} : memref<128x64xf32, #tpu.memory_space<vmem>>, vector<16xf32>,
        tpu.vector_store %arg15[%swap3A_242, %swap3A_243], %div3A_241 {strides = array<i32>} : memref<128x64xf32, #tpu.memory_space<vmem>>, vector<16xf32>,
        %scan3A_245 = arith.constant 0 : i32
        scf.yield %scan3A_245 : i32
      }
      %scan3A_157 = arith.constant 128 : i32
      %run_scoped3A_158 = arith.constant 0 : i32
      "tpu.region"() ({
        %run_scoped3A_160 = tpu.sem_alloc : memref<!tpu.dma_semaphore, #tpu.memory_space<semaphore_mem>>
        %dma_start3A_161 = arith.constant 0 : i32
        %dma_start3A_162 = tpu.memref_slice %arg11[%run_scoped3A_158, %dma_start3A_161] : memref<1x128xi32, #tpu.memory_space<vmem>> -> memref<1x128xi32, #tpu.memory_space<vmem>>
        %dma_start3A_163 = tpu.memref_squeeze %dma_start3A_162 : memref<1x128xi32, #tpu.memory_space<vmem>> -> memref<128xi32, #tpu.memory_space<vmem>>
        %dma_start3A_164 = arith.constant 0 : i32
        %dma_start3A_165 = arith.constant 0 : i32
        %dma_start3A_166 = tpu.memref_slice %arg16[%dma_start3A_164, %dma_start3A_165] : memref<10240x64xf32, #tpu.memory_space<vmem_shared>> -> memref<10240x64xf32, #tpu.memory_space<vmem_shared>>
        tpu.enqueue_indirect_dma source(%arg15 : memref<128x64xf32, #tpu.memory_space<vmem>>) target(%dma_start3A_166 : memref<10240x64xf32, #tpu.memory_space<vmem_shared>>) offsets(%dma_start3A_163 : memref<128xi32, #tpu.memory_space<vmem>>) semaphore(%run_scoped3A_160 : memref<!tpu.dma_semaphore, #tpu.memory_space<semaphore_mem>>) {add = true}
        %dma_wait3A_167 = arith.constant 0 : i32
        %dma_wait3A_168 = tpu.memref_slice %arg11[%run_scoped3A_158, %dma_wait3A_167] : memref<1x128xi32, #tpu.memory_space<vmem>> -> memref<1x128xi32, #tpu.memory_space<vmem>>
        %dma_wait3A_169 = tpu.memref_squeeze %dma_wait3A_168 : memref<1x128xi32, #tpu.memory_space<vmem>> -> memref<128xi32, #tpu.memory_space<vmem>>
        %dma_wait3A_170 = arith.constant 0 : i32
        %dma_wait3A_171 = arith.constant 0 : i32
        %dma_wait3A_172 = tpu.memref_slice %arg16[%dma_wait3A_170, %dma_wait3A_171] : memref<10240x64xf32, #tpu.memory_space<vmem_shared>> -> memref<10240x64xf32, #tpu.memory_space<vmem_shared>>
        tpu.wait_indirect_dma semaphore(%run_scoped3A_160 : memref<!tpu.dma_semaphore, #tpu.memory_space<semaphore_mem>>) src(%arg15 : memref<128x64xf32, #tpu.memory_space<vmem>>) dst(%dma_wait3A_172 : memref<10240x64xf32, #tpu.memory_space<vmem_shared>>)
        tpu.yield
      }) : () -> ()
      %scan3A_159 = arith.constant 0 : i32
      scf.yield %scan3A_159 : i32
    }
    %scan3A_55 = arith.constant 79 : i32
    %scan3A_56 = arith.constant 0 : i32
    %scan3A_57 = arith.constant 0 : i32
    %scan3A_58 = arith.constant 128 : i32
    %scan3A_59 = arith.addi %scan3A_57, %scan3A_58 : i32
    %scan3A_60 = arith.constant 1 : i32
    %scan3A_61 = scf.for %scan3A_136 = %scan3A_57 to %scan3A_59 step %scan3A_60 iter_args(%scan3A_137 = %scan3A_56) -> (i32)  : i32 {
      %broadcast_in_dim3A = arith.constant 1.000000e+00 : f32
      %broadcast_in_dim3A_138 = vector.broadcast %broadcast_in_dim3A : f32 to vector<16xf32>
      %swap3A = arith.index_cast %scan3A_136 : i32 to index
      %swap3A_139 = arith.constant 0 : index
      %swap3A_140 = tpu.vector_load %arg15[%swap3A, %swap3A_139] {strides = array<i32>} : memref<128x64xf32, #tpu.memory_space<vmem>>, vector<16xf32>,
      tpu.vector_store %arg15[%swap3A, %swap3A_139], %broadcast_in_dim3A_138 {strides = array<i32>} : memref<128x64xf32, #tpu.memory_space<vmem>>, vector<16xf32>,
      %broadcast_in_dim3A_141 = arith.constant 1.000000e+00 : f32
      %broadcast_in_dim3A_142 = vector.broadcast %broadcast_in_dim3A_141 : f32 to vector<16xf32>
      %swap3A_143 = arith.index_cast %scan3A_136 : i32 to index
      %swap3A_144 = arith.constant 16 : index
      %swap3A_145 = tpu.vector_load %arg15[%swap3A_143, %swap3A_144] {strides = array<i32>} : memref<128x64xf32, #tpu.memory_space<vmem>>, vector<16xf32>,
      tpu.vector_store %arg15[%swap3A_143, %swap3A_144], %broadcast_in_dim3A_142 {strides = array<i32>} : memref<128x64xf32, #tpu.memory_space<vmem>>, vector<16xf32>,
      %broadcast_in_dim3A_146 = arith.constant 1.000000e+00 : f32
      %broadcast_in_dim3A_147 = vector.broadcast %broadcast_in_dim3A_146 : f32 to vector<16xf32>
      %swap3A_148 = arith.index_cast %scan3A_136 : i32 to index
      %swap3A_149 = arith.constant 32 : index
      %swap3A_150 = tpu.vector_load %arg15[%swap3A_148, %swap3A_149] {strides = array<i32>} : memref<128x64xf32, #tpu.memory_space<vmem>>, vector<16xf32>,
      tpu.vector_store %arg15[%swap3A_148, %swap3A_149], %broadcast_in_dim3A_147 {strides = array<i32>} : memref<128x64xf32, #tpu.memory_space<vmem>>, vector<16xf32>,
      %broadcast_in_dim3A_151 = arith.constant 1.000000e+00 : f32
      %broadcast_in_dim3A_152 = vector.broadcast %broadcast_in_dim3A_151 : f32 to vector<16xf32>
      %swap3A_153 = arith.index_cast %scan3A_136 : i32 to index
      %swap3A_154 = arith.constant 48 : index
      %swap3A_155 = tpu.vector_load %arg15[%swap3A_153, %swap3A_154] {strides = array<i32>} : memref<128x64xf32, #tpu.memory_space<vmem>>, vector<16xf32>,
      tpu.vector_store %arg15[%swap3A_153, %swap3A_154], %broadcast_in_dim3A_152 {strides = array<i32>} : memref<128x64xf32, #tpu.memory_space<vmem>>, vector<16xf32>,
      %scan3A_156 = arith.constant 0 : i32
      scf.yield %scan3A_156 : i32
    }
    %scan3A_62 = arith.constant 128 : i32
    %scan3A_63 = arith.constant 0 : i32
    %scan3A_64 = arith.constant 0 : i32
    %scan3A_65 = arith.constant 79 : i32
    %scan3A_66 = arith.addi %scan3A_64, %scan3A_65 : i32
    %scan3A_67 = arith.constant 1 : i32
    %scan3A_68 = scf.for %scan3A_136 = %scan3A_64 to %scan3A_66 step %scan3A_67 iter_args(%scan3A_137 = %scan3A_63) -> (i32)  : i32 {
      %mul3A_138 = arith.constant 128 : i32
      %mul3A_139 = arith.muli %scan3A_136, %mul3A_138 : i32
      %add3A_140 = arith.addi %mul3A_2, %mul3A_139 : i32
      %run_scoped3A = arith.constant 0 : i32
      "tpu.region"() ({
        %run_scoped3A_143 = tpu.sem_alloc : memref<!tpu.dma_semaphore, #tpu.memory_space<semaphore_mem>>
        %dma_start3A = arith.constant 0 : i32
        %dma_start3A_144 = tpu.memref_slice %arg11[%run_scoped3A, %dma_start3A] : memref<1x128xi32, #tpu.memory_space<vmem>> -> memref<1x128xi32, #tpu.memory_space<vmem>>
        %dma_start3A_145 = tpu.memref_squeeze %dma_start3A_144 : memref<1x128xi32, #tpu.memory_space<vmem>> -> memref<128xi32, #tpu.memory_space<vmem>>
        %dma_start3A_146 = tpu.memref_slice %arg6[%add3A_140] : memref<323584xi32, #tpu.memory_space<hbm>> -> memref<128xi32, #tpu.memory_space<hbm>>
        %dma_start3A_147 = arith.constant 0 : i32
        %dma_start3A_148 = tpu.memref_slice %arg11[%run_scoped3A, %dma_start3A_147] : memref<1x128xi32, #tpu.memory_space<vmem>> -> memref<1x128xi32, #tpu.memory_space<vmem>>
        %dma_start3A_149 = tpu.memref_squeeze %dma_start3A_148 : memref<1x128xi32, #tpu.memory_space<vmem>> -> memref<128xi32, #tpu.memory_space<vmem>>
        %dma_start3A_150 = tpu.memref_slice %arg6[%add3A_140] : memref<323584xi32, #tpu.memory_space<hbm>> -> memref<128xi32, #tpu.memory_space<hbm>>
        tpu.enqueue_dma source(%dma_start3A_150 : memref<128xi32, #tpu.memory_space<hbm>>) target(%dma_start3A_149 : memref<128xi32, #tpu.memory_space<vmem>>) target_semaphore(%run_scoped3A_143 : memref<!tpu.dma_semaphore, #tpu.memory_space<semaphore_mem>>)
        %dma_wait3A = arith.constant 0 : i32
        %dma_wait3A_151 = tpu.memref_slice %arg11[%run_scoped3A, %dma_wait3A] : memref<1x128xi32, #tpu.memory_space<vmem>> -> memref<1x128xi32, #tpu.memory_space<vmem>>
        %dma_wait3A_152 = tpu.memref_squeeze %dma_wait3A_151 : memref<1x128xi32, #tpu.memory_space<vmem>> -> memref<128xi32, #tpu.memory_space<vmem>>
        %dma_wait3A_153 = tpu.memref_slice %arg6[%add3A_140] : memref<323584xi32, #tpu.memory_space<hbm>> -> memref<128xi32, #tpu.memory_space<hbm>>
        %dma_wait3A_154 = arith.constant 0 : i32
        %dma_wait3A_155 = tpu.memref_slice %arg11[%run_scoped3A, %dma_wait3A_154] : memref<1x128xi32, #tpu.memory_space<vmem>> -> memref<1x128xi32, #tpu.memory_space<vmem>>
        %dma_wait3A_156 = tpu.memref_squeeze %dma_wait3A_155 : memref<1x128xi32, #tpu.memory_space<vmem>> -> memref<128xi32, #tpu.memory_space<vmem>>
        %dma_wait3A_157 = tpu.memref_slice %arg6[%add3A_140] : memref<323584xi32, #tpu.memory_space<hbm>> -> memref<128xi32, #tpu.memory_space<hbm>>
        tpu.wait_dma2 semaphore(%run_scoped3A_143 : memref<!tpu.dma_semaphore, #tpu.memory_space<semaphore_mem>>) src(%dma_wait3A_157 : memref<128xi32, #tpu.memory_space<hbm>>) dst(%dma_wait3A_156 : memref<128xi32, #tpu.memory_space<vmem>>)
        tpu.yield
      }) : () -> ()
      %run_scoped3A_141 = arith.constant 0 : i32
      "tpu.region"() ({
        %run_scoped3A_143 = tpu.sem_alloc : memref<!tpu.dma_semaphore, #tpu.memory_space<semaphore_mem>>
        %dma_start3A = arith.constant 0 : i32
        %dma_start3A_144 = tpu.memref_slice %arg11[%run_scoped3A_141, %dma_start3A] : memref<1x128xi32, #tpu.memory_space<vmem>> -> memref<1x128xi32, #tpu.memory_space<vmem>>
        %dma_start3A_145 = tpu.memref_squeeze %dma_start3A_144 : memref<1x128xi32, #tpu.memory_space<vmem>> -> memref<128xi32, #tpu.memory_space<vmem>>
        %dma_start3A_146 = arith.constant 0 : i32
        %dma_start3A_147 = arith.constant 0 : i32
        %dma_start3A_148 = tpu.memref_slice %arg17[%dma_start3A_146, %dma_start3A_147] : memref<10240x64xf32, #tpu.memory_space<vmem_shared>> -> memref<10240x64xf32, #tpu.memory_space<vmem_shared>>
        tpu.enqueue_indirect_dma source(%arg15 : memref<128x64xf32, #tpu.memory_space<vmem>>) target(%dma_start3A_148 : memref<10240x64xf32, #tpu.memory_space<vmem_shared>>) offsets(%dma_start3A_145 : memref<128xi32, #tpu.memory_space<vmem>>) semaphore(%run_scoped3A_143 : memref<!tpu.dma_semaphore, #tpu.memory_space<semaphore_mem>>) {add = true}
        %dma_wait3A = arith.constant 0 : i32
        %dma_wait3A_149 = tpu.memref_slice %arg11[%run_scoped3A_141, %dma_wait3A] : memref<1x128xi32, #tpu.memory_space<vmem>> -> memref<1x128xi32, #tpu.memory_space<vmem>>
        %dma_wait3A_150 = tpu.memref_squeeze %dma_wait3A_149 : memref<1x128xi32, #tpu.memory_space<vmem>> -> memref<128xi32, #tpu.memory_space<vmem>>
        %dma_wait3A_151 = arith.constant 0 : i32
        %dma_wait3A_152 = arith.constant 0 : i32
        %dma_wait3A_153 = tpu.memref_slice %arg17[%dma_wait3A_151, %dma_wait3A_152] : memref<10240x64xf32, #tpu.memory_space<vmem_shared>> -> memref<10240x64xf32, #tpu.memory_space<vmem_shared>>
        tpu.wait_indirect_dma semaphore(%run_scoped3A_143 : memref<!tpu.dma_semaphore, #tpu.memory_space<semaphore_mem>>) src(%arg15 : memref<128x64xf32, #tpu.memory_space<vmem>>) dst(%dma_wait3A_153 : memref<10240x64xf32, #tpu.memory_space<vmem_shared>>)
        tpu.yield
      }) : () -> ()
      %scan3A_142 = arith.constant 0 : i32
      scf.yield %scan3A_142 : i32
    }
    %scan3A_69 = arith.constant 79 : i32
    %barrier3A_70 = arith.constant 0 : index
    tpu.barrier barrier_id(%barrier3A_70)
    %mul3A_71 = arith.constant 10240 : i32
    %mul3A_72 = arith.muli %arg0, %mul3A_71 : i32
    %mul3A_73 = arith.constant 640 : i32
    %mul3A_74 = arith.muli %arg1, %mul3A_73 : i32
    %add3A_75 = arith.addi %mul3A_72, %mul3A_74 : i32
    %mul3A_76 = arith.constant 640 : i32
    %mul3A_77 = arith.muli %arg1, %mul3A_76 : i32
    %add3A_78 = arith.constant 0 : i32
    %add3A_79 = arith.addi %mul3A_77, %add3A_78 : i32
    "tpu.region"() ({
      %run_scoped3A = tpu.sem_alloc : memref<!tpu.dma_semaphore, #tpu.memory_space<semaphore_mem>>
      %dma_start3A = arith.constant 0 : i32
      %dma_start3A_136 = tpu.memref_slice %arg16[%add3A_79, %dma_start3A] : memref<10240x64xf32, #tpu.memory_space<vmem_shared>> -> memref<128x64xf32, #tpu.memory_space<vmem_shared>>
      %dma_start3A_137 = arith.constant 0 : i32
      %dma_start3A_138 = tpu.memref_slice %arg16[%add3A_79, %dma_start3A_137] : memref<10240x64xf32, #tpu.memory_space<vmem_shared>> -> memref<128x64xf32, #tpu.memory_space<vmem_shared>>
      tpu.enqueue_dma source(%dma_start3A_138 : memref<128x64xf32, #tpu.memory_space<vmem_shared>>) target(%arg15 : memref<128x64xf32, #tpu.memory_space<vmem>>) target_semaphore(%run_scoped3A : memref<!tpu.dma_semaphore, #tpu.memory_space<semaphore_mem>>)
      %dma_wait3A = arith.constant 0 : i32
      %dma_wait3A_139 = tpu.memref_slice %arg16[%add3A_79, %dma_wait3A] : memref<10240x64xf32, #tpu.memory_space<vmem_shared>> -> memref<128x64xf32, #tpu.memory_space<vmem_shared>>
      %dma_wait3A_140 = arith.constant 0 : i32
      %dma_wait3A_141 = tpu.memref_slice %arg16[%add3A_79, %dma_wait3A_140] : memref<10240x64xf32, #tpu.memory_space<vmem_shared>> -> memref<128x64xf32, #tpu.memory_space<vmem_shared>>
      tpu.wait_dma2 semaphore(%run_scoped3A : memref<!tpu.dma_semaphore, #tpu.memory_space<semaphore_mem>>) src(%dma_wait3A_141 : memref<128x64xf32, #tpu.memory_space<vmem_shared>>) dst(%arg15 : memref<128x64xf32, #tpu.memory_space<vmem>>)
      tpu.yield
    }) : () -> ()
    %add3A_80 = arith.constant 0 : i32
    %add3A_81 = arith.addi %add3A_75, %add3A_80 : i32
    "tpu.region"() ({
      %run_scoped3A = tpu.sem_alloc : memref<!tpu.dma_semaphore, #tpu.memory_space<semaphore_mem>>
      %dma_start3A = arith.constant 0 : i32
      %dma_start3A_136 = tpu.memref_slice %arg7[%add3A_81, %dma_start3A] : memref<20480x64xf32, #tpu.memory_space<hbm>> -> memref<128x64xf32, #tpu.memory_space<hbm>>
      %dma_start3A_137 = arith.constant 0 : i32
      %dma_start3A_138 = tpu.memref_slice %arg7[%add3A_81, %dma_start3A_137] : memref<20480x64xf32, #tpu.memory_space<hbm>> -> memref<128x64xf32, #tpu.memory_space<hbm>>
      tpu.enqueue_dma source(%arg15 : memref<128x64xf32, #tpu.memory_space<vmem>>) target(%dma_start3A_138 : memref<128x64xf32, #tpu.memory_space<hbm>>) target_semaphore(%run_scoped3A : memref<!tpu.dma_semaphore, #tpu.memory_space<semaphore_mem>>)
      %dma_wait3A = arith.constant 0 : i32
      %dma_wait3A_139 = tpu.memref_slice %arg7[%add3A_81, %dma_wait3A] : memref<20480x64xf32, #tpu.memory_space<hbm>> -> memref<128x64xf32, #tpu.memory_space<hbm>>
      %dma_wait3A_140 = arith.constant 0 : i32
      %dma_wait3A_141 = tpu.memref_slice %arg7[%add3A_81, %dma_wait3A_140] : memref<20480x64xf32, #tpu.memory_space<hbm>> -> memref<128x64xf32, #tpu.memory_space<hbm>>
      tpu.wait_dma2 semaphore(%run_scoped3A : memref<!tpu.dma_semaphore, #tpu.memory_space<semaphore_mem>>) src(%arg15 : memref<128x64xf32, #tpu.memory_space<vmem>>) dst(%dma_wait3A_141 : memref<128x64xf32, #tpu.memory_space<hbm>>)
      tpu.yield
    }) : () -> ()
    %mul3A_82 = arith.constant 640 : i32
    %mul3A_83 = arith.muli %arg1, %mul3A_82 : i32
    %add3A_84 = arith.constant 128 : i32
    %add3A_85 = arith.addi %mul3A_83, %add3A_84 : i32
    "tpu.region"() ({
      %run_scoped3A = tpu.sem_alloc : memref<!tpu.dma_semaphore, #tpu.memory_space<semaphore_mem>>
      %dma_start3A = arith.constant 0 : i32
      %dma_start3A_136 = tpu.memref_slice %arg16[%add3A_85, %dma_start3A] : memref<10240x64xf32, #tpu.memory_space<vmem_shared>> -> memref<128x64xf32, #tpu.memory_space<vmem_shared>>
      %dma_start3A_137 = arith.constant 0 : i32
      %dma_start3A_138 = tpu.memref_slice %arg16[%add3A_85, %dma_start3A_137] : memref<10240x64xf32, #tpu.memory_space<vmem_shared>> -> memref<128x64xf32, #tpu.memory_space<vmem_shared>>
      tpu.enqueue_dma source(%dma_start3A_138 : memref<128x64xf32, #tpu.memory_space<vmem_shared>>) target(%arg15 : memref<128x64xf32, #tpu.memory_space<vmem>>) target_semaphore(%run_scoped3A : memref<!tpu.dma_semaphore, #tpu.memory_space<semaphore_mem>>)
      %dma_wait3A = arith.constant 0 : i32
      %dma_wait3A_139 = tpu.memref_slice %arg16[%add3A_85, %dma_wait3A] : memref<10240x64xf32, #tpu.memory_space<vmem_shared>> -> memref<128x64xf32, #tpu.memory_space<vmem_shared>>
      %dma_wait3A_140 = arith.constant 0 : i32
      %dma_wait3A_141 = tpu.memref_slice %arg16[%add3A_85, %dma_wait3A_140] : memref<10240x64xf32, #tpu.memory_space<vmem_shared>> -> memref<128x64xf32, #tpu.memory_space<vmem_shared>>
      tpu.wait_dma2 semaphore(%run_scoped3A : memref<!tpu.dma_semaphore, #tpu.memory_space<semaphore_mem>>) src(%dma_wait3A_141 : memref<128x64xf32, #tpu.memory_space<vmem_shared>>) dst(%arg15 : memref<128x64xf32, #tpu.memory_space<vmem>>)
      tpu.yield
    }) : () -> ()
    %add3A_86 = arith.constant 128 : i32
    %add3A_87 = arith.addi %add3A_75, %add3A_86 : i32
    "tpu.region"() ({
      %run_scoped3A = tpu.sem_alloc : memref<!tpu.dma_semaphore, #tpu.memory_space<semaphore_mem>>
      %dma_start3A = arith.constant 0 : i32
      %dma_start3A_136 = tpu.memref_slice %arg7[%add3A_87, %dma_start3A] : memref<20480x64xf32, #tpu.memory_space<hbm>> -> memref<128x64xf32, #tpu.memory_space<hbm>>
      %dma_start3A_137 = arith.constant 0 : i32
      %dma_start3A_138 = tpu.memref_slice %arg7[%add3A_87, %dma_start3A_137] : memref<20480x64xf32, #tpu.memory_space<hbm>> -> memref<128x64xf32, #tpu.memory_space<hbm>>
      tpu.enqueue_dma source(%arg15 : memref<128x64xf32, #tpu.memory_space<vmem>>) target(%dma_start3A_138 : memref<128x64xf32, #tpu.memory_space<hbm>>) target_semaphore(%run_scoped3A : memref<!tpu.dma_semaphore, #tpu.memory_space<semaphore_mem>>)
      %dma_wait3A = arith.constant 0 : i32
      %dma_wait3A_139 = tpu.memref_slice %arg7[%add3A_87, %dma_wait3A] : memref<20480x64xf32, #tpu.memory_space<hbm>> -> memref<128x64xf32, #tpu.memory_space<hbm>>
      %dma_wait3A_140 = arith.constant 0 : i32
      %dma_wait3A_141 = tpu.memref_slice %arg7[%add3A_87, %dma_wait3A_140] : memref<20480x64xf32, #tpu.memory_space<hbm>> -> memref<128x64xf32, #tpu.memory_space<hbm>>
      tpu.wait_dma2 semaphore(%run_scoped3A : memref<!tpu.dma_semaphore, #tpu.memory_space<semaphore_mem>>) src(%arg15 : memref<128x64xf32, #tpu.memory_space<vmem>>) dst(%dma_wait3A_141 : memref<128x64xf32, #tpu.memory_space<hbm>>)
      tpu.yield
    }) : () -> ()
    %mul3A_88 = arith.constant 640 : i32
    %mul3A_89 = arith.muli %arg1, %mul3A_88 : i32
    %add3A_90 = arith.constant 256 : i32
    %add3A_91 = arith.addi %mul3A_89, %add3A_90 : i32
    "tpu.region"() ({
      %run_scoped3A = tpu.sem_alloc : memref<!tpu.dma_semaphore, #tpu.memory_space<semaphore_mem>>
      %dma_start3A = arith.constant 0 : i32
      %dma_start3A_136 = tpu.memref_slice %arg16[%add3A_91, %dma_start3A] : memref<10240x64xf32, #tpu.memory_space<vmem_shared>> -> memref<128x64xf32, #tpu.memory_space<vmem_shared>>
      %dma_start3A_137 = arith.constant 0 : i32
      %dma_start3A_138 = tpu.memref_slice %arg16[%add3A_91, %dma_start3A_137] : memref<10240x64xf32, #tpu.memory_space<vmem_shared>> -> memref<128x64xf32, #tpu.memory_space<vmem_shared>>
      tpu.enqueue_dma source(%dma_start3A_138 : memref<128x64xf32, #tpu.memory_space<vmem_shared>>) target(%arg15 : memref<128x64xf32, #tpu.memory_space<vmem>>) target_semaphore(%run_scoped3A : memref<!tpu.dma_semaphore, #tpu.memory_space<semaphore_mem>>)
      %dma_wait3A = arith.constant 0 : i32
      %dma_wait3A_139 = tpu.memref_slice %arg16[%add3A_91, %dma_wait3A] : memref<10240x64xf32, #tpu.memory_space<vmem_shared>> -> memref<128x64xf32, #tpu.memory_space<vmem_shared>>
      %dma_wait3A_140 = arith.constant 0 : i32
      %dma_wait3A_141 = tpu.memref_slice %arg16[%add3A_91, %dma_wait3A_140] : memref<10240x64xf32, #tpu.memory_space<vmem_shared>> -> memref<128x64xf32, #tpu.memory_space<vmem_shared>>
      tpu.wait_dma2 semaphore(%run_scoped3A : memref<!tpu.dma_semaphore, #tpu.memory_space<semaphore_mem>>) src(%dma_wait3A_141 : memref<128x64xf32, #tpu.memory_space<vmem_shared>>) dst(%arg15 : memref<128x64xf32, #tpu.memory_space<vmem>>)
      tpu.yield
    }) : () -> ()
    %add3A_92 = arith.constant 256 : i32
    %add3A_93 = arith.addi %add3A_75, %add3A_92 : i32
    "tpu.region"() ({
      %run_scoped3A = tpu.sem_alloc : memref<!tpu.dma_semaphore, #tpu.memory_space<semaphore_mem>>
      %dma_start3A = arith.constant 0 : i32
      %dma_start3A_136 = tpu.memref_slice %arg7[%add3A_93, %dma_start3A] : memref<20480x64xf32, #tpu.memory_space<hbm>> -> memref<128x64xf32, #tpu.memory_space<hbm>>
      %dma_start3A_137 = arith.constant 0 : i32
      %dma_start3A_138 = tpu.memref_slice %arg7[%add3A_93, %dma_start3A_137] : memref<20480x64xf32, #tpu.memory_space<hbm>> -> memref<128x64xf32, #tpu.memory_space<hbm>>
      tpu.enqueue_dma source(%arg15 : memref<128x64xf32, #tpu.memory_space<vmem>>) target(%dma_start3A_138 : memref<128x64xf32, #tpu.memory_space<hbm>>) target_semaphore(%run_scoped3A : memref<!tpu.dma_semaphore, #tpu.memory_space<semaphore_mem>>)
      %dma_wait3A = arith.constant 0 : i32
      %dma_wait3A_139 = tpu.memref_slice %arg7[%add3A_93, %dma_wait3A] : memref<20480x64xf32, #tpu.memory_space<hbm>> -> memref<128x64xf32, #tpu.memory_space<hbm>>
      %dma_wait3A_140 = arith.constant 0 : i32
      %dma_wait3A_141 = tpu.memref_slice %arg7[%add3A_93, %dma_wait3A_140] : memref<20480x64xf32, #tpu.memory_space<hbm>> -> memref<128x64xf32, #tpu.memory_space<hbm>>
      tpu.wait_dma2 semaphore(%run_scoped3A : memref<!tpu.dma_semaphore, #tpu.memory_space<semaphore_mem>>) src(%arg15 : memref<128x64xf32, #tpu.memory_space<vmem>>) dst(%dma_wait3A_141 : memref<128x64xf32, #tpu.memory_space<hbm>>)
      tpu.yield
    }) : () -> ()
    %mul3A_94 = arith.constant 640 : i32
    %mul3A_95 = arith.muli %arg1, %mul3A_94 : i32
    %add3A_96 = arith.constant 384 : i32
    %add3A_97 = arith.addi %mul3A_95, %add3A_96 : i32
    "tpu.region"() ({
      %run_scoped3A = tpu.sem_alloc : memref<!tpu.dma_semaphore, #tpu.memory_space<semaphore_mem>>
      %dma_start3A = arith.constant 0 : i32
      %dma_start3A_136 = tpu.memref_slice %arg16[%add3A_97, %dma_start3A] : memref<10240x64xf32, #tpu.memory_space<vmem_shared>> -> memref<128x64xf32, #tpu.memory_space<vmem_shared>>
      %dma_start3A_137 = arith.constant 0 : i32
      %dma_start3A_138 = tpu.memref_slice %arg16[%add3A_97, %dma_start3A_137] : memref<10240x64xf32, #tpu.memory_space<vmem_shared>> -> memref<128x64xf32, #tpu.memory_space<vmem_shared>>
      tpu.enqueue_dma source(%dma_start3A_138 : memref<128x64xf32, #tpu.memory_space<vmem_shared>>) target(%arg15 : memref<128x64xf32, #tpu.memory_space<vmem>>) target_semaphore(%run_scoped3A : memref<!tpu.dma_semaphore, #tpu.memory_space<semaphore_mem>>)
      %dma_wait3A = arith.constant 0 : i32
      %dma_wait3A_139 = tpu.memref_slice %arg16[%add3A_97, %dma_wait3A] : memref<10240x64xf32, #tpu.memory_space<vmem_shared>> -> memref<128x64xf32, #tpu.memory_space<vmem_shared>>
      %dma_wait3A_140 = arith.constant 0 : i32
      %dma_wait3A_141 = tpu.memref_slice %arg16[%add3A_97, %dma_wait3A_140] : memref<10240x64xf32, #tpu.memory_space<vmem_shared>> -> memref<128x64xf32, #tpu.memory_space<vmem_shared>>
      tpu.wait_dma2 semaphore(%run_scoped3A : memref<!tpu.dma_semaphore, #tpu.memory_space<semaphore_mem>>) src(%dma_wait3A_141 : memref<128x64xf32, #tpu.memory_space<vmem_shared>>) dst(%arg15 : memref<128x64xf32, #tpu.memory_space<vmem>>)
      tpu.yield
    }) : () -> ()
    %add3A_98 = arith.constant 384 : i32
    %add3A_99 = arith.addi %add3A_75, %add3A_98 : i32
    "tpu.region"() ({
      %run_scoped3A = tpu.sem_alloc : memref<!tpu.dma_semaphore, #tpu.memory_space<semaphore_mem>>
      %dma_start3A = arith.constant 0 : i32
      %dma_start3A_136 = tpu.memref_slice %arg7[%add3A_99, %dma_start3A] : memref<20480x64xf32, #tpu.memory_space<hbm>> -> memref<128x64xf32, #tpu.memory_space<hbm>>
      %dma_start3A_137 = arith.constant 0 : i32
      %dma_start3A_138 = tpu.memref_slice %arg7[%add3A_99, %dma_start3A_137] : memref<20480x64xf32, #tpu.memory_space<hbm>> -> memref<128x64xf32, #tpu.memory_space<hbm>>
      tpu.enqueue_dma source(%arg15 : memref<128x64xf32, #tpu.memory_space<vmem>>) target(%dma_start3A_138 : memref<128x64xf32, #tpu.memory_space<hbm>>) target_semaphore(%run_scoped3A : memref<!tpu.dma_semaphore, #tpu.memory_space<semaphore_mem>>)
      %dma_wait3A = arith.constant 0 : i32
      %dma_wait3A_139 = tpu.memref_slice %arg7[%add3A_99, %dma_wait3A] : memref<20480x64xf32, #tpu.memory_space<hbm>> -> memref<128x64xf32, #tpu.memory_space<hbm>>
      %dma_wait3A_140 = arith.constant 0 : i32
      %dma_wait3A_141 = tpu.memref_slice %arg7[%add3A_99, %dma_wait3A_140] : memref<20480x64xf32, #tpu.memory_space<hbm>> -> memref<128x64xf32, #tpu.memory_space<hbm>>
      tpu.wait_dma2 semaphore(%run_scoped3A : memref<!tpu.dma_semaphore, #tpu.memory_space<semaphore_mem>>) src(%arg15 : memref<128x64xf32, #tpu.memory_space<vmem>>) dst(%dma_wait3A_141 : memref<128x64xf32, #tpu.memory_space<hbm>>)
      tpu.yield
    }) : () -> ()
    %mul3A_100 = arith.constant 640 : i32
    %mul3A_101 = arith.muli %arg1, %mul3A_100 : i32
    %add3A_102 = arith.constant 512 : i32
    %add3A_103 = arith.addi %mul3A_101, %add3A_102 : i32
    "tpu.region"() ({
      %run_scoped3A = tpu.sem_alloc : memref<!tpu.dma_semaphore, #tpu.memory_space<semaphore_mem>>
      %dma_start3A = arith.constant 0 : i32
      %dma_start3A_136 = tpu.memref_slice %arg16[%add3A_103, %dma_start3A] : memref<10240x64xf32, #tpu.memory_space<vmem_shared>> -> memref<128x64xf32, #tpu.memory_space<vmem_shared>>
      %dma_start3A_137 = arith.constant 0 : i32
      %dma_start3A_138 = tpu.memref_slice %arg16[%add3A_103, %dma_start3A_137] : memref<10240x64xf32, #tpu.memory_space<vmem_shared>> -> memref<128x64xf32, #tpu.memory_space<vmem_shared>>
      tpu.enqueue_dma source(%dma_start3A_138 : memref<128x64xf32, #tpu.memory_space<vmem_shared>>) target(%arg15 : memref<128x64xf32, #tpu.memory_space<vmem>>) target_semaphore(%run_scoped3A : memref<!tpu.dma_semaphore, #tpu.memory_space<semaphore_mem>>)
      %dma_wait3A = arith.constant 0 : i32
      %dma_wait3A_139 = tpu.memref_slice %arg16[%add3A_103, %dma_wait3A] : memref<10240x64xf32, #tpu.memory_space<vmem_shared>> -> memref<128x64xf32, #tpu.memory_space<vmem_shared>>
      %dma_wait3A_140 = arith.constant 0 : i32
      %dma_wait3A_141 = tpu.memref_slice %arg16[%add3A_103, %dma_wait3A_140] : memref<10240x64xf32, #tpu.memory_space<vmem_shared>> -> memref<128x64xf32, #tpu.memory_space<vmem_shared>>
      tpu.wait_dma2 semaphore(%run_scoped3A : memref<!tpu.dma_semaphore, #tpu.memory_space<semaphore_mem>>) src(%dma_wait3A_141 : memref<128x64xf32, #tpu.memory_space<vmem_shared>>) dst(%arg15 : memref<128x64xf32, #tpu.memory_space<vmem>>)
      tpu.yield
    }) : () -> ()
    %add3A_104 = arith.constant 512 : i32
    %add3A_105 = arith.addi %add3A_75, %add3A_104 : i32
    "tpu.region"() ({
      %run_scoped3A = tpu.sem_alloc : memref<!tpu.dma_semaphore, #tpu.memory_space<semaphore_mem>>
      %dma_start3A = arith.constant 0 : i32
      %dma_start3A_136 = tpu.memref_slice %arg7[%add3A_105, %dma_start3A] : memref<20480x64xf32, #tpu.memory_space<hbm>> -> memref<128x64xf32, #tpu.memory_space<hbm>>
      %dma_start3A_137 = arith.constant 0 : i32
      %dma_start3A_138 = tpu.memref_slice %arg7[%add3A_105, %dma_start3A_137] : memref<20480x64xf32, #tpu.memory_space<hbm>> -> memref<128x64xf32, #tpu.memory_space<hbm>>
      tpu.enqueue_dma source(%arg15 : memref<128x64xf32, #tpu.memory_space<vmem>>) target(%dma_start3A_138 : memref<128x64xf32, #tpu.memory_space<hbm>>) target_semaphore(%run_scoped3A : memref<!tpu.dma_semaphore, #tpu.memory_space<semaphore_mem>>)
      %dma_wait3A = arith.constant 0 : i32
      %dma_wait3A_139 = tpu.memref_slice %arg7[%add3A_105, %dma_wait3A] : memref<20480x64xf32, #tpu.memory_space<hbm>> -> memref<128x64xf32, #tpu.memory_space<hbm>>
      %dma_wait3A_140 = arith.constant 0 : i32
      %dma_wait3A_141 = tpu.memref_slice %arg7[%add3A_105, %dma_wait3A_140] : memref<20480x64xf32, #tpu.memory_space<hbm>> -> memref<128x64xf32, #tpu.memory_space<hbm>>
      tpu.wait_dma2 semaphore(%run_scoped3A : memref<!tpu.dma_semaphore, #tpu.memory_space<semaphore_mem>>) src(%arg15 : memref<128x64xf32, #tpu.memory_space<vmem>>) dst(%dma_wait3A_141 : memref<128x64xf32, #tpu.memory_space<hbm>>)
      tpu.yield
    }) : () -> ()
    %mul3A_106 = arith.constant 640 : i32
    %mul3A_107 = arith.muli %arg1, %mul3A_106 : i32
    %add3A_108 = arith.constant 0 : i32
    %add3A_109 = arith.addi %mul3A_107, %add3A_108 : i32
    "tpu.region"() ({
      %run_scoped3A = tpu.sem_alloc : memref<!tpu.dma_semaphore, #tpu.memory_space<semaphore_mem>>
      %dma_start3A = arith.constant 0 : i32
      %dma_start3A_136 = tpu.memref_slice %arg17[%add3A_109, %dma_start3A] : memref<10240x64xf32, #tpu.memory_space<vmem_shared>> -> memref<128x64xf32, #tpu.memory_space<vmem_shared>>
      %dma_start3A_137 = arith.constant 0 : i32
      %dma_start3A_138 = tpu.memref_slice %arg17[%add3A_109, %dma_start3A_137] : memref<10240x64xf32, #tpu.memory_space<vmem_shared>> -> memref<128x64xf32, #tpu.memory_space<vmem_shared>>
      tpu.enqueue_dma source(%dma_start3A_138 : memref<128x64xf32, #tpu.memory_space<vmem_shared>>) target(%arg15 : memref<128x64xf32, #tpu.memory_space<vmem>>) target_semaphore(%run_scoped3A : memref<!tpu.dma_semaphore, #tpu.memory_space<semaphore_mem>>)
      %dma_wait3A = arith.constant 0 : i32
      %dma_wait3A_139 = tpu.memref_slice %arg17[%add3A_109, %dma_wait3A] : memref<10240x64xf32, #tpu.memory_space<vmem_shared>> -> memref<128x64xf32, #tpu.memory_space<vmem_shared>>
      %dma_wait3A_140 = arith.constant 0 : i32
      %dma_wait3A_141 = tpu.memref_slice %arg17[%add3A_109, %dma_wait3A_140] : memref<10240x64xf32, #tpu.memory_space<vmem_shared>> -> memref<128x64xf32, #tpu.memory_space<vmem_shared>>
      tpu.wait_dma2 semaphore(%run_scoped3A : memref<!tpu.dma_semaphore, #tpu.memory_space<semaphore_mem>>) src(%dma_wait3A_141 : memref<128x64xf32, #tpu.memory_space<vmem_shared>>) dst(%arg15 : memref<128x64xf32, #tpu.memory_space<vmem>>)
      tpu.yield
    }) : () -> ()
    %add3A_110 = arith.constant 0 : i32
    %add3A_111 = arith.addi %add3A_75, %add3A_110 : i32
    "tpu.region"() ({
      %run_scoped3A = tpu.sem_alloc : memref<!tpu.dma_semaphore, #tpu.memory_space<semaphore_mem>>
      %dma_start3A = arith.constant 0 : i32
      %dma_start3A_136 = tpu.memref_slice %arg8[%add3A_111, %dma_start3A] : memref<20480x64xf32, #tpu.memory_space<hbm>> -> memref<128x64xf32, #tpu.memory_space<hbm>>
      %dma_start3A_137 = arith.constant 0 : i32
      %dma_start3A_138 = tpu.memref_slice %arg8[%add3A_111, %dma_start3A_137] : memref<20480x64xf32, #tpu.memory_space<hbm>> -> memref<128x64xf32, #tpu.memory_space<hbm>>
      tpu.enqueue_dma source(%arg15 : memref<128x64xf32, #tpu.memory_space<vmem>>) target(%dma_start3A_138 : memref<128x64xf32, #tpu.memory_space<hbm>>) target_semaphore(%run_scoped3A : memref<!tpu.dma_semaphore, #tpu.memory_space<semaphore_mem>>)
      %dma_wait3A = arith.constant 0 : i32
      %dma_wait3A_139 = tpu.memref_slice %arg8[%add3A_111, %dma_wait3A] : memref<20480x64xf32, #tpu.memory_space<hbm>> -> memref<128x64xf32, #tpu.memory_space<hbm>>
      %dma_wait3A_140 = arith.constant 0 : i32
      %dma_wait3A_141 = tpu.memref_slice %arg8[%add3A_111, %dma_wait3A_140] : memref<20480x64xf32, #tpu.memory_space<hbm>> -> memref<128x64xf32, #tpu.memory_space<hbm>>
      tpu.wait_dma2 semaphore(%run_scoped3A : memref<!tpu.dma_semaphore, #tpu.memory_space<semaphore_mem>>) src(%arg15 : memref<128x64xf32, #tpu.memory_space<vmem>>) dst(%dma_wait3A_141 : memref<128x64xf32, #tpu.memory_space<hbm>>)
      tpu.yield
    }) : () -> ()
    %mul3A_112 = arith.constant 640 : i32
    %mul3A_113 = arith.muli %arg1, %mul3A_112 : i32
    %add3A_114 = arith.constant 128 : i32
    %add3A_115 = arith.addi %mul3A_113, %add3A_114 : i32
    "tpu.region"() ({
      %run_scoped3A = tpu.sem_alloc : memref<!tpu.dma_semaphore, #tpu.memory_space<semaphore_mem>>
      %dma_start3A = arith.constant 0 : i32
      %dma_start3A_136 = tpu.memref_slice %arg17[%add3A_115, %dma_start3A] : memref<10240x64xf32, #tpu.memory_space<vmem_shared>> -> memref<128x64xf32, #tpu.memory_space<vmem_shared>>
      %dma_start3A_137 = arith.constant 0 : i32
      %dma_start3A_138 = tpu.memref_slice %arg17[%add3A_115, %dma_start3A_137] : memref<10240x64xf32, #tpu.memory_space<vmem_shared>> -> memref<128x64xf32, #tpu.memory_space<vmem_shared>>
      tpu.enqueue_dma source(%dma_start3A_138 : memref<128x64xf32, #tpu.memory_space<vmem_shared>>) target(%arg15 : memref<128x64xf32, #tpu.memory_space<vmem>>) target_semaphore(%run_scoped3A : memref<!tpu.dma_semaphore, #tpu.memory_space<semaphore_mem>>)
      %dma_wait3A = arith.constant 0 : i32
      %dma_wait3A_139 = tpu.memref_slice %arg17[%add3A_115, %dma_wait3A] : memref<10240x64xf32, #tpu.memory_space<vmem_shared>> -> memref<128x64xf32, #tpu.memory_space<vmem_shared>>
      %dma_wait3A_140 = arith.constant 0 : i32
      %dma_wait3A_141 = tpu.memref_slice %arg17[%add3A_115, %dma_wait3A_140] : memref<10240x64xf32, #tpu.memory_space<vmem_shared>> -> memref<128x64xf32, #tpu.memory_space<vmem_shared>>
      tpu.wait_dma2 semaphore(%run_scoped3A : memref<!tpu.dma_semaphore, #tpu.memory_space<semaphore_mem>>) src(%dma_wait3A_141 : memref<128x64xf32, #tpu.memory_space<vmem_shared>>) dst(%arg15 : memref<128x64xf32, #tpu.memory_space<vmem>>)
      tpu.yield
    }) : () -> ()
    %add3A_116 = arith.constant 128 : i32
    %add3A_117 = arith.addi %add3A_75, %add3A_116 : i32
    "tpu.region"() ({
      %run_scoped3A = tpu.sem_alloc : memref<!tpu.dma_semaphore, #tpu.memory_space<semaphore_mem>>
      %dma_start3A = arith.constant 0 : i32
      %dma_start3A_136 = tpu.memref_slice %arg8[%add3A_117, %dma_start3A] : memref<20480x64xf32, #tpu.memory_space<hbm>> -> memref<128x64xf32, #tpu.memory_space<hbm>>
      %dma_start3A_137 = arith.constant 0 : i32
      %dma_start3A_138 = tpu.memref_slice %arg8[%add3A_117, %dma_start3A_137] : memref<20480x64xf32, #tpu.memory_space<hbm>> -> memref<128x64xf32, #tpu.memory_space<hbm>>
      tpu.enqueue_dma source(%arg15 : memref<128x64xf32, #tpu.memory_space<vmem>>) target(%dma_start3A_138 : memref<128x64xf32, #tpu.memory_space<hbm>>) target_semaphore(%run_scoped3A : memref<!tpu.dma_semaphore, #tpu.memory_space<semaphore_mem>>)
      %dma_wait3A = arith.constant 0 : i32
      %dma_wait3A_139 = tpu.memref_slice %arg8[%add3A_117, %dma_wait3A] : memref<20480x64xf32, #tpu.memory_space<hbm>> -> memref<128x64xf32, #tpu.memory_space<hbm>>
      %dma_wait3A_140 = arith.constant 0 : i32
      %dma_wait3A_141 = tpu.memref_slice %arg8[%add3A_117, %dma_wait3A_140] : memref<20480x64xf32, #tpu.memory_space<hbm>> -> memref<128x64xf32, #tpu.memory_space<hbm>>
      tpu.wait_dma2 semaphore(%run_scoped3A : memref<!tpu.dma_semaphore, #tpu.memory_space<semaphore_mem>>) src(%arg15 : memref<128x64xf32, #tpu.memory_space<vmem>>) dst(%dma_wait3A_141 : memref<128x64xf32, #tpu.memory_space<hbm>>)
      tpu.yield
    }) : () -> ()
    %mul3A_118 = arith.constant 640 : i32
    %mul3A_119 = arith.muli %arg1, %mul3A_118 : i32
    %add3A_120 = arith.constant 256 : i32
    %add3A_121 = arith.addi %mul3A_119, %add3A_120 : i32
    "tpu.region"() ({
      %run_scoped3A = tpu.sem_alloc : memref<!tpu.dma_semaphore, #tpu.memory_space<semaphore_mem>>
      %dma_start3A = arith.constant 0 : i32
      %dma_start3A_136 = tpu.memref_slice %arg17[%add3A_121, %dma_start3A] : memref<10240x64xf32, #tpu.memory_space<vmem_shared>> -> memref<128x64xf32, #tpu.memory_space<vmem_shared>>
      %dma_start3A_137 = arith.constant 0 : i32
      %dma_start3A_138 = tpu.memref_slice %arg17[%add3A_121, %dma_start3A_137] : memref<10240x64xf32, #tpu.memory_space<vmem_shared>> -> memref<128x64xf32, #tpu.memory_space<vmem_shared>>
      tpu.enqueue_dma source(%dma_start3A_138 : memref<128x64xf32, #tpu.memory_space<vmem_shared>>) target(%arg15 : memref<128x64xf32, #tpu.memory_space<vmem>>) target_semaphore(%run_scoped3A : memref<!tpu.dma_semaphore, #tpu.memory_space<semaphore_mem>>)
      %dma_wait3A = arith.constant 0 : i32
      %dma_wait3A_139 = tpu.memref_slice %arg17[%add3A_121, %dma_wait3A] : memref<10240x64xf32, #tpu.memory_space<vmem_shared>> -> memref<128x64xf32, #tpu.memory_space<vmem_shared>>
      %dma_wait3A_140 = arith.constant 0 : i32
      %dma_wait3A_141 = tpu.memref_slice %arg17[%add3A_121, %dma_wait3A_140] : memref<10240x64xf32, #tpu.memory_space<vmem_shared>> -> memref<128x64xf32, #tpu.memory_space<vmem_shared>>
      tpu.wait_dma2 semaphore(%run_scoped3A : memref<!tpu.dma_semaphore, #tpu.memory_space<semaphore_mem>>) src(%dma_wait3A_141 : memref<128x64xf32, #tpu.memory_space<vmem_shared>>) dst(%arg15 : memref<128x64xf32, #tpu.memory_space<vmem>>)
      tpu.yield
    }) : () -> ()
    %add3A_122 = arith.constant 256 : i32
    %add3A_123 = arith.addi %add3A_75, %add3A_122 : i32
    "tpu.region"() ({
      %run_scoped3A = tpu.sem_alloc : memref<!tpu.dma_semaphore, #tpu.memory_space<semaphore_mem>>
      %dma_start3A = arith.constant 0 : i32
      %dma_start3A_136 = tpu.memref_slice %arg8[%add3A_123, %dma_start3A] : memref<20480x64xf32, #tpu.memory_space<hbm>> -> memref<128x64xf32, #tpu.memory_space<hbm>>
      %dma_start3A_137 = arith.constant 0 : i32
      %dma_start3A_138 = tpu.memref_slice %arg8[%add3A_123, %dma_start3A_137] : memref<20480x64xf32, #tpu.memory_space<hbm>> -> memref<128x64xf32, #tpu.memory_space<hbm>>
      tpu.enqueue_dma source(%arg15 : memref<128x64xf32, #tpu.memory_space<vmem>>) target(%dma_start3A_138 : memref<128x64xf32, #tpu.memory_space<hbm>>) target_semaphore(%run_scoped3A : memref<!tpu.dma_semaphore, #tpu.memory_space<semaphore_mem>>)
      %dma_wait3A = arith.constant 0 : i32
      %dma_wait3A_139 = tpu.memref_slice %arg8[%add3A_123, %dma_wait3A] : memref<20480x64xf32, #tpu.memory_space<hbm>> -> memref<128x64xf32, #tpu.memory_space<hbm>>
      %dma_wait3A_140 = arith.constant 0 : i32
      %dma_wait3A_141 = tpu.memref_slice %arg8[%add3A_123, %dma_wait3A_140] : memref<20480x64xf32, #tpu.memory_space<hbm>> -> memref<128x64xf32, #tpu.memory_space<hbm>>
      tpu.wait_dma2 semaphore(%run_scoped3A : memref<!tpu.dma_semaphore, #tpu.memory_space<semaphore_mem>>) src(%arg15 : memref<128x64xf32, #tpu.memory_space<vmem>>) dst(%dma_wait3A_141 : memref<128x64xf32, #tpu.memory_space<hbm>>)
      tpu.yield
    }) : () -> ()
    %mul3A_124 = arith.constant 640 : i32
    %mul3A_125 = arith.muli %arg1, %mul3A_124 : i32
    %add3A_126 = arith.constant 384 : i32
    %add3A_127 = arith.addi %mul3A_125, %add3A_126 : i32
    "tpu.region"() ({
      %run_scoped3A = tpu.sem_alloc : memref<!tpu.dma_semaphore, #tpu.memory_space<semaphore_mem>>
      %dma_start3A = arith.constant 0 : i32
      %dma_start3A_136 = tpu.memref_slice %arg17[%add3A_127, %dma_start3A] : memref<10240x64xf32, #tpu.memory_space<vmem_shared>> -> memref<128x64xf32, #tpu.memory_space<vmem_shared>>
      %dma_start3A_137 = arith.constant 0 : i32
      %dma_start3A_138 = tpu.memref_slice %arg17[%add3A_127, %dma_start3A_137] : memref<10240x64xf32, #tpu.memory_space<vmem_shared>> -> memref<128x64xf32, #tpu.memory_space<vmem_shared>>
      tpu.enqueue_dma source(%dma_start3A_138 : memref<128x64xf32, #tpu.memory_space<vmem_shared>>) target(%arg15 : memref<128x64xf32, #tpu.memory_space<vmem>>) target_semaphore(%run_scoped3A : memref<!tpu.dma_semaphore, #tpu.memory_space<semaphore_mem>>)
      %dma_wait3A = arith.constant 0 : i32
      %dma_wait3A_139 = tpu.memref_slice %arg17[%add3A_127, %dma_wait3A] : memref<10240x64xf32, #tpu.memory_space<vmem_shared>> -> memref<128x64xf32, #tpu.memory_space<vmem_shared>>
      %dma_wait3A_140 = arith.constant 0 : i32
      %dma_wait3A_141 = tpu.memref_slice %arg17[%add3A_127, %dma_wait3A_140] : memref<10240x64xf32, #tpu.memory_space<vmem_shared>> -> memref<128x64xf32, #tpu.memory_space<vmem_shared>>
      tpu.wait_dma2 semaphore(%run_scoped3A : memref<!tpu.dma_semaphore, #tpu.memory_space<semaphore_mem>>) src(%dma_wait3A_141 : memref<128x64xf32, #tpu.memory_space<vmem_shared>>) dst(%arg15 : memref<128x64xf32, #tpu.memory_space<vmem>>)
      tpu.yield
    }) : () -> ()
    %add3A_128 = arith.constant 384 : i32
    %add3A_129 = arith.addi %add3A_75, %add3A_128 : i32
    "tpu.region"() ({
      %run_scoped3A = tpu.sem_alloc : memref<!tpu.dma_semaphore, #tpu.memory_space<semaphore_mem>>
      %dma_start3A = arith.constant 0 : i32
      %dma_start3A_136 = tpu.memref_slice %arg8[%add3A_129, %dma_start3A] : memref<20480x64xf32, #tpu.memory_space<hbm>> -> memref<128x64xf32, #tpu.memory_space<hbm>>
      %dma_start3A_137 = arith.constant 0 : i32
      %dma_start3A_138 = tpu.memref_slice %arg8[%add3A_129, %dma_start3A_137] : memref<20480x64xf32, #tpu.memory_space<hbm>> -> memref<128x64xf32, #tpu.memory_space<hbm>>
      tpu.enqueue_dma source(%arg15 : memref<128x64xf32, #tpu.memory_space<vmem>>) target(%dma_start3A_138 : memref<128x64xf32, #tpu.memory_space<hbm>>) target_semaphore(%run_scoped3A : memref<!tpu.dma_semaphore, #tpu.memory_space<semaphore_mem>>)
      %dma_wait3A = arith.constant 0 : i32
      %dma_wait3A_139 = tpu.memref_slice %arg8[%add3A_129, %dma_wait3A] : memref<20480x64xf32, #tpu.memory_space<hbm>> -> memref<128x64xf32, #tpu.memory_space<hbm>>
      %dma_wait3A_140 = arith.constant 0 : i32
      %dma_wait3A_141 = tpu.memref_slice %arg8[%add3A_129, %dma_wait3A_140] : memref<20480x64xf32, #tpu.memory_space<hbm>> -> memref<128x64xf32, #tpu.memory_space<hbm>>
      tpu.wait_dma2 semaphore(%run_scoped3A : memref<!tpu.dma_semaphore, #tpu.memory_space<semaphore_mem>>) src(%arg15 : memref<128x64xf32, #tpu.memory_space<vmem>>) dst(%dma_wait3A_141 : memref<128x64xf32, #tpu.memory_space<hbm>>)
      tpu.yield
    }) : () -> ()
    %mul3A_130 = arith.constant 640 : i32
    %mul3A_131 = arith.muli %arg1, %mul3A_130 : i32
    %add3A_132 = arith.constant 512 : i32
    %add3A_133 = arith.addi %mul3A_131, %add3A_132 : i32
    "tpu.region"() ({
      %run_scoped3A = tpu.sem_alloc : memref<!tpu.dma_semaphore, #tpu.memory_space<semaphore_mem>>
      %dma_start3A = arith.constant 0 : i32
      %dma_start3A_136 = tpu.memref_slice %arg17[%add3A_133, %dma_start3A] : memref<10240x64xf32, #tpu.memory_space<vmem_shared>> -> memref<128x64xf32, #tpu.memory_space<vmem_shared>>
      %dma_start3A_137 = arith.constant 0 : i32
      %dma_start3A_138 = tpu.memref_slice %arg17[%add3A_133, %dma_start3A_137] : memref<10240x64xf32, #tpu.memory_space<vmem_shared>> -> memref<128x64xf32, #tpu.memory_space<vmem_shared>>
      tpu.enqueue_dma source(%dma_start3A_138 : memref<128x64xf32, #tpu.memory_space<vmem_shared>>) target(%arg15 : memref<128x64xf32, #tpu.memory_space<vmem>>) target_semaphore(%run_scoped3A : memref<!tpu.dma_semaphore, #tpu.memory_space<semaphore_mem>>)
      %dma_wait3A = arith.constant 0 : i32
      %dma_wait3A_139 = tpu.memref_slice %arg17[%add3A_133, %dma_wait3A] : memref<10240x64xf32, #tpu.memory_space<vmem_shared>> -> memref<128x64xf32, #tpu.memory_space<vmem_shared>>
      %dma_wait3A_140 = arith.constant 0 : i32
      %dma_wait3A_141 = tpu.memref_slice %arg17[%add3A_133, %dma_wait3A_140] : memref<10240x64xf32, #tpu.memory_space<vmem_shared>> -> memref<128x64xf32, #tpu.memory_space<vmem_shared>>
      tpu.wait_dma2 semaphore(%run_scoped3A : memref<!tpu.dma_semaphore, #tpu.memory_space<semaphore_mem>>) src(%dma_wait3A_141 : memref<128x64xf32, #tpu.memory_space<vmem_shared>>) dst(%arg15 : memref<128x64xf32, #tpu.memory_space<vmem>>)
      tpu.yield
    }) : () -> ()
    %add3A_134 = arith.constant 512 : i32
    %add3A_135 = arith.addi %add3A_75, %add3A_134 : i32
    "tpu.region"() ({
      %run_scoped3A = tpu.sem_alloc : memref<!tpu.dma_semaphore, #tpu.memory_space<semaphore_mem>>
      %dma_start3A = arith.constant 0 : i32
      %dma_start3A_136 = tpu.memref_slice %arg8[%add3A_135, %dma_start3A] : memref<20480x64xf32, #tpu.memory_space<hbm>> -> memref<128x64xf32, #tpu.memory_space<hbm>>
      %dma_start3A_137 = arith.constant 0 : i32
      %dma_start3A_138 = tpu.memref_slice %arg8[%add3A_135, %dma_start3A_137] : memref<20480x64xf32, #tpu.memory_space<hbm>> -> memref<128x64xf32, #tpu.memory_space<hbm>>
      tpu.enqueue_dma source(%arg15 : memref<128x64xf32, #tpu.memory_space<vmem>>) target(%dma_start3A_138 : memref<128x64xf32, #tpu.memory_space<hbm>>) target_semaphore(%run_scoped3A : memref<!tpu.dma_semaphore, #tpu.memory_space<semaphore_mem>>)
      %dma_wait3A = arith.constant 0 : i32
      %dma_wait3A_139 = tpu.memref_slice %arg8[%add3A_135, %dma_wait3A] : memref<20480x64xf32, #tpu.memory_space<hbm>> -> memref<128x64xf32, #tpu.memory_space<hbm>>
      %dma_wait3A_140 = arith.constant 0 : i32
      %dma_wait3A_141 = tpu.memref_slice %arg8[%add3A_135, %dma_wait3A_140] : memref<20480x64xf32, #tpu.memory_space<hbm>> -> memref<128x64xf32, #tpu.memory_space<hbm>>
      tpu.wait_dma2 semaphore(%run_scoped3A : memref<!tpu.dma_semaphore, #tpu.memory_space<semaphore_mem>>) src(%arg15 : memref<128x64xf32, #tpu.memory_space<vmem>>) dst(%dma_wait3A_141 : memref<128x64xf32, #tpu.memory_space<hbm>>)
      tpu.yield
    }) : () -> ()
    return
  }
}

#map = affine_map<(d0, d1) -> (0, 0)>
#map1 = affine_map<(d0, d1) -> (0)>
module attributes {stable_mosaic.version = 14 : i64} {
  func.func @edge_kernel(%arg0: i32, %arg1: i32, %arg2: memref<10240x64xf32, #tpu.memory_space<hbm>>, %arg3: memref<10240x64xf32, #tpu.memory_space<hbm>>, %arg4: memref<323584x64xf32, #tpu.memory_space<hbm>>, %arg5: memref<323584xi32, #tpu.memory_space<hbm>>, %arg6: memref<323584xi32, #tpu.memory_space<hbm>>, %arg7: memref<20480x64xf32, #tpu.memory_space<hbm>>, %arg8: memref<128xi32, #tpu.memory_space<vmem>>, %arg9: memref<128xi32, #tpu.memory_space<vmem>>, %arg10: memref<1x128xi32, #tpu.memory_space<vmem>>, %arg11: memref<128x64xf32, #tpu.memory_space<vmem>>, %arg12: memref<128x64xf32, #tpu.memory_space<vmem>>, %arg13: memref<128x64xf32, #tpu.memory_space<vmem>>, %arg14: memref<128x64xf32, #tpu.memory_space<vmem>>, %arg15: memref<10240x64xf32, #tpu.memory_space<vmem_shared>>, %arg16: memref<10240x64xf32, #tpu.memory_space<vmem_shared>>, %arg17: memref<!tpu.dma_semaphore, #tpu.memory_space<semaphore_mem>>, %arg18: memref<!tpu.dma_semaphore, #tpu.memory_space<semaphore_mem>>) attributes {dimension_semantics = [#tpu.dimension_semantics<core_parallel>, #tpu.dimension_semantics<subcore_parallel>], iteration_bounds = array<i64: 2, 16>, scalar_prefetch = 0 : i64, scratch_operands = 11 : i64, tpu.core_type = #tpu.core_type<sc_vector_subcore>, window_params = [{transform_indices = #map}, {transform_indices = #map}, {transform_indices = #map}, {transform_indices = #map1}, {transform_indices = #map1}, {transform_indices = #map}]} {
    %mul3A = arith.constant 16 : i32
    %mul3A_0 = arith.muli %arg0, %mul3A : i32
    %add3A = arith.addi %mul3A_0, %arg1 : i32
    %mul3A_1 = arith.constant 10112 : i32
    %mul3A_2 = arith.muli %add3A, %mul3A_1 : i32
    %scan3A = arith.constant 0 : i32
    %scan3A_3 = arith.constant 0 : i32
    %scan3A_4 = arith.constant 128 : i32
    %scan3A_5 = arith.addi %scan3A_3, %scan3A_4 : i32
    %scan3A_6 = arith.constant 1 : i32
    %scan3A_7 = scf.for %scan3A_72 = %scan3A_3 to %scan3A_5 step %scan3A_6 iter_args(%scan3A_73 = %scan3A) -> (i32)  : i32 {
      %broadcast_in_dim3A = arith.constant 0.000000e+00 : f32
      %broadcast_in_dim3A_74 = vector.broadcast %broadcast_in_dim3A : f32 to vector<16xf32>
      %swap3A = arith.index_cast %scan3A_72 : i32 to index
      %swap3A_75 = arith.constant 0 : index
      %swap3A_76 = tpu.vector_load %arg14[%swap3A, %swap3A_75] {strides = array<i32>} : memref<128x64xf32, #tpu.memory_space<vmem>>, vector<16xf32>,
      tpu.vector_store %arg14[%swap3A, %swap3A_75], %broadcast_in_dim3A_74 {strides = array<i32>} : memref<128x64xf32, #tpu.memory_space<vmem>>, vector<16xf32>,
      %broadcast_in_dim3A_77 = arith.constant 0.000000e+00 : f32
      %broadcast_in_dim3A_78 = vector.broadcast %broadcast_in_dim3A_77 : f32 to vector<16xf32>
      %swap3A_79 = arith.index_cast %scan3A_72 : i32 to index
      %swap3A_80 = arith.constant 16 : index
      %swap3A_81 = tpu.vector_load %arg14[%swap3A_79, %swap3A_80] {strides = array<i32>} : memref<128x64xf32, #tpu.memory_space<vmem>>, vector<16xf32>,
      tpu.vector_store %arg14[%swap3A_79, %swap3A_80], %broadcast_in_dim3A_78 {strides = array<i32>} : memref<128x64xf32, #tpu.memory_space<vmem>>, vector<16xf32>,
      %broadcast_in_dim3A_82 = arith.constant 0.000000e+00 : f32
      %broadcast_in_dim3A_83 = vector.broadcast %broadcast_in_dim3A_82 : f32 to vector<16xf32>
      %swap3A_84 = arith.index_cast %scan3A_72 : i32 to index
      %swap3A_85 = arith.constant 32 : index
      %swap3A_86 = tpu.vector_load %arg14[%swap3A_84, %swap3A_85] {strides = array<i32>} : memref<128x64xf32, #tpu.memory_space<vmem>>, vector<16xf32>,
      tpu.vector_store %arg14[%swap3A_84, %swap3A_85], %broadcast_in_dim3A_83 {strides = array<i32>} : memref<128x64xf32, #tpu.memory_space<vmem>>, vector<16xf32>,
      %broadcast_in_dim3A_87 = arith.constant 0.000000e+00 : f32
      %broadcast_in_dim3A_88 = vector.broadcast %broadcast_in_dim3A_87 : f32 to vector<16xf32>
      %swap3A_89 = arith.index_cast %scan3A_72 : i32 to index
      %swap3A_90 = arith.constant 48 : index
      %swap3A_91 = tpu.vector_load %arg14[%swap3A_89, %swap3A_90] {strides = array<i32>} : memref<128x64xf32, #tpu.memory_space<vmem>>, vector<16xf32>,
      tpu.vector_store %arg14[%swap3A_89, %swap3A_90], %broadcast_in_dim3A_88 {strides = array<i32>} : memref<128x64xf32, #tpu.memory_space<vmem>>, vector<16xf32>,
      %scan3A_92 = arith.constant 0 : i32
      scf.yield %scan3A_92 : i32
    }
    %scan3A_8 = arith.constant 128 : i32
    %mul3A_9 = arith.constant 640 : i32
    %mul3A_10 = arith.muli %arg1, %mul3A_9 : i32
    %add3A_11 = arith.constant 0 : i32
    %add3A_12 = arith.addi %mul3A_10, %add3A_11 : i32
    "tpu.region"() ({
      %run_scoped3A = tpu.sem_alloc : memref<!tpu.dma_semaphore, #tpu.memory_space<semaphore_mem>>
      %dma_start3A = arith.constant 0 : i32
      %dma_start3A_72 = tpu.memref_slice %arg15[%add3A_12, %dma_start3A] : memref<10240x64xf32, #tpu.memory_space<vmem_shared>> -> memref<128x64xf32, #tpu.memory_space<vmem_shared>>
      %dma_start3A_73 = arith.constant 0 : i32
      %dma_start3A_74 = tpu.memref_slice %arg15[%add3A_12, %dma_start3A_73] : memref<10240x64xf32, #tpu.memory_space<vmem_shared>> -> memref<128x64xf32, #tpu.memory_space<vmem_shared>>
      tpu.enqueue_dma source(%arg14 : memref<128x64xf32, #tpu.memory_space<vmem>>) target(%dma_start3A_74 : memref<128x64xf32, #tpu.memory_space<vmem_shared>>) target_semaphore(%run_scoped3A : memref<!tpu.dma_semaphore, #tpu.memory_space<semaphore_mem>>)
      %dma_wait3A = arith.constant 0 : i32
      %dma_wait3A_75 = tpu.memref_slice %arg15[%add3A_12, %dma_wait3A] : memref<10240x64xf32, #tpu.memory_space<vmem_shared>> -> memref<128x64xf32, #tpu.memory_space<vmem_shared>>
      %dma_wait3A_76 = arith.constant 0 : i32
      %dma_wait3A_77 = tpu.memref_slice %arg15[%add3A_12, %dma_wait3A_76] : memref<10240x64xf32, #tpu.memory_space<vmem_shared>> -> memref<128x64xf32, #tpu.memory_space<vmem_shared>>
      tpu.wait_dma2 semaphore(%run_scoped3A : memref<!tpu.dma_semaphore, #tpu.memory_space<semaphore_mem>>) src(%arg14 : memref<128x64xf32, #tpu.memory_space<vmem>>) dst(%dma_wait3A_77 : memref<128x64xf32, #tpu.memory_space<vmem_shared>>)
      tpu.yield
    }) : () -> ()
    %mul3A_13 = arith.constant 640 : i32
    %mul3A_14 = arith.muli %arg1, %mul3A_13 : i32
    %add3A_15 = arith.constant 128 : i32
    %add3A_16 = arith.addi %mul3A_14, %add3A_15 : i32
    "tpu.region"() ({
      %run_scoped3A = tpu.sem_alloc : memref<!tpu.dma_semaphore, #tpu.memory_space<semaphore_mem>>
      %dma_start3A = arith.constant 0 : i32
      %dma_start3A_72 = tpu.memref_slice %arg15[%add3A_16, %dma_start3A] : memref<10240x64xf32, #tpu.memory_space<vmem_shared>> -> memref<128x64xf32, #tpu.memory_space<vmem_shared>>
      %dma_start3A_73 = arith.constant 0 : i32
      %dma_start3A_74 = tpu.memref_slice %arg15[%add3A_16, %dma_start3A_73] : memref<10240x64xf32, #tpu.memory_space<vmem_shared>> -> memref<128x64xf32, #tpu.memory_space<vmem_shared>>
      tpu.enqueue_dma source(%arg14 : memref<128x64xf32, #tpu.memory_space<vmem>>) target(%dma_start3A_74 : memref<128x64xf32, #tpu.memory_space<vmem_shared>>) target_semaphore(%run_scoped3A : memref<!tpu.dma_semaphore, #tpu.memory_space<semaphore_mem>>)
      %dma_wait3A = arith.constant 0 : i32
      %dma_wait3A_75 = tpu.memref_slice %arg15[%add3A_16, %dma_wait3A] : memref<10240x64xf32, #tpu.memory_space<vmem_shared>> -> memref<128x64xf32, #tpu.memory_space<vmem_shared>>
      %dma_wait3A_76 = arith.constant 0 : i32
      %dma_wait3A_77 = tpu.memref_slice %arg15[%add3A_16, %dma_wait3A_76] : memref<10240x64xf32, #tpu.memory_space<vmem_shared>> -> memref<128x64xf32, #tpu.memory_space<vmem_shared>>
      tpu.wait_dma2 semaphore(%run_scoped3A : memref<!tpu.dma_semaphore, #tpu.memory_space<semaphore_mem>>) src(%arg14 : memref<128x64xf32, #tpu.memory_space<vmem>>) dst(%dma_wait3A_77 : memref<128x64xf32, #tpu.memory_space<vmem_shared>>)
      tpu.yield
    }) : () -> ()
    %mul3A_17 = arith.constant 640 : i32
    %mul3A_18 = arith.muli %arg1, %mul3A_17 : i32
    %add3A_19 = arith.constant 256 : i32
    %add3A_20 = arith.addi %mul3A_18, %add3A_19 : i32
    "tpu.region"() ({
      %run_scoped3A = tpu.sem_alloc : memref<!tpu.dma_semaphore, #tpu.memory_space<semaphore_mem>>
      %dma_start3A = arith.constant 0 : i32
      %dma_start3A_72 = tpu.memref_slice %arg15[%add3A_20, %dma_start3A] : memref<10240x64xf32, #tpu.memory_space<vmem_shared>> -> memref<128x64xf32, #tpu.memory_space<vmem_shared>>
      %dma_start3A_73 = arith.constant 0 : i32
      %dma_start3A_74 = tpu.memref_slice %arg15[%add3A_20, %dma_start3A_73] : memref<10240x64xf32, #tpu.memory_space<vmem_shared>> -> memref<128x64xf32, #tpu.memory_space<vmem_shared>>
      tpu.enqueue_dma source(%arg14 : memref<128x64xf32, #tpu.memory_space<vmem>>) target(%dma_start3A_74 : memref<128x64xf32, #tpu.memory_space<vmem_shared>>) target_semaphore(%run_scoped3A : memref<!tpu.dma_semaphore, #tpu.memory_space<semaphore_mem>>)
      %dma_wait3A = arith.constant 0 : i32
      %dma_wait3A_75 = tpu.memref_slice %arg15[%add3A_20, %dma_wait3A] : memref<10240x64xf32, #tpu.memory_space<vmem_shared>> -> memref<128x64xf32, #tpu.memory_space<vmem_shared>>
      %dma_wait3A_76 = arith.constant 0 : i32
      %dma_wait3A_77 = tpu.memref_slice %arg15[%add3A_20, %dma_wait3A_76] : memref<10240x64xf32, #tpu.memory_space<vmem_shared>> -> memref<128x64xf32, #tpu.memory_space<vmem_shared>>
      tpu.wait_dma2 semaphore(%run_scoped3A : memref<!tpu.dma_semaphore, #tpu.memory_space<semaphore_mem>>) src(%arg14 : memref<128x64xf32, #tpu.memory_space<vmem>>) dst(%dma_wait3A_77 : memref<128x64xf32, #tpu.memory_space<vmem_shared>>)
      tpu.yield
    }) : () -> ()
    %mul3A_21 = arith.constant 640 : i32
    %mul3A_22 = arith.muli %arg1, %mul3A_21 : i32
    %add3A_23 = arith.constant 384 : i32
    %add3A_24 = arith.addi %mul3A_22, %add3A_23 : i32
    "tpu.region"() ({
      %run_scoped3A = tpu.sem_alloc : memref<!tpu.dma_semaphore, #tpu.memory_space<semaphore_mem>>
      %dma_start3A = arith.constant 0 : i32
      %dma_start3A_72 = tpu.memref_slice %arg15[%add3A_24, %dma_start3A] : memref<10240x64xf32, #tpu.memory_space<vmem_shared>> -> memref<128x64xf32, #tpu.memory_space<vmem_shared>>
      %dma_start3A_73 = arith.constant 0 : i32
      %dma_start3A_74 = tpu.memref_slice %arg15[%add3A_24, %dma_start3A_73] : memref<10240x64xf32, #tpu.memory_space<vmem_shared>> -> memref<128x64xf32, #tpu.memory_space<vmem_shared>>
      tpu.enqueue_dma source(%arg14 : memref<128x64xf32, #tpu.memory_space<vmem>>) target(%dma_start3A_74 : memref<128x64xf32, #tpu.memory_space<vmem_shared>>) target_semaphore(%run_scoped3A : memref<!tpu.dma_semaphore, #tpu.memory_space<semaphore_mem>>)
      %dma_wait3A = arith.constant 0 : i32
      %dma_wait3A_75 = tpu.memref_slice %arg15[%add3A_24, %dma_wait3A] : memref<10240x64xf32, #tpu.memory_space<vmem_shared>> -> memref<128x64xf32, #tpu.memory_space<vmem_shared>>
      %dma_wait3A_76 = arith.constant 0 : i32
      %dma_wait3A_77 = tpu.memref_slice %arg15[%add3A_24, %dma_wait3A_76] : memref<10240x64xf32, #tpu.memory_space<vmem_shared>> -> memref<128x64xf32, #tpu.memory_space<vmem_shared>>
      tpu.wait_dma2 semaphore(%run_scoped3A : memref<!tpu.dma_semaphore, #tpu.memory_space<semaphore_mem>>) src(%arg14 : memref<128x64xf32, #tpu.memory_space<vmem>>) dst(%dma_wait3A_77 : memref<128x64xf32, #tpu.memory_space<vmem_shared>>)
      tpu.yield
    }) : () -> ()
    %mul3A_25 = arith.constant 640 : i32
    %mul3A_26 = arith.muli %arg1, %mul3A_25 : i32
    %add3A_27 = arith.constant 512 : i32
    %add3A_28 = arith.addi %mul3A_26, %add3A_27 : i32
    "tpu.region"() ({
      %run_scoped3A = tpu.sem_alloc : memref<!tpu.dma_semaphore, #tpu.memory_space<semaphore_mem>>
      %dma_start3A = arith.constant 0 : i32
      %dma_start3A_72 = tpu.memref_slice %arg15[%add3A_28, %dma_start3A] : memref<10240x64xf32, #tpu.memory_space<vmem_shared>> -> memref<128x64xf32, #tpu.memory_space<vmem_shared>>
      %dma_start3A_73 = arith.constant 0 : i32
      %dma_start3A_74 = tpu.memref_slice %arg15[%add3A_28, %dma_start3A_73] : memref<10240x64xf32, #tpu.memory_space<vmem_shared>> -> memref<128x64xf32, #tpu.memory_space<vmem_shared>>
      tpu.enqueue_dma source(%arg14 : memref<128x64xf32, #tpu.memory_space<vmem>>) target(%dma_start3A_74 : memref<128x64xf32, #tpu.memory_space<vmem_shared>>) target_semaphore(%run_scoped3A : memref<!tpu.dma_semaphore, #tpu.memory_space<semaphore_mem>>)
      %dma_wait3A = arith.constant 0 : i32
      %dma_wait3A_75 = tpu.memref_slice %arg15[%add3A_28, %dma_wait3A] : memref<10240x64xf32, #tpu.memory_space<vmem_shared>> -> memref<128x64xf32, #tpu.memory_space<vmem_shared>>
      %dma_wait3A_76 = arith.constant 0 : i32
      %dma_wait3A_77 = tpu.memref_slice %arg15[%add3A_28, %dma_wait3A_76] : memref<10240x64xf32, #tpu.memory_space<vmem_shared>> -> memref<128x64xf32, #tpu.memory_space<vmem_shared>>
      tpu.wait_dma2 semaphore(%run_scoped3A : memref<!tpu.dma_semaphore, #tpu.memory_space<semaphore_mem>>) src(%arg14 : memref<128x64xf32, #tpu.memory_space<vmem>>) dst(%dma_wait3A_77 : memref<128x64xf32, #tpu.memory_space<vmem_shared>>)
      tpu.yield
    }) : () -> ()
    %barrier3A = arith.constant 0 : index
    tpu.barrier barrier_id(%barrier3A)
    %scan3A_29 = arith.constant 0 : i32
    %scan3A_30 = arith.constant 0 : i32
    %scan3A_31 = arith.constant 79 : i32
    %scan3A_32 = arith.addi %scan3A_30, %scan3A_31 : i32
    %scan3A_33 = arith.constant 1 : i32
    %scan3A_34 = scf.for %scan3A_72 = %scan3A_30 to %scan3A_32 step %scan3A_33 iter_args(%scan3A_73 = %scan3A_29) -> (i32)  : i32 {
      %mul3A_74 = arith.constant 128 : i32
      %mul3A_75 = arith.muli %scan3A_72, %mul3A_74 : i32
      %add3A_76 = arith.addi %mul3A_2, %mul3A_75 : i32
      "tpu.region"() ({
        %run_scoped3A_96 = tpu.sem_alloc : memref<!tpu.dma_semaphore, #tpu.memory_space<semaphore_mem>>
        %dma_start3A_97 = tpu.memref_slice %arg5[%add3A_76] : memref<323584xi32, #tpu.memory_space<hbm>> -> memref<128xi32, #tpu.memory_space<hbm>>
        %dma_start3A_98 = tpu.memref_slice %arg5[%add3A_76] : memref<323584xi32, #tpu.memory_space<hbm>> -> memref<128xi32, #tpu.memory_space<hbm>>
        tpu.enqueue_dma source(%dma_start3A_98 : memref<128xi32, #tpu.memory_space<hbm>>) target(%arg8 : memref<128xi32, #tpu.memory_space<vmem>>) target_semaphore(%run_scoped3A_96 : memref<!tpu.dma_semaphore, #tpu.memory_space<semaphore_mem>>)
        %dma_wait3A_99 = tpu.memref_slice %arg5[%add3A_76] : memref<323584xi32, #tpu.memory_space<hbm>> -> memref<128xi32, #tpu.memory_space<hbm>>
        %dma_wait3A_100 = tpu.memref_slice %arg5[%add3A_76] : memref<323584xi32, #tpu.memory_space<hbm>> -> memref<128xi32, #tpu.memory_space<hbm>>
        tpu.wait_dma2 semaphore(%run_scoped3A_96 : memref<!tpu.dma_semaphore, #tpu.memory_space<semaphore_mem>>) src(%dma_wait3A_100 : memref<128xi32, #tpu.memory_space<hbm>>) dst(%arg8 : memref<128xi32, #tpu.memory_space<vmem>>)
        tpu.yield
      }) : () -> ()
      "tpu.region"() ({
        %run_scoped3A_96 = tpu.sem_alloc : memref<!tpu.dma_semaphore, #tpu.memory_space<semaphore_mem>>
        %dma_start3A_97 = tpu.memref_slice %arg6[%add3A_76] : memref<323584xi32, #tpu.memory_space<hbm>> -> memref<128xi32, #tpu.memory_space<hbm>>
        %dma_start3A_98 = tpu.memref_slice %arg6[%add3A_76] : memref<323584xi32, #tpu.memory_space<hbm>> -> memref<128xi32, #tpu.memory_space<hbm>>
        tpu.enqueue_dma source(%dma_start3A_98 : memref<128xi32, #tpu.memory_space<hbm>>) target(%arg9 : memref<128xi32, #tpu.memory_space<vmem>>) target_semaphore(%run_scoped3A_96 : memref<!tpu.dma_semaphore, #tpu.memory_space<semaphore_mem>>)
        %dma_wait3A_99 = tpu.memref_slice %arg6[%add3A_76] : memref<323584xi32, #tpu.memory_space<hbm>> -> memref<128xi32, #tpu.memory_space<hbm>>
        %dma_wait3A_100 = tpu.memref_slice %arg6[%add3A_76] : memref<323584xi32, #tpu.memory_space<hbm>> -> memref<128xi32, #tpu.memory_space<hbm>>
        tpu.wait_dma2 semaphore(%run_scoped3A_96 : memref<!tpu.dma_semaphore, #tpu.memory_space<semaphore_mem>>) src(%dma_wait3A_100 : memref<128xi32, #tpu.memory_space<hbm>>) dst(%arg9 : memref<128xi32, #tpu.memory_space<vmem>>)
        tpu.yield
      }) : () -> ()
      %run_scoped3A = arith.constant 0 : i32
      "tpu.region"() ({
        %run_scoped3A_96 = tpu.sem_alloc : memref<!tpu.dma_semaphore, #tpu.memory_space<semaphore_mem>>
        %dma_start3A_97 = arith.constant 0 : i32
        %dma_start3A_98 = tpu.memref_slice %arg10[%run_scoped3A, %dma_start3A_97] : memref<1x128xi32, #tpu.memory_space<vmem>> -> memref<1x128xi32, #tpu.memory_space<vmem>>
        %dma_start3A_99 = tpu.memref_squeeze %dma_start3A_98 : memref<1x128xi32, #tpu.memory_space<vmem>> -> memref<128xi32, #tpu.memory_space<vmem>>
        %dma_start3A_100 = tpu.memref_slice %arg6[%add3A_76] : memref<323584xi32, #tpu.memory_space<hbm>> -> memref<128xi32, #tpu.memory_space<hbm>>
        %dma_start3A_101 = arith.constant 0 : i32
        %dma_start3A_102 = tpu.memref_slice %arg10[%run_scoped3A, %dma_start3A_101] : memref<1x128xi32, #tpu.memory_space<vmem>> -> memref<1x128xi32, #tpu.memory_space<vmem>>
        %dma_start3A_103 = tpu.memref_squeeze %dma_start3A_102 : memref<1x128xi32, #tpu.memory_space<vmem>> -> memref<128xi32, #tpu.memory_space<vmem>>
        %dma_start3A_104 = tpu.memref_slice %arg6[%add3A_76] : memref<323584xi32, #tpu.memory_space<hbm>> -> memref<128xi32, #tpu.memory_space<hbm>>
        tpu.enqueue_dma source(%dma_start3A_104 : memref<128xi32, #tpu.memory_space<hbm>>) target(%dma_start3A_103 : memref<128xi32, #tpu.memory_space<vmem>>) target_semaphore(%run_scoped3A_96 : memref<!tpu.dma_semaphore, #tpu.memory_space<semaphore_mem>>)
        %dma_wait3A_105 = arith.constant 0 : i32
        %dma_wait3A_106 = tpu.memref_slice %arg10[%run_scoped3A, %dma_wait3A_105] : memref<1x128xi32, #tpu.memory_space<vmem>> -> memref<1x128xi32, #tpu.memory_space<vmem>>
        %dma_wait3A_107 = tpu.memref_squeeze %dma_wait3A_106 : memref<1x128xi32, #tpu.memory_space<vmem>> -> memref<128xi32, #tpu.memory_space<vmem>>
        %dma_wait3A_108 = tpu.memref_slice %arg6[%add3A_76] : memref<323584xi32, #tpu.memory_space<hbm>> -> memref<128xi32, #tpu.memory_space<hbm>>
        %dma_wait3A_109 = arith.constant 0 : i32
        %dma_wait3A_110 = tpu.memref_slice %arg10[%run_scoped3A, %dma_wait3A_109] : memref<1x128xi32, #tpu.memory_space<vmem>> -> memref<1x128xi32, #tpu.memory_space<vmem>>
        %dma_wait3A_111 = tpu.memref_squeeze %dma_wait3A_110 : memref<1x128xi32, #tpu.memory_space<vmem>> -> memref<128xi32, #tpu.memory_space<vmem>>
        %dma_wait3A_112 = tpu.memref_slice %arg6[%add3A_76] : memref<323584xi32, #tpu.memory_space<hbm>> -> memref<128xi32, #tpu.memory_space<hbm>>
        tpu.wait_dma2 semaphore(%run_scoped3A_96 : memref<!tpu.dma_semaphore, #tpu.memory_space<semaphore_mem>>) src(%dma_wait3A_112 : memref<128xi32, #tpu.memory_space<hbm>>) dst(%dma_wait3A_111 : memref<128xi32, #tpu.memory_space<vmem>>)
        tpu.yield
      }) : () -> ()
      "tpu.region"() ({
        %run_scoped3A_96 = tpu.sem_alloc : memref<!tpu.dma_semaphore, #tpu.memory_space<semaphore_mem>>
        %dma_start3A_97 = arith.constant 0 : i32
        %dma_start3A_98 = tpu.memref_slice %arg4[%add3A_76, %dma_start3A_97] : memref<323584x64xf32, #tpu.memory_space<hbm>> -> memref<128x64xf32, #tpu.memory_space<hbm>>
        %dma_start3A_99 = arith.constant 0 : i32
        %dma_start3A_100 = tpu.memref_slice %arg4[%add3A_76, %dma_start3A_99] : memref<323584x64xf32, #tpu.memory_space<hbm>> -> memref<128x64xf32, #tpu.memory_space<hbm>>
        tpu.enqueue_dma source(%dma_start3A_100 : memref<128x64xf32, #tpu.memory_space<hbm>>) target(%arg11 : memref<128x64xf32, #tpu.memory_space<vmem>>) target_semaphore(%run_scoped3A_96 : memref<!tpu.dma_semaphore, #tpu.memory_space<semaphore_mem>>)
        %dma_wait3A_101 = arith.constant 0 : i32
        %dma_wait3A_102 = tpu.memref_slice %arg4[%add3A_76, %dma_wait3A_101] : memref<323584x64xf32, #tpu.memory_space<hbm>> -> memref<128x64xf32, #tpu.memory_space<hbm>>
        %dma_wait3A_103 = arith.constant 0 : i32
        %dma_wait3A_104 = tpu.memref_slice %arg4[%add3A_76, %dma_wait3A_103] : memref<323584x64xf32, #tpu.memory_space<hbm>> -> memref<128x64xf32, #tpu.memory_space<hbm>>
        tpu.wait_dma2 semaphore(%run_scoped3A_96 : memref<!tpu.dma_semaphore, #tpu.memory_space<semaphore_mem>>) src(%dma_wait3A_104 : memref<128x64xf32, #tpu.memory_space<hbm>>) dst(%arg11 : memref<128x64xf32, #tpu.memory_space<vmem>>)
        tpu.yield
      }) : () -> ()
      %dma_start3A = arith.constant 0 : i32
      %dma_start3A_77 = arith.constant 0 : i32
      %dma_start3A_78 = tpu.memref_slice %arg2[%dma_start3A, %dma_start3A_77] : memref<10240x64xf32, #tpu.memory_space<hbm>> -> memref<10240x64xf32, #tpu.memory_space<hbm>>
      tpu.enqueue_indirect_dma source(%dma_start3A_78 : memref<10240x64xf32, #tpu.memory_space<hbm>>) target(%arg12 : memref<128x64xf32, #tpu.memory_space<vmem>>) offsets(%arg9 : memref<128xi32, #tpu.memory_space<vmem>>) semaphore(%arg17 : memref<!tpu.dma_semaphore, #tpu.memory_space<semaphore_mem>>)
      %dma_start3A_79 = arith.constant 0 : i32
      %dma_start3A_80 = arith.constant 0 : i32
      %dma_start3A_81 = tpu.memref_slice %arg3[%dma_start3A_79, %dma_start3A_80] : memref<10240x64xf32, #tpu.memory_space<hbm>> -> memref<10240x64xf32, #tpu.memory_space<hbm>>
      tpu.enqueue_indirect_dma source(%dma_start3A_81 : memref<10240x64xf32, #tpu.memory_space<hbm>>) target(%arg13 : memref<128x64xf32, #tpu.memory_space<vmem>>) offsets(%arg8 : memref<128xi32, #tpu.memory_space<vmem>>) semaphore(%arg18 : memref<!tpu.dma_semaphore, #tpu.memory_space<semaphore_mem>>)
      %dma_wait3A = arith.constant 0 : i32
      %dma_wait3A_82 = arith.constant 0 : i32
      %dma_wait3A_83 = tpu.memref_slice %arg2[%dma_wait3A, %dma_wait3A_82] : memref<10240x64xf32, #tpu.memory_space<hbm>> -> memref<10240x64xf32, #tpu.memory_space<hbm>>
      tpu.wait_indirect_dma semaphore(%arg17 : memref<!tpu.dma_semaphore, #tpu.memory_space<semaphore_mem>>) src(%dma_wait3A_83 : memref<10240x64xf32, #tpu.memory_space<hbm>>) dst(%arg12 : memref<128x64xf32, #tpu.memory_space<vmem>>)
      %dma_wait3A_84 = arith.constant 0 : i32
      %dma_wait3A_85 = arith.constant 0 : i32
      %dma_wait3A_86 = tpu.memref_slice %arg3[%dma_wait3A_84, %dma_wait3A_85] : memref<10240x64xf32, #tpu.memory_space<hbm>> -> memref<10240x64xf32, #tpu.memory_space<hbm>>
      tpu.wait_indirect_dma semaphore(%arg18 : memref<!tpu.dma_semaphore, #tpu.memory_space<semaphore_mem>>) src(%dma_wait3A_86 : memref<10240x64xf32, #tpu.memory_space<hbm>>) dst(%arg13 : memref<128x64xf32, #tpu.memory_space<vmem>>)
      %scan3A_87 = arith.constant 0 : i32
      %scan3A_88 = arith.constant 0 : i32
      %scan3A_89 = arith.constant 128 : i32
      %scan3A_90 = arith.addi %scan3A_88, %scan3A_89 : i32
      %scan3A_91 = arith.constant 1 : i32
      %scan3A_92 = scf.for %scan3A_96 = %scan3A_88 to %scan3A_90 step %scan3A_91 iter_args(%scan3A_97 = %scan3A_87) -> (i32)  : i32 {
        %get3A = arith.index_cast %scan3A_96 : i32 to index
        %get3A_98 = arith.constant 0 : index
        %get3A_99 = tpu.vector_load %arg12[%get3A, %get3A_98] {strides = array<i32>} : memref<128x64xf32, #tpu.memory_space<vmem>>, vector<16xf32>,
        %get3A_100 = arith.index_cast %scan3A_96 : i32 to index
        %get3A_101 = arith.constant 0 : index
        %get3A_102 = tpu.vector_load %arg13[%get3A_100, %get3A_101] {strides = array<i32>} : memref<128x64xf32, #tpu.memory_space<vmem>>, vector<16xf32>,
        %add3A_103 = arith.addf %get3A_99, %get3A_102 : vector<16xf32>
        %get3A_104 = arith.index_cast %scan3A_96 : i32 to index
        %get3A_105 = arith.constant 0 : index
        %get3A_106 = tpu.vector_load %arg11[%get3A_104, %get3A_105] {strides = array<i32>} : memref<128x64xf32, #tpu.memory_space<vmem>>, vector<16xf32>,
        %add3A_107 = arith.addf %add3A_103, %get3A_106 : vector<16xf32>
        %neg3A = arith.constant 0.000000e+00 : f32
        %neg3A_108 = vector.broadcast %neg3A : f32 to vector<16xf32>
        %neg3A_109 = arith.subf %neg3A_108, %add3A_107 : vector<16xf32>
        %exp3A = math.exp %neg3A_109 : vector<16xf32>
        %add3A_110 = arith.constant 1.000000e+00 : f32
        %add3A_111 = vector.broadcast %add3A_110 : f32 to vector<16xf32>
        %add3A_112 = arith.addf %add3A_111, %exp3A : vector<16xf32>
        %div3A = arith.divf %add3A_107, %add3A_112 : vector<16xf32>
        %swap3A = arith.index_cast %scan3A_96 : i32 to index
        %swap3A_113 = arith.constant 0 : index
        %swap3A_114 = tpu.vector_load %arg14[%swap3A, %swap3A_113] {strides = array<i32>} : memref<128x64xf32, #tpu.memory_space<vmem>>, vector<16xf32>,
        tpu.vector_store %arg14[%swap3A, %swap3A_113], %div3A {strides = array<i32>} : memref<128x64xf32, #tpu.memory_space<vmem>>, vector<16xf32>,
        %get3A_115 = arith.index_cast %scan3A_96 : i32 to index
        %get3A_116 = arith.constant 16 : index
        %get3A_117 = tpu.vector_load %arg12[%get3A_115, %get3A_116] {strides = array<i32>} : memref<128x64xf32, #tpu.memory_space<vmem>>, vector<16xf32>,
        %get3A_118 = arith.index_cast %scan3A_96 : i32 to index
        %get3A_119 = arith.constant 16 : index
        %get3A_120 = tpu.vector_load %arg13[%get3A_118, %get3A_119] {strides = array<i32>} : memref<128x64xf32, #tpu.memory_space<vmem>>, vector<16xf32>,
        %add3A_121 = arith.addf %get3A_117, %get3A_120 : vector<16xf32>
        %get3A_122 = arith.index_cast %scan3A_96 : i32 to index
        %get3A_123 = arith.constant 16 : index
        %get3A_124 = tpu.vector_load %arg11[%get3A_122, %get3A_123] {strides = array<i32>} : memref<128x64xf32, #tpu.memory_space<vmem>>, vector<16xf32>,
        %add3A_125 = arith.addf %add3A_121, %get3A_124 : vector<16xf32>
        %neg3A_126 = arith.constant 0.000000e+00 : f32
        %neg3A_127 = vector.broadcast %neg3A_126 : f32 to vector<16xf32>
        %neg3A_128 = arith.subf %neg3A_127, %add3A_125 : vector<16xf32>
        %exp3A_129 = math.exp %neg3A_128 : vector<16xf32>
        %add3A_130 = arith.constant 1.000000e+00 : f32
        %add3A_131 = vector.broadcast %add3A_130 : f32 to vector<16xf32>
        %add3A_132 = arith.addf %add3A_131, %exp3A_129 : vector<16xf32>
        %div3A_133 = arith.divf %add3A_125, %add3A_132 : vector<16xf32>
        %swap3A_134 = arith.index_cast %scan3A_96 : i32 to index
        %swap3A_135 = arith.constant 16 : index
        %swap3A_136 = tpu.vector_load %arg14[%swap3A_134, %swap3A_135] {strides = array<i32>} : memref<128x64xf32, #tpu.memory_space<vmem>>, vector<16xf32>,
        tpu.vector_store %arg14[%swap3A_134, %swap3A_135], %div3A_133 {strides = array<i32>} : memref<128x64xf32, #tpu.memory_space<vmem>>, vector<16xf32>,
        %get3A_137 = arith.index_cast %scan3A_96 : i32 to index
        %get3A_138 = arith.constant 32 : index
        %get3A_139 = tpu.vector_load %arg12[%get3A_137, %get3A_138] {strides = array<i32>} : memref<128x64xf32, #tpu.memory_space<vmem>>, vector<16xf32>,
        %get3A_140 = arith.index_cast %scan3A_96 : i32 to index
        %get3A_141 = arith.constant 32 : index
        %get3A_142 = tpu.vector_load %arg13[%get3A_140, %get3A_141] {strides = array<i32>} : memref<128x64xf32, #tpu.memory_space<vmem>>, vector<16xf32>,
        %add3A_143 = arith.addf %get3A_139, %get3A_142 : vector<16xf32>
        %get3A_144 = arith.index_cast %scan3A_96 : i32 to index
        %get3A_145 = arith.constant 32 : index
        %get3A_146 = tpu.vector_load %arg11[%get3A_144, %get3A_145] {strides = array<i32>} : memref<128x64xf32, #tpu.memory_space<vmem>>, vector<16xf32>,
        %add3A_147 = arith.addf %add3A_143, %get3A_146 : vector<16xf32>
        %neg3A_148 = arith.constant 0.000000e+00 : f32
        %neg3A_149 = vector.broadcast %neg3A_148 : f32 to vector<16xf32>
        %neg3A_150 = arith.subf %neg3A_149, %add3A_147 : vector<16xf32>
        %exp3A_151 = math.exp %neg3A_150 : vector<16xf32>
        %add3A_152 = arith.constant 1.000000e+00 : f32
        %add3A_153 = vector.broadcast %add3A_152 : f32 to vector<16xf32>
        %add3A_154 = arith.addf %add3A_153, %exp3A_151 : vector<16xf32>
        %div3A_155 = arith.divf %add3A_147, %add3A_154 : vector<16xf32>
        %swap3A_156 = arith.index_cast %scan3A_96 : i32 to index
        %swap3A_157 = arith.constant 32 : index
        %swap3A_158 = tpu.vector_load %arg14[%swap3A_156, %swap3A_157] {strides = array<i32>} : memref<128x64xf32, #tpu.memory_space<vmem>>, vector<16xf32>,
        tpu.vector_store %arg14[%swap3A_156, %swap3A_157], %div3A_155 {strides = array<i32>} : memref<128x64xf32, #tpu.memory_space<vmem>>, vector<16xf32>,
        %get3A_159 = arith.index_cast %scan3A_96 : i32 to index
        %get3A_160 = arith.constant 48 : index
        %get3A_161 = tpu.vector_load %arg12[%get3A_159, %get3A_160] {strides = array<i32>} : memref<128x64xf32, #tpu.memory_space<vmem>>, vector<16xf32>,
        %get3A_162 = arith.index_cast %scan3A_96 : i32 to index
        %get3A_163 = arith.constant 48 : index
        %get3A_164 = tpu.vector_load %arg13[%get3A_162, %get3A_163] {strides = array<i32>} : memref<128x64xf32, #tpu.memory_space<vmem>>, vector<16xf32>,
        %add3A_165 = arith.addf %get3A_161, %get3A_164 : vector<16xf32>
        %get3A_166 = arith.index_cast %scan3A_96 : i32 to index
        %get3A_167 = arith.constant 48 : index
        %get3A_168 = tpu.vector_load %arg11[%get3A_166, %get3A_167] {strides = array<i32>} : memref<128x64xf32, #tpu.memory_space<vmem>>, vector<16xf32>,
        %add3A_169 = arith.addf %add3A_165, %get3A_168 : vector<16xf32>
        %neg3A_170 = arith.constant 0.000000e+00 : f32
        %neg3A_171 = vector.broadcast %neg3A_170 : f32 to vector<16xf32>
        %neg3A_172 = arith.subf %neg3A_171, %add3A_169 : vector<16xf32>
        %exp3A_173 = math.exp %neg3A_172 : vector<16xf32>
        %add3A_174 = arith.constant 1.000000e+00 : f32
        %add3A_175 = vector.broadcast %add3A_174 : f32 to vector<16xf32>
        %add3A_176 = arith.addf %add3A_175, %exp3A_173 : vector<16xf32>
        %div3A_177 = arith.divf %add3A_169, %add3A_176 : vector<16xf32>
        %swap3A_178 = arith.index_cast %scan3A_96 : i32 to index
        %swap3A_179 = arith.constant 48 : index
        %swap3A_180 = tpu.vector_load %arg14[%swap3A_178, %swap3A_179] {strides = array<i32>} : memref<128x64xf32, #tpu.memory_space<vmem>>, vector<16xf32>,
        tpu.vector_store %arg14[%swap3A_178, %swap3A_179], %div3A_177 {strides = array<i32>} : memref<128x64xf32, #tpu.memory_space<vmem>>, vector<16xf32>,
        %scan3A_181 = arith.constant 0 : i32
        scf.yield %scan3A_181 : i32
      }
      %scan3A_93 = arith.constant 128 : i32
      %run_scoped3A_94 = arith.constant 0 : i32
      "tpu.region"() ({
        %run_scoped3A_96 = tpu.sem_alloc : memref<!tpu.dma_semaphore, #tpu.memory_space<semaphore_mem>>
        %dma_start3A_97 = arith.constant 0 : i32
        %dma_start3A_98 = tpu.memref_slice %arg10[%run_scoped3A_94, %dma_start3A_97] : memref<1x128xi32, #tpu.memory_space<vmem>> -> memref<1x128xi32, #tpu.memory_space<vmem>>
        %dma_start3A_99 = tpu.memref_squeeze %dma_start3A_98 : memref<1x128xi32, #tpu.memory_space<vmem>> -> memref<128xi32, #tpu.memory_space<vmem>>
        %dma_start3A_100 = arith.constant 0 : i32
        %dma_start3A_101 = arith.constant 0 : i32
        %dma_start3A_102 = tpu.memref_slice %arg15[%dma_start3A_100, %dma_start3A_101] : memref<10240x64xf32, #tpu.memory_space<vmem_shared>> -> memref<10240x64xf32, #tpu.memory_space<vmem_shared>>
        tpu.enqueue_indirect_dma source(%arg14 : memref<128x64xf32, #tpu.memory_space<vmem>>) target(%dma_start3A_102 : memref<10240x64xf32, #tpu.memory_space<vmem_shared>>) offsets(%dma_start3A_99 : memref<128xi32, #tpu.memory_space<vmem>>) semaphore(%run_scoped3A_96 : memref<!tpu.dma_semaphore, #tpu.memory_space<semaphore_mem>>) {add = true}
        %dma_wait3A_103 = arith.constant 0 : i32
        %dma_wait3A_104 = tpu.memref_slice %arg10[%run_scoped3A_94, %dma_wait3A_103] : memref<1x128xi32, #tpu.memory_space<vmem>> -> memref<1x128xi32, #tpu.memory_space<vmem>>
        %dma_wait3A_105 = tpu.memref_squeeze %dma_wait3A_104 : memref<1x128xi32, #tpu.memory_space<vmem>> -> memref<128xi32, #tpu.memory_space<vmem>>
        %dma_wait3A_106 = arith.constant 0 : i32
        %dma_wait3A_107 = arith.constant 0 : i32
        %dma_wait3A_108 = tpu.memref_slice %arg15[%dma_wait3A_106, %dma_wait3A_107] : memref<10240x64xf32, #tpu.memory_space<vmem_shared>> -> memref<10240x64xf32, #tpu.memory_space<vmem_shared>>
        tpu.wait_indirect_dma semaphore(%run_scoped3A_96 : memref<!tpu.dma_semaphore, #tpu.memory_space<semaphore_mem>>) src(%arg14 : memref<128x64xf32, #tpu.memory_space<vmem>>) dst(%dma_wait3A_108 : memref<10240x64xf32, #tpu.memory_space<vmem_shared>>)
        tpu.yield
      }) : () -> ()
      %scan3A_95 = arith.constant 0 : i32
      scf.yield %scan3A_95 : i32
    }
    %scan3A_35 = arith.constant 79 : i32
    %barrier3A_36 = arith.constant 0 : index
    tpu.barrier barrier_id(%barrier3A_36)
    %mul3A_37 = arith.constant 10240 : i32
    %mul3A_38 = arith.muli %arg0, %mul3A_37 : i32
    %mul3A_39 = arith.constant 640 : i32
    %mul3A_40 = arith.muli %arg1, %mul3A_39 : i32
    %add3A_41 = arith.addi %mul3A_38, %mul3A_40 : i32
    %mul3A_42 = arith.constant 640 : i32
    %mul3A_43 = arith.muli %arg1, %mul3A_42 : i32
    %add3A_44 = arith.constant 0 : i32
    %add3A_45 = arith.addi %mul3A_43, %add3A_44 : i32
    "tpu.region"() ({
      %run_scoped3A = tpu.sem_alloc : memref<!tpu.dma_semaphore, #tpu.memory_space<semaphore_mem>>
      %dma_start3A = arith.constant 0 : i32
      %dma_start3A_72 = tpu.memref_slice %arg15[%add3A_45, %dma_start3A] : memref<10240x64xf32, #tpu.memory_space<vmem_shared>> -> memref<128x64xf32, #tpu.memory_space<vmem_shared>>
      %dma_start3A_73 = arith.constant 0 : i32
      %dma_start3A_74 = tpu.memref_slice %arg15[%add3A_45, %dma_start3A_73] : memref<10240x64xf32, #tpu.memory_space<vmem_shared>> -> memref<128x64xf32, #tpu.memory_space<vmem_shared>>
      tpu.enqueue_dma source(%dma_start3A_74 : memref<128x64xf32, #tpu.memory_space<vmem_shared>>) target(%arg14 : memref<128x64xf32, #tpu.memory_space<vmem>>) target_semaphore(%run_scoped3A : memref<!tpu.dma_semaphore, #tpu.memory_space<semaphore_mem>>)
      %dma_wait3A = arith.constant 0 : i32
      %dma_wait3A_75 = tpu.memref_slice %arg15[%add3A_45, %dma_wait3A] : memref<10240x64xf32, #tpu.memory_space<vmem_shared>> -> memref<128x64xf32, #tpu.memory_space<vmem_shared>>
      %dma_wait3A_76 = arith.constant 0 : i32
      %dma_wait3A_77 = tpu.memref_slice %arg15[%add3A_45, %dma_wait3A_76] : memref<10240x64xf32, #tpu.memory_space<vmem_shared>> -> memref<128x64xf32, #tpu.memory_space<vmem_shared>>
      tpu.wait_dma2 semaphore(%run_scoped3A : memref<!tpu.dma_semaphore, #tpu.memory_space<semaphore_mem>>) src(%dma_wait3A_77 : memref<128x64xf32, #tpu.memory_space<vmem_shared>>) dst(%arg14 : memref<128x64xf32, #tpu.memory_space<vmem>>)
      tpu.yield
    }) : () -> ()
    %add3A_46 = arith.constant 0 : i32
    %add3A_47 = arith.addi %add3A_41, %add3A_46 : i32
    "tpu.region"() ({
      %run_scoped3A = tpu.sem_alloc : memref<!tpu.dma_semaphore, #tpu.memory_space<semaphore_mem>>
      %dma_start3A = arith.constant 0 : i32
      %dma_start3A_72 = tpu.memref_slice %arg7[%add3A_47, %dma_start3A] : memref<20480x64xf32, #tpu.memory_space<hbm>> -> memref<128x64xf32, #tpu.memory_space<hbm>>
      %dma_start3A_73 = arith.constant 0 : i32
      %dma_start3A_74 = tpu.memref_slice %arg7[%add3A_47, %dma_start3A_73] : memref<20480x64xf32, #tpu.memory_space<hbm>> -> memref<128x64xf32, #tpu.memory_space<hbm>>
      tpu.enqueue_dma source(%arg14 : memref<128x64xf32, #tpu.memory_space<vmem>>) target(%dma_start3A_74 : memref<128x64xf32, #tpu.memory_space<hbm>>) target_semaphore(%run_scoped3A : memref<!tpu.dma_semaphore, #tpu.memory_space<semaphore_mem>>)
      %dma_wait3A = arith.constant 0 : i32
      %dma_wait3A_75 = tpu.memref_slice %arg7[%add3A_47, %dma_wait3A] : memref<20480x64xf32, #tpu.memory_space<hbm>> -> memref<128x64xf32, #tpu.memory_space<hbm>>
      %dma_wait3A_76 = arith.constant 0 : i32
      %dma_wait3A_77 = tpu.memref_slice %arg7[%add3A_47, %dma_wait3A_76] : memref<20480x64xf32, #tpu.memory_space<hbm>> -> memref<128x64xf32, #tpu.memory_space<hbm>>
      tpu.wait_dma2 semaphore(%run_scoped3A : memref<!tpu.dma_semaphore, #tpu.memory_space<semaphore_mem>>) src(%arg14 : memref<128x64xf32, #tpu.memory_space<vmem>>) dst(%dma_wait3A_77 : memref<128x64xf32, #tpu.memory_space<hbm>>)
      tpu.yield
    }) : () -> ()
    %mul3A_48 = arith.constant 640 : i32
    %mul3A_49 = arith.muli %arg1, %mul3A_48 : i32
    %add3A_50 = arith.constant 128 : i32
    %add3A_51 = arith.addi %mul3A_49, %add3A_50 : i32
    "tpu.region"() ({
      %run_scoped3A = tpu.sem_alloc : memref<!tpu.dma_semaphore, #tpu.memory_space<semaphore_mem>>
      %dma_start3A = arith.constant 0 : i32
      %dma_start3A_72 = tpu.memref_slice %arg15[%add3A_51, %dma_start3A] : memref<10240x64xf32, #tpu.memory_space<vmem_shared>> -> memref<128x64xf32, #tpu.memory_space<vmem_shared>>
      %dma_start3A_73 = arith.constant 0 : i32
      %dma_start3A_74 = tpu.memref_slice %arg15[%add3A_51, %dma_start3A_73] : memref<10240x64xf32, #tpu.memory_space<vmem_shared>> -> memref<128x64xf32, #tpu.memory_space<vmem_shared>>
      tpu.enqueue_dma source(%dma_start3A_74 : memref<128x64xf32, #tpu.memory_space<vmem_shared>>) target(%arg14 : memref<128x64xf32, #tpu.memory_space<vmem>>) target_semaphore(%run_scoped3A : memref<!tpu.dma_semaphore, #tpu.memory_space<semaphore_mem>>)
      %dma_wait3A = arith.constant 0 : i32
      %dma_wait3A_75 = tpu.memref_slice %arg15[%add3A_51, %dma_wait3A] : memref<10240x64xf32, #tpu.memory_space<vmem_shared>> -> memref<128x64xf32, #tpu.memory_space<vmem_shared>>
      %dma_wait3A_76 = arith.constant 0 : i32
      %dma_wait3A_77 = tpu.memref_slice %arg15[%add3A_51, %dma_wait3A_76] : memref<10240x64xf32, #tpu.memory_space<vmem_shared>> -> memref<128x64xf32, #tpu.memory_space<vmem_shared>>
      tpu.wait_dma2 semaphore(%run_scoped3A : memref<!tpu.dma_semaphore, #tpu.memory_space<semaphore_mem>>) src(%dma_wait3A_77 : memref<128x64xf32, #tpu.memory_space<vmem_shared>>) dst(%arg14 : memref<128x64xf32, #tpu.memory_space<vmem>>)
      tpu.yield
    }) : () -> ()
    %add3A_52 = arith.constant 128 : i32
    %add3A_53 = arith.addi %add3A_41, %add3A_52 : i32
    "tpu.region"() ({
      %run_scoped3A = tpu.sem_alloc : memref<!tpu.dma_semaphore, #tpu.memory_space<semaphore_mem>>
      %dma_start3A = arith.constant 0 : i32
      %dma_start3A_72 = tpu.memref_slice %arg7[%add3A_53, %dma_start3A] : memref<20480x64xf32, #tpu.memory_space<hbm>> -> memref<128x64xf32, #tpu.memory_space<hbm>>
      %dma_start3A_73 = arith.constant 0 : i32
      %dma_start3A_74 = tpu.memref_slice %arg7[%add3A_53, %dma_start3A_73] : memref<20480x64xf32, #tpu.memory_space<hbm>> -> memref<128x64xf32, #tpu.memory_space<hbm>>
      tpu.enqueue_dma source(%arg14 : memref<128x64xf32, #tpu.memory_space<vmem>>) target(%dma_start3A_74 : memref<128x64xf32, #tpu.memory_space<hbm>>) target_semaphore(%run_scoped3A : memref<!tpu.dma_semaphore, #tpu.memory_space<semaphore_mem>>)
      %dma_wait3A = arith.constant 0 : i32
      %dma_wait3A_75 = tpu.memref_slice %arg7[%add3A_53, %dma_wait3A] : memref<20480x64xf32, #tpu.memory_space<hbm>> -> memref<128x64xf32, #tpu.memory_space<hbm>>
      %dma_wait3A_76 = arith.constant 0 : i32
      %dma_wait3A_77 = tpu.memref_slice %arg7[%add3A_53, %dma_wait3A_76] : memref<20480x64xf32, #tpu.memory_space<hbm>> -> memref<128x64xf32, #tpu.memory_space<hbm>>
      tpu.wait_dma2 semaphore(%run_scoped3A : memref<!tpu.dma_semaphore, #tpu.memory_space<semaphore_mem>>) src(%arg14 : memref<128x64xf32, #tpu.memory_space<vmem>>) dst(%dma_wait3A_77 : memref<128x64xf32, #tpu.memory_space<hbm>>)
      tpu.yield
    }) : () -> ()
    %mul3A_54 = arith.constant 640 : i32
    %mul3A_55 = arith.muli %arg1, %mul3A_54 : i32
    %add3A_56 = arith.constant 256 : i32
    %add3A_57 = arith.addi %mul3A_55, %add3A_56 : i32
    "tpu.region"() ({
      %run_scoped3A = tpu.sem_alloc : memref<!tpu.dma_semaphore, #tpu.memory_space<semaphore_mem>>
      %dma_start3A = arith.constant 0 : i32
      %dma_start3A_72 = tpu.memref_slice %arg15[%add3A_57, %dma_start3A] : memref<10240x64xf32, #tpu.memory_space<vmem_shared>> -> memref<128x64xf32, #tpu.memory_space<vmem_shared>>
      %dma_start3A_73 = arith.constant 0 : i32
      %dma_start3A_74 = tpu.memref_slice %arg15[%add3A_57, %dma_start3A_73] : memref<10240x64xf32, #tpu.memory_space<vmem_shared>> -> memref<128x64xf32, #tpu.memory_space<vmem_shared>>
      tpu.enqueue_dma source(%dma_start3A_74 : memref<128x64xf32, #tpu.memory_space<vmem_shared>>) target(%arg14 : memref<128x64xf32, #tpu.memory_space<vmem>>) target_semaphore(%run_scoped3A : memref<!tpu.dma_semaphore, #tpu.memory_space<semaphore_mem>>)
      %dma_wait3A = arith.constant 0 : i32
      %dma_wait3A_75 = tpu.memref_slice %arg15[%add3A_57, %dma_wait3A] : memref<10240x64xf32, #tpu.memory_space<vmem_shared>> -> memref<128x64xf32, #tpu.memory_space<vmem_shared>>
      %dma_wait3A_76 = arith.constant 0 : i32
      %dma_wait3A_77 = tpu.memref_slice %arg15[%add3A_57, %dma_wait3A_76] : memref<10240x64xf32, #tpu.memory_space<vmem_shared>> -> memref<128x64xf32, #tpu.memory_space<vmem_shared>>
      tpu.wait_dma2 semaphore(%run_scoped3A : memref<!tpu.dma_semaphore, #tpu.memory_space<semaphore_mem>>) src(%dma_wait3A_77 : memref<128x64xf32, #tpu.memory_space<vmem_shared>>) dst(%arg14 : memref<128x64xf32, #tpu.memory_space<vmem>>)
      tpu.yield
    }) : () -> ()
    %add3A_58 = arith.constant 256 : i32
    %add3A_59 = arith.addi %add3A_41, %add3A_58 : i32
    "tpu.region"() ({
      %run_scoped3A = tpu.sem_alloc : memref<!tpu.dma_semaphore, #tpu.memory_space<semaphore_mem>>
      %dma_start3A = arith.constant 0 : i32
      %dma_start3A_72 = tpu.memref_slice %arg7[%add3A_59, %dma_start3A] : memref<20480x64xf32, #tpu.memory_space<hbm>> -> memref<128x64xf32, #tpu.memory_space<hbm>>
      %dma_start3A_73 = arith.constant 0 : i32
      %dma_start3A_74 = tpu.memref_slice %arg7[%add3A_59, %dma_start3A_73] : memref<20480x64xf32, #tpu.memory_space<hbm>> -> memref<128x64xf32, #tpu.memory_space<hbm>>
      tpu.enqueue_dma source(%arg14 : memref<128x64xf32, #tpu.memory_space<vmem>>) target(%dma_start3A_74 : memref<128x64xf32, #tpu.memory_space<hbm>>) target_semaphore(%run_scoped3A : memref<!tpu.dma_semaphore, #tpu.memory_space<semaphore_mem>>)
      %dma_wait3A = arith.constant 0 : i32
      %dma_wait3A_75 = tpu.memref_slice %arg7[%add3A_59, %dma_wait3A] : memref<20480x64xf32, #tpu.memory_space<hbm>> -> memref<128x64xf32, #tpu.memory_space<hbm>>
      %dma_wait3A_76 = arith.constant 0 : i32
      %dma_wait3A_77 = tpu.memref_slice %arg7[%add3A_59, %dma_wait3A_76] : memref<20480x64xf32, #tpu.memory_space<hbm>> -> memref<128x64xf32, #tpu.memory_space<hbm>>
      tpu.wait_dma2 semaphore(%run_scoped3A : memref<!tpu.dma_semaphore, #tpu.memory_space<semaphore_mem>>) src(%arg14 : memref<128x64xf32, #tpu.memory_space<vmem>>) dst(%dma_wait3A_77 : memref<128x64xf32, #tpu.memory_space<hbm>>)
      tpu.yield
    }) : () -> ()
    %mul3A_60 = arith.constant 640 : i32
    %mul3A_61 = arith.muli %arg1, %mul3A_60 : i32
    %add3A_62 = arith.constant 384 : i32
    %add3A_63 = arith.addi %mul3A_61, %add3A_62 : i32
    "tpu.region"() ({
      %run_scoped3A = tpu.sem_alloc : memref<!tpu.dma_semaphore, #tpu.memory_space<semaphore_mem>>
      %dma_start3A = arith.constant 0 : i32
      %dma_start3A_72 = tpu.memref_slice %arg15[%add3A_63, %dma_start3A] : memref<10240x64xf32, #tpu.memory_space<vmem_shared>> -> memref<128x64xf32, #tpu.memory_space<vmem_shared>>
      %dma_start3A_73 = arith.constant 0 : i32
      %dma_start3A_74 = tpu.memref_slice %arg15[%add3A_63, %dma_start3A_73] : memref<10240x64xf32, #tpu.memory_space<vmem_shared>> -> memref<128x64xf32, #tpu.memory_space<vmem_shared>>
      tpu.enqueue_dma source(%dma_start3A_74 : memref<128x64xf32, #tpu.memory_space<vmem_shared>>) target(%arg14 : memref<128x64xf32, #tpu.memory_space<vmem>>) target_semaphore(%run_scoped3A : memref<!tpu.dma_semaphore, #tpu.memory_space<semaphore_mem>>)
      %dma_wait3A = arith.constant 0 : i32
      %dma_wait3A_75 = tpu.memref_slice %arg15[%add3A_63, %dma_wait3A] : memref<10240x64xf32, #tpu.memory_space<vmem_shared>> -> memref<128x64xf32, #tpu.memory_space<vmem_shared>>
      %dma_wait3A_76 = arith.constant 0 : i32
      %dma_wait3A_77 = tpu.memref_slice %arg15[%add3A_63, %dma_wait3A_76] : memref<10240x64xf32, #tpu.memory_space<vmem_shared>> -> memref<128x64xf32, #tpu.memory_space<vmem_shared>>
      tpu.wait_dma2 semaphore(%run_scoped3A : memref<!tpu.dma_semaphore, #tpu.memory_space<semaphore_mem>>) src(%dma_wait3A_77 : memref<128x64xf32, #tpu.memory_space<vmem_shared>>) dst(%arg14 : memref<128x64xf32, #tpu.memory_space<vmem>>)
      tpu.yield
    }) : () -> ()
    %add3A_64 = arith.constant 384 : i32
    %add3A_65 = arith.addi %add3A_41, %add3A_64 : i32
    "tpu.region"() ({
      %run_scoped3A = tpu.sem_alloc : memref<!tpu.dma_semaphore, #tpu.memory_space<semaphore_mem>>
      %dma_start3A = arith.constant 0 : i32
      %dma_start3A_72 = tpu.memref_slice %arg7[%add3A_65, %dma_start3A] : memref<20480x64xf32, #tpu.memory_space<hbm>> -> memref<128x64xf32, #tpu.memory_space<hbm>>
      %dma_start3A_73 = arith.constant 0 : i32
      %dma_start3A_74 = tpu.memref_slice %arg7[%add3A_65, %dma_start3A_73] : memref<20480x64xf32, #tpu.memory_space<hbm>> -> memref<128x64xf32, #tpu.memory_space<hbm>>
      tpu.enqueue_dma source(%arg14 : memref<128x64xf32, #tpu.memory_space<vmem>>) target(%dma_start3A_74 : memref<128x64xf32, #tpu.memory_space<hbm>>) target_semaphore(%run_scoped3A : memref<!tpu.dma_semaphore, #tpu.memory_space<semaphore_mem>>)
      %dma_wait3A = arith.constant 0 : i32
      %dma_wait3A_75 = tpu.memref_slice %arg7[%add3A_65, %dma_wait3A] : memref<20480x64xf32, #tpu.memory_space<hbm>> -> memref<128x64xf32, #tpu.memory_space<hbm>>
      %dma_wait3A_76 = arith.constant 0 : i32
      %dma_wait3A_77 = tpu.memref_slice %arg7[%add3A_65, %dma_wait3A_76] : memref<20480x64xf32, #tpu.memory_space<hbm>> -> memref<128x64xf32, #tpu.memory_space<hbm>>
      tpu.wait_dma2 semaphore(%run_scoped3A : memref<!tpu.dma_semaphore, #tpu.memory_space<semaphore_mem>>) src(%arg14 : memref<128x64xf32, #tpu.memory_space<vmem>>) dst(%dma_wait3A_77 : memref<128x64xf32, #tpu.memory_space<hbm>>)
      tpu.yield
    }) : () -> ()
    %mul3A_66 = arith.constant 640 : i32
    %mul3A_67 = arith.muli %arg1, %mul3A_66 : i32
    %add3A_68 = arith.constant 512 : i32
    %add3A_69 = arith.addi %mul3A_67, %add3A_68 : i32
    "tpu.region"() ({
      %run_scoped3A = tpu.sem_alloc : memref<!tpu.dma_semaphore, #tpu.memory_space<semaphore_mem>>
      %dma_start3A = arith.constant 0 : i32
      %dma_start3A_72 = tpu.memref_slice %arg15[%add3A_69, %dma_start3A] : memref<10240x64xf32, #tpu.memory_space<vmem_shared>> -> memref<128x64xf32, #tpu.memory_space<vmem_shared>>
      %dma_start3A_73 = arith.constant 0 : i32
      %dma_start3A_74 = tpu.memref_slice %arg15[%add3A_69, %dma_start3A_73] : memref<10240x64xf32, #tpu.memory_space<vmem_shared>> -> memref<128x64xf32, #tpu.memory_space<vmem_shared>>
      tpu.enqueue_dma source(%dma_start3A_74 : memref<128x64xf32, #tpu.memory_space<vmem_shared>>) target(%arg14 : memref<128x64xf32, #tpu.memory_space<vmem>>) target_semaphore(%run_scoped3A : memref<!tpu.dma_semaphore, #tpu.memory_space<semaphore_mem>>)
      %dma_wait3A = arith.constant 0 : i32
      %dma_wait3A_75 = tpu.memref_slice %arg15[%add3A_69, %dma_wait3A] : memref<10240x64xf32, #tpu.memory_space<vmem_shared>> -> memref<128x64xf32, #tpu.memory_space<vmem_shared>>
      %dma_wait3A_76 = arith.constant 0 : i32
      %dma_wait3A_77 = tpu.memref_slice %arg15[%add3A_69, %dma_wait3A_76] : memref<10240x64xf32, #tpu.memory_space<vmem_shared>> -> memref<128x64xf32, #tpu.memory_space<vmem_shared>>
      tpu.wait_dma2 semaphore(%run_scoped3A : memref<!tpu.dma_semaphore, #tpu.memory_space<semaphore_mem>>) src(%dma_wait3A_77 : memref<128x64xf32, #tpu.memory_space<vmem_shared>>) dst(%arg14 : memref<128x64xf32, #tpu.memory_space<vmem>>)
      tpu.yield
    }) : () -> ()
    %add3A_70 = arith.constant 512 : i32
    %add3A_71 = arith.addi %add3A_41, %add3A_70 : i32
    "tpu.region"() ({
      %run_scoped3A = tpu.sem_alloc : memref<!tpu.dma_semaphore, #tpu.memory_space<semaphore_mem>>
      %dma_start3A = arith.constant 0 : i32
      %dma_start3A_72 = tpu.memref_slice %arg7[%add3A_71, %dma_start3A] : memref<20480x64xf32, #tpu.memory_space<hbm>> -> memref<128x64xf32, #tpu.memory_space<hbm>>
      %dma_start3A_73 = arith.constant 0 : i32
      %dma_start3A_74 = tpu.memref_slice %arg7[%add3A_71, %dma_start3A_73] : memref<20480x64xf32, #tpu.memory_space<hbm>> -> memref<128x64xf32, #tpu.memory_space<hbm>>
      tpu.enqueue_dma source(%arg14 : memref<128x64xf32, #tpu.memory_space<vmem>>) target(%dma_start3A_74 : memref<128x64xf32, #tpu.memory_space<hbm>>) target_semaphore(%run_scoped3A : memref<!tpu.dma_semaphore, #tpu.memory_space<semaphore_mem>>)
      %dma_wait3A = arith.constant 0 : i32
      %dma_wait3A_75 = tpu.memref_slice %arg7[%add3A_71, %dma_wait3A] : memref<20480x64xf32, #tpu.memory_space<hbm>> -> memref<128x64xf32, #tpu.memory_space<hbm>>
      %dma_wait3A_76 = arith.constant 0 : i32
      %dma_wait3A_77 = tpu.memref_slice %arg7[%add3A_71, %dma_wait3A_76] : memref<20480x64xf32, #tpu.memory_space<hbm>> -> memref<128x64xf32, #tpu.memory_space<hbm>>
      tpu.wait_dma2 semaphore(%run_scoped3A : memref<!tpu.dma_semaphore, #tpu.memory_space<semaphore_mem>>) src(%arg14 : memref<128x64xf32, #tpu.memory_space<vmem>>) dst(%dma_wait3A_77 : memref<128x64xf32, #tpu.memory_space<hbm>>)
      tpu.yield
    }) : () -> ()
    return
  }
}

module attributes {stable_mosaic.version = 14 : i64} {
  func.func @_pq_body(%arg0: i32, %arg1: memref<1024x128xf32, #tpu.memory_space<vmem>>, %arg2: memref<128x64xf32, #tpu.memory_space<vmem>>, %arg3: memref<128x64xf32, #tpu.memory_space<vmem>>, %arg4: memref<1x64xf32, #tpu.memory_space<vmem>>, %arg5: memref<1x64xf32, #tpu.memory_space<vmem>>, %arg6: memref<1024x64xf32, #tpu.memory_space<vmem>>, %arg7: memref<1024x64xf32, #tpu.memory_space<vmem>>) attributes {dimension_semantics = [#tpu.dimension_semantics<arbitrary>], iteration_bounds = array<i64: 10>, scalar_prefetch = 0 : i64, scratch_operands = 0 : i64, tpu.core_type = #tpu.core_type<tc>, window_params = [{transform_indices = @transform_0, window_bounds = array<i64: 1024, 128>}, {pipeline_mode = #tpu.pipeline_mode<synchronous>, transform_indices = @transform_1, window_bounds = array<i64: 128, 64>}, {pipeline_mode = #tpu.pipeline_mode<synchronous>, transform_indices = @transform_2, window_bounds = array<i64: 128, 64>}, {pipeline_mode = #tpu.pipeline_mode<synchronous>, transform_indices = @transform_3, window_bounds = array<i64: 1, 64>}, {pipeline_mode = #tpu.pipeline_mode<synchronous>, transform_indices = @transform_4, window_bounds = array<i64: 1, 64>}, {transform_indices = @transform_5, window_bounds = array<i64: 1024, 64>}, {transform_indices = @transform_6, window_bounds = array<i64: 1024, 64>}]} {
    %get3A = arith.constant 0 : index
    %get3A_0 = arith.constant 0 : index
    %get3A_1 = vector.load %arg1[%get3A, %get3A_0] : memref<1024x128xf32, #tpu.memory_space<vmem>>, vector<1024x128xf32>
    %get3A_2 = arith.constant 0 : index
    %get3A_3 = arith.constant 0 : index
    %get3A_4 = vector.load %arg2[%get3A_2, %get3A_3] : memref<128x64xf32, #tpu.memory_space<vmem>>, vector<128x64xf32>
    %dot_general3A = arith.constant dense<0.000000e+00> : vector<1024x64xf32>
    %dot_general3A_5 = tpu.matmul %get3A_1, %get3A_4, %dot_general3A {dimension_numbers = #tpu.dot_dimension_numbers<[1], [0], [0], [1], [0, 0, 1, 1], [], []>, transpose_lhs_hint = false} : vector<1024x128xf32>, vector<128x64xf32>, vector<1024x64xf32> -> vector<1024x64xf32>
    %get3A_6 = arith.constant 0 : index
    %get3A_7 = arith.constant 0 : index
    %get3A_8 = vector.load %arg4[%get3A_6, %get3A_7] : memref<1x64xf32, #tpu.memory_space<vmem>>, vector<1x64xf32>
    %add3A = vector.broadcast %get3A_8 : vector<1x64xf32> to vector<1024x64xf32>
    %add3A_9 = arith.addf %dot_general3A_5, %add3A : vector<1024x64xf32>
    %swap3A = arith.constant 0 : index
    %swap3A_10 = arith.constant 0 : index
    %swap3A_11 = vector.load %arg6[%swap3A, %swap3A_10] : memref<1024x64xf32, #tpu.memory_space<vmem>>, vector<1024x64xf32>
    tpu.vector_store %arg6[%swap3A, %swap3A_10], %add3A_9 {strides = array<i32>} : memref<1024x64xf32, #tpu.memory_space<vmem>>, vector<1024x64xf32>,
    %get3A_12 = arith.constant 0 : index
    %get3A_13 = arith.constant 0 : index
    %get3A_14 = vector.load %arg3[%get3A_12, %get3A_13] : memref<128x64xf32, #tpu.memory_space<vmem>>, vector<128x64xf32>
    %dot_general3A_15 = arith.constant dense<0.000000e+00> : vector<1024x64xf32>
    %dot_general3A_16 = tpu.matmul %get3A_1, %get3A_14, %dot_general3A_15 {dimension_numbers = #tpu.dot_dimension_numbers<[1], [0], [0], [1], [0, 0, 1, 1], [], []>, transpose_lhs_hint = false} : vector<1024x128xf32>, vector<128x64xf32>, vector<1024x64xf32> -> vector<1024x64xf32>
    %get3A_17 = arith.constant 0 : index
    %get3A_18 = arith.constant 0 : index
    %get3A_19 = vector.load %arg5[%get3A_17, %get3A_18] : memref<1x64xf32, #tpu.memory_space<vmem>>, vector<1x64xf32>
    %add3A_20 = vector.broadcast %get3A_19 : vector<1x64xf32> to vector<1024x64xf32>
    %add3A_21 = arith.addf %dot_general3A_16, %add3A_20 : vector<1024x64xf32>
    %swap3A_22 = arith.constant 0 : index
    %swap3A_23 = arith.constant 0 : index
    %swap3A_24 = vector.load %arg7[%swap3A_22, %swap3A_23] : memref<1024x64xf32, #tpu.memory_space<vmem>>, vector<1024x64xf32>
    tpu.vector_store %arg7[%swap3A_22, %swap3A_23], %add3A_21 {strides = array<i32>} : memref<1024x64xf32, #tpu.memory_space<vmem>>, vector<1024x64xf32>,
    return
  }
  func.func @transform_0(%arg0: i32) -> (i32, i32) {
    %c0_i32 = arith.constant 0 : i32
    %c0_i32_0 = arith.constant 0 : i32
    return %arg0, %c0_i32 : i32, i32
  }
  func.func @transform_1(%arg0: i32) -> (i32, i32) {
    %c0_i32 = arith.constant 0 : i32
    %c0_i32_0 = arith.constant 0 : i32
    %c0_i32_1 = arith.constant 0 : i32
    return %c0_i32, %c0_i32_0 : i32, i32
  }
  func.func @transform_2(%arg0: i32) -> (i32, i32) {
    %c0_i32 = arith.constant 0 : i32
    %c0_i32_0 = arith.constant 0 : i32
    %c0_i32_1 = arith.constant 0 : i32
    return %c0_i32, %c0_i32_0 : i32, i32
  }
  func.func @transform_3(%arg0: i32) -> (i32, i32) {
    %c0_i32 = arith.constant 0 : i32
    %c0_i32_0 = arith.constant 0 : i32
    %c0_i32_1 = arith.constant 0 : i32
    return %c0_i32, %c0_i32_0 : i32, i32
  }
  func.func @transform_4(%arg0: i32) -> (i32, i32) {
    %c0_i32 = arith.constant 0 : i32
    %c0_i32_0 = arith.constant 0 : i32
    %c0_i32_1 = arith.constant 0 : i32
    return %c0_i32, %c0_i32_0 : i32, i32
  }
  func.func @transform_5(%arg0: i32) -> (i32, i32) {
    %c0_i32 = arith.constant 0 : i32
    %c0_i32_0 = arith.constant 0 : i32
    return %arg0, %c0_i32 : i32, i32
  }
  func.func @transform_6(%arg0: i32) -> (i32, i32) {
    %c0_i32 = arith.constant 0 : i32
    %c0_i32_0 = arith.constant 0 : i32
    return %arg0, %c0_i32 : i32, i32
  }
}

module attributes {stable_mosaic.version = 14 : i64} {
  func.func @_t_body(%arg0: i32, %arg1: i32, %arg2: memref<1024x1xf32, #tpu.memory_space<vmem>>, %arg3: memref<1x64x64xf32, #tpu.memory_space<vmem>>, %arg4: memref<1x1x64xf32, #tpu.memory_space<vmem>>, %arg5: memref<1024x64xf32, #tpu.memory_space<vmem>>) attributes {dimension_semantics = [#tpu.dimension_semantics<arbitrary>, #tpu.dimension_semantics<arbitrary>], iteration_bounds = array<i64: 4, 316>, scalar_prefetch = 0 : i64, scratch_operands = 0 : i64, tpu.core_type = #tpu.core_type<tc>, window_params = [{transform_indices = @transform_0, window_bounds = array<i64: 1024, 1>}, {transform_indices = @transform_1, window_bounds = array<i64: 1, 64, 64>}, {transform_indices = @transform_2, window_bounds = array<i64: 1, 1, 64>}, {transform_indices = @transform_3, window_bounds = array<i64: 1024, 64>}]} {
    %get3A = arith.constant 0 : index
    %get3A_0 = arith.constant 0 : index
    %get3A_1 = vector.load %arg2[%get3A, %get3A_0] : memref<1024x1xf32, #tpu.memory_space<vmem>>, vector<1024x1xf32>
    %sqrt3A = math.sqrt %get3A_1 : vector<1024x1xf32>
    %iota3A = tpu.iota {dimensions = array<i32: 1>} : vector<1x64xi32>
    %convert_element_type3A = arith.sitofp %iota3A : vector<1x64xi32> to vector<1x64xf32>
    %mul3A = arith.constant 0.095238097 : f32
    %mul3A_2 = vector.broadcast %mul3A : f32 to vector<1x64xf32>
    %mul3A_3 = arith.mulf %convert_element_type3A, %mul3A_2 : vector<1x64xf32>
    %sub3A = vector.broadcast %sqrt3A : vector<1024x1xf32> to vector<1024x64xf32>
    %sub3A_4 = vector.broadcast %mul3A_3 : vector<1x64xf32> to vector<1024x64xf32>
    %sub3A_5 = arith.subf %sub3A, %sub3A_4 : vector<1024x64xf32>
    %mul3A_6 = arith.constant -1.000000e+01 : f32
    %mul3A_7 = vector.broadcast %mul3A_6 : f32 to vector<1024x64xf32>
    %mul3A_8 = arith.mulf %mul3A_7, %sub3A_5 : vector<1024x64xf32>
    %mul3A_9 = arith.mulf %mul3A_8, %sub3A_5 : vector<1024x64xf32>
    %exp3A = math.exp %mul3A_9 : vector<1024x64xf32>
    %get3A_10 = arith.constant 0 : index
    %get3A_11 = arith.constant 0 : index
    %get3A_12 = arith.constant 0 : index
    %get3A_13 = vector.load %arg3[%get3A_10, %get3A_11, %get3A_12] : memref<1x64x64xf32, #tpu.memory_space<vmem>>, vector<1x64x64xf32>
    %get3A_14 = vector.shape_cast %get3A_13 : vector<1x64x64xf32> to vector<64x64xf32>
    %dot_general3A = arith.constant dense<0.000000e+00> : vector<1024x64xf32>
    %dot_general3A_15 = tpu.matmul %exp3A, %get3A_14, %dot_general3A {dimension_numbers = #tpu.dot_dimension_numbers<[1], [0], [0], [1], [0, 0, 1, 1], [], []>, transpose_lhs_hint = false} : vector<1024x64xf32>, vector<64x64xf32>, vector<1024x64xf32> -> vector<1024x64xf32>
    %get3A_16 = arith.constant 0 : index
    %get3A_17 = arith.constant 0 : index
    %get3A_18 = arith.constant 0 : index
    %get3A_19 = vector.load %arg4[%get3A_16, %get3A_17, %get3A_18] : memref<1x1x64xf32, #tpu.memory_space<vmem>>, vector<1x1x64xf32>
    %get3A_20 = vector.shape_cast %get3A_19 : vector<1x1x64xf32> to vector<1x64xf32>
    %add3A = vector.broadcast %get3A_20 : vector<1x64xf32> to vector<1024x64xf32>
    %add3A_21 = arith.addf %dot_general3A_15, %add3A : vector<1024x64xf32>
    %swap3A = arith.constant 0 : index
    %swap3A_22 = arith.constant 0 : index
    %swap3A_23 = vector.load %arg5[%swap3A, %swap3A_22] : memref<1024x64xf32, #tpu.memory_space<vmem>>, vector<1024x64xf32>
    tpu.vector_store %arg5[%swap3A, %swap3A_22], %add3A_21 {strides = array<i32>} : memref<1024x64xf32, #tpu.memory_space<vmem>>, vector<1024x64xf32>,
    return
  }
  func.func @transform_0(%arg0: i32, %arg1: i32) -> (i32, i32) {
    %c0_i32 = arith.constant 0 : i32
    %c0_i32_0 = arith.constant 0 : i32
    return %arg1, %c0_i32 : i32, i32
  }
  func.func @transform_1(%arg0: i32, %arg1: i32) -> (i32, i32, i32) {
    %c0_i32 = arith.constant 0 : i32
    %c0_i32_0 = arith.constant 0 : i32
    %c0_i32_1 = arith.constant 0 : i32
    return %arg0, %c0_i32, %c0_i32_0 : i32, i32, i32
  }
  func.func @transform_2(%arg0: i32, %arg1: i32) -> (i32, i32, i32) {
    %c0_i32 = arith.constant 0 : i32
    %c0_i32_0 = arith.constant 0 : i32
    %c0_i32_1 = arith.constant 0 : i32
    return %arg0, %c0_i32, %c0_i32_0 : i32, i32, i32
  }
  func.func @transform_3(%arg0: i32, %arg1: i32) -> (i32, i32) {
    %mul3A = arith.constant 316 : i32
    %mul3A_0 = arith.muli %arg0, %mul3A : i32
    %add3A = arith.addi %mul3A_0, %arg1 : i32
    %c0_i32 = arith.constant 0 : i32
    %c0_i32_1 = arith.constant 0 : i32
    return %add3A, %c0_i32 : i32, i32
  }
}

module attributes {stable_mosaic.version = 14 : i64} {
  func.func @_upd_body(%arg0: i32, %arg1: memref<1024x64xf32, #tpu.memory_space<vmem>>, %arg2: memref<1024x64xf32, #tpu.memory_space<vmem>>, %arg3: memref<1024x1xf32, #tpu.memory_space<vmem>>, %arg4: memref<1024x1xf32, #tpu.memory_space<vmem>>, %arg5: memref<64x64xf32, #tpu.memory_space<vmem>>, %arg6: memref<1x64xf32, #tpu.memory_space<vmem>>, %arg7: memref<1x64xf32, #tpu.memory_space<vmem>>, %arg8: memref<64x128xf32, #tpu.memory_space<vmem>>, %arg9: memref<1x128xf32, #tpu.memory_space<vmem>>, %arg10: memref<1024x128xf32, #tpu.memory_space<vmem>>) attributes {dimension_semantics = [#tpu.dimension_semantics<arbitrary>], iteration_bounds = array<i64: 10>, scalar_prefetch = 0 : i64, scratch_operands = 0 : i64, tpu.core_type = #tpu.core_type<tc>, window_params = [{transform_indices = @transform_0, window_bounds = array<i64: 1024, 64>}, {transform_indices = @transform_1, window_bounds = array<i64: 1024, 64>}, {transform_indices = @transform_2, window_bounds = array<i64: 1024, 1>}, {transform_indices = @transform_3, window_bounds = array<i64: 1024, 1>}, {pipeline_mode = #tpu.pipeline_mode<synchronous>, transform_indices = @transform_4, window_bounds = array<i64: 64, 64>}, {pipeline_mode = #tpu.pipeline_mode<synchronous>, transform_indices = @transform_5, window_bounds = array<i64: 1, 64>}, {pipeline_mode = #tpu.pipeline_mode<synchronous>, transform_indices = @transform_6, window_bounds = array<i64: 1, 64>}, {pipeline_mode = #tpu.pipeline_mode<synchronous>, transform_indices = @transform_7, window_bounds = array<i64: 64, 128>}, {pipeline_mode = #tpu.pipeline_mode<synchronous>, transform_indices = @transform_8, window_bounds = array<i64: 1, 128>}, {transform_indices = @transform_9, window_bounds = array<i64: 1024, 128>}]} {
    %get3A = arith.constant 0 : index
    %get3A_0 = arith.constant 0 : index
    %get3A_1 = vector.load %arg1[%get3A, %get3A_0] : memref<1024x64xf32, #tpu.memory_space<vmem>>, vector<1024x64xf32>
    %get3A_2 = arith.constant 0 : index
    %get3A_3 = arith.constant 0 : index
    %get3A_4 = vector.load %arg2[%get3A_2, %get3A_3] : memref<1024x64xf32, #tpu.memory_space<vmem>>, vector<1024x64xf32>
    %add3A = arith.addf %get3A_1, %get3A_4 : vector<1024x64xf32>
    %get3A_5 = arith.constant 0 : index
    %get3A_6 = arith.constant 0 : index
    %get3A_7 = vector.load %arg3[%get3A_5, %get3A_6] : memref<1024x1xf32, #tpu.memory_space<vmem>>, vector<1024x1xf32>
    %get3A_8 = arith.constant 0 : index
    %get3A_9 = arith.constant 0 : index
    %get3A_10 = vector.load %arg4[%get3A_8, %get3A_9] : memref<1024x1xf32, #tpu.memory_space<vmem>>, vector<1024x1xf32>
    %add3A_11 = arith.addf %get3A_7, %get3A_10 : vector<1024x1xf32>
    %get3A_12 = arith.constant 0 : index
    %get3A_13 = arith.constant 0 : index
    %get3A_14 = vector.load %arg5[%get3A_12, %get3A_13] : memref<64x64xf32, #tpu.memory_space<vmem>>, vector<64x64xf32>
    %dot_general3A = arith.constant dense<0.000000e+00> : vector<1024x64xf32>
    %dot_general3A_15 = tpu.matmul %add3A, %get3A_14, %dot_general3A {dimension_numbers = #tpu.dot_dimension_numbers<[1], [0], [0], [1], [0, 0, 1, 1], [], []>, transpose_lhs_hint = false} : vector<1024x64xf32>, vector<64x64xf32>, vector<1024x64xf32> -> vector<1024x64xf32>
    %get3A_16 = arith.constant 0 : index
    %get3A_17 = arith.constant 0 : index
    %get3A_18 = vector.load %arg6[%get3A_16, %get3A_17] : memref<1x64xf32, #tpu.memory_space<vmem>>, vector<1x64xf32>
    %mul3A = vector.broadcast %add3A_11 : vector<1024x1xf32> to vector<1024x64xf32>
    %mul3A_19 = vector.broadcast %get3A_18 : vector<1x64xf32> to vector<1024x64xf32>
    %mul3A_20 = arith.mulf %mul3A, %mul3A_19 : vector<1024x64xf32>
    %add3A_21 = arith.addf %dot_general3A_15, %mul3A_20 : vector<1024x64xf32>
    %get3A_22 = arith.constant 0 : index
    %get3A_23 = arith.constant 0 : index
    %get3A_24 = vector.load %arg7[%get3A_22, %get3A_23] : memref<1x64xf32, #tpu.memory_space<vmem>>, vector<1x64xf32>
    %add3A_25 = vector.broadcast %get3A_24 : vector<1x64xf32> to vector<1024x64xf32>
    %add3A_26 = arith.addf %add3A_21, %add3A_25 : vector<1024x64xf32>
    %logistic3A = arith.negf %add3A_26 : vector<1024x64xf32>
    %logistic3A_27 = math.exp %logistic3A : vector<1024x64xf32>
    %logistic3A_28 = arith.constant 1.000000e+00 : f32
    %logistic3A_29 = vector.broadcast %logistic3A_28 : f32 to vector<1024x64xf32>
    %logistic3A_30 = arith.addf %logistic3A_29, %logistic3A_27 : vector<1024x64xf32>
    %logistic3A_31 = arith.divf %logistic3A_29, %logistic3A_30 : vector<1024x64xf32>
    %mul3A_32 = arith.mulf %add3A_26, %logistic3A_31 : vector<1024x64xf32>
    %get3A_33 = arith.constant 0 : index
    %get3A_34 = arith.constant 0 : index
    %get3A_35 = vector.load %arg8[%get3A_33, %get3A_34] : memref<64x128xf32, #tpu.memory_space<vmem>>, vector<64x128xf32>
    %dot_general3A_36 = arith.constant dense<0.000000e+00> : vector<1024x128xf32>
    %dot_general3A_37 = tpu.matmul %mul3A_32, %get3A_35, %dot_general3A_36 {dimension_numbers = #tpu.dot_dimension_numbers<[1], [0], [0], [1], [0, 0, 1, 1], [], []>, transpose_lhs_hint = false} : vector<1024x64xf32>, vector<64x128xf32>, vector<1024x128xf32> -> vector<1024x128xf32>
    %get3A_38 = arith.constant 0 : index
    %get3A_39 = arith.constant 0 : index
    %get3A_40 = vector.load %arg9[%get3A_38, %get3A_39] : memref<1x128xf32, #tpu.memory_space<vmem>>, vector<1x128xf32>
    %add3A_41 = vector.broadcast %get3A_40 : vector<1x128xf32> to vector<1024x128xf32>
    %add3A_42 = arith.addf %dot_general3A_37, %add3A_41 : vector<1024x128xf32>
    %swap3A = arith.constant 0 : index
    %swap3A_43 = arith.constant 0 : index
    %swap3A_44 = vector.load %arg10[%swap3A, %swap3A_43] : memref<1024x128xf32, #tpu.memory_space<vmem>>, vector<1024x128xf32>
    tpu.vector_store %arg10[%swap3A, %swap3A_43], %add3A_42 {strides = array<i32>} : memref<1024x128xf32, #tpu.memory_space<vmem>>, vector<1024x128xf32>,
    return
  }
  func.func @transform_0(%arg0: i32) -> (i32, i32) {
    %c0_i32 = arith.constant 0 : i32
    %c0_i32_0 = arith.constant 0 : i32
    return %arg0, %c0_i32 : i32, i32
  }
  func.func @transform_1(%arg0: i32) -> (i32, i32) {
    %add3A = arith.constant 10 : i32
    %add3A_0 = arith.addi %add3A, %arg0 : i32
    %c0_i32 = arith.constant 0 : i32
    %c0_i32_1 = arith.constant 0 : i32
    return %add3A_0, %c0_i32 : i32, i32
  }
  func.func @transform_2(%arg0: i32) -> (i32, i32) {
    %c0_i32 = arith.constant 0 : i32
    %c0_i32_0 = arith.constant 0 : i32
    return %arg0, %c0_i32 : i32, i32
  }
  func.func @transform_3(%arg0: i32) -> (i32, i32) {
    %add3A = arith.constant 10 : i32
    %add3A_0 = arith.addi %add3A, %arg0 : i32
    %c0_i32 = arith.constant 0 : i32
    %c0_i32_1 = arith.constant 0 : i32
    return %add3A_0, %c0_i32 : i32, i32
  }
  func.func @transform_4(%arg0: i32) -> (i32, i32) {
    %c0_i32 = arith.constant 0 : i32
    %c0_i32_0 = arith.constant 0 : i32
    %c0_i32_1 = arith.constant 0 : i32
    return %c0_i32, %c0_i32_0 : i32, i32
  }
  func.func @transform_5(%arg0: i32) -> (i32, i32) {
    %c0_i32 = arith.constant 0 : i32
    %c0_i32_0 = arith.constant 0 : i32
    %c0_i32_1 = arith.constant 0 : i32
    return %c0_i32, %c0_i32_0 : i32, i32
  }
  func.func @transform_6(%arg0: i32) -> (i32, i32) {
    %c0_i32 = arith.constant 0 : i32
    %c0_i32_0 = arith.constant 0 : i32
    %c0_i32_1 = arith.constant 0 : i32
    return %c0_i32, %c0_i32_0 : i32, i32
  }
  func.func @transform_7(%arg0: i32) -> (i32, i32) {
    %c0_i32 = arith.constant 0 : i32
    %c0_i32_0 = arith.constant 0 : i32
    %c0_i32_1 = arith.constant 0 : i32
    return %c0_i32, %c0_i32_0 : i32, i32
  }
  func.func @transform_8(%arg0: i32) -> (i32, i32) {
    %c0_i32 = arith.constant 0 : i32
    %c0_i32_0 = arith.constant 0 : i32
    %c0_i32_1 = arith.constant 0 : i32
    return %c0_i32, %c0_i32_0 : i32, i32
  }
  func.func @transform_9(%arg0: i32) -> (i32, i32) {
    %c0_i32 = arith.constant 0 : i32
    %c0_i32_0 = arith.constant 0 : i32
    return %arg0, %c0_i32 : i32, i32
  }
}

module attributes {stable_mosaic.version = 14 : i64} {
  func.func @_pool_body(%arg0: i32, %arg1: memref<1024x128xf32, #tpu.memory_space<vmem>>, %arg2: memref<1024x1xi32, #tpu.memory_space<vmem>>, %arg3: memref<128x64xf32, #tpu.memory_space<vmem>>, %arg4: memref<1x64xf32, #tpu.memory_space<vmem>>, %arg5: memref<1x64xf32, #tpu.memory_space<vmem>>, %arg6: memref<1x1xf32, #tpu.memory_space<vmem>>, %arg7: memref<64x1xf32, #tpu.memory_space<vmem>>, %arg8: memref<64x128xf32, #tpu.memory_space<vmem>>) attributes {dimension_semantics = [#tpu.dimension_semantics<arbitrary>], iteration_bounds = array<i64: 10>, scalar_prefetch = 0 : i64, scratch_operands = 1 : i64, tpu.core_type = #tpu.core_type<tc>, window_params = [{transform_indices = @transform_0, window_bounds = array<i64: 1024, 128>}, {transform_indices = @transform_1, window_bounds = array<i64: 1024, 1>}, {pipeline_mode = #tpu.pipeline_mode<synchronous>, transform_indices = @transform_2, window_bounds = array<i64: 128, 64>}, {pipeline_mode = #tpu.pipeline_mode<synchronous>, transform_indices = @transform_3, window_bounds = array<i64: 1, 64>}, {pipeline_mode = #tpu.pipeline_mode<synchronous>, transform_indices = @transform_4, window_bounds = array<i64: 1, 64>}, {pipeline_mode = #tpu.pipeline_mode<synchronous>, transform_indices = @transform_5, window_bounds = array<i64: 1, 1>}, {pipeline_mode = #tpu.pipeline_mode<synchronous>, transform_indices = @transform_6, window_bounds = array<i64: 64, 1>}]} {
    %eq3A = arith.constant 0 : i32
    %eq3A_0 = arith.cmpi eq, %arg0, %eq3A : i32
    %convert_element_type3A = arith.extui %eq3A_0 : i1 to i32
    %cond3A = arith.constant 0 : i32
    %cond3A_1 = arith.cmpi ne, %convert_element_type3A, %cond3A : i32
    scf.if %cond3A_1 {
      %broadcast_in_dim3A = arith.constant 0.000000e+00 : f32
      %broadcast_in_dim3A_22 = vector.broadcast %broadcast_in_dim3A : f32 to vector<64x128xf32>
      %swap3A_23 = arith.constant 0 : index
      %swap3A_24 = arith.constant 0 : index
      %swap3A_25 = vector.load %arg8[%swap3A_23, %swap3A_24] : memref<64x128xf32, #tpu.memory_space<vmem>>, vector<64x128xf32>
      tpu.vector_store %arg8[%swap3A_23, %swap3A_24], %broadcast_in_dim3A_22 {strides = array<i32>} : memref<64x128xf32, #tpu.memory_space<vmem>>, vector<64x128xf32>,
    } else {
    }
    %iota3A = tpu.iota {dimensions = array<i32: 0>} : vector<64x1024xi32>
    %get3A = arith.constant 0 : index
    %get3A_2 = arith.constant 0 : index
    %get3A_3 = vector.load %arg2[%get3A, %get3A_2] : memref<1024x1xi32, #tpu.memory_space<vmem>>, vector<1024x1xi32>
    %reshape3A = vector.shape_cast %get3A_3 : vector<1024x1xi32> to vector<1x1024xi32>
    %eq3A_4 = vector.broadcast %reshape3A : vector<1x1024xi32> to vector<64x1024xi32>
    %eq3A_5 = arith.cmpi eq, %iota3A, %eq3A_4 : vector<64x1024xi32>
    %convert_element_type3A_6 = arith.extui %eq3A_5 : vector<64x1024xi1> to vector<64x1024xi32>
    %convert_element_type3A_7 = arith.sitofp %convert_element_type3A_6 : vector<64x1024xi32> to vector<64x1024xf32>
    %get3A_8 = arith.constant 0 : index
    %get3A_9 = arith.constant 0 : index
    %get3A_10 = vector.load %arg8[%get3A_8, %get3A_9] : memref<64x128xf32, #tpu.memory_space<vmem>>, vector<64x128xf32>
    %get3A_11 = arith.constant 0 : index
    %get3A_12 = arith.constant 0 : index
    %get3A_13 = vector.load %arg1[%get3A_11, %get3A_12] : memref<1024x128xf32, #tpu.memory_space<vmem>>, vector<1024x128xf32>
    %dot_general3A = arith.constant dense<0.000000e+00> : vector<64x128xf32>
    %dot_general3A_14 = tpu.matmul %convert_element_type3A_7, %get3A_13, %dot_general3A {dimension_numbers = #tpu.dot_dimension_numbers<[1], [0], [0], [1], [0, 0, 1, 1], [], []>, transpose_lhs_hint = false} : vector<64x1024xf32>, vector<1024x128xf32>, vector<64x128xf32> -> vector<64x128xf32>
    %add3A = arith.addf %get3A_10, %dot_general3A_14 : vector<64x128xf32>
    %swap3A = arith.constant 0 : index
    %swap3A_15 = arith.constant 0 : index
    %swap3A_16 = vector.load %arg8[%swap3A, %swap3A_15] : memref<64x128xf32, #tpu.memory_space<vmem>>, vector<64x128xf32>
    tpu.vector_store %arg8[%swap3A, %swap3A_15], %add3A {strides = array<i32>} : memref<64x128xf32, #tpu.memory_space<vmem>>, vector<64x128xf32>,
    %eq3A_17 = arith.constant 9 : i32
    %eq3A_18 = arith.cmpi eq, %arg0, %eq3A_17 : i32
    %convert_element_type3A_19 = arith.extui %eq3A_18 : i1 to i32
    %cond3A_20 = arith.constant 0 : i32
    %cond3A_21 = arith.cmpi ne, %convert_element_type3A_19, %cond3A_20 : i32
    scf.if %cond3A_21 {
      %get3A_22 = arith.constant 0 : index
      %get3A_23 = arith.constant 0 : index
      %get3A_24 = vector.load %arg8[%get3A_22, %get3A_23] : memref<64x128xf32, #tpu.memory_space<vmem>>, vector<64x128xf32>
      %get3A_25 = arith.constant 0 : index
      %get3A_26 = arith.constant 0 : index
      %get3A_27 = vector.load %arg3[%get3A_25, %get3A_26] : memref<128x64xf32, #tpu.memory_space<vmem>>, vector<128x64xf32>
      %dot_general3A_28 = arith.constant dense<0.000000e+00> : vector<64x64xf32>
      %dot_general3A_29 = tpu.matmul %get3A_24, %get3A_27, %dot_general3A_28 {dimension_numbers = #tpu.dot_dimension_numbers<[1], [0], [0], [1], [0, 0, 1, 1], [], []>, transpose_lhs_hint = false} : vector<64x128xf32>, vector<128x64xf32>, vector<64x64xf32> -> vector<64x64xf32>
      %get3A_30 = arith.constant 0 : index
      %get3A_31 = arith.constant 0 : index
      %get3A_32 = vector.load %arg4[%get3A_30, %get3A_31] : memref<1x64xf32, #tpu.memory_space<vmem>>, vector<1x64xf32>
      %add3A_33 = vector.broadcast %get3A_32 : vector<1x64xf32> to vector<64x64xf32>
      %add3A_34 = arith.addf %dot_general3A_29, %add3A_33 : vector<64x64xf32>
      %logistic3A = arith.negf %add3A_34 : vector<64x64xf32>
      %logistic3A_35 = math.exp %logistic3A : vector<64x64xf32>
      %logistic3A_36 = arith.constant 1.000000e+00 : f32
      %logistic3A_37 = vector.broadcast %logistic3A_36 : f32 to vector<64x64xf32>
      %logistic3A_38 = arith.addf %logistic3A_37, %logistic3A_35 : vector<64x64xf32>
      %logistic3A_39 = arith.divf %logistic3A_37, %logistic3A_38 : vector<64x64xf32>
      %mul3A = arith.mulf %add3A_34, %logistic3A_39 : vector<64x64xf32>
      %get3A_40 = arith.constant 0 : index
      %get3A_41 = arith.constant 0 : index
      %get3A_42 = vector.load %arg5[%get3A_40, %get3A_41] : memref<1x64xf32, #tpu.memory_space<vmem>>, vector<1x64xf32>
      %mul3A_43 = vector.broadcast %get3A_42 : vector<1x64xf32> to vector<64x64xf32>
      %mul3A_44 = arith.mulf %mul3A, %mul3A_43 : vector<64x64xf32>
      %reduce_sum3A = arith.constant dense<0.000000e+00> : vector<64xf32>
      %reduce_sum3A_45 = vector.multi_reduction <add>, %mul3A_44, %reduce_sum3A [1] : vector<64x64xf32> to vector<64xf32>
      %broadcast_in_dim3A = vector.shape_cast %reduce_sum3A_45 : vector<64xf32> to vector<64x1xf32>
      %get3A_46 = arith.constant 0 : index
      %get3A_47 = arith.constant 0 : index
      %get3A_48 = vector.load %arg6[%get3A_46, %get3A_47] : memref<1x1xf32, #tpu.memory_space<vmem>>, vector<1x1xf32>
      %add3A_49 = vector.broadcast %get3A_48 : vector<1x1xf32> to vector<64x1xf32>
      %add3A_50 = arith.addf %broadcast_in_dim3A, %add3A_49 : vector<64x1xf32>
      %swap3A_51 = arith.constant 0 : index
      %swap3A_52 = arith.constant 0 : index
      %swap3A_53 = vector.load %arg7[%swap3A_51, %swap3A_52] : memref<64x1xf32, #tpu.memory_space<vmem>>, vector<64x1xf32>
      tpu.vector_store %arg7[%swap3A_51, %swap3A_52], %add3A_50 {strides = array<i32>} : memref<64x1xf32, #tpu.memory_space<vmem>>, vector<64x1xf32>,
    } else {
    }
    return
  }
  func.func @transform_0(%arg0: i32) -> (i32, i32) {
    %c0_i32 = arith.constant 0 : i32
    %c0_i32_0 = arith.constant 0 : i32
    return %arg0, %c0_i32 : i32, i32
  }
  func.func @transform_1(%arg0: i32) -> (i32, i32) {
    %c0_i32 = arith.constant 0 : i32
    %c0_i32_0 = arith.constant 0 : i32
    return %arg0, %c0_i32 : i32, i32
  }
  func.func @transform_2(%arg0: i32) -> (i32, i32) {
    %c0_i32 = arith.constant 0 : i32
    %c0_i32_0 = arith.constant 0 : i32
    %c0_i32_1 = arith.constant 0 : i32
    return %c0_i32, %c0_i32_0 : i32, i32
  }
  func.func @transform_3(%arg0: i32) -> (i32, i32) {
    %c0_i32 = arith.constant 0 : i32
    %c0_i32_0 = arith.constant 0 : i32
    %c0_i32_1 = arith.constant 0 : i32
    return %c0_i32, %c0_i32_0 : i32, i32
  }
  func.func @transform_4(%arg0: i32) -> (i32, i32) {
    %c0_i32 = arith.constant 0 : i32
    %c0_i32_0 = arith.constant 0 : i32
    %c0_i32_1 = arith.constant 0 : i32
    return %c0_i32, %c0_i32_0 : i32, i32
  }
  func.func @transform_5(%arg0: i32) -> (i32, i32) {
    %c0_i32 = arith.constant 0 : i32
    %c0_i32_0 = arith.constant 0 : i32
    %c0_i32_1 = arith.constant 0 : i32
    return %c0_i32, %c0_i32_0 : i32, i32
  }
  func.func @transform_6(%arg0: i32) -> (i32, i32) {
    %c0_i32 = arith.constant 0 : i32
    %c0_i32_0 = arith.constant 0 : i32
    %c0_i32_1 = arith.constant 0 : i32
    return %c0_i32, %c0_i32_0 : i32, i32
  }
}

</mosaic_0001>

<sc_bundles>
// kernel: kernel.17.cloned.1.call-start
scs
__scs_entry_jumppad:
0x0: {  	(pc) =	sbr.rel $0x88, $3  }
0x1: {  	(tag) =	ssettag $0x0;
	lr =	simm.s32 $0x1  }
0x2: {  	[smem:$0x3F8D] =	sst lr;
	_ =	strace $0xD0000000  }
0x3: {  	_ = 	snop  }
0x4: {  	_ = 	snop  }
0x5: {  	_ = 	snop  }
0x6: {  	_ = 	snop  }
0x7: {  	_ = 	snop  }
__scs_overlays_trampoline_lowered:
0x8: {  	[smem:$0x3F9C] =	sst s0  }
0x9: {  	[smem:$0x3F9D] =	sst s1  }
0xa: {  	[smem:$0x3F9E] =	sst s2  }
0xb: {  	[smem:$0x3F9F] =	sst s3  }
0xc: {  	[smem:$0x3FA0] =	sst s4  }
0xd: {  	[smem:$0x3FA1] =	sst s5  }
0xe: {  	[smem:$0x3FA2] =	sst s6  }
0xf: {  	[smem:$0x3FA3] =	sst s7  }
0x10: {  	[smem:$0x3FA4] =	sst s8  }
0x11: {  	[smem:$0x3FA5] =	sst s9;
	s0 =	simm.s32 @!p0 $0x0  }
0x12: {  	s1 =	sld [smem:$0x3F8B];
	s0 =	simm.s32 @p0 $0x1  }
0x13: {  	[smem:$0x3FA6] =	sst s0;
	s0 =	simm.s32 @!p1 $0x0  }
0x14: {  	s2 =	sld [smem:$0x3F8A];
	s0 =	simm.s32 @p1 $0x1  }
0x15: {  	[smem:$0x3FA7] =	sst s0;
	s0 =	simm.s32 @!p2 $0x0  }
0x16: {  	s3 =	sld [smem:$0x3FDB];
	s0 =	simm.s32 @p2 $0x1  }
0x17: {  	s4 =	simm.s32 $0x1BF5;
	[smem:$0x3FA9] =	sst s0  }
0x18: {  	s0 =	sld [smem:$0x3F8C];
	_ =	swait.ge [sflag:s4], $0x0  }
0x19: {  	s7 =	sld [smem:$0x3F8D]  }
0x1a: {  	s8 =	sadd.s32 $0xFFFFE003, lr  }
0x1b: {  	s9 =	sadd.s32 $0xFFFFFEF7, lr;
	s5 =	simm.s32 $0xFFFFFFFF;
	p2 =	slt.u32 s8, $0xFFFFF086  }
0x1c: {  	p1 =	slt.u32 s9, $0xF7A;
	s5 =	simm.s32 @!p2 $0x0  }
0x1d: {  	s5 =	simm.s32 @p1 $0x1;
	p0 =	seq.s32 s7, s2  }
0x1e: {  	s7 =	smul.u32 @!p0 $0xF7A, s2;
	p2 =	seq.s32 @!p0 s5, $0x0  }
0x1f: {  	s9 =	smul.u32 $0xF7A, s1;
	s8 =	simm.s32 @!p0 $0x1BF5;
	p2 =	por !p2, p0  }
0x20: {  	[sflag:s8] =	ssyncset.s32 @!p0 $0xFFFFF086;
	s6 =	sadd.s32 @!p0 s3, s7;
	s7 =	simm.s32 @!p0 $0x108  }
0x21: {  	s3 =	sadd.s32 s3, s9;
	s6 =	sadd.s32 @!p0 $0x88, s6;
	s7 =	simm.s32 @p2 $0x1082  }
0x22: {  	[simem:s7], [sflag:s8] =	dma.local @!p0 [hbm:s6], $0xF7A  }
0x23: {  	s9 =	sor.u32 $0xD0000000, s2;
	s6 =	simm.s32 $0x108;
	_ =	swait.ge @!p0 [sflag:s8], $0x0  }
0x24: {  	s3 =	sadd.s32 $0x88, s3;
	s6 =	simm.s32 @!p1 $0x1082;
	[sflag:s4] =	ssyncset.s32 $0xFFFFF086  }
0x25: {  	[simem:s6], [sflag:s4] =	dma.local [hbm:s3], $0xF7A  }
0x26: {  	[smem:$0x3F8D] =	sst s1;
	(tag) =	ssettag s2;
	_ =	strace s9  }
0x27: {  	s1 =	sld [smem:$0x3F9D]  }
0x28: {  	s2 =	sld [smem:$0x3F9E]  }
0x29: {  	s4 =	sld [smem:$0x3FA0]  }
0x2a: {  	p0 =	seq.s32 s5, $0x0;
	s5 =	sld [smem:$0x3FA1]  }
0x2b: {  	s6 =	sld [smem:$0x3FA2]  }
0x2c: {  	s7 =	sld [smem:$0x3FA3]  }
0x2d: {  	s3 =	simm.s32 $0x108;
	s8 =	sld [smem:$0x3FA4]  }
0x2e: {  	s3 =	simm.s32 @!p0 $0x1082;
	s9 =	sld [smem:$0x3FA5]  }
0x2f: {  	lr =	sadd.s32 s0, s3;
	s0 =	sld [smem:$0x3F9C]  }
0x30: {  	s3 =	sld [smem:$0x3F9F]  }
0x31: {  	[smem:$0x3FA8] =	sst s10  }
0x32: {  	s10 =	sld [smem:$0x3FA6];
	_ =	sdelay $0x3  }
0x33: {  	p0 =	seq.s32 s10, $0x1;
	s10 =	sld [smem:$0x3FA8];
	_ =	sdelay $0x3  }
0x34: {  	[smem:$0x3FA8] =	sst s10  }
0x35: {  	s10 =	sld [smem:$0x3FA7];
	_ =	sdelay $0x3  }
0x36: {  	p1 =	seq.s32 s10, $0x1;
	s10 =	sld [smem:$0x3FA8];
	_ =	sdelay $0x3  }
0x37: {  	[smem:$0x3FA8] =	sst s10  }
0x38: {  	s10 =	sld [smem:$0x3FA9]  }
0x39: {  	_ = 	snop;
	(pc) =	sbr.ind lr, $3  }
0x3a: {  	_ = 	snop  }
0x3b: {  	_ = 	snop  }
0x3c: {  	p2 =	seq.s32 s10, $0x1;
	s10 =	sld [smem:$0x3FA8]  }
0x3d: {  	_ =	shalt  }
0x3e: {  	_ =	shalt  }
0x3f: {  	_ =	shalt  }
0x40: {  	_ =	shalt  }
0x41: {  	_ =	shalt  }
0x42: {  	_ =	shalt  }
0x43: {  	_ =	shalt  }
0x44: {  	_ =	shalt  }
0x45: {  	_ =	shalt  }
0x46: {  	_ =	shalt  }
0x47: {  	_ =	shalt  }
0x48: {  	_ =	shalt  }
0x49: {  	_ =	shalt  }
0x4a: {  	_ =	shalt  }
0x4b: {  	_ =	shalt  }
0x4c: {  	_ =	shalt  }
0x4d: {  	_ =	shalt  }
0x4e: {  	_ =	shalt  }
0x4f: {  	_ =	shalt  }
0x50: {  	_ =	shalt  }
0x51: {  	_ =	shalt  }
0x52: {  	_ =	shalt  }
0x53: {  	_ =	shalt  }
0x54: {  	_ =	shalt  }
0x55: {  	_ =	shalt  }
0x56: {  	_ =	shalt  }
0x57: {  	_ =	shalt  }
0x58: {  	_ =	shalt  }
0x59: {  	_ =	shalt  }
0x5a: {  	_ =	shalt  }
0x5b: {  	_ =	shalt  }
0x5c: {  	_ =	shalt  }
0x5d: {  	_ =	shalt  }
0x5e: {  	_ =	shalt  }
0x5f: {  	_ =	shalt  }
0x60: {  	_ =	shalt  }
0x61: {  	_ =	shalt  }
0x62: {  	_ =	shalt  }
0x63: {  	_ =	shalt  }
0x64: {  	_ =	shalt  }
0x65: {  	_ =	shalt  }
0x66: {  	_ =	shalt  }
0x67: {  	_ =	shalt  }
0x68: {  	_ =	shalt  }
0x69: {  	_ =	shalt  }
0x6a: {  	_ =	shalt  }
0x6b: {  	_ =	shalt  }
0x6c: {  	_ =	shalt  }
0x6d: {  	_ =	shalt  }
0x6e: {  	_ =	shalt  }
0x6f: {  	_ =	shalt  }
0x70: {  	_ =	shalt  }
0x71: {  	_ =	shalt  }
0x72: {  	_ =	shalt  }
0x73: {  	_ =	shalt  }
0x74: {  	_ =	shalt  }
0x75: {  	_ =	shalt  }
0x76: {  	_ =	shalt  }
0x77: {  	_ =	shalt  }
0x78: {  	_ =	shalt  }
0x79: {  	_ =	shalt  }
0x7a: {  	_ =	shalt  }
0x7b: {  	_ =	shalt  }
0x7c: {  	_ =	shalt  }
0x7d: {  	_ =	shalt  }
0x7e: {  	_ =	shalt  }
0x7f: {  	_ =	shalt  }
0x80: {  	_ =	shalt  }
0x81: {  	_ =	shalt  }
0x82: {  	_ =	shalt  }
0x83: {  	_ =	shalt  }
0x84: {  	_ =	shalt  }
0x85: {  	_ =	shalt  }
0x86: {  	_ =	shalt  }
0x87: {  	_ =	shalt  }
.Lfunc_end0:
.L_simem_size_0:
called_computation_lowered:
.L_overlay_start_0:
0x88: {  	s2 =	sld [smem:$0x3FD9]  }
0x89: {  	s3 =	sld [smem:$0x3FFE];
	_ =	sdelay $0x1  }
0x8a: {  	s1 =	srdreg.scid  }
0x8b: {  	s0 =	sand.u32 $0x1, s1  }
0x8c: {  	s16 =	sshll.u32 s0, $0xA;
	s2 =	sadd.s32 s3, s2  }
0x8d: {  	s2 =	sadd.s32 s2, s16  }
0x8e: {  	[smem:$0x3FB4] =	sst s2  }
0x8f: {  	_ = 	snop  }
0x90: {  	(tm) =	ssettm $0x1  }
0x91: {  	s17 =	sld [smem:$0x3FFB];
	_ =	sdelay $0x3  }
0x92: {  	_ =	strace s17  }
0x93: {  	s2 =	sld [smem:$0x3FFC];
	_ =	sdelay $0x3  }
0x94: {  	_ =	strace s2  }
0x95: {  	s2 =	sld [smem:$0x3FFD];
	_ =	sdelay $0x3  }
0x96: {  	_ =	strace s2  }
0x97: {  	_ =	strace $0x8FFFFFFF  }
0x98: {  	s18 =	sld [smem:$0x3FDB];
	_ =	sdelay $0x1  }
0x99: {  	s19 =	simm.s32 $_scs_section_size  }
0x9a: {  	s4 =	simm.s32 $_size__tile_overlayer_lowered;
	s5 =	simm.s32 $_tile_overlayer_lowered  }
0x9b: {  	s22 =	simm.s32 $0x1BFF;
	s21 =	sshll.u32 s5, $0x1;
	s2 =	sadd.s32 s19, s18  }
0x9c: {  	s6 =	simm.s32 $0x0;
	s20 =	sshll.u32 s4, $0x1;
	s4 =	sadd.s32 s21, s2  }
0x9d: {  	[timem:s6], [sflag:s22] =	dma.local [hbm:s4], s20  }
0x9e: {  	_ =	swait.ge [sflag:s22], s20  }
0x9f: {  	s3 =	ssub.s32 $0x0, s20;
	[sflag:s22] =	ssyncset.done $0x0  }
0xa0: {  	[sflag:s22] =	ssyncadd.s32 s3;
	_ =	sdelay $0x1  }
0xa1: {  	s23 =	simm.s32 $0x1B8B  }
0xa2: {  	_ =	swait.ge [sflag:s23], $0x1  }
0xa3: {  	[sflag:s23] =	ssyncset.done $0x0  }
0xa4: {  	s25 =	simm.s32 $0x1B8E;
	s24 =	sld [smem:$0x3FFE];
	[sflag:s23] =	ssyncadd.s32 $0xFFFFFFFF  }
0xa5: {  	s26 =	simm.s32 $execute0_lowered;
	[smem:$0x3FD2] =	sst s25  }
0xa6: {  	s4 =	sshll.u32 s26, $0x1;
	_ =	strace $0x80000046;
	[dreg:$0x1] =	wrdreg $0xFFFFFFFF  }
0xa7: {  	s28 =	simm.s32 $_size_execute0_lowered;
	s2 =	sadd.s32 s2, s4;
	[dreg:$0x0] =	wrdreg $0x0  }
0xa8: {  	s4 =	sshll.u32 s28, $0x1;
	[dreg:$0x2] =	wrdreg s2  }
0xa9: {  	[dreg:$0x3] =	wrdreg s4  }
0xaa: {  	[dreg:$0x4] =	wrdreg $0xC0  }
0xab: {  	_ =	task [dreg:s6], $0x5FFFF  }
0xac: {  	[dreg:$0x1] =	wrdreg $0xFFFFFFFF  }
0xad: {  	[dreg:$0x0] =	wrdreg $0x60  }
0xae: {  	[dreg:$0x2] =	wrdreg s24  }
0xaf: {  	[dreg:$0x3] =	wrdreg $0x9  }
0xb0: {  	_ =	task.clear_ibuf [dreg:s6], $0x4FFFF;
	_ =	strace $0x90000046  }
0xb1: {  	s29 =	simm.s32 $0x9;
	_ =	strace $0x80000048  }
0xb2: {  	_ =	swait.ge [sflag:s29], $0x1  }
0xb3: {  	[sflag:s29] =	ssyncadd.s32 $0xFFFFFFFF  }
0xb4: {  	_ =	strace $0x90000048  }
0xb5: {  	_ =	sfence  }
0xb6: {  	s30 =	sld [smem:$0x0];
	_ =	sdelay $0x2  }
0xb7: {  	s31 =	sshll.u32 s1, $0xD;
	s1 =	sshrl.u32 s1, $0x2  }
0xb8: {  	s3 =	sand.u32 $0x4000, s31;
	s1 =	sadd.s32 s1, s30  }
0xb9: {  	s0 =	sor.u32 s3, s0;
	s1 =	sshll.u32 s1, $0x11  }
0xba: {  	s0 =	sor.u32 s1, s0  }
0xbb: {  	s0 =	sadd.s32 $0x8F2B, s0  }
0xbc: {  	[sflag:s0] =	ssyncadd.remote.s32 $0x1  }
0xbd: {  	_ =	sfence.sel $0xFFFF  }
0xbe: {  	[dreg:$0x0] =	wrdreg $0xFFFFFFFF;
	(pc) =	sbr.abs _section_cstart, $3  }
0xbf: {  	[dreg:$0x1] =	wrdreg $0xFFFFFFFF  }
0xc0: {  	_ =	task.clear_ibuf [dreg:s6], $0x2FFFF;
	_ =	strace $0x9FFFFFFF  }
0xc1: {  	(tm) =	ssettm $0x7FFFFFFF  }
tec
execute0_lowered:
.L_overlay_start_1:
0x0: {  	(tag) =	ssettag $0x1  }
0x1: {  	s8 =	rddreg [dreg:$0x0]  }
0x2: {  	s0 =	rddreg [dreg:$0x1];
	s1 =	simm.s32 $0x0;
	s5 =	srdreg.scid  }
0x3: {  	s12 =	simm.s32 $0x2800;
	s13 =	simm.s32 $0x5000;
	s14 =	simm.s32 $0x7800  }
0x4: {  	s15 =	simm.s32 $0x7A00;
	s16 =	simm.s32 $0x7C00;
	s17 =	simm.s32 $0x0  }
0x5: {  	[smem:$0x7FF] =	sst s1;
	s2 =	sadd.s32 $0x1CC00, s8;
	s3 =	sadd.s32 $0x1C600, s8  }
0x6: {  	s4 =	sadd.s32 $0x1C000, s8;
	s9 =	sand.u32 $0x1, s5;
	s6 =	sadd.s32 $0x8400, s8  }
0x7: {  	s7 =	sadd.s32 $0x12200, s8;
	s5 =	stileid.u32;
	s10 =	ssub.s32 $0x2, s9  }
0x8: {  	s8 =	sadd.s32 $0x1D200, s8;
	s9 =	sshll.u32 s9, $0x4;
	s11 =	sshrl.u32 s10, $0x1  }
0x9: {  	_ =	strace $0x80000047;
	s9 =	sor.u32 s5, s9;
	s10 =	ssub.s32 s10, s11  }
0xa: {  	s9 =	smul.u32 $0x2780, s9;
	s11 =	simm.s32 $0x1;
	s10 =	smax.u32 s10, $0x1  }
.LBB2_1:
0xb: {  	[tilespmem:s1], [sflag:$0x1] =	stream.linear.gather [hbm4b:s2+s1], $0x2800, $0x38;
	[tilespmem:$0x7E00] =	vst v63  }
0xc: {  	_ =	swait.ge [sflag:s11], $0x2800  }
0xd: {  	[sflag:s11] =	ssyncset.done $0x0  }
0xe: {  	[sflag:s11] =	ssyncadd.s32 $0xFFFFD800  }
0xf: {  	[tilespmem:s12], [sflag:$0x1] =	stream.linear.gather [hbm4b:s3+s1], $0x2800, $0x38;
	[tilespmem:$0x7E00] =	vst v63  }
0x10: {  	_ =	swait.ge [sflag:s11], $0x2800  }
0x11: {  	[sflag:s11] =	ssyncset.done $0x0  }
0x12: {  	[sflag:s11] =	ssyncadd.s32 $0xFFFFD800  }
0x13: {  	[tilespmem:s13], [sflag:$0x1] =	stream.linear.gather [hbm4b:s4+s1], $0x2800, $0x38;
	[tilespmem:$0x7E00] =	vst v63  }
0x14: {  	_ =	swait.ge [sflag:s11], $0x2800  }
0x15: {  	[sflag:s11] =	ssyncset.done $0x0  }
0x16: {  	s18 =	simm.s32 $0x0;
	[sflag:s11] =	ssyncadd.s32 $0xFFFFD800  }
.LBB2_2:
0x17: {  	s19 =	sshll.u32 s18, $0x9  }
0x18: {  	s19 =	sadd.s32 s9, s19  }
0x19: {  	s19 =	sshrl.u32 s19, $0x3  }
0x1a: {  	s21 =	simm.s32 $0x0;
	s20 =	sadd.s32 s6, s19  }
0x1b: {  	[tilespmem:s14], [sflag:$0x1] =	stream.linear.gather [hbm4b:s20+s21], $0x200, $0x38;
	[tilespmem:$0x7E00] =	vst v63  }
0x1c: {  	_ =	swait.ge [sflag:s11], $0x200  }
0x1d: {  	[sflag:s11] =	ssyncset.done $0x0  }
0x1e: {  	s31 =	sadd.s32 s7, s19;
	[sflag:s11] =	ssyncadd.s32 $0xFFFFFE00  }
0x1f: {  	[tilespmem:s15], [sflag:$0x1] =	stream.linear.gather [hbm4b:s31+s21], $0x200, $0x38;
	[tilespmem:$0x7E00] =	vst v63  }
0x20: {  	_ =	swait.ge [sflag:s11], $0x200  }
0x21: {  	[sflag:s11] =	ssyncset.done $0x0  }
0x22: {  	s20 =	simm.s32 $0x0;
	[sflag:s11] =	ssyncadd.s32 $0xFFFFFE00  }
0x23: {  	v0 =	vld [tilespmem:s20+$0x7A00]  }
0x24: {  	v1 =	vld [tilespmem:s20+$0x7800];
	_ =	sdelay $0x6  }
0x25: {  	v2 =	vld.idx.msk [tilespmem:v0+s1+$0x0], $0xffff  }
0x26: {  	v3 =	vld.idx.msk [tilespmem:v1+s1+$0x0], $0xffff  }
0x27: {  	v4 =	vld.idx.msk [tilespmem:v1+s12+$0x0], $0xffff  }
0x28: {  	v5 =	vld.idx.msk [tilespmem:v0+s12+$0x0], $0xffff  }
0x29: {  	v6 =	vld.idx.msk [tilespmem:v1+s13+$0x0], $0xffff  }
0x2a: {  	v7 =	vld.idx.msk [tilespmem:v0+s13+$0x0], $0xffff;
	_ =	sdelay $0x2  }
0x2b: {  	s21 =	simm.s32 $0x10;
	v3 =	vsub.f32 v3, v2;
	v4 =	vsub.f32 v4, v5  }
0x2c: {  	v0 =	vld [tilespmem:s21+$0x7A00]  }
0x2d: {  	v1 =	vld [tilespmem:s21+$0x7800];
	v2 =	vsub.f32 v6, v7;
	v3 =	vmul.f32 v3, v3;
	v4 =	vmul.f32 v4, v4  }
0x2e: {  	s22 =	simm.s32 $0x80  }
.LBB2_3:
0x2f: {  	p0 =	sne.s32 s22, $0x7C0;
	v3 =	vadd.f32 v4, v3;
	v2 =	vmul.f32 v2, v2;
	_ =	sdelay $0x1  }
0x30: {  	v2 =	vadd.f32 v2, v3;
	_ =	sdelay $0x1  }
0x31: {  	[tilespmem:s20+$0x7C00] =	vst v2;
	s20 =	smov.u32 s21  }
0x32: {  	v2 =	vld.idx.msk [tilespmem:v0+s1+$0x0], $0xffff  }
0x33: {  	v3 =	vld.idx.msk [tilespmem:v1+s1+$0x0], $0xffff  }
0x34: {  	v4 =	vld.idx.msk [tilespmem:v1+s12+$0x0], $0xffff  }
0x35: {  	v5 =	vld.idx.msk [tilespmem:v0+s12+$0x0], $0xffff  }
0x36: {  	v6 =	vld.idx.msk [tilespmem:v1+s13+$0x0], $0xffff  }
0x37: {  	v7 =	vld.idx.msk [tilespmem:v0+s13+$0x0], $0xffff;
	_ =	sdelay $0x2  }
.Ltmp0:
0x38: {  	(pc) =	sbr.rel @p0 .LBB2_3-.Ltmp0, $4  }
0x39: {  	s21 =	sshra.s32 s22, $0x2;
	v3 =	vsub.f32 v3, v2;
	v4 =	vsub.f32 v4, v5  }
0x3a: {  	v0 =	vld [tilespmem:s21+$0x7A00]  }
0x3b: {  	v3 =	vmul.f32 v3, v3;
	v2 =	vsub.f32 v6, v7;
	v4 =	vmul.f32 v4, v4;
	v1 =	vld [tilespmem:s21+$0x7800]  }
0x3c: {  	s22 =	sadd.s32 $0x40, s22  }
0x3d: {  	_ = 	snop  }
0x3e: {  	v3 =	vadd.f32 v4, v3;
	v2 =	vmul.f32 v2, v2;
	_ =	sdelay $0x1  }
0x3f: {  	v2 =	vadd.f32 v2, v3;
	_ =	sdelay $0x1  }
0x40: {  	[tilespmem:s20+$0x7C00] =	vst v2  }
0x41: {  	v2 =	vld.idx.msk [tilespmem:v0+s1+$0x0], $0xffff  }
0x42: {  	v57 =	vld.idx.msk [tilespmem:v1+s1+$0x0], $0xffff  }
0x43: {  	v58 =	vld.idx.msk [tilespmem:v1+s12+$0x0], $0xffff  }
0x44: {  	v5 =	vld.idx.msk [tilespmem:v0+s12+$0x0], $0xffff  }
0x45: {  	v59 =	vld.idx.msk [tilespmem:v1+s13+$0x0], $0xffff  }
0x46: {  	v60 =	vld.idx.msk [tilespmem:v0+s13+$0x0], $0xffff;
	_ =	sdelay $0x2  }
0x47: {  	v2 =	vsub.f32 v57, v2;
	v61 =	vsub.f32 v58, v5;
	_ =	sdelay $0x1  }
0x48: {  	v0 =	vsub.f32 v59, v60;
	v62 =	vmul.f32 v2, v2;
	v63 =	vmul.f32 v61, v61;
	_ =	sdelay $0x1  }
0x49: {  	v0 =	vmul.f32 v0, v0;
	v1 =	vadd.f32 v63, v62;
	_ =	sdelay $0x1  }
0x4a: {  	s18 =	sadd.s32 $0x1, s18;
	v0 =	vadd.f32 v0, v1  }
0x4b: {  	p0 =	sne.s32 s18, $0x13  }
.Ltmp1:
0x4c: {  	s19 =	sadd.s32 s8, s19;
	[tilespmem:s21+$0x7C00] =	vst v0;
	(pc) =	sbr.rel @p0 .LBB2_2-.Ltmp1, $4  }
0x4d: {  	[hbm4b:s19+s1] =	stream.linear.scatter [tilespmem:s16], [sflag:$0x1], $0x200, $0x38;
	[tilespmem:$0x7E00] =	vst v63  }
0x4e: {  	_ =	swait.ge [sflag:s11], $0x200  }
0x4f: {  	[sflag:s11] =	ssyncset.done $0x0  }
0x50: {  	[sflag:s11] =	ssyncadd.s32 $0xFFFFFE00  }
0x51: {  	s17 =	sadd.s32 $0x1, s17  }
0x52: {  	p0 =	sne.s32 s17, s10  }
.Ltmp2:
0x53: {  	_ = 	snop;
	(pc) =	sbr.rel @p0 .LBB2_1-.Ltmp2, $1  }
0x54: {  	_ =	sdelay $0x3  }
0x55: {  	_ =	sfence.sel $0x180000  }
0x56: {  	[bflag:$0x0] =	sbarrier.arrive $0xFFFF  }
0x57: {  	p0 =	sne.s32 s5, $0x0;
	_ =	strace $0x90000047  }
0x58: {  	s0 =	sadd.s32 @!p0 $0x100000, s0;
	[bflag:$0x2] =	sbarrier.arrive $0xFFFF  }
0x59: {  	[sflag:s0] =	ssyncadd.tile.s32 @!p0 $0x1;
	_ =	shalt  }
.Lfunc_end2:
_tile_overlayer_lowered:
.L_overlay_start_2:
0x5a: {  	(tag) =	ssettag $0x2  }
0x5b: {  	s0 =	rddreg [dreg:$0x0];
	s2 =	stileid.u32  }
0x5c: {  	s1 =	rddreg [dreg:$0x1];
	p0 =	sne.s32 s2, $0x0  }
0x5d: {  	s3 =	rddreg [dreg:$0x2];
	[bflag:$0x3] =	sbarrier.arrive $0xFFFF;
	s2 =	simm.s32 @!p0 $0x1C01  }
0x5e: {  	[timem:s3], [sflag:s2] =	dma.local @!p0 [hbm:s0], s1  }
0x5f: {  	s0 =	simm.s32 @!p0 $0x1  }
0x60: {  	_ =	swait.ge @!p0 [sflag:s0], s1  }
0x61: {  	s1 =	ssub.s32 @!p0 $0x0, s1;
	[sflag:s0] =	ssyncset.done @!p0 $0x0  }
0x62: {  	[sflag:s0] =	ssyncadd.s32 @!p0 s1  }
0x63: {  	[bflag:$0x3] =	sbarrier.arrive $0xFFFF  }
0x64: {  	_ =	shalt  }

// kernel: kernel.20.cloned.1.call-start
scs
__scs_entry_jumppad:
0x0: {  	(pc) =	sbr.rel $0x88, $3  }
0x1: {  	(tag) =	ssettag $0x0;
	lr =	simm.s32 $0x1  }
0x2: {  	[smem:$0x3F8D] =	sst lr;
	_ =	strace $0xD0000000  }
0x3: {  	_ = 	snop  }
0x4: {  	_ = 	snop  }
0x5: {  	_ = 	snop  }
0x6: {  	_ = 	snop  }
0x7: {  	_ = 	snop  }
__scs_overlays_trampoline_lowered:
0x8: {  	[smem:$0x3F9C] =	sst s0  }
0x9: {  	[smem:$0x3F9D] =	sst s1  }
0xa: {  	[smem:$0x3F9E] =	sst s2  }
0xb: {  	[smem:$0x3F9F] =	sst s3  }
0xc: {  	[smem:$0x3FA0] =	sst s4  }
0xd: {  	[smem:$0x3FA1] =	sst s5  }
0xe: {  	[smem:$0x3FA2] =	sst s6  }
0xf: {  	[smem:$0x3FA3] =	sst s7  }
0x10: {  	[smem:$0x3FA4] =	sst s8  }
0x11: {  	[smem:$0x3FA5] =	sst s9;
	s0 =	simm.s32 @!p0 $0x0  }
0x12: {  	s1 =	sld [smem:$0x3F8B];
	s0 =	simm.s32 @p0 $0x1  }
0x13: {  	[smem:$0x3FA6] =	sst s0;
	s0 =	simm.s32 @!p1 $0x0  }
0x14: {  	s2 =	sld [smem:$0x3F8A];
	s0 =	simm.s32 @p1 $0x1  }
0x15: {  	[smem:$0x3FA7] =	sst s0;
	s0 =	simm.s32 @!p2 $0x0  }
0x16: {  	s3 =	sld [smem:$0x3FDB];
	s0 =	simm.s32 @p2 $0x1  }
0x17: {  	s4 =	simm.s32 $0x1BF5;
	[smem:$0x3FA9] =	sst s0  }
0x18: {  	s0 =	sld [smem:$0x3F8C];
	_ =	swait.ge [sflag:s4], $0x0  }
0x19: {  	s7 =	sld [smem:$0x3F8D]  }
0x1a: {  	s8 =	sadd.s32 $0xFFFFE003, lr  }
0x1b: {  	s9 =	sadd.s32 $0xFFFFFEF7, lr;
	s5 =	simm.s32 $0xFFFFFFFF;
	p2 =	slt.u32 s8, $0xFFFFF086  }
0x1c: {  	p1 =	slt.u32 s9, $0xF7A;
	s5 =	simm.s32 @!p2 $0x0  }
0x1d: {  	s5 =	simm.s32 @p1 $0x1;
	p0 =	seq.s32 s7, s2  }
0x1e: {  	s7 =	smul.u32 @!p0 $0xF7A, s2;
	p2 =	seq.s32 @!p0 s5, $0x0  }
0x1f: {  	s9 =	smul.u32 $0xF7A, s1;
	s8 =	simm.s32 @!p0 $0x1BF5;
	p2 =	por !p2, p0  }
0x20: {  	[sflag:s8] =	ssyncset.s32 @!p0 $0xFFFFF086;
	s6 =	sadd.s32 @!p0 s3, s7;
	s7 =	simm.s32 @!p0 $0x108  }
0x21: {  	s3 =	sadd.s32 s3, s9;
	s6 =	sadd.s32 @!p0 $0x88, s6;
	s7 =	simm.s32 @p2 $0x1082  }
0x22: {  	[simem:s7], [sflag:s8] =	dma.local @!p0 [hbm:s6], $0xF7A  }
0x23: {  	s9 =	sor.u32 $0xD0000000, s2;
	s6 =	simm.s32 $0x108;
	_ =	swait.ge @!p0 [sflag:s8], $0x0  }
0x24: {  	s3 =	sadd.s32 $0x88, s3;
	s6 =	simm.s32 @!p1 $0x1082;
	[sflag:s4] =	ssyncset.s32 $0xFFFFF086  }
0x25: {  	[simem:s6], [sflag:s4] =	dma.local [hbm:s3], $0xF7A  }
0x26: {  	[smem:$0x3F8D] =	sst s1;
	(tag) =	ssettag s2;
	_ =	strace s9  }
0x27: {  	s1 =	sld [smem:$0x3F9D]  }
0x28: {  	s2 =	sld [smem:$0x3F9E]  }
0x29: {  	s4 =	sld [smem:$0x3FA0]  }
0x2a: {  	p0 =	seq.s32 s5, $0x0;
	s5 =	sld [smem:$0x3FA1]  }
0x2b: {  	s6 =	sld [smem:$0x3FA2]  }
0x2c: {  	s7 =	sld [smem:$0x3FA3]  }
0x2d: {  	s3 =	simm.s32 $0x108;
	s8 =	sld [smem:$0x3FA4]  }
0x2e: {  	s3 =	simm.s32 @!p0 $0x1082;
	s9 =	sld [smem:$0x3FA5]  }
0x2f: {  	lr =	sadd.s32 s0, s3;
	s0 =	sld [smem:$0x3F9C]  }
0x30: {  	s3 =	sld [smem:$0x3F9F]  }
0x31: {  	[smem:$0x3FA8] =	sst s10  }
0x32: {  	s10 =	sld [smem:$0x3FA6];
	_ =	sdelay $0x3  }
0x33: {  	p0 =	seq.s32 s10, $0x1;
	s10 =	sld [smem:$0x3FA8];
	_ =	sdelay $0x3  }
0x34: {  	[smem:$0x3FA8] =	sst s10  }
0x35: {  	s10 =	sld [smem:$0x3FA7];
	_ =	sdelay $0x3  }
0x36: {  	p1 =	seq.s32 s10, $0x1;
	s10 =	sld [smem:$0x3FA8];
	_ =	sdelay $0x3  }
0x37: {  	[smem:$0x3FA8] =	sst s10  }
0x38: {  	s10 =	sld [smem:$0x3FA9]  }
0x39: {  	_ = 	snop;
	(pc) =	sbr.ind lr, $3  }
0x3a: {  	_ = 	snop  }
0x3b: {  	_ = 	snop  }
0x3c: {  	p2 =	seq.s32 s10, $0x1;
	s10 =	sld [smem:$0x3FA8]  }
0x3d: {  	_ =	shalt  }
0x3e: {  	_ =	shalt  }
0x3f: {  	_ =	shalt  }
0x40: {  	_ =	shalt  }
0x41: {  	_ =	shalt  }
0x42: {  	_ =	shalt  }
0x43: {  	_ =	shalt  }
0x44: {  	_ =	shalt  }
0x45: {  	_ =	shalt  }
0x46: {  	_ =	shalt  }
0x47: {  	_ =	shalt  }
0x48: {  	_ =	shalt  }
0x49: {  	_ =	shalt  }
0x4a: {  	_ =	shalt  }
0x4b: {  	_ =	shalt  }
0x4c: {  	_ =	shalt  }
0x4d: {  	_ =	shalt  }
0x4e: {  	_ =	shalt  }
0x4f: {  	_ =	shalt  }
0x50: {  	_ =	shalt  }
0x51: {  	_ =	shalt  }
0x52: {  	_ =	shalt  }
0x53: {  	_ =	shalt  }
0x54: {  	_ =	shalt  }
0x55: {  	_ =	shalt  }
0x56: {  	_ =	shalt  }
0x57: {  	_ =	shalt  }
0x58: {  	_ =	shalt  }
0x59: {  	_ =	shalt  }
0x5a: {  	_ =	shalt  }
0x5b: {  	_ =	shalt  }
0x5c: {  	_ =	shalt  }
0x5d: {  	_ =	shalt  }
0x5e: {  	_ =	shalt  }
0x5f: {  	_ =	shalt  }
0x60: {  	_ =	shalt  }
0x61: {  	_ =	shalt  }
0x62: {  	_ =	shalt  }
0x63: {  	_ =	shalt  }
0x64: {  	_ =	shalt  }
0x65: {  	_ =	shalt  }
0x66: {  	_ =	shalt  }
0x67: {  	_ =	shalt  }
0x68: {  	_ =	shalt  }
0x69: {  	_ =	shalt  }
0x6a: {  	_ =	shalt  }
0x6b: {  	_ =	shalt  }
0x6c: {  	_ =	shalt  }
0x6d: {  	_ =	shalt  }
0x6e: {  	_ =	shalt  }
0x6f: {  	_ =	shalt  }
0x70: {  	_ =	shalt  }
0x71: {  	_ =	shalt  }
0x72: {  	_ =	shalt  }
0x73: {  	_ =	shalt  }
0x74: {  	_ =	shalt  }
0x75: {  	_ =	shalt  }
0x76: {  	_ =	shalt  }
0x77: {  	_ =	shalt  }
0x78: {  	_ =	shalt  }
0x79: {  	_ =	shalt  }
0x7a: {  	_ =	shalt  }
0x7b: {  	_ =	shalt  }
0x7c: {  	_ =	shalt  }
0x7d: {  	_ =	shalt  }
0x7e: {  	_ =	shalt  }
0x7f: {  	_ =	shalt  }
0x80: {  	_ =	shalt  }
0x81: {  	_ =	shalt  }
0x82: {  	_ =	shalt  }
0x83: {  	_ =	shalt  }
0x84: {  	_ =	shalt  }
0x85: {  	_ =	shalt  }
0x86: {  	_ =	shalt  }
0x87: {  	_ =	shalt  }
.Lfunc_end0:
.L_simem_size_0:
called_computation.1_lowered:
.L_overlay_start_0:
0x88: {  	s2 =	sld [smem:$0x3FD9]  }
0x89: {  	s3 =	sld [smem:$0x3FFE];
	_ =	sdelay $0x1  }
0x8a: {  	s1 =	srdreg.scid  }
0x8b: {  	s0 =	sand.u32 $0x1, s1  }
0x8c: {  	s16 =	sshll.u32 s0, $0xA;
	s2 =	sadd.s32 s3, s2  }
0x8d: {  	s2 =	sadd.s32 s2, s16  }
0x8e: {  	[smem:$0x3FB4] =	sst s2  }
0x8f: {  	_ = 	snop  }
0x90: {  	(tm) =	ssettm $0x1  }
0x91: {  	s17 =	sld [smem:$0x3FFB];
	_ =	sdelay $0x3  }
0x92: {  	_ =	strace s17  }
0x93: {  	s2 =	sld [smem:$0x3FFC];
	_ =	sdelay $0x3  }
0x94: {  	_ =	strace s2  }
0x95: {  	s2 =	sld [smem:$0x3FFD];
	_ =	sdelay $0x3  }
0x96: {  	_ =	strace s2  }
0x97: {  	_ =	strace $0x8FFFFFFF  }
0x98: {  	s18 =	sld [smem:$0x3FDB];
	_ =	sdelay $0x1  }
0x99: {  	s19 =	simm.s32 $_scs_section_size  }
0x9a: {  	s4 =	simm.s32 $_size__tile_overlayer_lowered;
	s5 =	simm.s32 $_tile_overlayer_lowered  }
0x9b: {  	s22 =	simm.s32 $0x1BFF;
	s21 =	sshll.u32 s5, $0x1;
	s2 =	sadd.s32 s19, s18  }
0x9c: {  	s6 =	simm.s32 $0x0;
	s20 =	sshll.u32 s4, $0x1;
	s4 =	sadd.s32 s21, s2  }
0x9d: {  	[timem:s6], [sflag:s22] =	dma.local [hbm:s4], s20  }
0x9e: {  	_ =	swait.ge [sflag:s22], s20  }
0x9f: {  	s3 =	ssub.s32 $0x0, s20;
	[sflag:s22] =	ssyncset.done $0x0  }
0xa0: {  	[sflag:s22] =	ssyncadd.s32 s3;
	_ =	sdelay $0x1  }
0xa1: {  	s23 =	simm.s32 $0x1B8B  }
0xa2: {  	_ =	swait.ge [sflag:s23], $0x1  }
0xa3: {  	[sflag:s23] =	ssyncset.done $0x0  }
0xa4: {  	s25 =	simm.s32 $0x1B8E;
	s24 =	sld [smem:$0x3FFE];
	[sflag:s23] =	ssyncadd.s32 $0xFFFFFFFF  }
0xa5: {  	s26 =	simm.s32 $execute0_lowered;
	[smem:$0x3FD2] =	sst s25  }
0xa6: {  	s4 =	sshll.u32 s26, $0x1;
	_ =	strace $0x80000049;
	[dreg:$0x1] =	wrdreg $0xFFFFFFFF  }
0xa7: {  	s28 =	simm.s32 $_size_execute0_lowered;
	s2 =	sadd.s32 s2, s4;
	[dreg:$0x0] =	wrdreg $0x0  }
0xa8: {  	s4 =	sshll.u32 s28, $0x1;
	[dreg:$0x2] =	wrdreg s2  }
0xa9: {  	[dreg:$0x3] =	wrdreg s4  }
0xaa: {  	[dreg:$0x4] =	wrdreg $0xC0  }
0xab: {  	_ =	task [dreg:s6], $0x5FFFF  }
0xac: {  	[dreg:$0x1] =	wrdreg $0xFFFFFFFF  }
0xad: {  	[dreg:$0x0] =	wrdreg $0x60  }
0xae: {  	[dreg:$0x2] =	wrdreg s24  }
0xaf: {  	[dreg:$0x3] =	wrdreg $0x81800  }
0xb0: {  	[dreg:$0x4] =	wrdreg $0x121800  }
0xb1: {  	[dreg:$0x5] =	wrdreg $0x9  }
0xb2: {  	_ =	task.clear_ibuf [dreg:s6], $0x6FFFF;
	_ =	strace $0x90000049  }
0xb3: {  	s29 =	simm.s32 $0x9;
	_ =	strace $0x8000004B  }
0xb4: {  	_ =	swait.ge [sflag:s29], $0x1  }
0xb5: {  	[sflag:s29] =	ssyncadd.s32 $0xFFFFFFFF  }
0xb6: {  	_ =	strace $0x9000004B  }
0xb7: {  	_ =	sfence  }
0xb8: {  	s30 =	sld [smem:$0x0];
	_ =	sdelay $0x2  }
0xb9: {  	s31 =	sshll.u32 s1, $0xD;
	s1 =	sshrl.u32 s1, $0x2  }
0xba: {  	s3 =	sand.u32 $0x4000, s31;
	s1 =	sadd.s32 s1, s30  }
0xbb: {  	s0 =	sor.u32 s3, s0;
	s1 =	sshll.u32 s1, $0x11  }
0xbc: {  	s0 =	sor.u32 s1, s0  }
0xbd: {  	s0 =	sadd.s32 $0x8F2B, s0  }
0xbe: {  	[sflag:s0] =	ssyncadd.remote.s32 $0x1  }
0xbf: {  	_ =	sfence.sel $0xFFFF  }
0xc0: {  	[dreg:$0x0] =	wrdreg $0xFFFFFFFF;
	(pc) =	sbr.abs _section_cstart, $3  }
0xc1: {  	[dreg:$0x1] =	wrdreg $0xFFFFFFFF  }
0xc2: {  	_ =	task.clear_ibuf [dreg:s6], $0x2FFFF;
	_ =	strace $0x9FFFFFFF  }
0xc3: {  	(tm) =	ssettm $0x7FFFFFFF  }
tec
execute0_lowered:
.L_overlay_start_1:
0x0: {  	(tag) =	ssettag $0x1  }
0x1: {  	s0 =	rddreg [dreg:$0x0]  }
0x2: {  	s1 =	rddreg [dreg:$0x1]  }
0x3: {  	s2 =	rddreg [dreg:$0x2];
	s3 =	simm.s32 $0x0;
	s4 =	srdreg.scid  }
0x4: {  	s19 =	stileid.u32;
	[smem:$0x7FF] =	sst s3;
	s5 =	sadd.s32 $0x3EA00, s0  }
0x5: {  	s6 =	sadd.s32 $0x2AA00, s0;
	s7 =	sadd.s32 $0x542A00, s0;
	s8 =	sadd.s32 $0x8400, s0  }
0x6: {  	s4 =	sand.u32 $0x1, s4;
	s10 =	smul.u32 $0x280, s19;
	s9 =	sadd.s32 $0x12200, s0  }
0x7: {  	s11 =	sadd.s32 $0x7AA00, s0;
	s0 =	sadd.s32 $0x52A00, s0;
	s20 =	smul.u32 $0xA000, s19  }
0x8: {  	_ =	strace $0x8000004A;
	s12 =	smul.u32 $0x2800, s4;
	s13 =	ssub.s32 $0x2, s4  }
0x9: {  	s14 =	sshll.u32 s4, $0x4;
	s4 =	smul.u32 $0x27800, s4;
	s15 =	sshrl.u32 s13, $0x1  }
0xa: {  	s14 =	sor.u32 s19, s14;
	s29 =	sadd.s32 s20, s1;
	s30 =	sadd.s32 s20, s2  }
0xb: {  	s12 =	sadd.s32 s10, s12;
	s13 =	ssub.s32 s13, s15;
	s10 =	smul.u32 $0x2780, s14  }
0xc: {  	s15 =	smul.u32 $0x2780, s19;
	[dreg:$0x11] =	wrdreg s29;
	s12 =	sshll.u32 s12, $0x3  }
0xd: {  	s19 =	sadd.s32 $0x6000, s20;
	[dreg:$0x12] =	wrdreg s30;
	s21 =	sadd.s32 s11, s12  }
0xe: {  	s22 =	sadd.s32 $0x400, s12;
	s26 =	sadd.s32 s0, s12;
	[dreg:$0x4] =	wrdreg s21  }
0xf: {  	s23 =	sadd.s32 $0x800, s12;
	s16 =	sadd.s32 s11, s22;
	[dreg:$0x9] =	wrdreg s26  }
0x10: {  	s17 =	sadd.s32 $0xC00, s12;
	s18 =	sadd.s32 s11, s23;
	[dreg:$0x5] =	wrdreg s16  }
0x11: {  	s25 =	sadd.s32 $0x1000, s12;
	s24 =	sadd.s32 s11, s17;
	[dreg:$0x6] =	wrdreg s18  }
0x12: {  	s14 =	simm.s32 $0x100;
	s11 =	sadd.s32 s11, s25;
	[dreg:$0x7] =	wrdreg s24  }
0x13: {  	s28 =	sadd.s32 s19, s1;
	s31 =	sadd.s32 s0, s22;
	[dreg:$0x8] =	wrdreg s11  }
0x14: {  	s4 =	sadd.s32 s15, s4;
	s12 =	sadd.s32 s0, s23;
	[dreg:$0xa] =	wrdreg s31  }
0x15: {  	s15 =	simm.s32 $0x180;
	s22 =	sshrl.u32 s4, $0x3;
	[dreg:$0xb] =	wrdreg s12  }
0x16: {  	s16 =	sadd.s32 s0, s17;
	s0 =	sadd.s32 s0, s25;
	s17 =	sadd.s32 $0x2000, s20  }
0x17: {  	s18 =	sadd.s32 $0x4000, s20;
	s20 =	sadd.s32 $0x8000, s20;
	s31 =	smax.u32 s13, $0x1  }
0x18: {  	s4 =	sadd.s32 s22, s9;
	s11 =	simm.s32 $0x6180;
	[dreg:$0xc] =	wrdreg s16  }
0x19: {  	s12 =	simm.s32 $0x3;
	s13 =	simm.s32 $0x80;
	[dreg:$0xd] =	wrdreg s0  }
0x1a: {  	s23 =	sadd.s32 s17, s1;
	s0 =	sadd.s32 s19, s2;
	[dreg:$0x15] =	wrdreg s31  }
0x1b: {  	s24 =	sadd.s32 s17, s2;
	s21 =	sadd.s32 s20, s1;
	[dreg:$0x10] =	wrdreg s0  }
0x1c: {  	s25 =	sadd.s32 s18, s1;
	s26 =	sadd.s32 s18, s2;
	[dreg:$0x13] =	wrdreg s21  }
0x1d: {  	s16 =	simm.s32 $0x2180;
	s17 =	simm.s32 $0x4180;
	[dreg:$0xe] =	wrdreg s23  }
0x1e: {  	s18 =	simm.s32 $0x1;
	s0 =	sadd.s32 s20, s2;
	[dreg:$0xf] =	wrdreg s24  }
0x1f: {  	v0 =	vimm.f32 $0.0e+00;
	v1 =	vimm.f32 $1.000000000e+00;
	s19 =	simm.s32 $0x2;
	s20 =	simm.s32 $0x0;
	[dreg:$0x14] =	wrdreg s0  }
.LBB2_1:
0x20: {  	s21 =	simm.s32 $0x100;
	s0 =	simm.s32 $0x0  }
.LBB2_2:
0x21: {  	p0 =	sne.s32 s21, $0x7F00;
	[tilespmem:s0+$0x61B0] =	vst v0;
	s22 =	smov.u32 s21;
	s21 =	sadd.s32 $0x100, s21  }
.Ltmp0:
0x22: {  	[tilespmem:s0+$0x61A0] =	vst v0;
	(pc) =	sbr.rel @p0 .LBB2_2-.Ltmp0, $3  }
0x23: {  	[tilespmem:s0+$0x6180] =	vst v0  }
0x24: {  	[tilespmem:s0+$0x6190] =	vst v0;
	_ =	sdelay $0x1  }
0x25: {  	s0 =	sshra.s32 s22, $0x2  }
0x26: {  	[tilespmem:s0+$0x61B0] =	vst v0  }
0x27: {  	[tilespmem:s0+$0x61A0] =	vst v0  }
0x28: {  	[tilespmem:s0+$0x6180] =	vst v0  }
0x29: {  	[tilespmem:s0+$0x6190] =	vst v0  }
0x2a: {  	[spmem:s29] =	stream.linear.scatter [tilespmem:s11], [sflag:$0x3], $0x2000, $0x38;
	[tilespmem:$0x1C180] =	vst v63  }
0x2b: {  	_ =	swait.ge [sflag:s12], $0x2000  }
0x2c: {  	[sflag:s12] =	ssyncset.done $0x0  }
0x2d: {  	[sflag:s12] =	ssyncadd.s32 $0xFFFFE000  }
0x2e: {  	[spmem:s30] =	stream.linear.scatter [tilespmem:s11], [sflag:$0x3], $0x2000, $0x38;
	[tilespmem:$0x1C180] =	vst v63  }
0x2f: {  	_ =	swait.ge [sflag:s12], $0x2000  }
0x30: {  	[sflag:s12] =	ssyncset.done $0x0  }
0x31: {  	[sflag:s12] =	ssyncadd.s32 $0xFFFFE000  }
0x32: {  	[spmem:s23] =	stream.linear.scatter [tilespmem:s11], [sflag:$0x3], $0x2000, $0x38;
	[tilespmem:$0x1C180] =	vst v63  }
0x33: {  	_ =	swait.ge [sflag:s12], $0x2000  }
0x34: {  	[sflag:s12] =	ssyncset.done $0x0  }
0x35: {  	[sflag:s12] =	ssyncadd.s32 $0xFFFFE000  }
0x36: {  	[spmem:s24] =	stream.linear.scatter [tilespmem:s11], [sflag:$0x3], $0x2000, $0x38;
	[tilespmem:$0x1C180] =	vst v63  }
0x37: {  	_ =	swait.ge [sflag:s12], $0x2000  }
0x38: {  	[sflag:s12] =	ssyncset.done $0x0  }
0x39: {  	[sflag:s12] =	ssyncadd.s32 $0xFFFFE000  }
0x3a: {  	[spmem:s25] =	stream.linear.scatter [tilespmem:s11], [sflag:$0x3], $0x2000, $0x38;
	[tilespmem:$0x1C180] =	vst v63  }
0x3b: {  	_ =	swait.ge [sflag:s12], $0x2000  }
0x3c: {  	[sflag:s12] =	ssyncset.done $0x0  }
0x3d: {  	[sflag:s12] =	ssyncadd.s32 $0xFFFFE000  }
0x3e: {  	[spmem:s26] =	stream.linear.scatter [tilespmem:s11], [sflag:$0x3], $0x2000, $0x38;
	[tilespmem:$0x1C180] =	vst v63  }
0x3f: {  	_ =	swait.ge [sflag:s12], $0x2000  }
0x40: {  	[sflag:s12] =	ssyncset.done $0x0  }
0x41: {  	[sflag:s12] =	ssyncadd.s32 $0xFFFFE000  }
0x42: {  	[spmem:s28] =	stream.linear.scatter [tilespmem:s11], [sflag:$0x3], $0x2000, $0x38;
	[tilespmem:$0x1C180] =	vst v63  }
0x43: {  	_ =	swait.ge [sflag:s12], $0x2000  }
0x44: {  	[sflag:s12] =	ssyncset.done $0x0  }
0x45: {  	s31 =	smov.u32 s25;
	s25 =	rddreg [dreg:$0x10];
	[sflag:s12] =	ssyncadd.s32 $0xFFFFE000  }
0x46: {  	[spmem:s25] =	stream.linear.scatter [tilespmem:s11], [sflag:$0x3], $0x2000, $0x38;
	[tilespmem:$0x1C180] =	vst v63  }
0x47: {  	_ =	swait.ge [sflag:s12], $0x2000  }
0x48: {  	[sflag:s12] =	ssyncset.done $0x0  }
0x49: {  	s29 =	smov.u32 s26;
	s26 =	rddreg [dreg:$0x13];
	[sflag:s12] =	ssyncadd.s32 $0xFFFFE000  }
0x4a: {  	[spmem:s26] =	stream.linear.scatter [tilespmem:s11], [sflag:$0x3], $0x2000, $0x38;
	[tilespmem:$0x1C180] =	vst v63  }
0x4b: {  	_ =	swait.ge [sflag:s12], $0x2000  }
0x4c: {  	[sflag:s12] =	ssyncset.done $0x0  }
0x4d: {  	s30 =	smov.u32 s28;
	s28 =	rddreg [dreg:$0x14];
	[sflag:s12] =	ssyncadd.s32 $0xFFFFE000  }
0x4e: {  	[spmem:s28] =	stream.linear.scatter [tilespmem:s11], [sflag:$0x3], $0x2000, $0x38;
	[tilespmem:$0x1C180] =	vst v63  }
0x4f: {  	_ =	swait.ge [sflag:s12], $0x2000  }
0x50: {  	[sflag:s12] =	ssyncset.done $0x0  }
0x51: {  	[sflag:s12] =	ssyncadd.s32 $0xFFFFE000  }
0x52: {  	s0 =	simm.s32 $0x0;
	s21 =	simm.s32 $0x0;
	[bflag:$0x0] =	sbarrier.arrive $0xFFFF  }
.LBB2_4:
0x53: {  	s22 =	sshll.u32 s21, $0x7  }
0x54: {  	s22 =	sadd.s32 s10, s22  }
0x55: {  	s23 =	sshrl.u32 s22, $0x3  }
0x56: {  	s24 =	sadd.s32 s8, s23  }
0x57: {  	[tilespmem:s0], [sflag:$0x3] =	stream.linear.gather [hbm4b:s24+s0], $0x80, $0x38;
	[tilespmem:$0x1C180] =	vst v63  }
0x58: {  	_ =	swait.ge [sflag:s12], $0x80  }
0x59: {  	[sflag:s12] =	ssyncset.done $0x0  }
0x5a: {  	s23 =	sadd.s32 s9, s23;
	[sflag:s12] =	ssyncadd.s32 $0xFFFFFF80  }
0x5b: {  	[tilespmem:s13], [sflag:$0x3] =	stream.linear.gather [hbm4b:s23+s0], $0x80, $0x38;
	[tilespmem:$0x1C180] =	vst v63  }
0x5c: {  	_ =	swait.ge [sflag:s12], $0x80  }
0x5d: {  	[sflag:s12] =	ssyncset.done $0x0  }
0x5e: {  	[sflag:s12] =	ssyncadd.s32 $0xFFFFFF80  }
0x5f: {  	[tilespmem:s14], [sflag:$0x3] =	stream.linear.gather [hbm4b:s23+s0], $0x80, $0x38;
	[tilespmem:$0x1C180] =	vst v63  }
0x60: {  	_ =	swait.ge [sflag:s12], $0x80  }
0x61: {  	s22 =	sshll.u32 s22, $0x3;
	[sflag:s12] =	ssyncset.done $0x0  }
0x62: {  	s22 =	sadd.s32 s7, s22;
	[sflag:s12] =	ssyncadd.s32 $0xFFFFFF80  }
0x63: {  	[tilespmem:s15], [sflag:$0x3] =	stream.linear.gather [hbm4b:s22+s0], $0x2000, $0x38;
	[tilespmem:$0x1C180] =	vst v63  }
0x64: {  	_ =	swait.ge [sflag:s12], $0x2000  }
0x65: {  	[sflag:s12] =	ssyncset.done $0x0  }
0x66: {  	[sflag:s12] =	ssyncadd.s32 $0xFFFFE000  }
0x67: {  	[tilespmem:s16], [sflag:$0x1] =	stream.indirect.gather [hbm4b:s5+s13], $0x40, s13, s13, $0xb8;
	[tilespmem:$0x1C180] =	vst v63  }
0x68: {  	_ = 	snop  }
0x69: {  	[tilespmem:s17], [sflag:$0x2] =	stream.indirect.gather [hbm4b:s6+s13], $0x40, s0, s13, $0xb8;
	[tilespmem:$0x1C180] =	vst v63  }
0x6a: {  	_ =	swait.ge [sflag:s18], $0x2000  }
0x6b: {  	[sflag:s18] =	ssyncset.done $0x0  }
0x6c: {  	[sflag:s18] =	ssyncadd.s32 $0xFFFFE000  }
0x6d: {  	_ =	swait.ge [sflag:s19], $0x2000  }
0x6e: {  	[sflag:s19] =	ssyncset.done $0x0  }
0x6f: {  	s25 =	simm.s32 $0x0;
	[sflag:s19] =	ssyncadd.s32 $0xFFFFE000  }
0x70: {  	v2 =	vld [tilespmem:s25+$0x21B0]  }
0x71: {  	v3 =	vld [tilespmem:s25+$0x41B0]  }
0x72: {  	v4 =	vld [tilespmem:s25+$0x2180]  }
0x73: {  	v5 =	vld [tilespmem:s25+$0x1B0]  }
0x74: {  	v6 =	vld [tilespmem:s25+$0x4180]  }
0x75: {  	v7 =	vld [tilespmem:s25+$0x2190]  }
0x76: {  	v8 =	vld [tilespmem:s25+$0x4190]  }
0x77: {  	v9 =	vld [tilespmem:s25+$0x21A0];
	v2 =	vadd.f32 v3, v2  }
0x78: {  	s22 =	simm.s32 $0x40;
	v10 =	vld [tilespmem:s25+$0x180]  }
0x79: {  	v13 =	vld [tilespmem:s22+$0x21B0];
	v11 =	vadd.f32 v5, v2  }
0x7a: {  	v3 =	vld [tilespmem:s25+$0x41A0]  }
0x7b: {  	v2 =	vld [tilespmem:s25+$0x190];
	v12 =	vsub.f32 $0.0e+00, v11  }
0x7c: {  	v14 =	vld [tilespmem:s22+$0x41B0]  }
0x7d: {  	v5 =	vld [tilespmem:s25+$0x1A0];
	v12 =	vmul.f32 $1.442695020e+00, v12  }
0x7e: {  	v15 =	vld [tilespmem:s22+$0x2180];
	v7 =	vadd.f32 v8, v7  }
0x7f: {  	v16 =	vld [tilespmem:s22+$0x1B0];
	v4 =	vadd.f32 v6, v4;
	(erf) = vpow2.f32 v12  }
0x80: {  	s23 =	simm.s32 $0x80;
	v18 =	vld [tilespmem:s22+$0x1A0];
	v3 =	vadd.f32 v3, v9;
	v17 =	vadd.f32 v2, v7  }
0x81: {  	v19 =	vld [tilespmem:s23+$0x41B0];
	v2 =	vadd.f32 v14, v13;
	v12 =	vadd.f32 v10, v4  }
0x82: {  	v6 =	vld [tilespmem:s22+$0x4180];
	v9 =	vadd.f32 v5, v3;
	v5 =	vsub.f32 $0.0e+00, v17  }
0x83: {  	v8 =	vld [tilespmem:s22+$0x2190];
	v10 =	vsub.f32 $0.0e+00, v12  }
0x84: {  	v7 =	vld [tilespmem:s22+$0x21A0];
	v22 =	vadd.f32 v16, v2;
	v5 =	vmul.f32 $1.442695020e+00, v5  }
0x85: {  	v3 =	vld [tilespmem:s22+$0x41A0];
	v13 =	vsub.f32 $0.0e+00, v9;
	v10 =	vmul.f32 $1.442695020e+00, v10  }
0x86: {  	v4 =	vld [tilespmem:s22+$0x4190];
	v16 =	vsub.f32 $0.0e+00, v22  }
0x87: {  	v2 =	vld [tilespmem:s22+$0x180];
	v13 =	vmul.f32 $1.442695020e+00, v13;
	(erf) = vpow2.f32 v10  }
0x88: {  	v14 =	vld [tilespmem:s22+$0x190];
	v16 =	vmul.f32 $1.442695020e+00, v16;
	(erf) = vpow2.f32 v5;
	v5 =	vpop (erf)  }
0x89: {  	v10 =	vld [tilespmem:s23+$0x21B0];
	(erf) = vpow2.f32 v13;
	v5 =	vadd.f32 $1.000000000e+00, v5  }
0x8a: {  	v6 =	vadd.f32 v6, v15;
	(erf) = vpow2.f32 v16  }
0x8b: {  	v21 =	vld [tilespmem:s23+$0x180];
	v4 =	vadd.f32 v4, v8;
	(erf) = vrcp.f32 v5;
	v5 =	vadd.f32 v3, v7  }
0x8c: {  	v15 =	vld [tilespmem:s23+$0x1B0];
	v3 =	vadd.f32 v2, v6  }
0x8d: {  	v25 =	vld [tilespmem:s23+$0x190];
	v4 =	vadd.f32 v14, v4;
	v2 =	vadd.f32 v18, v5  }
0x8e: {  	v8 =	vld [tilespmem:s23+$0x4180];
	v10 =	vadd.f32 v19, v10;
	v14 =	vsub.f32 $0.0e+00, v3  }
0x8f: {  	v13 =	vld [tilespmem:s23+$0x2180];
	v5 =	vsub.f32 $0.0e+00, v4;
	v19 =	vsub.f32 $0.0e+00, v2  }
0x90: {  	v6 =	vld [tilespmem:s23+$0x2190];
	v14 =	vmul.f32 $1.442695020e+00, v14  }
0x91: {  	v7 =	vld [tilespmem:s23+$0x4190];
	v20 =	vpop (erf);
	v24 =	vmul.f32 $1.442695020e+00, v5;
	v5 =	vadd.f32 v15, v10;
	v10 =	vmul.f32 $1.442695020e+00, v19  }
0x92: {  	v16 =	vld [tilespmem:s23+$0x21A0];
	v23 =	vpop (erf);
	(erf) = vpow2.f32 v14  }
0x93: {  	s24 =	simm.s32 $0xC0;
	v18 =	vld [tilespmem:s23+$0x41A0];
	v15 =	vadd.f32 $1.000000000e+00, v20;
	v26 =	vpop (erf);
	(erf) = vpow2.f32 v24  }
0x94: {  	v27 =	vld [tilespmem:s24+$0x41B0];
	v56 =	vsub.f32 $0.0e+00, v5;
	v19 =	vpop (erf);
	(erf) = vpow2.f32 v10  }
0x95: {  	v8 =	vadd.f32 v8, v13;
	v23 =	vadd.f32 $1.000000000e+00, v23;
	v14 =	vld [tilespmem:s23+$0x1A0];
	v10 =	vpop (erf);
	(erf) = vrcp.f32 v15  }
0x96: {  	v20 =	vld [tilespmem:s24+$0x21B0];
	v7 =	vadd.f32 v7, v6;
	v15 =	vmul.f32 $1.442695020e+00, v56;
	v10 =	vmul.f32 v10, v11  }
0x97: {  	v57 =	vld [tilespmem:s24+$0x1B0];
	v6 =	vadd.f32 v21, v8;
	v19 =	vadd.f32 $1.000000000e+00, v19;
	(erf) = vrcp.f32 v23  }
0x98: {  	v13 =	vadd.f32 $1.000000000e+00, v26;
	v11 =	vld [tilespmem:s24+$0x2180];
	(erf) = vpow2.f32 v15;
	[tilespmem:s25+$0x61B0] =	vst v10;
	v10 =	vadd.f32 v18, v16  }
0x99: {  	v7 =	vadd.f32 v25, v7;
	v15 =	vsub.f32 $0.0e+00, v6;
	(erf) = vrcp.f32 v19  }
0x9a: {  	v16 =	vld [tilespmem:s24+$0x4180];
	(erf) = vrcp.f32 v13;
	v8 =	vadd.f32 v14, v10  }
0x9b: {  	v18 =	vld [tilespmem:s24+$0x2190];
	v15 =	vmul.f32 $1.442695020e+00, v15;
	v10 =	vsub.f32 $0.0e+00, v7;
	v14 =	vadd.f32 v27, v20  }
0x9c: {  	v19 =	vld [tilespmem:s24+$0x4190];
	v13 =	vpop (erf);
	v20 =	vsub.f32 $0.0e+00, v8  }
0x9d: {  	v21 =	vld [tilespmem:s24+$0x21A0];
	v23 =	vpop (erf);
	v59 =	vmul.f32 $1.442695020e+00, v10;
	v10 =	vadd.f32 v57, v14  }
0x9e: {  	v58 =	vld [tilespmem:s24+$0x41A0];
	v28 =	vpop (erf);
	(erf) = vpow2.f32 v15;
	v23 =	vadd.f32 $1.000000000e+00, v23;
	v20 =	vmul.f32 $1.442695020e+00, v20  }
0x9f: {  	v60 =	vadd.f32 $1.000000000e+00, v13;
	v13 =	vld [tilespmem:s24+$0x180];
	v15 =	vpop (erf);
	(erf) = vpow2.f32 v59;
	v16 =	vadd.f32 v16, v11  }
0xa0: {  	v14 =	vld [tilespmem:s24+$0x190];
	v29 =	vsub.f32 $0.0e+00, v10;
	v61 =	vmul.f32 v15, v12;
	v62 =	vpop (erf);
	(erf) = vpow2.f32 v20  }
0xa1: {  	s26 =	simm.s32 $0x100;
	v11 =	vadd.f32 $1.000000000e+00, v28;
	v15 =	vld [tilespmem:s24+$0x1A0];
	v63 =	vpop (erf);
	v26 =	vmul.f32 v62, v17;
	(erf) = vrcp.f32 v60  }
0xa2: {  	v18 =	vadd.f32 v19, v18;
	v12 =	vld [tilespmem:s26+$0x21B0];
	v20 =	vmul.f32 $1.442695020e+00, v29;
	[tilespmem:s25+$0x6180] =	vst v61;
	(erf) = vrcp.f32 v23;
	v23 =	vpop (erf)  }
0xa3: {  	s28 =	simm.s32 $0x500;
	v19 =	vadd.f32 v58, v21;
	v21 =	vadd.f32 $1.000000000e+00, v63;
	v17 =	vld [tilespmem:s26+$0x41B0];
	[tilespmem:s25+$0x6190] =	vst v26;
	v22 =	vmul.f32 v23, v22;
	v23 =	vpop (erf)  }
.LBB2_5:
0xa4: {  	p0 =	sne.s32 s28, $0x7F00;
	v24 =	vld [tilespmem:s26+$0x2180];
	v25 =	vadd.f32 v13, v16;
	(erf) = vpow2.f32 v20;
	v20 =	vmul.f32 v23, v9;
	v23 =	vmovc v7;
	v9 =	vmovc v2  }
0xa5: {  	v2 =	vmovc v8;
	v16 =	vld [tilespmem:s26+$0x1B0];
	v7 =	vadd.f32 v14, v18;
	(erf) = vrcp.f32 v21;
	[tilespmem:s22+$0x61B0] =	vst v22;
	v22 =	vmovc v5;
	v5 =	vmov v10  }
0xa6: {  	v14 =	vld [tilespmem:s26+$0x4180];
	v21 =	vsub.f32 $0.0e+00, v25;
	v8 =	vadd.f32 v15, v19;
	(erf) = vrcp.f32 v11;
	[tilespmem:s25+$0x61A0] =	vst v20;
	s25 =	smov.u32 s22;
	s22 =	smov.u32 s23;
	s23 =	smov.u32 s24  }
0xa7: {  	s24 =	smov.u32 s26;
	v15 =	vld [tilespmem:s26+$0x2190];
	v11 =	vsub.f32 $0.0e+00, v7;
	v13 =	vpop (erf)  }
0xa8: {  	v18 =	vld [tilespmem:s24+$0x4190];
	v12 =	vadd.f32 v17, v12;
	v29 =	vmul.f32 $1.442695020e+00, v21;
	v30 =	vsub.f32 $0.0e+00, v8;
	v10 =	vpop (erf)  }
0xa9: {  	v20 =	vadd.f32 $1.000000000e+00, v13;
	v21 =	vld [tilespmem:s24+$0x21A0];
	v11 =	vmul.f32 $1.442695020e+00, v11;
	v26 =	vadd.f32 $1.000000000e+00, v10;
	v27 =	vpop (erf)  }
0xaa: {  	v28 =	vld [tilespmem:s24+$0x41A0];
	v10 =	vadd.f32 v16, v12;
	v12 =	vmul.f32 $1.442695020e+00, v30;
	(erf) = vpow2.f32 v29;
	v17 =	vpop (erf)  }
.Ltmp1:
0xab: {  	v16 =	vadd.f32 v14, v24;
	v13 =	vld [tilespmem:s24+$0x180];
	(erf) = vpow2.f32 v11;
	v11 =	vadd.f32 $1.000000000e+00, v27;
	v19 =	vpop (erf);
	(pc) =	sbr.rel @p0 .LBB2_5-.Ltmp1, $4  }
0xac: {  	v17 =	vmul.f32 v17, v3;
	v3 =	vmovc v6;
	v6 =	vmovc v25;
	v14 =	vld [tilespmem:s24+$0x190];
	v29 =	vsub.f32 $0.0e+00, v10;
	(erf) = vpow2.f32 v12  }
0xad: {  	s26 =	sshra.s32 s28, $0x2;
	v27 =	vmul.f32 v19, v4;
	v18 =	vadd.f32 v18, v15;
	v15 =	vld [tilespmem:s24+$0x1A0];
	v25 =	vpop (erf);
	(erf) = vrcp.f32 v20  }
0xae: {  	v4 =	vmov v23;
	v12 =	vld [tilespmem:s26+$0x21B0];
	v20 =	vmul.f32 $1.442695020e+00, v29;
	(erf) = vrcp.f32 v26;
	v24 =	vpop (erf);
	[tilespmem:s25+$0x6180] =	vst v17  }
0xaf: {  	s28 =	sadd.s32 $0x100, s28;
	v17 =	vld [tilespmem:s26+$0x41B0];
	v19 =	vadd.f32 v28, v21;
	v21 =	vadd.f32 $1.000000000e+00, v25;
	v22 =	vmul.f32 v24, v22;
	[tilespmem:s25+$0x6190] =	vst v27;
	v23 =	vpop (erf)  }
0xb0: {  	v24 =	vld [tilespmem:s26+$0x2180];
	v9 =	vmul.f32 v23, v9  }
0xb1: {  	v25 =	vld [tilespmem:s26+$0x1B0];
	[tilespmem:s22+$0x61B0] =	vst v22  }
0xb2: {  	v22 =	vld [tilespmem:s26+$0x4180];
	[tilespmem:s25+$0x61A0] =	vst v9  }
0xb3: {  	(erf) = vpow2.f32 v20;
	v60 =	vld [tilespmem:s26+$0x2190]  }
0xb4: {  	v9 =	vadd.f32 v13, v16;
	v61 =	vld [tilespmem:s26+$0x4190]  }
0xb5: {  	v14 =	vadd.f32 v14, v18;
	v63 =	vld [tilespmem:s26+$0x21A0]  }
0xb6: {  	(erf) = vrcp.f32 v21;
	v15 =	vadd.f32 v15, v19;
	v31 =	vld [tilespmem:s26+$0x41A0];
	v62 =	vsub.f32 $0.0e+00, v9  }
0xb7: {  	v30 =	vsub.f32 $0.0e+00, v14;
	v32 =	vpop (erf);
	v26 =	vld [tilespmem:s26+$0x180];
	(erf) = vrcp.f32 v11;
	v12 =	vadd.f32 v17, v12  }
0xb8: {  	v34 =	vsub.f32 $0.0e+00, v15;
	v35 =	vpop (erf);
	v23 =	vadd.f32 $1.000000000e+00, v32;
	v33 =	vmul.f32 $1.442695020e+00, v62  }
0xb9: {  	v27 =	vld [tilespmem:s26+$0x190];
	v20 =	vmul.f32 $1.442695020e+00, v30;
	v36 =	vpop (erf);
	v11 =	vadd.f32 $1.000000000e+00, v35;
	v12 =	vadd.f32 v25, v12  }
0xba: {  	v37 =	vld [tilespmem:s26+$0x1A0];
	v18 =	vmul.f32 $1.442695020e+00, v34;
	v38 =	vpop (erf);
	v22 =	vadd.f32 v22, v24;
	(erf) = vpow2.f32 v33  }
0xbb: {  	v39 =	vpop (erf);
	v40 =	vsub.f32 $0.0e+00, v12;
	v13 =	vadd.f32 v61, v60;
	(erf) = vpow2.f32 v20  }
0xbc: {  	v19 =	vadd.f32 v31, v63;
	v41 =	vpop (erf);
	v42 =	vadd.f32 v26, v22;
	(erf) = vpow2.f32 v18  }
0xbd: {  	v18 =	vmul.f32 $1.442695020e+00, v40;
	v16 =	vadd.f32 $1.000000000e+00, v41;
	(erf) = vrcp.f32 v23  }
0xbe: {  	v13 =	vadd.f32 v27, v13;
	v43 =	vsub.f32 $0.0e+00, v42;
	(erf) = vrcp.f32 v11  }
0xbf: {  	v44 =	vadd.f32 $1.000000000e+00, v36;
	v17 =	vadd.f32 v37, v19;
	(erf) = vpow2.f32 v18  }
0xc0: {  	v45 =	vsub.f32 $0.0e+00, v13;
	v11 =	vmul.f32 $1.442695020e+00, v43;
	(erf) = vrcp.f32 v16  }
0xc1: {  	v47 =	vpop (erf);
	v46 =	vsub.f32 $0.0e+00, v17;
	(erf) = vrcp.f32 v44  }
0xc2: {  	v48 =	vpop (erf);
	v18 =	vmul.f32 $1.442695020e+00, v45;
	(erf) = vpow2.f32 v11  }
0xc3: {  	v16 =	vmul.f32 $1.442695020e+00, v46;
	v49 =	vpop (erf)  }
0xc4: {  	(erf) = vpow2.f32 v18;
	v50 =	vpop (erf)  }
0xc5: {  	(erf) = vpow2.f32 v16;
	v51 =	vpop (erf)  }
0xc6: {  	v23 =	vpop (erf)  }
0xc7: {  	v11 =	vadd.f32 $1.000000000e+00, v49;
	v52 =	vpop (erf)  }
0xc8: {  	v18 =	vadd.f32 $1.000000000e+00, v50;
	v53 =	vpop (erf)  }
0xc9: {  	v3 =	vmul.f32 v38, v3;
	(erf) = vrcp.f32 v11;
	v54 =	vpop (erf);
	v55 =	vadd.f32 $1.000000000e+00, v53  }
0xca: {  	v4 =	vmul.f32 v39, v4;
	(erf) = vrcp.f32 v18;
	v56 =	vpop (erf)  }
0xcb: {  	[tilespmem:s22+$0x6180] =	vst v3;
	v3 =	vmul.f32 v47, v5;
	v57 =	vpop (erf);
	(erf) = vrcp.f32 v55  }
0xcc: {  	[tilespmem:s22+$0x6190] =	vst v4;
	v2 =	vmul.f32 v48, v2;
	v16 =	vadd.f32 $1.000000000e+00, v51  }
0xcd: {  	[tilespmem:s23+$0x61B0] =	vst v3;
	v3 =	vmul.f32 v23, v6;
	v58 =	vpop (erf);
	v18 =	vadd.f32 $1.000000000e+00, v57  }
0xce: {  	[tilespmem:s22+$0x61A0] =	vst v2;
	(erf) = vrcp.f32 v16;
	v11 =	vadd.f32 $1.000000000e+00, v58;
	v59 =	vpop (erf)  }
0xcf: {  	[tilespmem:s23+$0x6180] =	vst v3;
	v3 =	vmul.f32 v54, v10;
	v60 =	vadd.f32 $1.000000000e+00, v59;
	(erf) = vrcp.f32 v18  }
0xd0: {  	v2 =	vmul.f32 v52, v7;
	(erf) = vrcp.f32 v11  }
0xd1: {  	(erf) = vrcp.f32 v60  }
0xd2: {  	[tilespmem:s23+$0x6190] =	vst v2;
	v2 =	vmul.f32 v56, v8;
	v61 =	vpop (erf)  }
0xd3: {  	[tilespmem:s24+$0x61B0] =	vst v3;
	v3 =	vpop (erf)  }
0xd4: {  	[tilespmem:s23+$0x61A0] =	vst v2;
	v2 =	vmul.f32 v3, v14;
	v3 =	vpop (erf)  }
0xd5: {  	v4 =	vmul.f32 v61, v9;
	v3 =	vmul.f32 v3, v12;
	_ =	sdelay $0x1  }
0xd6: {  	[tilespmem:s24+$0x6180] =	vst v4;
	v62 =	vpop (erf)  }
0xd7: {  	[tilespmem:s24+$0x6190] =	vst v2;
	v2 =	vmul.f32 v62, v15;
	v63 =	vpop (erf)  }
0xd8: {  	[tilespmem:s26+$0x61B0] =	vst v3;
	v4 =	vmul.f32 v63, v42;
	v3 =	vpop (erf)  }
0xd9: {  	[tilespmem:s24+$0x61A0] =	vst v2;
	v2 =	vmul.f32 v3, v13;
	v3 =	vpop (erf)  }
0xda: {  	s21 =	sadd.s32 $0x1, s21;
	[tilespmem:s26+$0x6180] =	vst v4;
	v3 =	vmul.f32 v3, v17  }
0xdb: {  	p0 =	sne.s32 s21, $0x4F;
	[tilespmem:s26+$0x6190] =	vst v2  }
.Ltmp2:
0xdc: {  	[tilespmem:s26+$0x61A0] =	vst v3;
	(pc) =	sbr.rel @p0 .LBB2_4-.Ltmp2, $4  }
0xdd: {  	[spmem:s1] =	stream.indirect.scatter.add.f32 [tilespmem:s11], [sflag:$0x3], $0x40, s14, s13, $0xb8;
	[tilespmem:$0x1C180] =	vst v63  }
0xde: {  	_ =	swait.ge [sflag:s12], $0x2000  }
0xdf: {  	[sflag:s12] =	ssyncset.done $0x0  }
0xe0: {  	[sflag:s12] =	ssyncadd.s32 $0xFFFFE000  }
0xe1: {  	s21 =	simm.s32 $0x100;
	s0 =	simm.s32 $0x0  }
.LBB2_8:
0xe2: {  	p0 =	sne.s32 s21, $0x7F00;
	[tilespmem:s0+$0x61B0] =	vst v1;
	s22 =	smov.u32 s21;
	s21 =	sadd.s32 $0x100, s21  }
.Ltmp3:
0xe3: {  	[tilespmem:s0+$0x61A0] =	vst v1;
	(pc) =	sbr.rel @p0 .LBB2_8-.Ltmp3, $3  }
0xe4: {  	[tilespmem:s0+$0x6180] =	vst v1  }
0xe5: {  	[tilespmem:s0+$0x6190] =	vst v1;
	_ =	sdelay $0x1  }
0xe6: {  	s0 =	sshra.s32 s22, $0x2  }
0xe7: {  	[tilespmem:s0+$0x61B0] =	vst v1  }
0xe8: {  	[tilespmem:s0+$0x61A0] =	vst v1  }
0xe9: {  	[tilespmem:s0+$0x6180] =	vst v1  }
0xea: {  	[tilespmem:s0+$0x6190] =	vst v1;
	s26 =	sadd.s32 $0x0, s4  }
0xeb: {  	[tilespmem:s14], [sflag:$0x3] =	stream.linear.gather [hbm4b:s26+s3], $0x80, $0x38;
	[tilespmem:$0x1C180] =	vst v63  }
0xec: {  	_ =	swait.ge [sflag:s12], $0x80  }
0xed: {  	[sflag:s12] =	ssyncset.done $0x0  }
0xee: {  	s0 =	simm.s32 $0x10;
	s21 =	simm.s32 $0x20;
	[sflag:s12] =	ssyncadd.s32 $0xFFFFFF80  }
0xef: {  	[spmem:s2] =	stream.indirect.scatter.add.f32 [tilespmem:s11], [sflag:$0x3], $0x40, s14, s13, $0xb8;
	[tilespmem:$0x1C180] =	vst v63  }
0xf0: {  	s25 =	smov.u32 s31;
	s28 =	smov.u32 s30;
	_ =	swait.ge [sflag:s12], $0x2000  }
0xf1: {  	s26 =	smov.u32 s29;
	[sflag:s12] =	ssyncset.done $0x0;
	s24 =	rddreg [dreg:$0xf]  }
.LBB2_10:
0xf2: {  	s22 =	sadd.s32 s0, s4  }
0xf3: {  	[sflag:s12] =	ssyncadd.s32 $0xFFFFE000;
	s0 =	smov.u32 s21;
	s23 =	sadd.s32 $0x10, s21  }
0xf4: {  	[tilespmem:s14], [sflag:$0x3] =	stream.linear.gather [hbm4b:s22+s3], $0x80, $0x38;
	[tilespmem:$0x1C180] =	vst v63  }
0xf5: {  	p0 =	sne.s32 s21, $0x4E0;
	_ =	swait.ge [sflag:s12], $0x80  }
.Ltmp4:
0xf6: {  	[sflag:s12] =	ssyncset.done $0x0;
	(pc) =	sbr.rel @p0 .LBB2_10-.Ltmp4, $4  }
0xf7: {  	[sflag:s12] =	ssyncadd.s32 $0xFFFFFF80  }
0xf8: {  	[spmem:s2] =	stream.indirect.scatter.add.f32 [tilespmem:s11], [sflag:$0x3], $0x40, s14, s13, $0xb8;
	[tilespmem:$0x1C180] =	vst v63  }
0xf9: {  	_ =	swait.ge [sflag:s12], $0x2000  }
0xfa: {  	s21 =	smov.u32 s23;
	[sflag:s12] =	ssyncset.done $0x0  }
0xfb: {  	s0 =	sadd.s32 s0, s4;
	[sflag:s12] =	ssyncadd.s32 $0xFFFFE000  }
0xfc: {  	[tilespmem:s14], [sflag:$0x3] =	stream.linear.gather [hbm4b:s0+s3], $0x80, $0x38;
	[tilespmem:$0x1C180] =	vst v63  }
0xfd: {  	_ =	swait.ge [sflag:s12], $0x80  }
0xfe: {  	[sflag:s12] =	ssyncset.done $0x0  }
0xff: {  	[sflag:s12] =	ssyncadd.s32 $0xFFFFFF80  }
0x100: {  	[spmem:s2] =	stream.indirect.scatter.add.f32 [tilespmem:s11], [sflag:$0x3], $0x40, s14, s13, $0xb8;
	[tilespmem:$0x1C180] =	vst v63  }
0x101: {  	_ =	swait.ge [sflag:s12], $0x2000  }
0x102: {  	[sflag:s12] =	ssyncset.done $0x0  }
0x103: {  	[sflag:s12] =	ssyncadd.s32 $0xFFFFE000  }
0x104: {  	[bflag:$0x0] =	sbarrier.arrive $0xFFFF  }
0x105: {  	s29 =	rddreg [dreg:$0x11]  }
0x106: {  	[tilespmem:s11], [sflag:$0x3] =	stream.linear.gather [spmem:s29], $0x2000, $0x38;
	[tilespmem:$0x1C180] =	vst v63  }
0x107: {  	_ =	swait.ge [sflag:s12], $0x2000  }
0x108: {  	[sflag:s12] =	ssyncset.done $0x0  }
0x109: {  	s23 =	rddreg [dreg:$0x4];
	[sflag:s12] =	ssyncadd.s32 $0xFFFFE000  }
0x10a: {  	[hbm4b:s23+s3] =	stream.linear.scatter [tilespmem:s11], [sflag:$0x3], $0x2000, $0x38;
	[tilespmem:$0x1C180] =	vst v63  }
0x10b: {  	_ =	swait.ge [sflag:s12], $0x2000  }
0x10c: {  	[sflag:s12] =	ssyncset.done $0x0  }
0x10d: {  	s23 =	rddreg [dreg:$0xe];
	[sflag:s12] =	ssyncadd.s32 $0xFFFFE000  }
0x10e: {  	[tilespmem:s11], [sflag:$0x3] =	stream.linear.gather [spmem:s23], $0x2000, $0x38;
	[tilespmem:$0x1C180] =	vst v63  }
0x10f: {  	_ =	swait.ge [sflag:s12], $0x2000  }
0x110: {  	[sflag:s12] =	ssyncset.done $0x0  }
0x111: {  	s31 =	rddreg [dreg:$0x5];
	[sflag:s12] =	ssyncadd.s32 $0xFFFFE000  }
0x112: {  	[hbm4b:s31+s3] =	stream.linear.scatter [tilespmem:s11], [sflag:$0x3], $0x2000, $0x38;
	[tilespmem:$0x1C180] =	vst v63  }
0x113: {  	_ =	swait.ge [sflag:s12], $0x2000  }
0x114: {  	[sflag:s12] =	ssyncset.done $0x0  }
0x115: {  	[sflag:s12] =	ssyncadd.s32 $0xFFFFE000  }
0x116: {  	[tilespmem:s11], [sflag:$0x3] =	stream.linear.gather [spmem:s25], $0x2000, $0x38;
	[tilespmem:$0x1C180] =	vst v63  }
0x117: {  	_ =	swait.ge [sflag:s12], $0x2000  }
0x118: {  	[sflag:s12] =	ssyncset.done $0x0  }
0x119: {  	s21 =	rddreg [dreg:$0x6];
	[sflag:s12] =	ssyncadd.s32 $0xFFFFE000  }
0x11a: {  	[hbm4b:s21+s3] =	stream.linear.scatter [tilespmem:s11], [sflag:$0x3], $0x2000, $0x38;
	[tilespmem:$0x1C180] =	vst v63  }
0x11b: {  	_ =	swait.ge [sflag:s12], $0x2000  }
0x11c: {  	[sflag:s12] =	ssyncset.done $0x0  }
0x11d: {  	[sflag:s12] =	ssyncadd.s32 $0xFFFFE000  }
0x11e: {  	[tilespmem:s11], [sflag:$0x3] =	stream.linear.gather [spmem:s28], $0x2000, $0x38;
	[tilespmem:$0x1C180] =	vst v63  }
0x11f: {  	_ =	swait.ge [sflag:s12], $0x2000  }
0x120: {  	[sflag:s12] =	ssyncset.done $0x0  }
0x121: {  	s22 =	rddreg [dreg:$0x7];
	[sflag:s12] =	ssyncadd.s32 $0xFFFFE000  }
0x122: {  	[hbm4b:s22+s3] =	stream.linear.scatter [tilespmem:s11], [sflag:$0x3], $0x2000, $0x38;
	[tilespmem:$0x1C180] =	vst v63  }
0x123: {  	_ =	swait.ge [sflag:s12], $0x2000  }
0x124: {  	[sflag:s12] =	ssyncset.done $0x0  }
0x125: {  	s31 =	rddreg [dreg:$0x13];
	[sflag:s12] =	ssyncadd.s32 $0xFFFFE000  }
0x126: {  	[tilespmem:s11], [sflag:$0x3] =	stream.linear.gather [spmem:s31], $0x2000, $0x38;
	[tilespmem:$0x1C180] =	vst v63  }
0x127: {  	_ =	swait.ge [sflag:s12], $0x2000  }
0x128: {  	[sflag:s12] =	ssyncset.done $0x0  }
0x129: {  	s21 =	rddreg [dreg:$0x8];
	[sflag:s12] =	ssyncadd.s32 $0xFFFFE000  }
0x12a: {  	[hbm4b:s21+s3] =	stream.linear.scatter [tilespmem:s11], [sflag:$0x3], $0x2000, $0x38;
	[tilespmem:$0x1C180] =	vst v63  }
0x12b: {  	_ =	swait.ge [sflag:s12], $0x2000  }
0x12c: {  	[sflag:s12] =	ssyncset.done $0x0  }
0x12d: {  	s30 =	rddreg [dreg:$0x12];
	[sflag:s12] =	ssyncadd.s32 $0xFFFFE000  }
0x12e: {  	[tilespmem:s11], [sflag:$0x3] =	stream.linear.gather [spmem:s30], $0x2000, $0x38;
	[tilespmem:$0x1C180] =	vst v63  }
0x12f: {  	_ =	swait.ge [sflag:s12], $0x2000  }
0x130: {  	[sflag:s12] =	ssyncset.done $0x0  }
0x131: {  	s22 =	rddreg [dreg:$0x9];
	[sflag:s12] =	ssyncadd.s32 $0xFFFFE000  }
0x132: {  	[hbm4b:s22+s3] =	stream.linear.scatter [tilespmem:s11], [sflag:$0x3], $0x2000, $0x38;
	[tilespmem:$0x1C180] =	vst v63  }
0x133: {  	_ =	swait.ge [sflag:s12], $0x2000  }
0x134: {  	[sflag:s12] =	ssyncset.done $0x0  }
0x135: {  	[sflag:s12] =	ssyncadd.s32 $0xFFFFE000  }
0x136: {  	[tilespmem:s11], [sflag:$0x3] =	stream.linear.gather [spmem:s24], $0x2000, $0x38;
	[tilespmem:$0x1C180] =	vst v63  }
0x137: {  	_ =	swait.ge [sflag:s12], $0x2000  }
0x138: {  	[sflag:s12] =	ssyncset.done $0x0  }
0x139: {  	s31 =	rddreg [dreg:$0xa];
	[sflag:s12] =	ssyncadd.s32 $0xFFFFE000  }
0x13a: {  	[hbm4b:s31+s3] =	stream.linear.scatter [tilespmem:s11], [sflag:$0x3], $0x2000, $0x38;
	[tilespmem:$0x1C180] =	vst v63  }
0x13b: {  	_ =	swait.ge [sflag:s12], $0x2000  }
0x13c: {  	[sflag:s12] =	ssyncset.done $0x0  }
0x13d: {  	[sflag:s12] =	ssyncadd.s32 $0xFFFFE000  }
0x13e: {  	[tilespmem:s11], [sflag:$0x3] =	stream.linear.gather [spmem:s26], $0x2000, $0x38;
	[tilespmem:$0x1C180] =	vst v63  }
0x13f: {  	_ =	swait.ge [sflag:s12], $0x2000  }
0x140: {  	[sflag:s12] =	ssyncset.done $0x0  }
0x141: {  	s21 =	rddreg [dreg:$0xb];
	[sflag:s12] =	ssyncadd.s32 $0xFFFFE000  }
0x142: {  	[hbm4b:s21+s3] =	stream.linear.scatter [tilespmem:s11], [sflag:$0x3], $0x2000, $0x38;
	[tilespmem:$0x1C180] =	vst v63  }
0x143: {  	_ =	swait.ge [sflag:s12], $0x2000  }
0x144: {  	[sflag:s12] =	ssyncset.done $0x0  }
0x145: {  	s22 =	rddreg [dreg:$0x10];
	[sflag:s12] =	ssyncadd.s32 $0xFFFFE000  }
0x146: {  	[tilespmem:s11], [sflag:$0x3] =	stream.linear.gather [spmem:s22], $0x2000, $0x38;
	[tilespmem:$0x1C180] =	vst v63  }
0x147: {  	_ =	swait.ge [sflag:s12], $0x2000  }
0x148: {  	[sflag:s12] =	ssyncset.done $0x0  }
0x149: {  	s31 =	rddreg [dreg:$0xc];
	[sflag:s12] =	ssyncadd.s32 $0xFFFFE000  }
0x14a: {  	[hbm4b:s31+s3] =	stream.linear.scatter [tilespmem:s11], [sflag:$0x3], $0x2000, $0x38;
	[tilespmem:$0x1C180] =	vst v63  }
0x14b: {  	_ =	swait.ge [sflag:s12], $0x2000  }
0x14c: {  	[sflag:s12] =	ssyncset.done $0x0  }
0x14d: {  	s21 =	rddreg [dreg:$0x14];
	[sflag:s12] =	ssyncadd.s32 $0xFFFFE000  }
0x14e: {  	[tilespmem:s11], [sflag:$0x3] =	stream.linear.gather [spmem:s21], $0x2000, $0x38;
	[tilespmem:$0x1C180] =	vst v63  }
0x14f: {  	_ =	swait.ge [sflag:s12], $0x2000  }
0x150: {  	[sflag:s12] =	ssyncset.done $0x0  }
0x151: {  	s22 =	rddreg [dreg:$0xd];
	[sflag:s12] =	ssyncadd.s32 $0xFFFFE000  }
0x152: {  	[hbm4b:s22+s3] =	stream.linear.scatter [tilespmem:s11], [sflag:$0x3], $0x2000, $0x38;
	[tilespmem:$0x1C180] =	vst v63  }
0x153: {  	_ =	swait.ge [sflag:s12], $0x2000  }
0x154: {  	s20 =	sadd.s32 $0x1, s20;
	s31 =	rddreg [dreg:$0x15]  }
0x155: {  	p0 =	sne.s32 s20, s31  }
.Ltmp5:
0x156: {  	_ = 	snop;
	(pc) =	sbr.rel @p0 .LBB2_1-.Ltmp5, $3  }
0x157: {  	_ =	sdelay $0x1  }
0x158: {  	[sflag:s12] =	ssyncset.done $0x0  }
0x159: {  	[sflag:s12] =	ssyncadd.s32 $0xFFFFE000  }
0x15a: {  	_ =	sfence.sel $0x180000  }
0x15b: {  	[bflag:$0x0] =	sbarrier.arrive $0xFFFF  }
0x15c: {  	_ =	strace $0x9000004A  }
0x15d: {  	s0 =	stileid.u32;
	[bflag:$0x2] =	sbarrier.arrive $0xFFFF  }
0x15e: {  	p0 =	sne.s32 s0, $0x0;
	s0 =	rddreg [dreg:$0x3]  }
0x15f: {  	s0 =	sadd.s32 @!p0 $0x100000, s0  }
0x160: {  	[sflag:s0] =	ssyncadd.tile.s32 @!p0 $0x1;
	_ =	shalt  }
.Lfunc_end2:
_tile_overlayer_lowered:
.L_overlay_start_2:
0x161: {  	(tag) =	ssettag $0x2  }
0x162: {  	s0 =	rddreg [dreg:$0x0];
	s2 =	stileid.u32  }
0x163: {  	s1 =	rddreg [dreg:$0x1];
	p0 =	sne.s32 s2, $0x0  }
0x164: {  	s3 =	rddreg [dreg:$0x2];
	[bflag:$0x3] =	sbarrier.arrive $0xFFFF;
	s2 =	simm.s32 @!p0 $0x1C03  }
0x165: {  	[timem:s3], [sflag:s2] =	dma.local @!p0 [hbm:s0], s1  }
0x166: {  	s0 =	simm.s32 @!p0 $0x3  }
0x167: {  	_ =	swait.ge @!p0 [sflag:s0], s1  }
0x168: {  	s1 =	ssub.s32 @!p0 $0x0, s1;
	[sflag:s0] =	ssyncset.done @!p0 $0x0  }
0x169: {  	[sflag:s0] =	ssyncadd.s32 @!p0 s1  }
0x16a: {  	[bflag:$0x3] =	sbarrier.arrive $0xFFFF  }
0x16b: {  	_ =	shalt  }

// kernel: kernel.23.cloned.1.call-start
scs
__scs_entry_jumppad:
0x0: {  	(pc) =	sbr.rel $0x88, $3  }
0x1: {  	(tag) =	ssettag $0x0;
	lr =	simm.s32 $0x1  }
0x2: {  	[smem:$0x3F8D] =	sst lr;
	_ =	strace $0xD0000000  }
0x3: {  	_ = 	snop  }
0x4: {  	_ = 	snop  }
0x5: {  	_ = 	snop  }
0x6: {  	_ = 	snop  }
0x7: {  	_ = 	snop  }
__scs_overlays_trampoline_lowered:
0x8: {  	[smem:$0x3F9C] =	sst s0  }
0x9: {  	[smem:$0x3F9D] =	sst s1  }
0xa: {  	[smem:$0x3F9E] =	sst s2  }
0xb: {  	[smem:$0x3F9F] =	sst s3  }
0xc: {  	[smem:$0x3FA0] =	sst s4  }
0xd: {  	[smem:$0x3FA1] =	sst s5  }
0xe: {  	[smem:$0x3FA2] =	sst s6  }
0xf: {  	[smem:$0x3FA3] =	sst s7  }
0x10: {  	[smem:$0x3FA4] =	sst s8  }
0x11: {  	[smem:$0x3FA5] =	sst s9;
	s0 =	simm.s32 @!p0 $0x0  }
0x12: {  	s1 =	sld [smem:$0x3F8B];
	s0 =	simm.s32 @p0 $0x1  }
0x13: {  	[smem:$0x3FA6] =	sst s0;
	s0 =	simm.s32 @!p1 $0x0  }
0x14: {  	s2 =	sld [smem:$0x3F8A];
	s0 =	simm.s32 @p1 $0x1  }
0x15: {  	[smem:$0x3FA7] =	sst s0;
	s0 =	simm.s32 @!p2 $0x0  }
0x16: {  	s3 =	sld [smem:$0x3FDB];
	s0 =	simm.s32 @p2 $0x1  }
0x17: {  	s4 =	simm.s32 $0x1BF5;
	[smem:$0x3FA9] =	sst s0  }
0x18: {  	s0 =	sld [smem:$0x3F8C];
	_ =	swait.ge [sflag:s4], $0x0  }
0x19: {  	s7 =	sld [smem:$0x3F8D]  }
0x1a: {  	s8 =	sadd.s32 $0xFFFFE003, lr  }
0x1b: {  	s9 =	sadd.s32 $0xFFFFFEF7, lr;
	s5 =	simm.s32 $0xFFFFFFFF;
	p2 =	slt.u32 s8, $0xFFFFF086  }
0x1c: {  	p1 =	slt.u32 s9, $0xF7A;
	s5 =	simm.s32 @!p2 $0x0  }
0x1d: {  	s5 =	simm.s32 @p1 $0x1;
	p0 =	seq.s32 s7, s2  }
0x1e: {  	s7 =	smul.u32 @!p0 $0xF7A, s2;
	p2 =	seq.s32 @!p0 s5, $0x0  }
0x1f: {  	s9 =	smul.u32 $0xF7A, s1;
	s8 =	simm.s32 @!p0 $0x1BF5;
	p2 =	por !p2, p0  }
0x20: {  	[sflag:s8] =	ssyncset.s32 @!p0 $0xFFFFF086;
	s6 =	sadd.s32 @!p0 s3, s7;
	s7 =	simm.s32 @!p0 $0x108  }
0x21: {  	s3 =	sadd.s32 s3, s9;
	s6 =	sadd.s32 @!p0 $0x88, s6;
	s7 =	simm.s32 @p2 $0x1082  }
0x22: {  	[simem:s7], [sflag:s8] =	dma.local @!p0 [hbm:s6], $0xF7A  }
0x23: {  	s9 =	sor.u32 $0xD0000000, s2;
	s6 =	simm.s32 $0x108;
	_ =	swait.ge @!p0 [sflag:s8], $0x0  }
0x24: {  	s3 =	sadd.s32 $0x88, s3;
	s6 =	simm.s32 @!p1 $0x1082;
	[sflag:s4] =	ssyncset.s32 $0xFFFFF086  }
0x25: {  	[simem:s6], [sflag:s4] =	dma.local [hbm:s3], $0xF7A  }
0x26: {  	[smem:$0x3F8D] =	sst s1;
	(tag) =	ssettag s2;
	_ =	strace s9  }
0x27: {  	s1 =	sld [smem:$0x3F9D]  }
0x28: {  	s2 =	sld [smem:$0x3F9E]  }
0x29: {  	s4 =	sld [smem:$0x3FA0]  }
0x2a: {  	p0 =	seq.s32 s5, $0x0;
	s5 =	sld [smem:$0x3FA1]  }
0x2b: {  	s6 =	sld [smem:$0x3FA2]  }
0x2c: {  	s7 =	sld [smem:$0x3FA3]  }
0x2d: {  	s3 =	simm.s32 $0x108;
	s8 =	sld [smem:$0x3FA4]  }
0x2e: {  	s3 =	simm.s32 @!p0 $0x1082;
	s9 =	sld [smem:$0x3FA5]  }
0x2f: {  	lr =	sadd.s32 s0, s3;
	s0 =	sld [smem:$0x3F9C]  }
0x30: {  	s3 =	sld [smem:$0x3F9F]  }
0x31: {  	[smem:$0x3FA8] =	sst s10  }
0x32: {  	s10 =	sld [smem:$0x3FA6];
	_ =	sdelay $0x3  }
0x33: {  	p0 =	seq.s32 s10, $0x1;
	s10 =	sld [smem:$0x3FA8];
	_ =	sdelay $0x3  }
0x34: {  	[smem:$0x3FA8] =	sst s10  }
0x35: {  	s10 =	sld [smem:$0x3FA7];
	_ =	sdelay $0x3  }
0x36: {  	p1 =	seq.s32 s10, $0x1;
	s10 =	sld [smem:$0x3FA8];
	_ =	sdelay $0x3  }
0x37: {  	[smem:$0x3FA8] =	sst s10  }
0x38: {  	s10 =	sld [smem:$0x3FA9]  }
0x39: {  	_ = 	snop;
	(pc) =	sbr.ind lr, $3  }
0x3a: {  	_ = 	snop  }
0x3b: {  	_ = 	snop  }
0x3c: {  	p2 =	seq.s32 s10, $0x1;
	s10 =	sld [smem:$0x3FA8]  }
0x3d: {  	_ =	shalt  }
0x3e: {  	_ =	shalt  }
0x3f: {  	_ =	shalt  }
0x40: {  	_ =	shalt  }
0x41: {  	_ =	shalt  }
0x42: {  	_ =	shalt  }
0x43: {  	_ =	shalt  }
0x44: {  	_ =	shalt  }
0x45: {  	_ =	shalt  }
0x46: {  	_ =	shalt  }
0x47: {  	_ =	shalt  }
0x48: {  	_ =	shalt  }
0x49: {  	_ =	shalt  }
0x4a: {  	_ =	shalt  }
0x4b: {  	_ =	shalt  }
0x4c: {  	_ =	shalt  }
0x4d: {  	_ =	shalt  }
0x4e: {  	_ =	shalt  }
0x4f: {  	_ =	shalt  }
0x50: {  	_ =	shalt  }
0x51: {  	_ =	shalt  }
0x52: {  	_ =	shalt  }
0x53: {  	_ =	shalt  }
0x54: {  	_ =	shalt  }
0x55: {  	_ =	shalt  }
0x56: {  	_ =	shalt  }
0x57: {  	_ =	shalt  }
0x58: {  	_ =	shalt  }
0x59: {  	_ =	shalt  }
0x5a: {  	_ =	shalt  }
0x5b: {  	_ =	shalt  }
0x5c: {  	_ =	shalt  }
0x5d: {  	_ =	shalt  }
0x5e: {  	_ =	shalt  }
0x5f: {  	_ =	shalt  }
0x60: {  	_ =	shalt  }
0x61: {  	_ =	shalt  }
0x62: {  	_ =	shalt  }
0x63: {  	_ =	shalt  }
0x64: {  	_ =	shalt  }
0x65: {  	_ =	shalt  }
0x66: {  	_ =	shalt  }
0x67: {  	_ =	shalt  }
0x68: {  	_ =	shalt  }
0x69: {  	_ =	shalt  }
0x6a: {  	_ =	shalt  }
0x6b: {  	_ =	shalt  }
0x6c: {  	_ =	shalt  }
0x6d: {  	_ =	shalt  }
0x6e: {  	_ =	shalt  }
0x6f: {  	_ =	shalt  }
0x70: {  	_ =	shalt  }
0x71: {  	_ =	shalt  }
0x72: {  	_ =	shalt  }
0x73: {  	_ =	shalt  }
0x74: {  	_ =	shalt  }
0x75: {  	_ =	shalt  }
0x76: {  	_ =	shalt  }
0x77: {  	_ =	shalt  }
0x78: {  	_ =	shalt  }
0x79: {  	_ =	shalt  }
0x7a: {  	_ =	shalt  }
0x7b: {  	_ =	shalt  }
0x7c: {  	_ =	shalt  }
0x7d: {  	_ =	shalt  }
0x7e: {  	_ =	shalt  }
0x7f: {  	_ =	shalt  }
0x80: {  	_ =	shalt  }
0x81: {  	_ =	shalt  }
0x82: {  	_ =	shalt  }
0x83: {  	_ =	shalt  }
0x84: {  	_ =	shalt  }
0x85: {  	_ =	shalt  }
0x86: {  	_ =	shalt  }
0x87: {  	_ =	shalt  }
.Lfunc_end0:
.L_simem_size_0:
called_computation.2_lowered:
.L_overlay_start_0:
0x88: {  	s2 =	sld [smem:$0x3FD9]  }
0x89: {  	s3 =	sld [smem:$0x3FFE];
	_ =	sdelay $0x1  }
0x8a: {  	s1 =	srdreg.scid  }
0x8b: {  	s0 =	sand.u32 $0x1, s1  }
0x8c: {  	s16 =	sshll.u32 s0, $0xA;
	s2 =	sadd.s32 s3, s2  }
0x8d: {  	s2 =	sadd.s32 s2, s16  }
0x8e: {  	[smem:$0x3FB4] =	sst s2  }
0x8f: {  	_ = 	snop  }
0x90: {  	(tm) =	ssettm $0x1  }
0x91: {  	s17 =	sld [smem:$0x3FFB];
	_ =	sdelay $0x3  }
0x92: {  	_ =	strace s17  }
0x93: {  	s2 =	sld [smem:$0x3FFC];
	_ =	sdelay $0x3  }
0x94: {  	_ =	strace s2  }
0x95: {  	s2 =	sld [smem:$0x3FFD];
	_ =	sdelay $0x3  }
0x96: {  	_ =	strace s2  }
0x97: {  	_ =	strace $0x8FFFFFFF  }
0x98: {  	s18 =	sld [smem:$0x3FDB];
	_ =	sdelay $0x1  }
0x99: {  	s19 =	simm.s32 $_scs_section_size  }
0x9a: {  	s4 =	simm.s32 $_size__tile_overlayer_lowered;
	s5 =	simm.s32 $_tile_overlayer_lowered  }
0x9b: {  	s22 =	simm.s32 $0x1BFF;
	s21 =	sshll.u32 s5, $0x1;
	s2 =	sadd.s32 s19, s18  }
0x9c: {  	s6 =	simm.s32 $0x0;
	s20 =	sshll.u32 s4, $0x1;
	s4 =	sadd.s32 s21, s2  }
0x9d: {  	[timem:s6], [sflag:s22] =	dma.local [hbm:s4], s20  }
0x9e: {  	_ =	swait.ge [sflag:s22], s20  }
0x9f: {  	s3 =	ssub.s32 $0x0, s20;
	[sflag:s22] =	ssyncset.done $0x0  }
0xa0: {  	[sflag:s22] =	ssyncadd.s32 s3;
	_ =	sdelay $0x1  }
0xa1: {  	s23 =	simm.s32 $0x1B8B  }
0xa2: {  	_ =	swait.ge [sflag:s23], $0x1  }
0xa3: {  	[sflag:s23] =	ssyncset.done $0x0  }
0xa4: {  	s25 =	simm.s32 $0x1B8E;
	s24 =	sld [smem:$0x3FFE];
	[sflag:s23] =	ssyncadd.s32 $0xFFFFFFFF  }
0xa5: {  	s26 =	simm.s32 $execute0_lowered;
	[smem:$0x3FD2] =	sst s25  }
0xa6: {  	s4 =	sshll.u32 s26, $0x1;
	_ =	strace $0x8000004C;
	[dreg:$0x1] =	wrdreg $0xFFFFFFFF  }
0xa7: {  	s28 =	simm.s32 $_size_execute0_lowered;
	s2 =	sadd.s32 s2, s4;
	[dreg:$0x0] =	wrdreg $0x0  }
0xa8: {  	s4 =	sshll.u32 s28, $0x1;
	[dreg:$0x2] =	wrdreg s2  }
0xa9: {  	[dreg:$0x3] =	wrdreg s4  }
0xaa: {  	[dreg:$0x4] =	wrdreg $0xC0  }
0xab: {  	_ =	task [dreg:s6], $0x5FFFF  }
0xac: {  	[dreg:$0x1] =	wrdreg $0xFFFFFFFF  }
0xad: {  	[dreg:$0x0] =	wrdreg $0x60  }
0xae: {  	[dreg:$0x2] =	wrdreg s24  }
0xaf: {  	[dreg:$0x3] =	wrdreg $0x81800  }
0xb0: {  	[dreg:$0x4] =	wrdreg $0x9  }
0xb1: {  	_ =	task.clear_ibuf [dreg:s6], $0x5FFFF;
	_ =	strace $0x9000004C  }
0xb2: {  	s29 =	simm.s32 $0x9;
	_ =	strace $0x8000004E  }
0xb3: {  	_ =	swait.ge [sflag:s29], $0x1  }
0xb4: {  	[sflag:s29] =	ssyncadd.s32 $0xFFFFFFFF  }
0xb5: {  	_ =	strace $0x9000004E  }
0xb6: {  	_ =	sfence  }
0xb7: {  	s30 =	sld [smem:$0x0];
	_ =	sdelay $0x2  }
0xb8: {  	s31 =	sshll.u32 s1, $0xD;
	s1 =	sshrl.u32 s1, $0x2  }
0xb9: {  	s3 =	sand.u32 $0x4000, s31;
	s1 =	sadd.s32 s1, s30  }
0xba: {  	s0 =	sor.u32 s3, s0;
	s1 =	sshll.u32 s1, $0x11  }
0xbb: {  	s0 =	sor.u32 s1, s0  }
0xbc: {  	s0 =	sadd.s32 $0x8F2B, s0  }
0xbd: {  	[sflag:s0] =	ssyncadd.remote.s32 $0x1  }
0xbe: {  	_ =	sfence.sel $0xFFFF  }
0xbf: {  	[dreg:$0x0] =	wrdreg $0xFFFFFFFF;
	(pc) =	sbr.abs _section_cstart, $3  }
0xc0: {  	[dreg:$0x1] =	wrdreg $0xFFFFFFFF  }
0xc1: {  	_ =	task.clear_ibuf [dreg:s6], $0x2FFFF;
	_ =	strace $0x9FFFFFFF  }
0xc2: {  	(tm) =	ssettm $0x7FFFFFFF  }
0xc3: {  	_ =	shalt  }
tec
execute0_lowered:
.L_overlay_start_1:
0x0: {  	(tag) =	ssettag $0x1  }
0x1: {  	s0 =	rddreg [dreg:$0x0]  }
0x2: {  	s2 =	rddreg [dreg:$0x1]  }
0x3: {  	s1 =	srdreg.scid;
	s12 =	stileid.u32;
	s3 =	simm.s32 $0x0  }
0x4: {  	s28 =	simm.s32 $0x4180;
	s29 =	simm.s32 $0x1;
	s30 =	simm.s32 $0x2  }
0x5: {  	s31 =	simm.s32 $0x0;
	s1 =	sand.u32 $0x1, s1;
	s7 =	smul.u32 $0x280, s12  }
0x6: {  	[smem:$0x7FF] =	sst s3;
	s4 =	sadd.s32 $0x3EA00, s0;
	s10 =	smul.u32 $0x28000, s12  }
0x7: {  	s5 =	sadd.s32 $0x2AA00, s0;
	s6 =	sadd.s32 $0xA2A00, s0;
	s8 =	smul.u32 $0x2800, s1  }
0x8: {  	_ =	strace $0x8000004D;
	s21 =	ssub.s32 $0x2, s1;
	s1 =	sshll.u32 s1, $0x4  }
0x9: {  	s11 =	sshrl.u32 s21, $0x1;
	s10 =	sshrl.u32 s10, $0x2;
	s1 =	sor.u32 s12, s1  }
0xa: {  	s8 =	sadd.s32 s7, s8;
	s7 =	sadd.s32 $0x8400, s0;
	s15 =	ssub.s32 s21, s11  }
0xb: {  	s21 =	simm.s32 $0x6180;
	s9 =	sshll.u32 s8, $0x3;
	s8 =	sadd.s32 $0x12200, s0  }
0xc: {  	s26 =	smax.u32 s15, $0x1;
	s0 =	sadd.s32 s9, s0;
	s9 =	sadd.s32 s10, s2  }
0xd: {  	s10 =	smul.u32 $0x2780, s1;
	[dreg:$0x8] =	wrdreg s26;
	s22 =	sadd.s32 $0x52A00, s0  }
0xe: {  	s26 =	simm.s32 $0x2180;
	s23 =	sadd.s32 $0x52E00, s0;
	[dreg:$0x3] =	wrdreg s22  }
0xf: {  	s11 =	sadd.s32 $0x2000, s9;
	s24 =	sadd.s32 $0x53200, s0;
	[dreg:$0x4] =	wrdreg s23  }
0x10: {  	s12 =	sadd.s32 $0x4000, s9;
	s25 =	sadd.s32 $0x53600, s0;
	[dreg:$0x5] =	wrdreg s24  }
0x11: {  	s13 =	sadd.s32 $0x6000, s9;
	s0 =	sadd.s32 $0x53A00, s0;
	[dreg:$0x6] =	wrdreg s25  }
0x12: {  	s14 =	sadd.s32 $0x8000, s9;
	[dreg:$0x7] =	wrdreg s0;
	s22 =	simm.s32 $0x3  }
0x13: {  	v0 =	vimm.f32 $0.0e+00;
	s23 =	simm.s32 $0x80;
	s24 =	simm.s32 $0x100;
	s25 =	simm.s32 $0x180  }
.LBB2_1:
0x14: {  	s1 =	simm.s32 $0x100;
	s0 =	simm.s32 $0x0  }
.LBB2_2:
0x15: {  	p0 =	sne.s32 s1, $0x7F00;
	[tilespmem:s0+$0x61B0] =	vst v0;
	s15 =	smov.u32 s1;
	s1 =	sadd.s32 $0x100, s1  }
.Ltmp0:
0x16: {  	[tilespmem:s0+$0x61A0] =	vst v0;
	(pc) =	sbr.rel @p0 .LBB2_2-.Ltmp0, $3  }
0x17: {  	[tilespmem:s0+$0x6180] =	vst v0  }
0x18: {  	[tilespmem:s0+$0x6190] =	vst v0;
	_ =	sdelay $0x1  }
0x19: {  	s0 =	sshra.s32 s15, $0x2  }
0x1a: {  	[tilespmem:s0+$0x61B0] =	vst v0  }
0x1b: {  	[tilespmem:s0+$0x61A0] =	vst v0  }
0x1c: {  	[tilespmem:s0+$0x6180] =	vst v0  }
0x1d: {  	[tilespmem:s0+$0x6190] =	vst v0  }
0x1e: {  	[spmem:s9] =	stream.linear.scatter [tilespmem:s21], [sflag:$0x3], $0x2000, $0x38;
	[tilespmem:$0x12180] =	vst v63  }
0x1f: {  	_ =	swait.ge [sflag:s22], $0x2000  }
0x20: {  	[sflag:s22] =	ssyncset.done $0x0  }
0x21: {  	[sflag:s22] =	ssyncadd.s32 $0xFFFFE000  }
0x22: {  	[spmem:s11] =	stream.linear.scatter [tilespmem:s21], [sflag:$0x3], $0x2000, $0x38;
	[tilespmem:$0x12180] =	vst v63  }
0x23: {  	_ =	swait.ge [sflag:s22], $0x2000  }
0x24: {  	[sflag:s22] =	ssyncset.done $0x0  }
0x25: {  	[sflag:s22] =	ssyncadd.s32 $0xFFFFE000  }
0x26: {  	[spmem:s12] =	stream.linear.scatter [tilespmem:s21], [sflag:$0x3], $0x2000, $0x38;
	[tilespmem:$0x12180] =	vst v63  }
0x27: {  	_ =	swait.ge [sflag:s22], $0x2000  }
0x28: {  	[sflag:s22] =	ssyncset.done $0x0  }
0x29: {  	[sflag:s22] =	ssyncadd.s32 $0xFFFFE000  }
0x2a: {  	[spmem:s13] =	stream.linear.scatter [tilespmem:s21], [sflag:$0x3], $0x2000, $0x38;
	[tilespmem:$0x12180] =	vst v63  }
0x2b: {  	_ =	swait.ge [sflag:s22], $0x2000  }
0x2c: {  	[sflag:s22] =	ssyncset.done $0x0  }
0x2d: {  	[sflag:s22] =	ssyncadd.s32 $0xFFFFE000  }
0x2e: {  	[spmem:s14] =	stream.linear.scatter [tilespmem:s21], [sflag:$0x3], $0x2000, $0x38;
	[tilespmem:$0x12180] =	vst v63  }
0x2f: {  	_ =	swait.ge [sflag:s22], $0x2000  }
0x30: {  	[sflag:s22] =	ssyncset.done $0x0  }
0x31: {  	[sflag:s22] =	ssyncadd.s32 $0xFFFFE000  }
0x32: {  	s0 =	simm.s32 $0x0;
	s1 =	simm.s32 $0x0;
	[bflag:$0x0] =	sbarrier.arrive $0xFFFF  }
.LBB2_4:
0x33: {  	s15 =	sshll.u32 s1, $0x7  }
0x34: {  	s15 =	sadd.s32 s10, s15  }
0x35: {  	s16 =	sshrl.u32 s15, $0x3  }
0x36: {  	s17 =	sadd.s32 s7, s16  }
0x37: {  	[tilespmem:s0], [sflag:$0x3] =	stream.linear.gather [hbm4b:s17+s0], $0x80, $0x38;
	[tilespmem:$0x12180] =	vst v63  }
0x38: {  	_ =	swait.ge [sflag:s22], $0x80  }
0x39: {  	[sflag:s22] =	ssyncset.done $0x0  }
0x3a: {  	s16 =	sadd.s32 s8, s16;
	[sflag:s22] =	ssyncadd.s32 $0xFFFFFF80  }
0x3b: {  	[tilespmem:s23], [sflag:$0x3] =	stream.linear.gather [hbm4b:s16+s0], $0x80, $0x38;
	[tilespmem:$0x12180] =	vst v63  }
0x3c: {  	_ =	swait.ge [sflag:s22], $0x80  }
0x3d: {  	[sflag:s22] =	ssyncset.done $0x0  }
0x3e: {  	[sflag:s22] =	ssyncadd.s32 $0xFFFFFF80  }
0x3f: {  	[tilespmem:s24], [sflag:$0x3] =	stream.linear.gather [hbm4b:s16+s0], $0x80, $0x38;
	[tilespmem:$0x12180] =	vst v63  }
0x40: {  	_ =	swait.ge [sflag:s22], $0x80  }
0x41: {  	s15 =	sshll.u32 s15, $0x3;
	[sflag:s22] =	ssyncset.done $0x0  }
0x42: {  	s15 =	sadd.s32 s6, s15;
	[sflag:s22] =	ssyncadd.s32 $0xFFFFFF80  }
0x43: {  	[tilespmem:s25], [sflag:$0x3] =	stream.linear.gather [hbm4b:s15+s0], $0x2000, $0x38;
	[tilespmem:$0x12180] =	vst v63  }
0x44: {  	_ =	swait.ge [sflag:s22], $0x2000  }
0x45: {  	[sflag:s22] =	ssyncset.done $0x0  }
0x46: {  	[sflag:s22] =	ssyncadd.s32 $0xFFFFE000  }
0x47: {  	[tilespmem:s26], [sflag:$0x1] =	stream.indirect.gather [hbm4b:s4+s23], $0x40, s23, s23, $0xb8;
	[tilespmem:$0x12180] =	vst v63  }
0x48: {  	_ = 	snop  }
0x49: {  	[tilespmem:s28], [sflag:$0x2] =	stream.indirect.gather [hbm4b:s5+s23], $0x40, s0, s23, $0xb8;
	[tilespmem:$0x12180] =	vst v63  }
0x4a: {  	_ =	swait.ge [sflag:s29], $0x2000  }
0x4b: {  	[sflag:s29] =	ssyncset.done $0x0  }
0x4c: {  	[sflag:s29] =	ssyncadd.s32 $0xFFFFE000  }
0x4d: {  	_ =	swait.ge [sflag:s30], $0x2000  }
0x4e: {  	[sflag:s30] =	ssyncset.done $0x0  }
0x4f: {  	s18 =	simm.s32 $0x0;
	[sflag:s30] =	ssyncadd.s32 $0xFFFFE000  }
0x50: {  	v1 =	vld [tilespmem:s18+$0x21B0]  }
0x51: {  	v2 =	vld [tilespmem:s18+$0x41B0]  }
0x52: {  	v3 =	vld [tilespmem:s18+$0x2180]  }
0x53: {  	v4 =	vld [tilespmem:s18+$0x1B0]  }
0x54: {  	v5 =	vld [tilespmem:s18+$0x4180]  }
0x55: {  	v6 =	vld [tilespmem:s18+$0x2190]  }
0x56: {  	v7 =	vld [tilespmem:s18+$0x4190]  }
0x57: {  	v8 =	vld [tilespmem:s18+$0x21A0];
	v1 =	vadd.f32 v2, v1  }
0x58: {  	s15 =	simm.s32 $0x40;
	v9 =	vld [tilespmem:s18+$0x180]  }
0x59: {  	v12 =	vld [tilespmem:s15+$0x21B0];
	v10 =	vadd.f32 v4, v1  }
0x5a: {  	v2 =	vld [tilespmem:s18+$0x41A0]  }
0x5b: {  	v1 =	vld [tilespmem:s18+$0x190];
	v11 =	vsub.f32 $0.0e+00, v10  }
0x5c: {  	v13 =	vld [tilespmem:s15+$0x41B0]  }
0x5d: {  	v4 =	vld [tilespmem:s18+$0x1A0];
	v11 =	vmul.f32 $1.442695020e+00, v11  }
0x5e: {  	v14 =	vld [tilespmem:s15+$0x2180];
	v6 =	vadd.f32 v7, v6  }
0x5f: {  	v15 =	vld [tilespmem:s15+$0x1B0];
	v3 =	vadd.f32 v5, v3;
	(erf) = vpow2.f32 v11  }
0x60: {  	s16 =	simm.s32 $0x80;
	v17 =	vld [tilespmem:s15+$0x1A0];
	v2 =	vadd.f32 v2, v8;
	v16 =	vadd.f32 v1, v6  }
0x61: {  	v18 =	vld [tilespmem:s16+$0x41B0];
	v1 =	vadd.f32 v13, v12;
	v11 =	vadd.f32 v9, v3  }
0x62: {  	v5 =	vld [tilespmem:s15+$0x4180];
	v8 =	vadd.f32 v4, v2;
	v4 =	vsub.f32 $0.0e+00, v16  }
0x63: {  	v7 =	vld [tilespmem:s15+$0x2190];
	v9 =	vsub.f32 $0.0e+00, v11  }
0x64: {  	v6 =	vld [tilespmem:s15+$0x21A0];
	v21 =	vadd.f32 v15, v1;
	v4 =	vmul.f32 $1.442695020e+00, v4  }
0x65: {  	v2 =	vld [tilespmem:s15+$0x41A0];
	v12 =	vsub.f32 $0.0e+00, v8;
	v9 =	vmul.f32 $1.442695020e+00, v9  }
0x66: {  	v3 =	vld [tilespmem:s15+$0x4190];
	v15 =	vsub.f32 $0.0e+00, v21  }
0x67: {  	v1 =	vld [tilespmem:s15+$0x180];
	v12 =	vmul.f32 $1.442695020e+00, v12;
	(erf) = vpow2.f32 v9  }
0x68: {  	v13 =	vld [tilespmem:s15+$0x190];
	v15 =	vmul.f32 $1.442695020e+00, v15;
	(erf) = vpow2.f32 v4;
	v4 =	vpop (erf)  }
0x69: {  	v9 =	vld [tilespmem:s16+$0x21B0];
	(erf) = vpow2.f32 v12;
	v4 =	vadd.f32 $1.000000000e+00, v4  }
0x6a: {  	v5 =	vadd.f32 v5, v14;
	(erf) = vpow2.f32 v15  }
0x6b: {  	v20 =	vld [tilespmem:s16+$0x180];
	v3 =	vadd.f32 v3, v7;
	(erf) = vrcp.f32 v4;
	v4 =	vadd.f32 v2, v6  }
0x6c: {  	v14 =	vld [tilespmem:s16+$0x1B0];
	v2 =	vadd.f32 v1, v5  }
0x6d: {  	v24 =	vld [tilespmem:s16+$0x190];
	v3 =	vadd.f32 v13, v3;
	v1 =	vadd.f32 v17, v4  }
0x6e: {  	v7 =	vld [tilespmem:s16+$0x4180];
	v9 =	vadd.f32 v18, v9;
	v13 =	vsub.f32 $0.0e+00, v2  }
0x6f: {  	v12 =	vld [tilespmem:s16+$0x2180];
	v4 =	vsub.f32 $0.0e+00, v3;
	v18 =	vsub.f32 $0.0e+00, v1  }
0x70: {  	v5 =	vld [tilespmem:s16+$0x2190];
	v13 =	vmul.f32 $1.442695020e+00, v13  }
0x71: {  	v6 =	vld [tilespmem:s16+$0x4190];
	v19 =	vpop (erf);
	v23 =	vmul.f32 $1.442695020e+00, v4;
	v4 =	vadd.f32 v14, v9;
	v9 =	vmul.f32 $1.442695020e+00, v18  }
0x72: {  	v15 =	vld [tilespmem:s16+$0x21A0];
	v22 =	vpop (erf);
	(erf) = vpow2.f32 v13  }
0x73: {  	s17 =	simm.s32 $0xC0;
	v17 =	vld [tilespmem:s16+$0x41A0];
	v14 =	vadd.f32 $1.000000000e+00, v19;
	v25 =	vpop (erf);
	(erf) = vpow2.f32 v23  }
0x74: {  	v26 =	vld [tilespmem:s17+$0x41B0];
	v23 =	vsub.f32 $0.0e+00, v4;
	v18 =	vpop (erf);
	(erf) = vpow2.f32 v9  }
0x75: {  	v7 =	vadd.f32 v7, v12;
	v22 =	vadd.f32 $1.000000000e+00, v22;
	v13 =	vld [tilespmem:s16+$0x1A0];
	v9 =	vpop (erf);
	(erf) = vrcp.f32 v14  }
0x76: {  	v19 =	vld [tilespmem:s17+$0x21B0];
	v6 =	vadd.f32 v6, v5;
	v14 =	vmul.f32 $1.442695020e+00, v23;
	v9 =	vmul.f32 v9, v10  }
0x77: {  	v5 =	vadd.f32 v20, v7;
	v18 =	vadd.f32 $1.000000000e+00, v18;
	v23 =	vld [tilespmem:s17+$0x1B0];
	(erf) = vrcp.f32 v22  }
0x78: {  	v12 =	vadd.f32 $1.000000000e+00, v25;
	v10 =	vld [tilespmem:s17+$0x2180];
	(erf) = vpow2.f32 v14;
	[tilespmem:s18+$0x61B0] =	vst v9;
	v9 =	vadd.f32 v17, v15  }
0x79: {  	v6 =	vadd.f32 v24, v6;
	v14 =	vsub.f32 $0.0e+00, v5;
	(erf) = vrcp.f32 v18  }
0x7a: {  	v15 =	vld [tilespmem:s17+$0x4180];
	(erf) = vrcp.f32 v12;
	v7 =	vadd.f32 v13, v9  }
0x7b: {  	v17 =	vld [tilespmem:s17+$0x2190];
	v14 =	vmul.f32 $1.442695020e+00, v14;
	v9 =	vsub.f32 $0.0e+00, v6;
	v13 =	vadd.f32 v26, v19  }
0x7c: {  	v18 =	vld [tilespmem:s17+$0x4190];
	v12 =	vpop (erf);
	v19 =	vsub.f32 $0.0e+00, v7  }
0x7d: {  	v20 =	vld [tilespmem:s17+$0x21A0];
	v22 =	vpop (erf);
	v60 =	vmul.f32 $1.442695020e+00, v9;
	v9 =	vadd.f32 v23, v13  }
0x7e: {  	v59 =	vld [tilespmem:s17+$0x41A0];
	v27 =	vpop (erf);
	(erf) = vpow2.f32 v14;
	v22 =	vadd.f32 $1.000000000e+00, v22;
	v19 =	vmul.f32 $1.442695020e+00, v19  }
0x7f: {  	v61 =	vadd.f32 $1.000000000e+00, v12;
	v12 =	vld [tilespmem:s17+$0x180];
	v14 =	vpop (erf);
	(erf) = vpow2.f32 v60;
	v15 =	vadd.f32 v15, v10  }
0x80: {  	v13 =	vld [tilespmem:s17+$0x190];
	v28 =	vsub.f32 $0.0e+00, v9;
	v23 =	vmul.f32 v14, v11;
	v62 =	vpop (erf);
	(erf) = vpow2.f32 v19  }
0x81: {  	s19 =	simm.s32 $0x100;
	v10 =	vadd.f32 $1.000000000e+00, v27;
	v14 =	vld [tilespmem:s17+$0x1A0];
	v63 =	vpop (erf);
	v25 =	vmul.f32 v62, v16;
	(erf) = vrcp.f32 v61  }
0x82: {  	v17 =	vadd.f32 v18, v17;
	v11 =	vld [tilespmem:s19+$0x21B0];
	v19 =	vmul.f32 $1.442695020e+00, v28;
	[tilespmem:s18+$0x6180] =	vst v23;
	(erf) = vrcp.f32 v22;
	v22 =	vpop (erf)  }
0x83: {  	s20 =	simm.s32 $0x500;
	v18 =	vadd.f32 v59, v20;
	v20 =	vadd.f32 $1.000000000e+00, v63;
	v16 =	vld [tilespmem:s19+$0x41B0];
	[tilespmem:s18+$0x6190] =	vst v25;
	v21 =	vmul.f32 v22, v21;
	v22 =	vpop (erf)  }
.LBB2_5:
0x84: {  	p0 =	sne.s32 s20, $0x7F00;
	v23 =	vld [tilespmem:s19+$0x2180];
	v24 =	vadd.f32 v12, v15;
	(erf) = vpow2.f32 v19;
	v19 =	vmul.f32 v22, v8;
	v22 =	vmovc v6;
	v8 =	vmovc v1  }
0x85: {  	v1 =	vmovc v7;
	v15 =	vld [tilespmem:s19+$0x1B0];
	v6 =	vadd.f32 v13, v17;
	(erf) = vrcp.f32 v20;
	[tilespmem:s15+$0x61B0] =	vst v21;
	v21 =	vmovc v4;
	v4 =	vmov v9  }
0x86: {  	v13 =	vld [tilespmem:s19+$0x4180];
	v20 =	vsub.f32 $0.0e+00, v24;
	v7 =	vadd.f32 v14, v18;
	(erf) = vrcp.f32 v10;
	[tilespmem:s18+$0x61A0] =	vst v19;
	s18 =	smov.u32 s15;
	s15 =	smov.u32 s16;
	s16 =	smov.u32 s17  }
0x87: {  	s17 =	smov.u32 s19;
	v14 =	vld [tilespmem:s19+$0x2190];
	v10 =	vsub.f32 $0.0e+00, v6;
	v12 =	vpop (erf)  }
0x88: {  	v17 =	vld [tilespmem:s17+$0x4190];
	v11 =	vadd.f32 v16, v11;
	v28 =	vmul.f32 $1.442695020e+00, v20;
	v29 =	vsub.f32 $0.0e+00, v7;
	v9 =	vpop (erf)  }
0x89: {  	v19 =	vadd.f32 $1.000000000e+00, v12;
	v20 =	vld [tilespmem:s17+$0x21A0];
	v10 =	vmul.f32 $1.442695020e+00, v10;
	v25 =	vadd.f32 $1.000000000e+00, v9;
	v26 =	vpop (erf)  }
0x8a: {  	v27 =	vld [tilespmem:s17+$0x41A0];
	v9 =	vadd.f32 v15, v11;
	v11 =	vmul.f32 $1.442695020e+00, v29;
	(erf) = vpow2.f32 v28;
	v16 =	vpop (erf)  }
.Ltmp1:
0x8b: {  	v15 =	vadd.f32 v13, v23;
	v12 =	vld [tilespmem:s17+$0x180];
	(erf) = vpow2.f32 v10;
	v10 =	vadd.f32 $1.000000000e+00, v26;
	v18 =	vpop (erf);
	(pc) =	sbr.rel @p0 .LBB2_5-.Ltmp1, $4  }
0x8c: {  	v16 =	vmul.f32 v16, v2;
	v2 =	vmovc v5;
	v5 =	vmovc v24;
	v13 =	vld [tilespmem:s17+$0x190];
	v28 =	vsub.f32 $0.0e+00, v9;
	(erf) = vpow2.f32 v11  }
0x8d: {  	s19 =	sshra.s32 s20, $0x2;
	v26 =	vmul.f32 v18, v3;
	v17 =	vadd.f32 v17, v14;
	v14 =	vld [tilespmem:s17+$0x1A0];
	v24 =	vpop (erf);
	(erf) = vrcp.f32 v19  }
0x8e: {  	v3 =	vmov v22;
	v11 =	vld [tilespmem:s19+$0x21B0];
	v19 =	vmul.f32 $1.442695020e+00, v28;
	(erf) = vrcp.f32 v25;
	v23 =	vpop (erf);
	[tilespmem:s18+$0x6180] =	vst v16  }
0x8f: {  	s20 =	sadd.s32 $0x100, s20;
	v16 =	vld [tilespmem:s19+$0x41B0];
	v18 =	vadd.f32 v27, v20;
	v20 =	vadd.f32 $1.000000000e+00, v24;
	v21 =	vmul.f32 v23, v21;
	[tilespmem:s18+$0x6190] =	vst v26;
	v22 =	vpop (erf)  }
0x90: {  	v23 =	vld [tilespmem:s19+$0x2180];
	v8 =	vmul.f32 v22, v8  }
0x91: {  	v24 =	vld [tilespmem:s19+$0x1B0];
	[tilespmem:s15+$0x61B0] =	vst v21  }
0x92: {  	v21 =	vld [tilespmem:s19+$0x4180];
	[tilespmem:s18+$0x61A0] =	vst v8  }
0x93: {  	(erf) = vpow2.f32 v19;
	v29 =	vld [tilespmem:s19+$0x2190]  }
0x94: {  	v28 =	vadd.f32 v12, v15;
	v30 =	vld [tilespmem:s19+$0x4190]  }
0x95: {  	v13 =	vadd.f32 v13, v17;
	v32 =	vld [tilespmem:s19+$0x21A0]  }
0x96: {  	(erf) = vrcp.f32 v20;
	v31 =	vsub.f32 $0.0e+00, v28;
	v14 =	vadd.f32 v14, v18;
	v34 =	vld [tilespmem:s19+$0x41A0]  }
0x97: {  	v33 =	vsub.f32 $0.0e+00, v13;
	v35 =	vpop (erf);
	v25 =	vld [tilespmem:s19+$0x180];
	(erf) = vrcp.f32 v10;
	v11 =	vadd.f32 v16, v11  }
0x98: {  	v36 =	vmul.f32 $1.442695020e+00, v31;
	v37 =	vsub.f32 $0.0e+00, v14;
	v38 =	vpop (erf);
	v22 =	vadd.f32 $1.000000000e+00, v35  }
0x99: {  	v26 =	vld [tilespmem:s19+$0x190];
	v19 =	vmul.f32 $1.442695020e+00, v33;
	v39 =	vpop (erf);
	v10 =	vadd.f32 $1.000000000e+00, v38;
	v11 =	vadd.f32 v24, v11  }
0x9a: {  	v40 =	vld [tilespmem:s19+$0x1A0];
	v17 =	vmul.f32 $1.442695020e+00, v37;
	(erf) = vpow2.f32 v36;
	v41 =	vpop (erf);
	v21 =	vadd.f32 v21, v23  }
0x9b: {  	(erf) = vpow2.f32 v19;
	v42 =	vpop (erf);
	v43 =	vsub.f32 $0.0e+00, v11;
	v12 =	vadd.f32 v30, v29  }
0x9c: {  	(erf) = vpow2.f32 v17;
	v18 =	vadd.f32 v34, v32;
	v44 =	vpop (erf);
	v45 =	vadd.f32 v25, v21  }
0x9d: {  	(erf) = vrcp.f32 v22;
	v17 =	vmul.f32 $1.442695020e+00, v43;
	v15 =	vadd.f32 $1.000000000e+00, v44  }
0x9e: {  	v12 =	vadd.f32 v26, v12;
	(erf) = vrcp.f32 v10;
	v46 =	vsub.f32 $0.0e+00, v45  }
0x9f: {  	v47 =	vadd.f32 $1.000000000e+00, v39;
	v16 =	vadd.f32 v40, v18;
	(erf) = vpow2.f32 v17  }
0xa0: {  	v48 =	vsub.f32 $0.0e+00, v12;
	(erf) = vrcp.f32 v15;
	v10 =	vmul.f32 $1.442695020e+00, v46  }
0xa1: {  	v50 =	vpop (erf);
	v49 =	vsub.f32 $0.0e+00, v16;
	(erf) = vrcp.f32 v47  }
0xa2: {  	v51 =	vpop (erf);
	v17 =	vmul.f32 $1.442695020e+00, v48;
	(erf) = vpow2.f32 v10  }
0xa3: {  	v15 =	vmul.f32 $1.442695020e+00, v49;
	v52 =	vpop (erf)  }
0xa4: {  	(erf) = vpow2.f32 v17;
	v53 =	vpop (erf)  }
0xa5: {  	(erf) = vpow2.f32 v15;
	v54 =	vpop (erf)  }
0xa6: {  	v22 =	vpop (erf)  }
0xa7: {  	v10 =	vadd.f32 $1.000000000e+00, v52;
	v55 =	vpop (erf)  }
0xa8: {  	v17 =	vadd.f32 $1.000000000e+00, v53;
	v56 =	vpop (erf)  }
0xa9: {  	v2 =	vmul.f32 v41, v2;
	(erf) = vrcp.f32 v10;
	v57 =	vpop (erf);
	v58 =	vadd.f32 $1.000000000e+00, v56  }
0xaa: {  	v3 =	vmul.f32 v42, v3;
	(erf) = vrcp.f32 v17;
	v59 =	vpop (erf)  }
0xab: {  	[tilespmem:s15+$0x6180] =	vst v2;
	v2 =	vmul.f32 v50, v4;
	v60 =	vpop (erf);
	(erf) = vrcp.f32 v58  }
0xac: {  	[tilespmem:s15+$0x6190] =	vst v3;
	v1 =	vmul.f32 v51, v1;
	v15 =	vadd.f32 $1.000000000e+00, v54  }
0xad: {  	[tilespmem:s16+$0x61B0] =	vst v2;
	v2 =	vmul.f32 v22, v5;
	v61 =	vpop (erf);
	v17 =	vadd.f32 $1.000000000e+00, v60  }
0xae: {  	[tilespmem:s15+$0x61A0] =	vst v1;
	(erf) = vrcp.f32 v15;
	v10 =	vadd.f32 $1.000000000e+00, v61;
	v62 =	vpop (erf)  }
0xaf: {  	[tilespmem:s16+$0x6180] =	vst v2;
	v2 =	vmul.f32 v57, v9;
	v63 =	vadd.f32 $1.000000000e+00, v62;
	(erf) = vrcp.f32 v17  }
0xb0: {  	v1 =	vmul.f32 v55, v6;
	(erf) = vrcp.f32 v10  }
0xb1: {  	(erf) = vrcp.f32 v63  }
0xb2: {  	[tilespmem:s16+$0x6190] =	vst v1;
	v1 =	vmul.f32 v59, v7;
	v3 =	vpop (erf)  }
0xb3: {  	[tilespmem:s17+$0x61B0] =	vst v2;
	v2 =	vpop (erf);
	v3 =	vmul.f32 v3, v28  }
0xb4: {  	[tilespmem:s16+$0x61A0] =	vst v1;
	v1 =	vmul.f32 v2, v13;
	v2 =	vpop (erf)  }
0xb5: {  	v2 =	vmul.f32 v2, v11;
	_ =	sdelay $0x1  }
0xb6: {  	[tilespmem:s17+$0x6180] =	vst v3;
	v3 =	vpop (erf)  }
0xb7: {  	[tilespmem:s17+$0x6190] =	vst v1;
	v1 =	vmul.f32 v3, v14;
	v3 =	vpop (erf)  }
0xb8: {  	[tilespmem:s19+$0x61B0] =	vst v2;
	v3 =	vmul.f32 v3, v45;
	v2 =	vpop (erf)  }
0xb9: {  	[tilespmem:s17+$0x61A0] =	vst v1;
	v1 =	vmul.f32 v2, v12;
	v2 =	vpop (erf)  }
0xba: {  	s1 =	sadd.s32 $0x1, s1;
	[tilespmem:s19+$0x6180] =	vst v3;
	v2 =	vmul.f32 v2, v16  }
0xbb: {  	p0 =	sne.s32 s1, $0x4F;
	[tilespmem:s19+$0x6190] =	vst v1  }
.Ltmp2:
0xbc: {  	[tilespmem:s19+$0x61A0] =	vst v2;
	(pc) =	sbr.rel @p0 .LBB2_4-.Ltmp2, $4  }
0xbd: {  	[spmem:s2] =	stream.indirect.scatter.add.f32 [tilespmem:s21], [sflag:$0x3], $0x40, s24, s23, $0xb8;
	[tilespmem:$0x12180] =	vst v63  }
0xbe: {  	_ =	swait.ge [sflag:s22], $0x2000  }
0xbf: {  	[sflag:s22] =	ssyncset.done $0x0  }
0xc0: {  	[sflag:s22] =	ssyncadd.s32 $0xFFFFE000  }
0xc1: {  	[bflag:$0x0] =	sbarrier.arrive $0xFFFF  }
0xc2: {  	[tilespmem:s21], [sflag:$0x3] =	stream.linear.gather [spmem:s9], $0x2000, $0x38;
	[tilespmem:$0x12180] =	vst v63  }
0xc3: {  	_ =	swait.ge [sflag:s22], $0x2000  }
0xc4: {  	[sflag:s22] =	ssyncset.done $0x0  }
0xc5: {  	s0 =	rddreg [dreg:$0x3];
	[sflag:s22] =	ssyncadd.s32 $0xFFFFE000  }
0xc6: {  	[hbm4b:s0+s3] =	stream.linear.scatter [tilespmem:s21], [sflag:$0x3], $0x2000, $0x38;
	[tilespmem:$0x12180] =	vst v63  }
0xc7: {  	_ =	swait.ge [sflag:s22], $0x2000  }
0xc8: {  	[sflag:s22] =	ssyncset.done $0x0  }
0xc9: {  	[sflag:s22] =	ssyncadd.s32 $0xFFFFE000  }
0xca: {  	[tilespmem:s21], [sflag:$0x3] =	stream.linear.gather [spmem:s11], $0x2000, $0x38;
	[tilespmem:$0x12180] =	vst v63  }
0xcb: {  	_ =	swait.ge [sflag:s22], $0x2000  }
0xcc: {  	[sflag:s22] =	ssyncset.done $0x0  }
0xcd: {  	s16 =	rddreg [dreg:$0x4];
	[sflag:s22] =	ssyncadd.s32 $0xFFFFE000  }
0xce: {  	[hbm4b:s16+s3] =	stream.linear.scatter [tilespmem:s21], [sflag:$0x3], $0x2000, $0x38;
	[tilespmem:$0x12180] =	vst v63  }
0xcf: {  	_ =	swait.ge [sflag:s22], $0x2000  }
0xd0: {  	[sflag:s22] =	ssyncset.done $0x0  }
0xd1: {  	[sflag:s22] =	ssyncadd.s32 $0xFFFFE000  }
0xd2: {  	[tilespmem:s21], [sflag:$0x3] =	stream.linear.gather [spmem:s12], $0x2000, $0x38;
	[tilespmem:$0x12180] =	vst v63  }
0xd3: {  	_ =	swait.ge [sflag:s22], $0x2000  }
0xd4: {  	[sflag:s22] =	ssyncset.done $0x0  }
0xd5: {  	s17 =	rddreg [dreg:$0x5];
	[sflag:s22] =	ssyncadd.s32 $0xFFFFE000  }
0xd6: {  	[hbm4b:s17+s3] =	stream.linear.scatter [tilespmem:s21], [sflag:$0x3], $0x2000, $0x38;
	[tilespmem:$0x12180] =	vst v63  }
0xd7: {  	_ =	swait.ge [sflag:s22], $0x2000  }
0xd8: {  	[sflag:s22] =	ssyncset.done $0x0  }
0xd9: {  	[sflag:s22] =	ssyncadd.s32 $0xFFFFE000  }
0xda: {  	[tilespmem:s21], [sflag:$0x3] =	stream.linear.gather [spmem:s13], $0x2000, $0x38;
	[tilespmem:$0x12180] =	vst v63  }
0xdb: {  	_ =	swait.ge [sflag:s22], $0x2000  }
0xdc: {  	[sflag:s22] =	ssyncset.done $0x0  }
0xdd: {  	s18 =	rddreg [dreg:$0x6];
	[sflag:s22] =	ssyncadd.s32 $0xFFFFE000  }
0xde: {  	[hbm4b:s18+s3] =	stream.linear.scatter [tilespmem:s21], [sflag:$0x3], $0x2000, $0x38;
	[tilespmem:$0x12180] =	vst v63  }
0xdf: {  	_ =	swait.ge [sflag:s22], $0x2000  }
0xe0: {  	[sflag:s22] =	ssyncset.done $0x0  }
0xe1: {  	[sflag:s22] =	ssyncadd.s32 $0xFFFFE000  }
0xe2: {  	[tilespmem:s21], [sflag:$0x3] =	stream.linear.gather [spmem:s14], $0x2000, $0x38;
	[tilespmem:$0x12180] =	vst v63  }
0xe3: {  	_ =	swait.ge [sflag:s22], $0x2000  }
0xe4: {  	[sflag:s22] =	ssyncset.done $0x0  }
0xe5: {  	s19 =	rddreg [dreg:$0x7];
	[sflag:s22] =	ssyncadd.s32 $0xFFFFE000  }
0xe6: {  	[hbm4b:s19+s3] =	stream.linear.scatter [tilespmem:s21], [sflag:$0x3], $0x2000, $0x38;
	[tilespmem:$0x12180] =	vst v63  }
0xe7: {  	_ =	swait.ge [sflag:s22], $0x2000  }
0xe8: {  	s31 =	sadd.s32 $0x1, s31;
	s20 =	rddreg [dreg:$0x8]  }
0xe9: {  	p0 =	sne.s32 s31, s20  }
.Ltmp3:
0xea: {  	_ = 	snop;
	(pc) =	sbr.rel @p0 .LBB2_1-.Ltmp3, $3  }
0xeb: {  	_ =	sdelay $0x1  }
0xec: {  	[sflag:s22] =	ssyncset.done $0x0  }
0xed: {  	[sflag:s22] =	ssyncadd.s32 $0xFFFFE000  }
0xee: {  	_ =	sfence.sel $0x180000  }
0xef: {  	[bflag:$0x0] =	sbarrier.arrive $0xFFFF  }
0xf0: {  	_ =	strace $0x9000004D  }
0xf1: {  	s0 =	stileid.u32;
	[bflag:$0x2] =	sbarrier.arrive $0xFFFF  }
0xf2: {  	p0 =	sne.s32 s0, $0x0;
	s0 =	rddreg [dreg:$0x2]  }
0xf3: {  	s0 =	sadd.s32 @!p0 $0x100000, s0  }
0xf4: {  	[sflag:s0] =	ssyncadd.tile.s32 @!p0 $0x1;
	_ =	shalt  }
.Lfunc_end2:
_tile_overlayer_lowered:
.L_overlay_start_2:
0xf5: {  	(tag) =	ssettag $0x2  }
0xf6: {  	s0 =	rddreg [dreg:$0x0];
	s2 =	stileid.u32  }
0xf7: {  	s1 =	rddreg [dreg:$0x1];
	p0 =	sne.s32 s2, $0x0  }
0xf8: {  	s3 =	rddreg [dreg:$0x2];
	[bflag:$0x3] =	sbarrier.arrive $0xFFFF;
	s2 =	simm.s32 @!p0 $0x1C03  }
0xf9: {  	[timem:s3], [sflag:s2] =	dma.local @!p0 [hbm:s0], s1  }
0xfa: {  	s0 =	simm.s32 @!p0 $0x3  }
0xfb: {  	_ =	swait.ge @!p0 [sflag:s0], s1  }
0xfc: {  	s1 =	ssub.s32 @!p0 $0x0, s1;
	[sflag:s0] =	ssyncset.done @!p0 $0x0  }
0xfd: {  	[sflag:s0] =	ssyncadd.s32 @!p0 s1  }
0xfe: {  	[bflag:$0x3] =	sbarrier.arrive $0xFFFF  }
0xff: {  	_ =	shalt  }

// kernel: kernel.26.cloned.1.call-start
scs
__scs_entry_jumppad:
0x0: {  	(pc) =	sbr.rel $0x88, $3  }
0x1: {  	(tag) =	ssettag $0x0;
	lr =	simm.s32 $0x1  }
0x2: {  	[smem:$0x3F8D] =	sst lr;
	_ =	strace $0xD0000000  }
0x3: {  	_ = 	snop  }
0x4: {  	_ = 	snop  }
0x5: {  	_ = 	snop  }
0x6: {  	_ = 	snop  }
0x7: {  	_ = 	snop  }
__scs_overlays_trampoline_lowered:
0x8: {  	[smem:$0x3F9C] =	sst s0  }
0x9: {  	[smem:$0x3F9D] =	sst s1  }
0xa: {  	[smem:$0x3F9E] =	sst s2  }
0xb: {  	[smem:$0x3F9F] =	sst s3  }
0xc: {  	[smem:$0x3FA0] =	sst s4  }
0xd: {  	[smem:$0x3FA1] =	sst s5  }
0xe: {  	[smem:$0x3FA2] =	sst s6  }
0xf: {  	[smem:$0x3FA3] =	sst s7  }
0x10: {  	[smem:$0x3FA4] =	sst s8  }
0x11: {  	[smem:$0x3FA5] =	sst s9;
	s0 =	simm.s32 @!p0 $0x0  }
0x12: {  	s1 =	sld [smem:$0x3F8B];
	s0 =	simm.s32 @p0 $0x1  }
0x13: {  	[smem:$0x3FA6] =	sst s0;
	s0 =	simm.s32 @!p1 $0x0  }
0x14: {  	s2 =	sld [smem:$0x3F8A];
	s0 =	simm.s32 @p1 $0x1  }
0x15: {  	[smem:$0x3FA7] =	sst s0;
	s0 =	simm.s32 @!p2 $0x0  }
0x16: {  	s3 =	sld [smem:$0x3FDB];
	s0 =	simm.s32 @p2 $0x1  }
0x17: {  	s4 =	simm.s32 $0x1BF5;
	[smem:$0x3FA9] =	sst s0  }
0x18: {  	s0 =	sld [smem:$0x3F8C];
	_ =	swait.ge [sflag:s4], $0x0  }
0x19: {  	s7 =	sld [smem:$0x3F8D]  }
0x1a: {  	s8 =	sadd.s32 $0xFFFFE003, lr  }
0x1b: {  	s9 =	sadd.s32 $0xFFFFFEF7, lr;
	s5 =	simm.s32 $0xFFFFFFFF;
	p2 =	slt.u32 s8, $0xFFFFF086  }
0x1c: {  	p1 =	slt.u32 s9, $0xF7A;
	s5 =	simm.s32 @!p2 $0x0  }
0x1d: {  	s5 =	simm.s32 @p1 $0x1;
	p0 =	seq.s32 s7, s2  }
0x1e: {  	s7 =	smul.u32 @!p0 $0xF7A, s2;
	p2 =	seq.s32 @!p0 s5, $0x0  }
0x1f: {  	s9 =	smul.u32 $0xF7A, s1;
	s8 =	simm.s32 @!p0 $0x1BF5;
	p2 =	por !p2, p0  }
0x20: {  	[sflag:s8] =	ssyncset.s32 @!p0 $0xFFFFF086;
	s6 =	sadd.s32 @!p0 s3, s7;
	s7 =	simm.s32 @!p0 $0x108  }
0x21: {  	s3 =	sadd.s32 s3, s9;
	s6 =	sadd.s32 @!p0 $0x88, s6;
	s7 =	simm.s32 @p2 $0x1082  }
0x22: {  	[simem:s7], [sflag:s8] =	dma.local @!p0 [hbm:s6], $0xF7A  }
0x23: {  	s9 =	sor.u32 $0xD0000000, s2;
	s6 =	simm.s32 $0x108;
	_ =	swait.ge @!p0 [sflag:s8], $0x0  }
0x24: {  	s3 =	sadd.s32 $0x88, s3;
	s6 =	simm.s32 @!p1 $0x1082;
	[sflag:s4] =	ssyncset.s32 $0xFFFFF086  }
0x25: {  	[simem:s6], [sflag:s4] =	dma.local [hbm:s3], $0xF7A  }
0x26: {  	[smem:$0x3F8D] =	sst s1;
	(tag) =	ssettag s2;
	_ =	strace s9  }
0x27: {  	s1 =	sld [smem:$0x3F9D]  }
0x28: {  	s2 =	sld [smem:$0x3F9E]  }
0x29: {  	s4 =	sld [smem:$0x3FA0]  }
0x2a: {  	p0 =	seq.s32 s5, $0x0;
	s5 =	sld [smem:$0x3FA1]  }
0x2b: {  	s6 =	sld [smem:$0x3FA2]  }
0x2c: {  	s7 =	sld [smem:$0x3FA3]  }
0x2d: {  	s3 =	simm.s32 $0x108;
	s8 =	sld [smem:$0x3FA4]  }
0x2e: {  	s3 =	simm.s32 @!p0 $0x1082;
	s9 =	sld [smem:$0x3FA5]  }
0x2f: {  	lr =	sadd.s32 s0, s3;
	s0 =	sld [smem:$0x3F9C]  }
0x30: {  	s3 =	sld [smem:$0x3F9F]  }
0x31: {  	[smem:$0x3FA8] =	sst s10  }
0x32: {  	s10 =	sld [smem:$0x3FA6];
	_ =	sdelay $0x3  }
0x33: {  	p0 =	seq.s32 s10, $0x1;
	s10 =	sld [smem:$0x3FA8];
	_ =	sdelay $0x3  }
0x34: {  	[smem:$0x3FA8] =	sst s10  }
0x35: {  	s10 =	sld [smem:$0x3FA7];
	_ =	sdelay $0x3  }
0x36: {  	p1 =	seq.s32 s10, $0x1;
	s10 =	sld [smem:$0x3FA8];
	_ =	sdelay $0x3  }
0x37: {  	[smem:$0x3FA8] =	sst s10  }
0x38: {  	s10 =	sld [smem:$0x3FA9]  }
0x39: {  	_ = 	snop;
	(pc) =	sbr.ind lr, $3  }
0x3a: {  	_ = 	snop  }
0x3b: {  	_ = 	snop  }
0x3c: {  	p2 =	seq.s32 s10, $0x1;
	s10 =	sld [smem:$0x3FA8]  }
0x3d: {  	_ =	shalt  }
0x3e: {  	_ =	shalt  }
0x3f: {  	_ =	shalt  }
0x40: {  	_ =	shalt  }
0x41: {  	_ =	shalt  }
0x42: {  	_ =	shalt  }
0x43: {  	_ =	shalt  }
0x44: {  	_ =	shalt  }
0x45: {  	_ =	shalt  }
0x46: {  	_ =	shalt  }
0x47: {  	_ =	shalt  }
0x48: {  	_ =	shalt  }
0x49: {  	_ =	shalt  }
0x4a: {  	_ =	shalt  }
0x4b: {  	_ =	shalt  }
0x4c: {  	_ =	shalt  }
0x4d: {  	_ =	shalt  }
0x4e: {  	_ =	shalt  }
0x4f: {  	_ =	shalt  }
0x50: {  	_ =	shalt  }
0x51: {  	_ =	shalt  }
0x52: {  	_ =	shalt  }
0x53: {  	_ =	shalt  }
0x54: {  	_ =	shalt  }
0x55: {  	_ =	shalt  }
0x56: {  	_ =	shalt  }
0x57: {  	_ =	shalt  }
0x58: {  	_ =	shalt  }
0x59: {  	_ =	shalt  }
0x5a: {  	_ =	shalt  }
0x5b: {  	_ =	shalt  }
0x5c: {  	_ =	shalt  }
0x5d: {  	_ =	shalt  }
0x5e: {  	_ =	shalt  }
0x5f: {  	_ =	shalt  }
0x60: {  	_ =	shalt  }
0x61: {  	_ =	shalt  }
0x62: {  	_ =	shalt  }
0x63: {  	_ =	shalt  }
0x64: {  	_ =	shalt  }
0x65: {  	_ =	shalt  }
0x66: {  	_ =	shalt  }
0x67: {  	_ =	shalt  }
0x68: {  	_ =	shalt  }
0x69: {  	_ =	shalt  }
0x6a: {  	_ =	shalt  }
0x6b: {  	_ =	shalt  }
0x6c: {  	_ =	shalt  }
0x6d: {  	_ =	shalt  }
0x6e: {  	_ =	shalt  }
0x6f: {  	_ =	shalt  }
0x70: {  	_ =	shalt  }
0x71: {  	_ =	shalt  }
0x72: {  	_ =	shalt  }
0x73: {  	_ =	shalt  }
0x74: {  	_ =	shalt  }
0x75: {  	_ =	shalt  }
0x76: {  	_ =	shalt  }
0x77: {  	_ =	shalt  }
0x78: {  	_ =	shalt  }
0x79: {  	_ =	shalt  }
0x7a: {  	_ =	shalt  }
0x7b: {  	_ =	shalt  }
0x7c: {  	_ =	shalt  }
0x7d: {  	_ =	shalt  }
0x7e: {  	_ =	shalt  }
0x7f: {  	_ =	shalt  }
0x80: {  	_ =	shalt  }
0x81: {  	_ =	shalt  }
0x82: {  	_ =	shalt  }
0x83: {  	_ =	shalt  }
0x84: {  	_ =	shalt  }
0x85: {  	_ =	shalt  }
0x86: {  	_ =	shalt  }
0x87: {  	_ =	shalt  }
.Lfunc_end0:
.L_simem_size_0:
called_computation.3_lowered:
.L_overlay_start_0:
0x88: {  	s2 =	sld [smem:$0x3FD9]  }
0x89: {  	s3 =	sld [smem:$0x3FFE];
	_ =	sdelay $0x1  }
0x8a: {  	s1 =	srdreg.scid  }
0x8b: {  	s0 =	sand.u32 $0x1, s1  }
0x8c: {  	s16 =	sshll.u32 s0, $0xA;
	s2 =	sadd.s32 s3, s2  }
0x8d: {  	s2 =	sadd.s32 s2, s16  }
0x8e: {  	[smem:$0x3FB4] =	sst s2  }
0x8f: {  	_ = 	snop  }
0x90: {  	(tm) =	ssettm $0x1  }
0x91: {  	s17 =	sld [smem:$0x3FFB];
	_ =	sdelay $0x3  }
0x92: {  	_ =	strace s17  }
0x93: {  	s2 =	sld [smem:$0x3FFC];
	_ =	sdelay $0x3  }
0x94: {  	_ =	strace s2  }
0x95: {  	s2 =	sld [smem:$0x3FFD];
	_ =	sdelay $0x3  }
0x96: {  	_ =	strace s2  }
0x97: {  	_ =	strace $0x8FFFFFFF  }
0x98: {  	s18 =	sld [smem:$0x3FDB];
	_ =	sdelay $0x1  }
0x99: {  	s19 =	simm.s32 $_scs_section_size  }
0x9a: {  	s4 =	simm.s32 $_size__tile_overlayer_lowered;
	s5 =	simm.s32 $_tile_overlayer_lowered  }
0x9b: {  	s22 =	simm.s32 $0x1BFF;
	s21 =	sshll.u32 s5, $0x1;
	s2 =	sadd.s32 s19, s18  }
0x9c: {  	s6 =	simm.s32 $0x0;
	s20 =	sshll.u32 s4, $0x1;
	s4 =	sadd.s32 s21, s2  }
0x9d: {  	[timem:s6], [sflag:s22] =	dma.local [hbm:s4], s20  }
0x9e: {  	_ =	swait.ge [sflag:s22], s20  }
0x9f: {  	s3 =	ssub.s32 $0x0, s20;
	[sflag:s22] =	ssyncset.done $0x0  }
0xa0: {  	[sflag:s22] =	ssyncadd.s32 s3;
	_ =	sdelay $0x1  }
0xa1: {  	s23 =	simm.s32 $0x1B8B  }
0xa2: {  	_ =	swait.ge [sflag:s23], $0x1  }
0xa3: {  	[sflag:s23] =	ssyncset.done $0x0  }
0xa4: {  	s25 =	simm.s32 $0x1B8E;
	s24 =	sld [smem:$0x3FFE];
	[sflag:s23] =	ssyncadd.s32 $0xFFFFFFFF  }
0xa5: {  	s26 =	simm.s32 $execute0_lowered;
	[smem:$0x3FD2] =	sst s25  }
0xa6: {  	s4 =	sshll.u32 s26, $0x1;
	_ =	strace $0x8000004F;
	[dreg:$0x1] =	wrdreg $0xFFFFFFFF  }
0xa7: {  	s28 =	simm.s32 $_size_execute0_lowered;
	s2 =	sadd.s32 s2, s4;
	[dreg:$0x0] =	wrdreg $0x0  }
0xa8: {  	s4 =	sshll.u32 s28, $0x1;
	[dreg:$0x2] =	wrdreg s2  }
0xa9: {  	[dreg:$0x3] =	wrdreg s4  }
0xaa: {  	[dreg:$0x4] =	wrdreg $0xC0  }
0xab: {  	_ =	task [dreg:s6], $0x5FFFF  }
0xac: {  	[dreg:$0x1] =	wrdreg $0xFFFFFFFF  }
0xad: {  	[dreg:$0x0] =	wrdreg $0x60  }
0xae: {  	[dreg:$0x2] =	wrdreg s24  }
0xaf: {  	[dreg:$0x3] =	wrdreg $0x81800  }
0xb0: {  	[dreg:$0x4] =	wrdreg $0x9  }
0xb1: {  	_ =	task.clear_ibuf [dreg:s6], $0x5FFFF;
	_ =	strace $0x9000004F  }
0xb2: {  	s29 =	simm.s32 $0x9;
	_ =	strace $0x80000051  }
0xb3: {  	_ =	swait.ge [sflag:s29], $0x1  }
0xb4: {  	[sflag:s29] =	ssyncadd.s32 $0xFFFFFFFF  }
0xb5: {  	_ =	strace $0x90000051  }
0xb6: {  	_ =	sfence  }
0xb7: {  	s30 =	sld [smem:$0x0];
	_ =	sdelay $0x2  }
0xb8: {  	s31 =	sshll.u32 s1, $0xD;
	s1 =	sshrl.u32 s1, $0x2  }
0xb9: {  	s3 =	sand.u32 $0x4000, s31;
	s1 =	sadd.s32 s1, s30  }
0xba: {  	s0 =	sor.u32 s3, s0;
	s1 =	sshll.u32 s1, $0x11  }
0xbb: {  	s0 =	sor.u32 s1, s0  }
0xbc: {  	s0 =	sadd.s32 $0x8F2B, s0  }
0xbd: {  	[sflag:s0] =	ssyncadd.remote.s32 $0x1  }
0xbe: {  	_ =	sfence.sel $0xFFFF  }
0xbf: {  	[dreg:$0x0] =	wrdreg $0xFFFFFFFF;
	(pc) =	sbr.abs _section_cstart, $3  }
0xc0: {  	[dreg:$0x1] =	wrdreg $0xFFFFFFFF  }
0xc1: {  	_ =	task.clear_ibuf [dreg:s6], $0x2FFFF;
	_ =	strace $0x9FFFFFFF  }
0xc2: {  	(tm) =	ssettm $0x7FFFFFFF  }
0xc3: {  	_ =	shalt  }
tec
execute0_lowered:
.L_overlay_start_1:
0x0: {  	(tag) =	ssettag $0x1  }
0x1: {  	s0 =	rddreg [dreg:$0x0]  }
0x2: {  	s2 =	rddreg [dreg:$0x1]  }
0x3: {  	s1 =	srdreg.scid;
	s12 =	stileid.u32;
	s3 =	simm.s32 $0x0  }
0x4: {  	s28 =	simm.s32 $0x4180;
	s29 =	simm.s32 $0x1;
	s30 =	simm.s32 $0x2  }
0x5: {  	s31 =	simm.s32 $0x0;
	s1 =	sand.u32 $0x1, s1;
	s7 =	smul.u32 $0x280, s12  }
0x6: {  	[smem:$0x7FF] =	sst s3;
	s4 =	sadd.s32 $0x3EA00, s0;
	s10 =	smul.u32 $0x28000, s12  }
0x7: {  	s5 =	sadd.s32 $0x2AA00, s0;
	s6 =	sadd.s32 $0x36AA00, s0;
	s8 =	smul.u32 $0x2800, s1  }
0x8: {  	_ =	strace $0x80000050;
	s21 =	ssub.s32 $0x2, s1;
	s1 =	sshll.u32 s1, $0x4  }
0x9: {  	s11 =	sshrl.u32 s21, $0x1;
	s10 =	sshrl.u32 s10, $0x2;
	s1 =	sor.u32 s12, s1  }
0xa: {  	s8 =	sadd.s32 s7, s8;
	s7 =	sadd.s32 $0x8400, s0;
	s15 =	ssub.s32 s21, s11  }
0xb: {  	s21 =	simm.s32 $0x6180;
	s9 =	sshll.u32 s8, $0x3;
	s8 =	sadd.s32 $0x12200, s0  }
0xc: {  	s26 =	smax.u32 s15, $0x1;
	s0 =	sadd.s32 s9, s0;
	s9 =	sadd.s32 s10, s2  }
0xd: {  	s10 =	smul.u32 $0x2780, s1;
	[dreg:$0x8] =	wrdreg s26;
	s22 =	sadd.s32 $0x52A00, s0  }
0xe: {  	s26 =	simm.s32 $0x2180;
	s23 =	sadd.s32 $0x52E00, s0;
	[dreg:$0x3] =	wrdreg s22  }
0xf: {  	s11 =	sadd.s32 $0x2000, s9;
	s24 =	sadd.s32 $0x53200, s0;
	[dreg:$0x4] =	wrdreg s23  }
0x10: {  	s12 =	sadd.s32 $0x4000, s9;
	s25 =	sadd.s32 $0x53600, s0;
	[dreg:$0x5] =	wrdreg s24  }
0x11: {  	s13 =	sadd.s32 $0x6000, s9;
	s0 =	sadd.s32 $0x53A00, s0;
	[dreg:$0x6] =	wrdreg s25  }
0x12: {  	s14 =	sadd.s32 $0x8000, s9;
	[dreg:$0x7] =	wrdreg s0;
	s22 =	simm.s32 $0x3  }
0x13: {  	v0 =	vimm.f32 $0.0e+00;
	s23 =	simm.s32 $0x80;
	s24 =	simm.s32 $0x100;
	s25 =	simm.s32 $0x180  }
.LBB2_1:
0x14: {  	s1 =	simm.s32 $0x100;
	s0 =	simm.s32 $0x0  }
.LBB2_2:
0x15: {  	p0 =	sne.s32 s1, $0x7F00;
	[tilespmem:s0+$0x61B0] =	vst v0;
	s15 =	smov.u32 s1;
	s1 =	sadd.s32 $0x100, s1  }
.Ltmp0:
0x16: {  	[tilespmem:s0+$0x61A0] =	vst v0;
	(pc) =	sbr.rel @p0 .LBB2_2-.Ltmp0, $3  }
0x17: {  	[tilespmem:s0+$0x6180] =	vst v0  }
0x18: {  	[tilespmem:s0+$0x6190] =	vst v0;
	_ =	sdelay $0x1  }
0x19: {  	s0 =	sshra.s32 s15, $0x2  }
0x1a: {  	[tilespmem:s0+$0x61B0] =	vst v0  }
0x1b: {  	[tilespmem:s0+$0x61A0] =	vst v0  }
0x1c: {  	[tilespmem:s0+$0x6180] =	vst v0  }
0x1d: {  	[tilespmem:s0+$0x6190] =	vst v0  }
0x1e: {  	[spmem:s9] =	stream.linear.scatter [tilespmem:s21], [sflag:$0x3], $0x2000, $0x38;
	[tilespmem:$0x12180] =	vst v63  }
0x1f: {  	_ =	swait.ge [sflag:s22], $0x2000  }
0x20: {  	[sflag:s22] =	ssyncset.done $0x0  }
0x21: {  	[sflag:s22] =	ssyncadd.s32 $0xFFFFE000  }
0x22: {  	[spmem:s11] =	stream.linear.scatter [tilespmem:s21], [sflag:$0x3], $0x2000, $0x38;
	[tilespmem:$0x12180] =	vst v63  }
0x23: {  	_ =	swait.ge [sflag:s22], $0x2000  }
0x24: {  	[sflag:s22] =	ssyncset.done $0x0  }
0x25: {  	[sflag:s22] =	ssyncadd.s32 $0xFFFFE000  }
0x26: {  	[spmem:s12] =	stream.linear.scatter [tilespmem:s21], [sflag:$0x3], $0x2000, $0x38;
	[tilespmem:$0x12180] =	vst v63  }
0x27: {  	_ =	swait.ge [sflag:s22], $0x2000  }
0x28: {  	[sflag:s22] =	ssyncset.done $0x0  }
0x29: {  	[sflag:s22] =	ssyncadd.s32 $0xFFFFE000  }
0x2a: {  	[spmem:s13] =	stream.linear.scatter [tilespmem:s21], [sflag:$0x3], $0x2000, $0x38;
	[tilespmem:$0x12180] =	vst v63  }
0x2b: {  	_ =	swait.ge [sflag:s22], $0x2000  }
0x2c: {  	[sflag:s22] =	ssyncset.done $0x0  }
0x2d: {  	[sflag:s22] =	ssyncadd.s32 $0xFFFFE000  }
0x2e: {  	[spmem:s14] =	stream.linear.scatter [tilespmem:s21], [sflag:$0x3], $0x2000, $0x38;
	[tilespmem:$0x12180] =	vst v63  }
0x2f: {  	_ =	swait.ge [sflag:s22], $0x2000  }
0x30: {  	[sflag:s22] =	ssyncset.done $0x0  }
0x31: {  	[sflag:s22] =	ssyncadd.s32 $0xFFFFE000  }
0x32: {  	s0 =	simm.s32 $0x0;
	s1 =	simm.s32 $0x0;
	[bflag:$0x0] =	sbarrier.arrive $0xFFFF  }
.LBB2_4:
0x33: {  	s15 =	sshll.u32 s1, $0x7  }
0x34: {  	s15 =	sadd.s32 s10, s15  }
0x35: {  	s16 =	sshrl.u32 s15, $0x3  }
0x36: {  	s17 =	sadd.s32 s7, s16  }
0x37: {  	[tilespmem:s0], [sflag:$0x3] =	stream.linear.gather [hbm4b:s17+s0], $0x80, $0x38;
	[tilespmem:$0x12180] =	vst v63  }
0x38: {  	_ =	swait.ge [sflag:s22], $0x80  }
0x39: {  	[sflag:s22] =	ssyncset.done $0x0  }
0x3a: {  	s16 =	sadd.s32 s8, s16;
	[sflag:s22] =	ssyncadd.s32 $0xFFFFFF80  }
0x3b: {  	[tilespmem:s23], [sflag:$0x3] =	stream.linear.gather [hbm4b:s16+s0], $0x80, $0x38;
	[tilespmem:$0x12180] =	vst v63  }
0x3c: {  	_ =	swait.ge [sflag:s22], $0x80  }
0x3d: {  	[sflag:s22] =	ssyncset.done $0x0  }
0x3e: {  	[sflag:s22] =	ssyncadd.s32 $0xFFFFFF80  }
0x3f: {  	[tilespmem:s24], [sflag:$0x3] =	stream.linear.gather [hbm4b:s16+s0], $0x80, $0x38;
	[tilespmem:$0x12180] =	vst v63  }
0x40: {  	_ =	swait.ge [sflag:s22], $0x80  }
0x41: {  	s15 =	sshll.u32 s15, $0x3;
	[sflag:s22] =	ssyncset.done $0x0  }
0x42: {  	s15 =	sadd.s32 s6, s15;
	[sflag:s22] =	ssyncadd.s32 $0xFFFFFF80  }
0x43: {  	[tilespmem:s25], [sflag:$0x3] =	stream.linear.gather [hbm4b:s15+s0], $0x2000, $0x38;
	[tilespmem:$0x12180] =	vst v63  }
0x44: {  	_ =	swait.ge [sflag:s22], $0x2000  }
0x45: {  	[sflag:s22] =	ssyncset.done $0x0  }
0x46: {  	[sflag:s22] =	ssyncadd.s32 $0xFFFFE000  }
0x47: {  	[tilespmem:s26], [sflag:$0x1] =	stream.indirect.gather [hbm4b:s4+s23], $0x40, s23, s23, $0xb8;
	[tilespmem:$0x12180] =	vst v63  }
0x48: {  	_ = 	snop  }
0x49: {  	[tilespmem:s28], [sflag:$0x2] =	stream.indirect.gather [hbm4b:s5+s23], $0x40, s0, s23, $0xb8;
	[tilespmem:$0x12180] =	vst v63  }
0x4a: {  	_ =	swait.ge [sflag:s29], $0x2000  }
0x4b: {  	[sflag:s29] =	ssyncset.done $0x0  }
0x4c: {  	[sflag:s29] =	ssyncadd.s32 $0xFFFFE000  }
0x4d: {  	_ =	swait.ge [sflag:s30], $0x2000  }
0x4e: {  	[sflag:s30] =	ssyncset.done $0x0  }
0x4f: {  	s18 =	simm.s32 $0x0;
	[sflag:s30] =	ssyncadd.s32 $0xFFFFE000  }
0x50: {  	v1 =	vld [tilespmem:s18+$0x21B0]  }
0x51: {  	v2 =	vld [tilespmem:s18+$0x41B0]  }
0x52: {  	v3 =	vld [tilespmem:s18+$0x2180]  }
0x53: {  	v4 =	vld [tilespmem:s18+$0x1B0]  }
0x54: {  	v5 =	vld [tilespmem:s18+$0x4180]  }
0x55: {  	v6 =	vld [tilespmem:s18+$0x2190]  }
0x56: {  	v7 =	vld [tilespmem:s18+$0x4190]  }
0x57: {  	v8 =	vld [tilespmem:s18+$0x21A0];
	v1 =	vadd.f32 v2, v1  }
0x58: {  	s15 =	simm.s32 $0x40;
	v9 =	vld [tilespmem:s18+$0x180]  }
0x59: {  	v12 =	vld [tilespmem:s15+$0x21B0];
	v10 =	vadd.f32 v4, v1  }
0x5a: {  	v2 =	vld [tilespmem:s18+$0x41A0]  }
0x5b: {  	v1 =	vld [tilespmem:s18+$0x190];
	v11 =	vsub.f32 $0.0e+00, v10  }
0x5c: {  	v13 =	vld [tilespmem:s15+$0x41B0]  }
0x5d: {  	v4 =	vld [tilespmem:s18+$0x1A0];
	v11 =	vmul.f32 $1.442695020e+00, v11  }
0x5e: {  	v14 =	vld [tilespmem:s15+$0x2180];
	v6 =	vadd.f32 v7, v6  }
0x5f: {  	v15 =	vld [tilespmem:s15+$0x1B0];
	v3 =	vadd.f32 v5, v3;
	(erf) = vpow2.f32 v11  }
0x60: {  	s16 =	simm.s32 $0x80;
	v17 =	vld [tilespmem:s15+$0x1A0];
	v2 =	vadd.f32 v2, v8;
	v16 =	vadd.f32 v1, v6  }
0x61: {  	v18 =	vld [tilespmem:s16+$0x41B0];
	v1 =	vadd.f32 v13, v12;
	v11 =	vadd.f32 v9, v3  }
0x62: {  	v5 =	vld [tilespmem:s15+$0x4180];
	v8 =	vadd.f32 v4, v2;
	v4 =	vsub.f32 $0.0e+00, v16  }
0x63: {  	v7 =	vld [tilespmem:s15+$0x2190];
	v9 =	vsub.f32 $0.0e+00, v11  }
0x64: {  	v6 =	vld [tilespmem:s15+$0x21A0];
	v21 =	vadd.f32 v15, v1;
	v4 =	vmul.f32 $1.442695020e+00, v4  }
0x65: {  	v2 =	vld [tilespmem:s15+$0x41A0];
	v12 =	vsub.f32 $0.0e+00, v8;
	v9 =	vmul.f32 $1.442695020e+00, v9  }
0x66: {  	v3 =	vld [tilespmem:s15+$0x4190];
	v15 =	vsub.f32 $0.0e+00, v21  }
0x67: {  	v1 =	vld [tilespmem:s15+$0x180];
	v12 =	vmul.f32 $1.442695020e+00, v12;
	(erf) = vpow2.f32 v9  }
0x68: {  	v13 =	vld [tilespmem:s15+$0x190];
	v15 =	vmul.f32 $1.442695020e+00, v15;
	(erf) = vpow2.f32 v4;
	v4 =	vpop (erf)  }
0x69: {  	v9 =	vld [tilespmem:s16+$0x21B0];
	(erf) = vpow2.f32 v12;
	v4 =	vadd.f32 $1.000000000e+00, v4  }
0x6a: {  	v5 =	vadd.f32 v5, v14;
	(erf) = vpow2.f32 v15  }
0x6b: {  	v20 =	vld [tilespmem:s16+$0x180];
	v3 =	vadd.f32 v3, v7;
	(erf) = vrcp.f32 v4;
	v4 =	vadd.f32 v2, v6  }
0x6c: {  	v14 =	vld [tilespmem:s16+$0x1B0];
	v2 =	vadd.f32 v1, v5  }
0x6d: {  	v24 =	vld [tilespmem:s16+$0x190];
	v3 =	vadd.f32 v13, v3;
	v1 =	vadd.f32 v17, v4  }
0x6e: {  	v7 =	vld [tilespmem:s16+$0x4180];
	v9 =	vadd.f32 v18, v9;
	v13 =	vsub.f32 $0.0e+00, v2  }
0x6f: {  	v12 =	vld [tilespmem:s16+$0x2180];
	v4 =	vsub.f32 $0.0e+00, v3;
	v18 =	vsub.f32 $0.0e+00, v1  }
0x70: {  	v5 =	vld [tilespmem:s16+$0x2190];
	v13 =	vmul.f32 $1.442695020e+00, v13  }
0x71: {  	v6 =	vld [tilespmem:s16+$0x4190];
	v19 =	vpop (erf);
	v23 =	vmul.f32 $1.442695020e+00, v4;
	v4 =	vadd.f32 v14, v9;
	v9 =	vmul.f32 $1.442695020e+00, v18  }
0x72: {  	v15 =	vld [tilespmem:s16+$0x21A0];
	v22 =	vpop (erf);
	(erf) = vpow2.f32 v13  }
0x73: {  	s17 =	simm.s32 $0xC0;
	v17 =	vld [tilespmem:s16+$0x41A0];
	v14 =	vadd.f32 $1.000000000e+00, v19;
	v25 =	vpop (erf);
	(erf) = vpow2.f32 v23  }
0x74: {  	v26 =	vld [tilespmem:s17+$0x41B0];
	v23 =	vsub.f32 $0.0e+00, v4;
	v18 =	vpop (erf);
	(erf) = vpow2.f32 v9  }
0x75: {  	v7 =	vadd.f32 v7, v12;
	v22 =	vadd.f32 $1.000000000e+00, v22;
	v13 =	vld [tilespmem:s16+$0x1A0];
	v9 =	vpop (erf);
	(erf) = vrcp.f32 v14  }
0x76: {  	v19 =	vld [tilespmem:s17+$0x21B0];
	v6 =	vadd.f32 v6, v5;
	v14 =	vmul.f32 $1.442695020e+00, v23;
	v9 =	vmul.f32 v9, v10  }
0x77: {  	v5 =	vadd.f32 v20, v7;
	v18 =	vadd.f32 $1.000000000e+00, v18;
	v23 =	vld [tilespmem:s17+$0x1B0];
	(erf) = vrcp.f32 v22  }
0x78: {  	v12 =	vadd.f32 $1.000000000e+00, v25;
	v10 =	vld [tilespmem:s17+$0x2180];
	(erf) = vpow2.f32 v14;
	[tilespmem:s18+$0x61B0] =	vst v9;
	v9 =	vadd.f32 v17, v15  }
0x79: {  	v6 =	vadd.f32 v24, v6;
	v14 =	vsub.f32 $0.0e+00, v5;
	(erf) = vrcp.f32 v18  }
0x7a: {  	v15 =	vld [tilespmem:s17+$0x4180];
	(erf) = vrcp.f32 v12;
	v7 =	vadd.f32 v13, v9  }
0x7b: {  	v17 =	vld [tilespmem:s17+$0x2190];
	v14 =	vmul.f32 $1.442695020e+00, v14;
	v9 =	vsub.f32 $0.0e+00, v6;
	v13 =	vadd.f32 v26, v19  }
0x7c: {  	v18 =	vld [tilespmem:s17+$0x4190];
	v12 =	vpop (erf);
	v19 =	vsub.f32 $0.0e+00, v7  }
0x7d: {  	v20 =	vld [tilespmem:s17+$0x21A0];
	v22 =	vpop (erf);
	v60 =	vmul.f32 $1.442695020e+00, v9;
	v9 =	vadd.f32 v23, v13  }
0x7e: {  	v59 =	vld [tilespmem:s17+$0x41A0];
	v27 =	vpop (erf);
	(erf) = vpow2.f32 v14;
	v22 =	vadd.f32 $1.000000000e+00, v22;
	v19 =	vmul.f32 $1.442695020e+00, v19  }
0x7f: {  	v61 =	vadd.f32 $1.000000000e+00, v12;
	v12 =	vld [tilespmem:s17+$0x180];
	v14 =	vpop (erf);
	(erf) = vpow2.f32 v60;
	v15 =	vadd.f32 v15, v10  }
0x80: {  	v13 =	vld [tilespmem:s17+$0x190];
	v28 =	vsub.f32 $0.0e+00, v9;
	v23 =	vmul.f32 v14, v11;
	v62 =	vpop (erf);
	(erf) = vpow2.f32 v19  }
0x81: {  	s19 =	simm.s32 $0x100;
	v10 =	vadd.f32 $1.000000000e+00, v27;
	v14 =	vld [tilespmem:s17+$0x1A0];
	v63 =	vpop (erf);
	v25 =	vmul.f32 v62, v16;
	(erf) = vrcp.f32 v61  }
0x82: {  	v17 =	vadd.f32 v18, v17;
	v11 =	vld [tilespmem:s19+$0x21B0];
	v19 =	vmul.f32 $1.442695020e+00, v28;
	[tilespmem:s18+$0x6180] =	vst v23;
	(erf) = vrcp.f32 v22;
	v22 =	vpop (erf)  }
0x83: {  	s20 =	simm.s32 $0x500;
	v18 =	vadd.f32 v59, v20;
	v20 =	vadd.f32 $1.000000000e+00, v63;
	v16 =	vld [tilespmem:s19+$0x41B0];
	[tilespmem:s18+$0x6190] =	vst v25;
	v21 =	vmul.f32 v22, v21;
	v22 =	vpop (erf)  }
.LBB2_5:
0x84: {  	p0 =	sne.s32 s20, $0x7F00;
	v23 =	vld [tilespmem:s19+$0x2180];
	v24 =	vadd.f32 v12, v15;
	(erf) = vpow2.f32 v19;
	v19 =	vmul.f32 v22, v8;
	v22 =	vmovc v6;
	v8 =	vmovc v1  }
0x85: {  	v1 =	vmovc v7;
	v15 =	vld [tilespmem:s19+$0x1B0];
	v6 =	vadd.f32 v13, v17;
	(erf) = vrcp.f32 v20;
	[tilespmem:s15+$0x61B0] =	vst v21;
	v21 =	vmovc v4;
	v4 =	vmov v9  }
0x86: {  	v13 =	vld [tilespmem:s19+$0x4180];
	v20 =	vsub.f32 $0.0e+00, v24;
	v7 =	vadd.f32 v14, v18;
	(erf) = vrcp.f32 v10;
	[tilespmem:s18+$0x61A0] =	vst v19;
	s18 =	smov.u32 s15;
	s15 =	smov.u32 s16;
	s16 =	smov.u32 s17  }
0x87: {  	s17 =	smov.u32 s19;
	v14 =	vld [tilespmem:s19+$0x2190];
	v10 =	vsub.f32 $0.0e+00, v6;
	v12 =	vpop (erf)  }
0x88: {  	v17 =	vld [tilespmem:s17+$0x4190];
	v11 =	vadd.f32 v16, v11;
	v28 =	vmul.f32 $1.442695020e+00, v20;
	v29 =	vsub.f32 $0.0e+00, v7;
	v9 =	vpop (erf)  }
0x89: {  	v19 =	vadd.f32 $1.000000000e+00, v12;
	v20 =	vld [tilespmem:s17+$0x21A0];
	v10 =	vmul.f32 $1.442695020e+00, v10;
	v25 =	vadd.f32 $1.000000000e+00, v9;
	v26 =	vpop (erf)  }
0x8a: {  	v27 =	vld [tilespmem:s17+$0x41A0];
	v9 =	vadd.f32 v15, v11;
	v11 =	vmul.f32 $1.442695020e+00, v29;
	(erf) = vpow2.f32 v28;
	v16 =	vpop (erf)  }
.Ltmp1:
0x8b: {  	v15 =	vadd.f32 v13, v23;
	v12 =	vld [tilespmem:s17+$0x180];
	(erf) = vpow2.f32 v10;
	v10 =	vadd.f32 $1.000000000e+00, v26;
	v18 =	vpop (erf);
	(pc) =	sbr.rel @p0 .LBB2_5-.Ltmp1, $4  }
0x8c: {  	v16 =	vmul.f32 v16, v2;
	v2 =	vmovc v5;
	v5 =	vmovc v24;
	v13 =	vld [tilespmem:s17+$0x190];
	v28 =	vsub.f32 $0.0e+00, v9;
	(erf) = vpow2.f32 v11  }
0x8d: {  	s19 =	sshra.s32 s20, $0x2;
	v26 =	vmul.f32 v18, v3;
	v17 =	vadd.f32 v17, v14;
	v14 =	vld [tilespmem:s17+$0x1A0];
	v24 =	vpop (erf);
	(erf) = vrcp.f32 v19  }
0x8e: {  	v3 =	vmov v22;
	v11 =	vld [tilespmem:s19+$0x21B0];
	v19 =	vmul.f32 $1.442695020e+00, v28;
	(erf) = vrcp.f32 v25;
	v23 =	vpop (erf);
	[tilespmem:s18+$0x6180] =	vst v16  }
0x8f: {  	s20 =	sadd.s32 $0x100, s20;
	v16 =	vld [tilespmem:s19+$0x41B0];
	v18 =	vadd.f32 v27, v20;
	v20 =	vadd.f32 $1.000000000e+00, v24;
	v21 =	vmul.f32 v23, v21;
	[tilespmem:s18+$0x6190] =	vst v26;
	v22 =	vpop (erf)  }
0x90: {  	v23 =	vld [tilespmem:s19+$0x2180];
	v8 =	vmul.f32 v22, v8  }
0x91: {  	v24 =	vld [tilespmem:s19+$0x1B0];
	[tilespmem:s15+$0x61B0] =	vst v21  }
0x92: {  	v21 =	vld [tilespmem:s19+$0x4180];
	[tilespmem:s18+$0x61A0] =	vst v8  }
0x93: {  	(erf) = vpow2.f32 v19;
	v29 =	vld [tilespmem:s19+$0x2190]  }
0x94: {  	v28 =	vadd.f32 v12, v15;
	v30 =	vld [tilespmem:s19+$0x4190]  }
0x95: {  	v13 =	vadd.f32 v13, v17;
	v32 =	vld [tilespmem:s19+$0x21A0]  }
0x96: {  	(erf) = vrcp.f32 v20;
	v31 =	vsub.f32 $0.0e+00, v28;
	v14 =	vadd.f32 v14, v18;
	v34 =	vld [tilespmem:s19+$0x41A0]  }
0x97: {  	v33 =	vsub.f32 $0.0e+00, v13;
	v35 =	vpop (erf);
	v25 =	vld [tilespmem:s19+$0x180];
	(erf) = vrcp.f32 v10;
	v11 =	vadd.f32 v16, v11  }
0x98: {  	v36 =	vmul.f32 $1.442695020e+00, v31;
	v37 =	vsub.f32 $0.0e+00, v14;
	v38 =	vpop (erf);
	v22 =	vadd.f32 $1.000000000e+00, v35  }
0x99: {  	v26 =	vld [tilespmem:s19+$0x190];
	v19 =	vmul.f32 $1.442695020e+00, v33;
	v39 =	vpop (erf);
	v10 =	vadd.f32 $1.000000000e+00, v38;
	v11 =	vadd.f32 v24, v11  }
0x9a: {  	v40 =	vld [tilespmem:s19+$0x1A0];
	v17 =	vmul.f32 $1.442695020e+00, v37;
	(erf) = vpow2.f32 v36;
	v41 =	vpop (erf);
	v21 =	vadd.f32 v21, v23  }
0x9b: {  	(erf) = vpow2.f32 v19;
	v42 =	vpop (erf);
	v43 =	vsub.f32 $0.0e+00, v11;
	v12 =	vadd.f32 v30, v29  }
0x9c: {  	(erf) = vpow2.f32 v17;
	v18 =	vadd.f32 v34, v32;
	v44 =	vpop (erf);
	v45 =	vadd.f32 v25, v21  }
0x9d: {  	(erf) = vrcp.f32 v22;
	v17 =	vmul.f32 $1.442695020e+00, v43;
	v15 =	vadd.f32 $1.000000000e+00, v44  }
0x9e: {  	v12 =	vadd.f32 v26, v12;
	(erf) = vrcp.f32 v10;
	v46 =	vsub.f32 $0.0e+00, v45  }
0x9f: {  	v47 =	vadd.f32 $1.000000000e+00, v39;
	v16 =	vadd.f32 v40, v18;
	(erf) = vpow2.f32 v17  }
0xa0: {  	v48 =	vsub.f32 $0.0e+00, v12;
	(erf) = vrcp.f32 v15;
	v10 =	vmul.f32 $1.442695020e+00, v46  }
0xa1: {  	v50 =	vpop (erf);
	v49 =	vsub.f32 $0.0e+00, v16;
	(erf) = vrcp.f32 v47  }
0xa2: {  	v51 =	vpop (erf);
	v17 =	vmul.f32 $1.442695020e+00, v48;
	(erf) = vpow2.f32 v10  }
0xa3: {  	v15 =	vmul.f32 $1.442695020e+00, v49;
	v52 =	vpop (erf)  }
0xa4: {  	(erf) = vpow2.f32 v17;
	v53 =	vpop (erf)  }
0xa5: {  	(erf) = vpow2.f32 v15;
	v54 =	vpop (erf)  }
0xa6: {  	v22 =	vpop (erf)  }
0xa7: {  	v10 =	vadd.f32 $1.000000000e+00, v52;
	v55 =	vpop (erf)  }
0xa8: {  	v17 =	vadd.f32 $1.000000000e+00, v53;
	v56 =	vpop (erf)  }
0xa9: {  	v2 =	vmul.f32 v41, v2;
	(erf) = vrcp.f32 v10;
	v57 =	vpop (erf);
	v58 =	vadd.f32 $1.000000000e+00, v56  }
0xaa: {  	v3 =	vmul.f32 v42, v3;
	(erf) = vrcp.f32 v17;
	v59 =	vpop (erf)  }
0xab: {  	[tilespmem:s15+$0x6180] =	vst v2;
	v2 =	vmul.f32 v50, v4;
	v60 =	vpop (erf);
	(erf) = vrcp.f32 v58  }
0xac: {  	[tilespmem:s15+$0x6190] =	vst v3;
	v1 =	vmul.f32 v51, v1;
	v15 =	vadd.f32 $1.000000000e+00, v54  }
0xad: {  	[tilespmem:s16+$0x61B0] =	vst v2;
	v2 =	vmul.f32 v22, v5;
	v61 =	vpop (erf);
	v17 =	vadd.f32 $1.000000000e+00, v60  }
0xae: {  	[tilespmem:s15+$0x61A0] =	vst v1;
	(erf) = vrcp.f32 v15;
	v10 =	vadd.f32 $1.000000000e+00, v61;
	v62 =	vpop (erf)  }
0xaf: {  	[tilespmem:s16+$0x6180] =	vst v2;
	v2 =	vmul.f32 v57, v9;
	v63 =	vadd.f32 $1.000000000e+00, v62;
	(erf) = vrcp.f32 v17  }
0xb0: {  	v1 =	vmul.f32 v55, v6;
	(erf) = vrcp.f32 v10  }
0xb1: {  	(erf) = vrcp.f32 v63  }
0xb2: {  	[tilespmem:s16+$0x6190] =	vst v1;
	v1 =	vmul.f32 v59, v7;
	v3 =	vpop (erf)  }
0xb3: {  	[tilespmem:s17+$0x61B0] =	vst v2;
	v2 =	vpop (erf);
	v3 =	vmul.f32 v3, v28  }
0xb4: {  	[tilespmem:s16+$0x61A0] =	vst v1;
	v1 =	vmul.f32 v2, v13;
	v2 =	vpop (erf)  }
0xb5: {  	v2 =	vmul.f32 v2, v11;
	_ =	sdelay $0x1  }
0xb6: {  	[tilespmem:s17+$0x6180] =	vst v3;
	v3 =	vpop (erf)  }
0xb7: {  	[tilespmem:s17+$0x6190] =	vst v1;
	v1 =	vmul.f32 v3, v14;
	v3 =	vpop (erf)  }
0xb8: {  	[tilespmem:s19+$0x61B0] =	vst v2;
	v3 =	vmul.f32 v3, v45;
	v2 =	vpop (erf)  }
0xb9: {  	[tilespmem:s17+$0x61A0] =	vst v1;
	v1 =	vmul.f32 v2, v12;
	v2 =	vpop (erf)  }
0xba: {  	s1 =	sadd.s32 $0x1, s1;
	[tilespmem:s19+$0x6180] =	vst v3;
	v2 =	vmul.f32 v2, v16  }
0xbb: {  	p0 =	sne.s32 s1, $0x4F;
	[tilespmem:s19+$0x6190] =	vst v1  }
.Ltmp2:
0xbc: {  	[tilespmem:s19+$0x61A0] =	vst v2;
	(pc) =	sbr.rel @p0 .LBB2_4-.Ltmp2, $4  }
0xbd: {  	[spmem:s2] =	stream.indirect.scatter.add.f32 [tilespmem:s21], [sflag:$0x3], $0x40, s24, s23, $0xb8;
	[tilespmem:$0x12180] =	vst v63  }
0xbe: {  	_ =	swait.ge [sflag:s22], $0x2000  }
0xbf: {  	[sflag:s22] =	ssyncset.done $0x0  }
0xc0: {  	[sflag:s22] =	ssyncadd.s32 $0xFFFFE000  }
0xc1: {  	[bflag:$0x0] =	sbarrier.arrive $0xFFFF  }
0xc2: {  	[tilespmem:s21], [sflag:$0x3] =	stream.linear.gather [spmem:s9], $0x2000, $0x38;
	[tilespmem:$0x12180] =	vst v63  }
0xc3: {  	_ =	swait.ge [sflag:s22], $0x2000  }
0xc4: {  	[sflag:s22] =	ssyncset.done $0x0  }
0xc5: {  	s0 =	rddreg [dreg:$0x3];
	[sflag:s22] =	ssyncadd.s32 $0xFFFFE000  }
0xc6: {  	[hbm4b:s0+s3] =	stream.linear.scatter [tilespmem:s21], [sflag:$0x3], $0x2000, $0x38;
	[tilespmem:$0x12180] =	vst v63  }
0xc7: {  	_ =	swait.ge [sflag:s22], $0x2000  }
0xc8: {  	[sflag:s22] =	ssyncset.done $0x0  }
0xc9: {  	[sflag:s22] =	ssyncadd.s32 $0xFFFFE000  }
0xca: {  	[tilespmem:s21], [sflag:$0x3] =	stream.linear.gather [spmem:s11], $0x2000, $0x38;
	[tilespmem:$0x12180] =	vst v63  }
0xcb: {  	_ =	swait.ge [sflag:s22], $0x2000  }
0xcc: {  	[sflag:s22] =	ssyncset.done $0x0  }
0xcd: {  	s16 =	rddreg [dreg:$0x4];
	[sflag:s22] =	ssyncadd.s32 $0xFFFFE000  }
0xce: {  	[hbm4b:s16+s3] =	stream.linear.scatter [tilespmem:s21], [sflag:$0x3], $0x2000, $0x38;
	[tilespmem:$0x12180] =	vst v63  }
0xcf: {  	_ =	swait.ge [sflag:s22], $0x2000  }
0xd0: {  	[sflag:s22] =	ssyncset.done $0x0  }
0xd1: {  	[sflag:s22] =	ssyncadd.s32 $0xFFFFE000  }
0xd2: {  	[tilespmem:s21], [sflag:$0x3] =	stream.linear.gather [spmem:s12], $0x2000, $0x38;
	[tilespmem:$0x12180] =	vst v63  }
0xd3: {  	_ =	swait.ge [sflag:s22], $0x2000  }
0xd4: {  	[sflag:s22] =	ssyncset.done $0x0  }
0xd5: {  	s17 =	rddreg [dreg:$0x5];
	[sflag:s22] =	ssyncadd.s32 $0xFFFFE000  }
0xd6: {  	[hbm4b:s17+s3] =	stream.linear.scatter [tilespmem:s21], [sflag:$0x3], $0x2000, $0x38;
	[tilespmem:$0x12180] =	vst v63  }
0xd7: {  	_ =	swait.ge [sflag:s22], $0x2000  }
0xd8: {  	[sflag:s22] =	ssyncset.done $0x0  }
0xd9: {  	[sflag:s22] =	ssyncadd.s32 $0xFFFFE000  }
0xda: {  	[tilespmem:s21], [sflag:$0x3] =	stream.linear.gather [spmem:s13], $0x2000, $0x38;
	[tilespmem:$0x12180] =	vst v63  }
0xdb: {  	_ =	swait.ge [sflag:s22], $0x2000  }
0xdc: {  	[sflag:s22] =	ssyncset.done $0x0  }
0xdd: {  	s18 =	rddreg [dreg:$0x6];
	[sflag:s22] =	ssyncadd.s32 $0xFFFFE000  }
0xde: {  	[hbm4b:s18+s3] =	stream.linear.scatter [tilespmem:s21], [sflag:$0x3], $0x2000, $0x38;
	[tilespmem:$0x12180] =	vst v63  }
0xdf: {  	_ =	swait.ge [sflag:s22], $0x2000  }
0xe0: {  	[sflag:s22] =	ssyncset.done $0x0  }
0xe1: {  	[sflag:s22] =	ssyncadd.s32 $0xFFFFE000  }
0xe2: {  	[tilespmem:s21], [sflag:$0x3] =	stream.linear.gather [spmem:s14], $0x2000, $0x38;
	[tilespmem:$0x12180] =	vst v63  }
0xe3: {  	_ =	swait.ge [sflag:s22], $0x2000  }
0xe4: {  	[sflag:s22] =	ssyncset.done $0x0  }
0xe5: {  	s19 =	rddreg [dreg:$0x7];
	[sflag:s22] =	ssyncadd.s32 $0xFFFFE000  }
0xe6: {  	[hbm4b:s19+s3] =	stream.linear.scatter [tilespmem:s21], [sflag:$0x3], $0x2000, $0x38;
	[tilespmem:$0x12180] =	vst v63  }
0xe7: {  	_ =	swait.ge [sflag:s22], $0x2000  }
0xe8: {  	s31 =	sadd.s32 $0x1, s31;
	s20 =	rddreg [dreg:$0x8]  }
0xe9: {  	p0 =	sne.s32 s31, s20  }
.Ltmp3:
0xea: {  	_ = 	snop;
	(pc) =	sbr.rel @p0 .LBB2_1-.Ltmp3, $3  }
0xeb: {  	_ =	sdelay $0x1  }
0xec: {  	[sflag:s22] =	ssyncset.done $0x0  }
0xed: {  	[sflag:s22] =	ssyncadd.s32 $0xFFFFE000  }
0xee: {  	_ =	sfence.sel $0x180000  }
0xef: {  	[bflag:$0x0] =	sbarrier.arrive $0xFFFF  }
0xf0: {  	_ =	strace $0x90000050  }
0xf1: {  	s0 =	stileid.u32;
	[bflag:$0x2] =	sbarrier.arrive $0xFFFF  }
0xf2: {  	p0 =	sne.s32 s0, $0x0;
	s0 =	rddreg [dreg:$0x2]  }
0xf3: {  	s0 =	sadd.s32 @!p0 $0x100000, s0  }
0xf4: {  	[sflag:s0] =	ssyncadd.tile.s32 @!p0 $0x1;
	_ =	shalt  }
.Lfunc_end2:
_tile_overlayer_lowered:
.L_overlay_start_2:
0xf5: {  	(tag) =	ssettag $0x2  }
0xf6: {  	s0 =	rddreg [dreg:$0x0];
	s2 =	stileid.u32  }
0xf7: {  	s1 =	rddreg [dreg:$0x1];
	p0 =	sne.s32 s2, $0x0  }
0xf8: {  	s3 =	rddreg [dreg:$0x2];
	[bflag:$0x3] =	sbarrier.arrive $0xFFFF;
	s2 =	simm.s32 @!p0 $0x1C03  }
0xf9: {  	[timem:s3], [sflag:s2] =	dma.local @!p0 [hbm:s0], s1  }
0xfa: {  	s0 =	simm.s32 @!p0 $0x3  }
0xfb: {  	_ =	swait.ge @!p0 [sflag:s0], s1  }
0xfc: {  	s1 =	ssub.s32 @!p0 $0x0, s1;
	[sflag:s0] =	ssyncset.done @!p0 $0x0  }
0xfd: {  	[sflag:s0] =	ssyncadd.s32 @!p0 s1  }
0xfe: {  	[bflag:$0x3] =	sbarrier.arrive $0xFFFF  }
0xff: {  	_ =	shalt  }

// kernel: kernel.29.cloned.1.call-start
scs
__scs_entry_jumppad:
0x0: {  	(pc) =	sbr.rel $0x88, $3  }
0x1: {  	(tag) =	ssettag $0x0;
	lr =	simm.s32 $0x1  }
0x2: {  	[smem:$0x3F8D] =	sst lr;
	_ =	strace $0xD0000000  }
0x3: {  	_ = 	snop  }
0x4: {  	_ = 	snop  }
0x5: {  	_ = 	snop  }
0x6: {  	_ = 	snop  }
0x7: {  	_ = 	snop  }
__scs_overlays_trampoline_lowered:
0x8: {  	[smem:$0x3F9C] =	sst s0  }
0x9: {  	[smem:$0x3F9D] =	sst s1  }
0xa: {  	[smem:$0x3F9E] =	sst s2  }
0xb: {  	[smem:$0x3F9F] =	sst s3  }
0xc: {  	[smem:$0x3FA0] =	sst s4  }
0xd: {  	[smem:$0x3FA1] =	sst s5  }
0xe: {  	[smem:$0x3FA2] =	sst s6  }
0xf: {  	[smem:$0x3FA3] =	sst s7  }
0x10: {  	[smem:$0x3FA4] =	sst s8  }
0x11: {  	[smem:$0x3FA5] =	sst s9;
	s0 =	simm.s32 @!p0 $0x0  }
0x12: {  	s1 =	sld [smem:$0x3F8B];
	s0 =	simm.s32 @p0 $0x1  }
0x13: {  	[smem:$0x3FA6] =	sst s0;
	s0 =	simm.s32 @!p1 $0x0  }
0x14: {  	s2 =	sld [smem:$0x3F8A];
	s0 =	simm.s32 @p1 $0x1  }
0x15: {  	[smem:$0x3FA7] =	sst s0;
	s0 =	simm.s32 @!p2 $0x0  }
0x16: {  	s3 =	sld [smem:$0x3FDB];
	s0 =	simm.s32 @p2 $0x1  }
0x17: {  	s4 =	simm.s32 $0x1BF5;
	[smem:$0x3FA9] =	sst s0  }
0x18: {  	s0 =	sld [smem:$0x3F8C];
	_ =	swait.ge [sflag:s4], $0x0  }
0x19: {  	s7 =	sld [smem:$0x3F8D]  }
0x1a: {  	s8 =	sadd.s32 $0xFFFFE003, lr  }
0x1b: {  	s9 =	sadd.s32 $0xFFFFFEF7, lr;
	s5 =	simm.s32 $0xFFFFFFFF;
	p2 =	slt.u32 s8, $0xFFFFF086  }
0x1c: {  	p1 =	slt.u32 s9, $0xF7A;
	s5 =	simm.s32 @!p2 $0x0  }
0x1d: {  	s5 =	simm.s32 @p1 $0x1;
	p0 =	seq.s32 s7, s2  }
0x1e: {  	s7 =	smul.u32 @!p0 $0xF7A, s2;
	p2 =	seq.s32 @!p0 s5, $0x0  }
0x1f: {  	s9 =	smul.u32 $0xF7A, s1;
	s8 =	simm.s32 @!p0 $0x1BF5;
	p2 =	por !p2, p0  }
0x20: {  	[sflag:s8] =	ssyncset.s32 @!p0 $0xFFFFF086;
	s6 =	sadd.s32 @!p0 s3, s7;
	s7 =	simm.s32 @!p0 $0x108  }
0x21: {  	s3 =	sadd.s32 s3, s9;
	s6 =	sadd.s32 @!p0 $0x88, s6;
	s7 =	simm.s32 @p2 $0x1082  }
0x22: {  	[simem:s7], [sflag:s8] =	dma.local @!p0 [hbm:s6], $0xF7A  }
0x23: {  	s9 =	sor.u32 $0xD0000000, s2;
	s6 =	simm.s32 $0x108;
	_ =	swait.ge @!p0 [sflag:s8], $0x0  }
0x24: {  	s3 =	sadd.s32 $0x88, s3;
	s6 =	simm.s32 @!p1 $0x1082;
	[sflag:s4] =	ssyncset.s32 $0xFFFFF086  }
0x25: {  	[simem:s6], [sflag:s4] =	dma.local [hbm:s3], $0xF7A  }
0x26: {  	[smem:$0x3F8D] =	sst s1;
	(tag) =	ssettag s2;
	_ =	strace s9  }
0x27: {  	s1 =	sld [smem:$0x3F9D]  }
0x28: {  	s2 =	sld [smem:$0x3F9E]  }
0x29: {  	s4 =	sld [smem:$0x3FA0]  }
0x2a: {  	p0 =	seq.s32 s5, $0x0;
	s5 =	sld [smem:$0x3FA1]  }
0x2b: {  	s6 =	sld [smem:$0x3FA2]  }
0x2c: {  	s7 =	sld [smem:$0x3FA3]  }
0x2d: {  	s3 =	simm.s32 $0x108;
	s8 =	sld [smem:$0x3FA4]  }
0x2e: {  	s3 =	simm.s32 @!p0 $0x1082;
	s9 =	sld [smem:$0x3FA5]  }
0x2f: {  	lr =	sadd.s32 s0, s3;
	s0 =	sld [smem:$0x3F9C]  }
0x30: {  	s3 =	sld [smem:$0x3F9F]  }
0x31: {  	[smem:$0x3FA8] =	sst s10  }
0x32: {  	s10 =	sld [smem:$0x3FA6];
	_ =	sdelay $0x3  }
0x33: {  	p0 =	seq.s32 s10, $0x1;
	s10 =	sld [smem:$0x3FA8];
	_ =	sdelay $0x3  }
0x34: {  	[smem:$0x3FA8] =	sst s10  }
0x35: {  	s10 =	sld [smem:$0x3FA7];
	_ =	sdelay $0x3  }
0x36: {  	p1 =	seq.s32 s10, $0x1;
	s10 =	sld [smem:$0x3FA8];
	_ =	sdelay $0x3  }
0x37: {  	[smem:$0x3FA8] =	sst s10  }
0x38: {  	s10 =	sld [smem:$0x3FA9]  }
0x39: {  	_ = 	snop;
	(pc) =	sbr.ind lr, $3  }
0x3a: {  	_ = 	snop  }
0x3b: {  	_ = 	snop  }
0x3c: {  	p2 =	seq.s32 s10, $0x1;
	s10 =	sld [smem:$0x3FA8]  }
0x3d: {  	_ =	shalt  }
0x3e: {  	_ =	shalt  }
0x3f: {  	_ =	shalt  }
0x40: {  	_ =	shalt  }
0x41: {  	_ =	shalt  }
0x42: {  	_ =	shalt  }
0x43: {  	_ =	shalt  }
0x44: {  	_ =	shalt  }
0x45: {  	_ =	shalt  }
0x46: {  	_ =	shalt  }
0x47: {  	_ =	shalt  }
0x48: {  	_ =	shalt  }
0x49: {  	_ =	shalt  }
0x4a: {  	_ =	shalt  }
0x4b: {  	_ =	shalt  }
0x4c: {  	_ =	shalt  }
0x4d: {  	_ =	shalt  }
0x4e: {  	_ =	shalt  }
0x4f: {  	_ =	shalt  }
0x50: {  	_ =	shalt  }
0x51: {  	_ =	shalt  }
0x52: {  	_ =	shalt  }
0x53: {  	_ =	shalt  }
0x54: {  	_ =	shalt  }
0x55: {  	_ =	shalt  }
0x56: {  	_ =	shalt  }
0x57: {  	_ =	shalt  }
0x58: {  	_ =	shalt  }
0x59: {  	_ =	shalt  }
0x5a: {  	_ =	shalt  }
0x5b: {  	_ =	shalt  }
0x5c: {  	_ =	shalt  }
0x5d: {  	_ =	shalt  }
0x5e: {  	_ =	shalt  }
0x5f: {  	_ =	shalt  }
0x60: {  	_ =	shalt  }
0x61: {  	_ =	shalt  }
0x62: {  	_ =	shalt  }
0x63: {  	_ =	shalt  }
0x64: {  	_ =	shalt  }
0x65: {  	_ =	shalt  }
0x66: {  	_ =	shalt  }
0x67: {  	_ =	shalt  }
0x68: {  	_ =	shalt  }
0x69: {  	_ =	shalt  }
0x6a: {  	_ =	shalt  }
0x6b: {  	_ =	shalt  }
0x6c: {  	_ =	shalt  }
0x6d: {  	_ =	shalt  }
0x6e: {  	_ =	shalt  }
0x6f: {  	_ =	shalt  }
0x70: {  	_ =	shalt  }
0x71: {  	_ =	shalt  }
0x72: {  	_ =	shalt  }
0x73: {  	_ =	shalt  }
0x74: {  	_ =	shalt  }
0x75: {  	_ =	shalt  }
0x76: {  	_ =	shalt  }
0x77: {  	_ =	shalt  }
0x78: {  	_ =	shalt  }
0x79: {  	_ =	shalt  }
0x7a: {  	_ =	shalt  }
0x7b: {  	_ =	shalt  }
0x7c: {  	_ =	shalt  }
0x7d: {  	_ =	shalt  }
0x7e: {  	_ =	shalt  }
0x7f: {  	_ =	shalt  }
0x80: {  	_ =	shalt  }
0x81: {  	_ =	shalt  }
0x82: {  	_ =	shalt  }
0x83: {  	_ =	shalt  }
0x84: {  	_ =	shalt  }
0x85: {  	_ =	shalt  }
0x86: {  	_ =	shalt  }
0x87: {  	_ =	shalt  }
.Lfunc_end0:
.L_simem_size_0:
called_computation.4_lowered:
.L_overlay_start_0:
0x88: {  	s2 =	sld [smem:$0x3FD9]  }
0x89: {  	s3 =	sld [smem:$0x3FFE];
	_ =	sdelay $0x1  }
0x8a: {  	s1 =	srdreg.scid  }
0x8b: {  	s0 =	sand.u32 $0x1, s1  }
0x8c: {  	s16 =	sshll.u32 s0, $0xA;
	s2 =	sadd.s32 s3, s2  }
0x8d: {  	s2 =	sadd.s32 s2, s16  }
0x8e: {  	[smem:$0x3FB4] =	sst s2  }
0x8f: {  	_ = 	snop  }
0x90: {  	(tm) =	ssettm $0x1  }
0x91: {  	s17 =	sld [smem:$0x3FFB];
	_ =	sdelay $0x3  }
0x92: {  	_ =	strace s17  }
0x93: {  	s2 =	sld [smem:$0x3FFC];
	_ =	sdelay $0x3  }
0x94: {  	_ =	strace s2  }
0x95: {  	s2 =	sld [smem:$0x3FFD];
	_ =	sdelay $0x3  }
0x96: {  	_ =	strace s2  }
0x97: {  	_ =	strace $0x8FFFFFFF  }
0x98: {  	s18 =	sld [smem:$0x3FDB];
	_ =	sdelay $0x1  }
0x99: {  	s19 =	simm.s32 $_scs_section_size  }
0x9a: {  	s4 =	simm.s32 $_size__tile_overlayer_lowered;
	s5 =	simm.s32 $_tile_overlayer_lowered  }
0x9b: {  	s22 =	simm.s32 $0x1BFF;
	s21 =	sshll.u32 s5, $0x1;
	s2 =	sadd.s32 s19, s18  }
0x9c: {  	s6 =	simm.s32 $0x0;
	s20 =	sshll.u32 s4, $0x1;
	s4 =	sadd.s32 s21, s2  }
0x9d: {  	[timem:s6], [sflag:s22] =	dma.local [hbm:s4], s20  }
0x9e: {  	_ =	swait.ge [sflag:s22], s20  }
0x9f: {  	s3 =	ssub.s32 $0x0, s20;
	[sflag:s22] =	ssyncset.done $0x0  }
0xa0: {  	[sflag:s22] =	ssyncadd.s32 s3;
	_ =	sdelay $0x1  }
0xa1: {  	s23 =	simm.s32 $0x1B8B  }
0xa2: {  	_ =	swait.ge [sflag:s23], $0x1  }
0xa3: {  	[sflag:s23] =	ssyncset.done $0x0  }
0xa4: {  	s25 =	simm.s32 $0x1B8E;
	s24 =	sld [smem:$0x3FFE];
	[sflag:s23] =	ssyncadd.s32 $0xFFFFFFFF  }
0xa5: {  	s26 =	simm.s32 $execute0_lowered;
	[smem:$0x3FD2] =	sst s25  }
0xa6: {  	s4 =	sshll.u32 s26, $0x1;
	_ =	strace $0x80000052;
	[dreg:$0x1] =	wrdreg $0xFFFFFFFF  }
0xa7: {  	s28 =	simm.s32 $_size_execute0_lowered;
	s2 =	sadd.s32 s2, s4;
	[dreg:$0x0] =	wrdreg $0x0  }
0xa8: {  	s4 =	sshll.u32 s28, $0x1;
	[dreg:$0x2] =	wrdreg s2  }
0xa9: {  	[dreg:$0x3] =	wrdreg s4  }
0xaa: {  	[dreg:$0x4] =	wrdreg $0xC0  }
0xab: {  	_ =	task [dreg:s6], $0x5FFFF  }
0xac: {  	[dreg:$0x1] =	wrdreg $0xFFFFFFFF  }
0xad: {  	[dreg:$0x0] =	wrdreg $0x60  }
0xae: {  	[dreg:$0x2] =	wrdreg s24  }
0xaf: {  	[dreg:$0x3] =	wrdreg $0x81800  }
0xb0: {  	[dreg:$0x4] =	wrdreg $0x9  }
0xb1: {  	_ =	task.clear_ibuf [dreg:s6], $0x5FFFF;
	_ =	strace $0x90000052  }
0xb2: {  	s29 =	simm.s32 $0x9;
	_ =	strace $0x80000054  }
0xb3: {  	_ =	swait.ge [sflag:s29], $0x1  }
0xb4: {  	[sflag:s29] =	ssyncadd.s32 $0xFFFFFFFF  }
0xb5: {  	_ =	strace $0x90000054  }
0xb6: {  	_ =	sfence  }
0xb7: {  	s30 =	sld [smem:$0x0];
	_ =	sdelay $0x2  }
0xb8: {  	s31 =	sshll.u32 s1, $0xD;
	s1 =	sshrl.u32 s1, $0x2  }
0xb9: {  	s3 =	sand.u32 $0x4000, s31;
	s1 =	sadd.s32 s1, s30  }
0xba: {  	s0 =	sor.u32 s3, s0;
	s1 =	sshll.u32 s1, $0x11  }
0xbb: {  	s0 =	sor.u32 s1, s0  }
0xbc: {  	s0 =	sadd.s32 $0x8F2B, s0  }
0xbd: {  	[sflag:s0] =	ssyncadd.remote.s32 $0x1  }
0xbe: {  	_ =	sfence.sel $0xFFFF  }
0xbf: {  	[dreg:$0x0] =	wrdreg $0xFFFFFFFF;
	(pc) =	sbr.abs _section_cstart, $3  }
0xc0: {  	[dreg:$0x1] =	wrdreg $0xFFFFFFFF  }
0xc1: {  	_ =	task.clear_ibuf [dreg:s6], $0x2FFFF;
	_ =	strace $0x9FFFFFFF  }
0xc2: {  	(tm) =	ssettm $0x7FFFFFFF  }
0xc3: {  	_ =	shalt  }
tec
execute0_lowered:
.L_overlay_start_1:
0x0: {  	(tag) =	ssettag $0x1  }
0x1: {  	s0 =	rddreg [dreg:$0x0]  }
0x2: {  	s2 =	rddreg [dreg:$0x1]  }
0x3: {  	s1 =	srdreg.scid;
	s12 =	stileid.u32;
	s3 =	simm.s32 $0x0  }
0x4: {  	s28 =	simm.s32 $0x4180;
	s29 =	simm.s32 $0x1;
	s30 =	simm.s32 $0x2  }
0x5: {  	s31 =	simm.s32 $0x0;
	s1 =	sand.u32 $0x1, s1;
	s7 =	smul.u32 $0x280, s12  }
0x6: {  	[smem:$0x7FF] =	sst s3;
	s4 =	sadd.s32 $0x306A00, s0;
	s10 =	smul.u32 $0x28000, s12  }
0x7: {  	s5 =	sadd.s32 $0x2F2A00, s0;
	s6 =	sadd.s32 $0x7AA00, s0;
	s8 =	smul.u32 $0x2800, s1  }
0x8: {  	_ =	strace $0x80000053;
	s21 =	ssub.s32 $0x2, s1;
	s1 =	sshll.u32 s1, $0x4  }
0x9: {  	s11 =	sshrl.u32 s21, $0x1;
	s10 =	sshrl.u32 s10, $0x2;
	s1 =	sor.u32 s12, s1  }
0xa: {  	s8 =	sadd.s32 s7, s8;
	s7 =	sadd.s32 $0x8400, s0;
	s15 =	ssub.s32 s21, s11  }
0xb: {  	s21 =	simm.s32 $0x6180;
	s9 =	sshll.u32 s8, $0x3;
	s8 =	sadd.s32 $0x12200, s0  }
0xc: {  	s26 =	smax.u32 s15, $0x1;
	s0 =	sadd.s32 s9, s0;
	s9 =	sadd.s32 s10, s2  }
0xd: {  	s10 =	smul.u32 $0x2780, s1;
	[dreg:$0x8] =	wrdreg s26;
	s22 =	sadd.s32 $0x28400, s0  }
0xe: {  	s26 =	simm.s32 $0x2180;
	s23 =	sadd.s32 $0x28800, s0;
	[dreg:$0x3] =	wrdreg s22  }
0xf: {  	s11 =	sadd.s32 $0x2000, s9;
	s24 =	sadd.s32 $0x28C00, s0;
	[dreg:$0x4] =	wrdreg s23  }
0x10: {  	s12 =	sadd.s32 $0x4000, s9;
	s25 =	sadd.s32 $0x29000, s0;
	[dreg:$0x5] =	wrdreg s24  }
0x11: {  	s13 =	sadd.s32 $0x6000, s9;
	s0 =	sadd.s32 $0x29400, s0;
	[dreg:$0x6] =	wrdreg s25  }
0x12: {  	s14 =	sadd.s32 $0x8000, s9;
	[dreg:$0x7] =	wrdreg s0;
	s22 =	simm.s32 $0x3  }
0x13: {  	v0 =	vimm.f32 $0.0e+00;
	s23 =	simm.s32 $0x80;
	s24 =	simm.s32 $0x100;
	s25 =	simm.s32 $0x180  }
.LBB2_1:
0x14: {  	s1 =	simm.s32 $0x100;
	s0 =	simm.s32 $0x0  }
.LBB2_2:
0x15: {  	p0 =	sne.s32 s1, $0x7F00;
	[tilespmem:s0+$0x61B0] =	vst v0;
	s15 =	smov.u32 s1;
	s1 =	sadd.s32 $0x100, s1  }
.Ltmp0:
0x16: {  	[tilespmem:s0+$0x61A0] =	vst v0;
	(pc) =	sbr.rel @p0 .LBB2_2-.Ltmp0, $3  }
0x17: {  	[tilespmem:s0+$0x6180] =	vst v0  }
0x18: {  	[tilespmem:s0+$0x6190] =	vst v0;
	_ =	sdelay $0x1  }
0x19: {  	s0 =	sshra.s32 s15, $0x2  }
0x1a: {  	[tilespmem:s0+$0x61B0] =	vst v0  }
0x1b: {  	[tilespmem:s0+$0x61A0] =	vst v0  }
0x1c: {  	[tilespmem:s0+$0x6180] =	vst v0  }
0x1d: {  	[tilespmem:s0+$0x6190] =	vst v0  }
0x1e: {  	[spmem:s9] =	stream.linear.scatter [tilespmem:s21], [sflag:$0x3], $0x2000, $0x38;
	[tilespmem:$0x12180] =	vst v63  }
0x1f: {  	_ =	swait.ge [sflag:s22], $0x2000  }
0x20: {  	[sflag:s22] =	ssyncset.done $0x0  }
0x21: {  	[sflag:s22] =	ssyncadd.s32 $0xFFFFE000  }
0x22: {  	[spmem:s11] =	stream.linear.scatter [tilespmem:s21], [sflag:$0x3], $0x2000, $0x38;
	[tilespmem:$0x12180] =	vst v63  }
0x23: {  	_ =	swait.ge [sflag:s22], $0x2000  }
0x24: {  	[sflag:s22] =	ssyncset.done $0x0  }
0x25: {  	[sflag:s22] =	ssyncadd.s32 $0xFFFFE000  }
0x26: {  	[spmem:s12] =	stream.linear.scatter [tilespmem:s21], [sflag:$0x3], $0x2000, $0x38;
	[tilespmem:$0x12180] =	vst v63  }
0x27: {  	_ =	swait.ge [sflag:s22], $0x2000  }
0x28: {  	[sflag:s22] =	ssyncset.done $0x0  }
0x29: {  	[sflag:s22] =	ssyncadd.s32 $0xFFFFE000  }
0x2a: {  	[spmem:s13] =	stream.linear.scatter [tilespmem:s21], [sflag:$0x3], $0x2000, $0x38;
	[tilespmem:$0x12180] =	vst v63  }
0x2b: {  	_ =	swait.ge [sflag:s22], $0x2000  }
0x2c: {  	[sflag:s22] =	ssyncset.done $0x0  }
0x2d: {  	[sflag:s22] =	ssyncadd.s32 $0xFFFFE000  }
0x2e: {  	[spmem:s14] =	stream.linear.scatter [tilespmem:s21], [sflag:$0x3], $0x2000, $0x38;
	[tilespmem:$0x12180] =	vst v63  }
0x2f: {  	_ =	swait.ge [sflag:s22], $0x2000  }
0x30: {  	[sflag:s22] =	ssyncset.done $0x0  }
0x31: {  	[sflag:s22] =	ssyncadd.s32 $0xFFFFE000  }
0x32: {  	s0 =	simm.s32 $0x0;
	s1 =	simm.s32 $0x0;
	[bflag:$0x0] =	sbarrier.arrive $0xFFFF  }
.LBB2_4:
0x33: {  	s15 =	sshll.u32 s1, $0x7  }
0x34: {  	s15 =	sadd.s32 s10, s15  }
0x35: {  	s16 =	sshrl.u32 s15, $0x3  }
0x36: {  	s17 =	sadd.s32 s7, s16  }
0x37: {  	[tilespmem:s0], [sflag:$0x3] =	stream.linear.gather [hbm4b:s17+s0], $0x80, $0x38;
	[tilespmem:$0x12180] =	vst v63  }
0x38: {  	_ =	swait.ge [sflag:s22], $0x80  }
0x39: {  	[sflag:s22] =	ssyncset.done $0x0  }
0x3a: {  	s16 =	sadd.s32 s8, s16;
	[sflag:s22] =	ssyncadd.s32 $0xFFFFFF80  }
0x3b: {  	[tilespmem:s23], [sflag:$0x3] =	stream.linear.gather [hbm4b:s16+s0], $0x80, $0x38;
	[tilespmem:$0x12180] =	vst v63  }
0x3c: {  	_ =	swait.ge [sflag:s22], $0x80  }
0x3d: {  	[sflag:s22] =	ssyncset.done $0x0  }
0x3e: {  	[sflag:s22] =	ssyncadd.s32 $0xFFFFFF80  }
0x3f: {  	[tilespmem:s24], [sflag:$0x3] =	stream.linear.gather [hbm4b:s16+s0], $0x80, $0x38;
	[tilespmem:$0x12180] =	vst v63  }
0x40: {  	_ =	swait.ge [sflag:s22], $0x80  }
0x41: {  	s15 =	sshll.u32 s15, $0x3;
	[sflag:s22] =	ssyncset.done $0x0  }
0x42: {  	s15 =	sadd.s32 s6, s15;
	[sflag:s22] =	ssyncadd.s32 $0xFFFFFF80  }
0x43: {  	[tilespmem:s25], [sflag:$0x3] =	stream.linear.gather [hbm4b:s15+s0], $0x2000, $0x38;
	[tilespmem:$0x12180] =	vst v63  }
0x44: {  	_ =	swait.ge [sflag:s22], $0x2000  }
0x45: {  	[sflag:s22] =	ssyncset.done $0x0  }
0x46: {  	[sflag:s22] =	ssyncadd.s32 $0xFFFFE000  }
0x47: {  	[tilespmem:s26], [sflag:$0x1] =	stream.indirect.gather [hbm4b:s4+s23], $0x40, s23, s23, $0xb8;
	[tilespmem:$0x12180] =	vst v63  }
0x48: {  	_ = 	snop  }
0x49: {  	[tilespmem:s28], [sflag:$0x2] =	stream.indirect.gather [hbm4b:s5+s23], $0x40, s0, s23, $0xb8;
	[tilespmem:$0x12180] =	vst v63  }
0x4a: {  	_ =	swait.ge [sflag:s29], $0x2000  }
0x4b: {  	[sflag:s29] =	ssyncset.done $0x0  }
0x4c: {  	[sflag:s29] =	ssyncadd.s32 $0xFFFFE000  }
0x4d: {  	_ =	swait.ge [sflag:s30], $0x2000  }
0x4e: {  	[sflag:s30] =	ssyncset.done $0x0  }
0x4f: {  	s18 =	simm.s32 $0x0;
	[sflag:s30] =	ssyncadd.s32 $0xFFFFE000  }
0x50: {  	v1 =	vld [tilespmem:s18+$0x21B0]  }
0x51: {  	v2 =	vld [tilespmem:s18+$0x41B0]  }
0x52: {  	v3 =	vld [tilespmem:s18+$0x2180]  }
0x53: {  	v4 =	vld [tilespmem:s18+$0x1B0]  }
0x54: {  	v5 =	vld [tilespmem:s18+$0x4180]  }
0x55: {  	v6 =	vld [tilespmem:s18+$0x2190]  }
0x56: {  	v7 =	vld [tilespmem:s18+$0x4190]  }
0x57: {  	v8 =	vld [tilespmem:s18+$0x21A0];
	v1 =	vadd.f32 v2, v1  }
0x58: {  	s15 =	simm.s32 $0x40;
	v9 =	vld [tilespmem:s18+$0x180]  }
0x59: {  	v12 =	vld [tilespmem:s15+$0x21B0];
	v10 =	vadd.f32 v4, v1  }
0x5a: {  	v2 =	vld [tilespmem:s18+$0x41A0]  }
0x5b: {  	v1 =	vld [tilespmem:s18+$0x190];
	v11 =	vsub.f32 $0.0e+00, v10  }
0x5c: {  	v13 =	vld [tilespmem:s15+$0x41B0]  }
0x5d: {  	v4 =	vld [tilespmem:s18+$0x1A0];
	v11 =	vmul.f32 $1.442695020e+00, v11  }
0x5e: {  	v14 =	vld [tilespmem:s15+$0x2180];
	v6 =	vadd.f32 v7, v6  }
0x5f: {  	v15 =	vld [tilespmem:s15+$0x1B0];
	v3 =	vadd.f32 v5, v3;
	(erf) = vpow2.f32 v11  }
0x60: {  	s16 =	simm.s32 $0x80;
	v17 =	vld [tilespmem:s15+$0x1A0];
	v2 =	vadd.f32 v2, v8;
	v16 =	vadd.f32 v1, v6  }
0x61: {  	v18 =	vld [tilespmem:s16+$0x41B0];
	v1 =	vadd.f32 v13, v12;
	v11 =	vadd.f32 v9, v3  }
0x62: {  	v5 =	vld [tilespmem:s15+$0x4180];
	v8 =	vadd.f32 v4, v2;
	v4 =	vsub.f32 $0.0e+00, v16  }
0x63: {  	v7 =	vld [tilespmem:s15+$0x2190];
	v9 =	vsub.f32 $0.0e+00, v11  }
0x64: {  	v6 =	vld [tilespmem:s15+$0x21A0];
	v21 =	vadd.f32 v15, v1;
	v4 =	vmul.f32 $1.442695020e+00, v4  }
0x65: {  	v2 =	vld [tilespmem:s15+$0x41A0];
	v12 =	vsub.f32 $0.0e+00, v8;
	v9 =	vmul.f32 $1.442695020e+00, v9  }
0x66: {  	v3 =	vld [tilespmem:s15+$0x4190];
	v15 =	vsub.f32 $0.0e+00, v21  }
0x67: {  	v1 =	vld [tilespmem:s15+$0x180];
	v12 =	vmul.f32 $1.442695020e+00, v12;
	(erf) = vpow2.f32 v9  }
0x68: {  	v13 =	vld [tilespmem:s15+$0x190];
	v15 =	vmul.f32 $1.442695020e+00, v15;
	(erf) = vpow2.f32 v4;
	v4 =	vpop (erf)  }
0x69: {  	v9 =	vld [tilespmem:s16+$0x21B0];
	(erf) = vpow2.f32 v12;
	v4 =	vadd.f32 $1.000000000e+00, v4  }
0x6a: {  	v5 =	vadd.f32 v5, v14;
	(erf) = vpow2.f32 v15  }
0x6b: {  	v20 =	vld [tilespmem:s16+$0x180];
	v3 =	vadd.f32 v3, v7;
	(erf) = vrcp.f32 v4;
	v4 =	vadd.f32 v2, v6  }
0x6c: {  	v14 =	vld [tilespmem:s16+$0x1B0];
	v2 =	vadd.f32 v1, v5  }
0x6d: {  	v24 =	vld [tilespmem:s16+$0x190];
	v3 =	vadd.f32 v13, v3;
	v1 =	vadd.f32 v17, v4  }
0x6e: {  	v7 =	vld [tilespmem:s16+$0x4180];
	v9 =	vadd.f32 v18, v9;
	v13 =	vsub.f32 $0.0e+00, v2  }
0x6f: {  	v12 =	vld [tilespmem:s16+$0x2180];
	v4 =	vsub.f32 $0.0e+00, v3;
	v18 =	vsub.f32 $0.0e+00, v1  }
0x70: {  	v5 =	vld [tilespmem:s16+$0x2190];
	v13 =	vmul.f32 $1.442695020e+00, v13  }
0x71: {  	v6 =	vld [tilespmem:s16+$0x4190];
	v19 =	vpop (erf);
	v23 =	vmul.f32 $1.442695020e+00, v4;
	v4 =	vadd.f32 v14, v9;
	v9 =	vmul.f32 $1.442695020e+00, v18  }
0x72: {  	v15 =	vld [tilespmem:s16+$0x21A0];
	v22 =	vpop (erf);
	(erf) = vpow2.f32 v13  }
0x73: {  	s17 =	simm.s32 $0xC0;
	v17 =	vld [tilespmem:s16+$0x41A0];
	v14 =	vadd.f32 $1.000000000e+00, v19;
	v25 =	vpop (erf);
	(erf) = vpow2.f32 v23  }
0x74: {  	v26 =	vld [tilespmem:s17+$0x41B0];
	v23 =	vsub.f32 $0.0e+00, v4;
	v18 =	vpop (erf);
	(erf) = vpow2.f32 v9  }
0x75: {  	v7 =	vadd.f32 v7, v12;
	v22 =	vadd.f32 $1.000000000e+00, v22;
	v13 =	vld [tilespmem:s16+$0x1A0];
	v9 =	vpop (erf);
	(erf) = vrcp.f32 v14  }
0x76: {  	v19 =	vld [tilespmem:s17+$0x21B0];
	v6 =	vadd.f32 v6, v5;
	v14 =	vmul.f32 $1.442695020e+00, v23;
	v9 =	vmul.f32 v9, v10  }
0x77: {  	v5 =	vadd.f32 v20, v7;
	v18 =	vadd.f32 $1.000000000e+00, v18;
	v23 =	vld [tilespmem:s17+$0x1B0];
	(erf) = vrcp.f32 v22  }
0x78: {  	v12 =	vadd.f32 $1.000000000e+00, v25;
	v10 =	vld [tilespmem:s17+$0x2180];
	(erf) = vpow2.f32 v14;
	[tilespmem:s18+$0x61B0] =	vst v9;
	v9 =	vadd.f32 v17, v15  }
0x79: {  	v6 =	vadd.f32 v24, v6;
	v14 =	vsub.f32 $0.0e+00, v5;
	(erf) = vrcp.f32 v18  }
0x7a: {  	v15 =	vld [tilespmem:s17+$0x4180];
	(erf) = vrcp.f32 v12;
	v7 =	vadd.f32 v13, v9  }
0x7b: {  	v17 =	vld [tilespmem:s17+$0x2190];
	v14 =	vmul.f32 $1.442695020e+00, v14;
	v9 =	vsub.f32 $0.0e+00, v6;
	v13 =	vadd.f32 v26, v19  }
0x7c: {  	v18 =	vld [tilespmem:s17+$0x4190];
	v12 =	vpop (erf);
	v19 =	vsub.f32 $0.0e+00, v7  }
0x7d: {  	v20 =	vld [tilespmem:s17+$0x21A0];
	v22 =	vpop (erf);
	v60 =	vmul.f32 $1.442695020e+00, v9;
	v9 =	vadd.f32 v23, v13  }
0x7e: {  	v59 =	vld [tilespmem:s17+$0x41A0];
	v27 =	vpop (erf);
	(erf) = vpow2.f32 v14;
	v22 =	vadd.f32 $1.000000000e+00, v22;
	v19 =	vmul.f32 $1.442695020e+00, v19  }
0x7f: {  	v61 =	vadd.f32 $1.000000000e+00, v12;
	v12 =	vld [tilespmem:s17+$0x180];
	v14 =	vpop (erf);
	(erf) = vpow2.f32 v60;
	v15 =	vadd.f32 v15, v10  }
0x80: {  	v13 =	vld [tilespmem:s17+$0x190];
	v28 =	vsub.f32 $0.0e+00, v9;
	v23 =	vmul.f32 v14, v11;
	v62 =	vpop (erf);
	(erf) = vpow2.f32 v19  }
0x81: {  	s19 =	simm.s32 $0x100;
	v10 =	vadd.f32 $1.000000000e+00, v27;
	v14 =	vld [tilespmem:s17+$0x1A0];
	v63 =	vpop (erf);
	v25 =	vmul.f32 v62, v16;
	(erf) = vrcp.f32 v61  }
0x82: {  	v17 =	vadd.f32 v18, v17;
	v11 =	vld [tilespmem:s19+$0x21B0];
	v19 =	vmul.f32 $1.442695020e+00, v28;
	[tilespmem:s18+$0x6180] =	vst v23;
	(erf) = vrcp.f32 v22;
	v22 =	vpop (erf)  }
0x83: {  	s20 =	simm.s32 $0x500;
	v18 =	vadd.f32 v59, v20;
	v20 =	vadd.f32 $1.000000000e+00, v63;
	v16 =	vld [tilespmem:s19+$0x41B0];
	[tilespmem:s18+$0x6190] =	vst v25;
	v21 =	vmul.f32 v22, v21;
	v22 =	vpop (erf)  }
.LBB2_5:
0x84: {  	p0 =	sne.s32 s20, $0x7F00;
	v23 =	vld [tilespmem:s19+$0x2180];
	v24 =	vadd.f32 v12, v15;
	(erf) = vpow2.f32 v19;
	v19 =	vmul.f32 v22, v8;
	v22 =	vmovc v6;
	v8 =	vmovc v1  }
0x85: {  	v1 =	vmovc v7;
	v15 =	vld [tilespmem:s19+$0x1B0];
	v6 =	vadd.f32 v13, v17;
	(erf) = vrcp.f32 v20;
	[tilespmem:s15+$0x61B0] =	vst v21;
	v21 =	vmovc v4;
	v4 =	vmov v9  }
0x86: {  	v13 =	vld [tilespmem:s19+$0x4180];
	v20 =	vsub.f32 $0.0e+00, v24;
	v7 =	vadd.f32 v14, v18;
	(erf) = vrcp.f32 v10;
	[tilespmem:s18+$0x61A0] =	vst v19;
	s18 =	smov.u32 s15;
	s15 =	smov.u32 s16;
	s16 =	smov.u32 s17  }
0x87: {  	s17 =	smov.u32 s19;
	v14 =	vld [tilespmem:s19+$0x2190];
	v10 =	vsub.f32 $0.0e+00, v6;
	v12 =	vpop (erf)  }
0x88: {  	v17 =	vld [tilespmem:s17+$0x4190];
	v11 =	vadd.f32 v16, v11;
	v28 =	vmul.f32 $1.442695020e+00, v20;
	v29 =	vsub.f32 $0.0e+00, v7;
	v9 =	vpop (erf)  }
0x89: {  	v19 =	vadd.f32 $1.000000000e+00, v12;
	v20 =	vld [tilespmem:s17+$0x21A0];
	v10 =	vmul.f32 $1.442695020e+00, v10;
	v25 =	vadd.f32 $1.000000000e+00, v9;
	v26 =	vpop (erf)  }
0x8a: {  	v27 =	vld [tilespmem:s17+$0x41A0];
	v9 =	vadd.f32 v15, v11;
	v11 =	vmul.f32 $1.442695020e+00, v29;
	(erf) = vpow2.f32 v28;
	v16 =	vpop (erf)  }
.Ltmp1:
0x8b: {  	v15 =	vadd.f32 v13, v23;
	v12 =	vld [tilespmem:s17+$0x180];
	(erf) = vpow2.f32 v10;
	v10 =	vadd.f32 $1.000000000e+00, v26;
	v18 =	vpop (erf);
	(pc) =	sbr.rel @p0 .LBB2_5-.Ltmp1, $4  }
0x8c: {  	v16 =	vmul.f32 v16, v2;
	v2 =	vmovc v5;
	v5 =	vmovc v24;
	v13 =	vld [tilespmem:s17+$0x190];
	v28 =	vsub.f32 $0.0e+00, v9;
	(erf) = vpow2.f32 v11  }
0x8d: {  	s19 =	sshra.s32 s20, $0x2;
	v26 =	vmul.f32 v18, v3;
	v17 =	vadd.f32 v17, v14;
	v14 =	vld [tilespmem:s17+$0x1A0];
	v24 =	vpop (erf);
	(erf) = vrcp.f32 v19  }
0x8e: {  	v3 =	vmov v22;
	v11 =	vld [tilespmem:s19+$0x21B0];
	v19 =	vmul.f32 $1.442695020e+00, v28;
	(erf) = vrcp.f32 v25;
	v23 =	vpop (erf);
	[tilespmem:s18+$0x6180] =	vst v16  }
0x8f: {  	s20 =	sadd.s32 $0x100, s20;
	v16 =	vld [tilespmem:s19+$0x41B0];
	v18 =	vadd.f32 v27, v20;
	v20 =	vadd.f32 $1.000000000e+00, v24;
	v21 =	vmul.f32 v23, v21;
	[tilespmem:s18+$0x6190] =	vst v26;
	v22 =	vpop (erf)  }
0x90: {  	v23 =	vld [tilespmem:s19+$0x2180];
	v8 =	vmul.f32 v22, v8  }
0x91: {  	v24 =	vld [tilespmem:s19+$0x1B0];
	[tilespmem:s15+$0x61B0] =	vst v21  }
0x92: {  	v21 =	vld [tilespmem:s19+$0x4180];
	[tilespmem:s18+$0x61A0] =	vst v8  }
0x93: {  	(erf) = vpow2.f32 v19;
	v29 =	vld [tilespmem:s19+$0x2190]  }
0x94: {  	v28 =	vadd.f32 v12, v15;
	v30 =	vld [tilespmem:s19+$0x4190]  }
0x95: {  	v13 =	vadd.f32 v13, v17;
	v32 =	vld [tilespmem:s19+$0x21A0]  }
0x96: {  	(erf) = vrcp.f32 v20;
	v31 =	vsub.f32 $0.0e+00, v28;
	v14 =	vadd.f32 v14, v18;
	v34 =	vld [tilespmem:s19+$0x41A0]  }
0x97: {  	v33 =	vsub.f32 $0.0e+00, v13;
	v35 =	vpop (erf);
	v25 =	vld [tilespmem:s19+$0x180];
	(erf) = vrcp.f32 v10;
	v11 =	vadd.f32 v16, v11  }
0x98: {  	v36 =	vmul.f32 $1.442695020e+00, v31;
	v37 =	vsub.f32 $0.0e+00, v14;
	v38 =	vpop (erf);
	v22 =	vadd.f32 $1.000000000e+00, v35  }
0x99: {  	v26 =	vld [tilespmem:s19+$0x190];
	v19 =	vmul.f32 $1.442695020e+00, v33;
	v39 =	vpop (erf);
	v10 =	vadd.f32 $1.000000000e+00, v38;
	v11 =	vadd.f32 v24, v11  }
0x9a: {  	v40 =	vld [tilespmem:s19+$0x1A0];
	v17 =	vmul.f32 $1.442695020e+00, v37;
	(erf) = vpow2.f32 v36;
	v41 =	vpop (erf);
	v21 =	vadd.f32 v21, v23  }
0x9b: {  	(erf) = vpow2.f32 v19;
	v42 =	vpop (erf);
	v43 =	vsub.f32 $0.0e+00, v11;
	v12 =	vadd.f32 v30, v29  }
0x9c: {  	(erf) = vpow2.f32 v17;
	v18 =	vadd.f32 v34, v32;
	v44 =	vpop (erf);
	v45 =	vadd.f32 v25, v21  }
0x9d: {  	(erf) = vrcp.f32 v22;
	v17 =	vmul.f32 $1.442695020e+00, v43;
	v15 =	vadd.f32 $1.000000000e+00, v44  }
0x9e: {  	v12 =	vadd.f32 v26, v12;
	(erf) = vrcp.f32 v10;
	v46 =	vsub.f32 $0.0e+00, v45  }
0x9f: {  	v47 =	vadd.f32 $1.000000000e+00, v39;
	v16 =	vadd.f32 v40, v18;
	(erf) = vpow2.f32 v17  }
0xa0: {  	v48 =	vsub.f32 $0.0e+00, v12;
	(erf) = vrcp.f32 v15;
	v10 =	vmul.f32 $1.442695020e+00, v46  }
0xa1: {  	v50 =	vpop (erf);
	v49 =	vsub.f32 $0.0e+00, v16;
	(erf) = vrcp.f32 v47  }
0xa2: {  	v51 =	vpop (erf);
	v17 =	vmul.f32 $1.442695020e+00, v48;
	(erf) = vpow2.f32 v10  }
0xa3: {  	v15 =	vmul.f32 $1.442695020e+00, v49;
	v52 =	vpop (erf)  }
0xa4: {  	(erf) = vpow2.f32 v17;
	v53 =	vpop (erf)  }
0xa5: {  	(erf) = vpow2.f32 v15;
	v54 =	vpop (erf)  }
0xa6: {  	v22 =	vpop (erf)  }
0xa7: {  	v10 =	vadd.f32 $1.000000000e+00, v52;
	v55 =	vpop (erf)  }
0xa8: {  	v17 =	vadd.f32 $1.000000000e+00, v53;
	v56 =	vpop (erf)  }
0xa9: {  	v2 =	vmul.f32 v41, v2;
	(erf) = vrcp.f32 v10;
	v57 =	vpop (erf);
	v58 =	vadd.f32 $1.000000000e+00, v56  }
0xaa: {  	v3 =	vmul.f32 v42, v3;
	(erf) = vrcp.f32 v17;
	v59 =	vpop (erf)  }
0xab: {  	[tilespmem:s15+$0x6180] =	vst v2;
	v2 =	vmul.f32 v50, v4;
	v60 =	vpop (erf);
	(erf) = vrcp.f32 v58  }
0xac: {  	[tilespmem:s15+$0x6190] =	vst v3;
	v1 =	vmul.f32 v51, v1;
	v15 =	vadd.f32 $1.000000000e+00, v54  }
0xad: {  	[tilespmem:s16+$0x61B0] =	vst v2;
	v2 =	vmul.f32 v22, v5;
	v61 =	vpop (erf);
	v17 =	vadd.f32 $1.000000000e+00, v60  }
0xae: {  	[tilespmem:s15+$0x61A0] =	vst v1;
	(erf) = vrcp.f32 v15;
	v10 =	vadd.f32 $1.000000000e+00, v61;
	v62 =	vpop (erf)  }
0xaf: {  	[tilespmem:s16+$0x6180] =	vst v2;
	v2 =	vmul.f32 v57, v9;
	v63 =	vadd.f32 $1.000000000e+00, v62;
	(erf) = vrcp.f32 v17  }
0xb0: {  	v1 =	vmul.f32 v55, v6;
	(erf) = vrcp.f32 v10  }
0xb1: {  	(erf) = vrcp.f32 v63  }
0xb2: {  	[tilespmem:s16+$0x6190] =	vst v1;
	v1 =	vmul.f32 v59, v7;
	v3 =	vpop (erf)  }
0xb3: {  	[tilespmem:s17+$0x61B0] =	vst v2;
	v2 =	vpop (erf);
	v3 =	vmul.f32 v3, v28  }
0xb4: {  	[tilespmem:s16+$0x61A0] =	vst v1;
	v1 =	vmul.f32 v2, v13;
	v2 =	vpop (erf)  }
0xb5: {  	v2 =	vmul.f32 v2, v11;
	_ =	sdelay $0x1  }
0xb6: {  	[tilespmem:s17+$0x6180] =	vst v3;
	v3 =	vpop (erf)  }
0xb7: {  	[tilespmem:s17+$0x6190] =	vst v1;
	v1 =	vmul.f32 v3, v14;
	v3 =	vpop (erf)  }
0xb8: {  	[tilespmem:s19+$0x61B0] =	vst v2;
	v3 =	vmul.f32 v3, v45;
	v2 =	vpop (erf)  }
0xb9: {  	[tilespmem:s17+$0x61A0] =	vst v1;
	v1 =	vmul.f32 v2, v12;
	v2 =	vpop (erf)  }
0xba: {  	s1 =	sadd.s32 $0x1, s1;
	[tilespmem:s19+$0x6180] =	vst v3;
	v2 =	vmul.f32 v2, v16  }
0xbb: {  	p0 =	sne.s32 s1, $0x4F;
	[tilespmem:s19+$0x6190] =	vst v1  }
.Ltmp2:
0xbc: {  	[tilespmem:s19+$0x61A0] =	vst v2;
	(pc) =	sbr.rel @p0 .LBB2_4-.Ltmp2, $4  }
0xbd: {  	[spmem:s2] =	stream.indirect.scatter.add.f32 [tilespmem:s21], [sflag:$0x3], $0x40, s24, s23, $0xb8;
	[tilespmem:$0x12180] =	vst v63  }
0xbe: {  	_ =	swait.ge [sflag:s22], $0x2000  }
0xbf: {  	[sflag:s22] =	ssyncset.done $0x0  }
0xc0: {  	[sflag:s22] =	ssyncadd.s32 $0xFFFFE000  }
0xc1: {  	[bflag:$0x0] =	sbarrier.arrive $0xFFFF  }
0xc2: {  	[tilespmem:s21], [sflag:$0x3] =	stream.linear.gather [spmem:s9], $0x2000, $0x38;
	[tilespmem:$0x12180] =	vst v63  }
0xc3: {  	_ =	swait.ge [sflag:s22], $0x2000  }
0xc4: {  	[sflag:s22] =	ssyncset.done $0x0  }
0xc5: {  	s0 =	rddreg [dreg:$0x3];
	[sflag:s22] =	ssyncadd.s32 $0xFFFFE000  }
0xc6: {  	[hbm4b:s0+s3] =	stream.linear.scatter [tilespmem:s21], [sflag:$0x3], $0x2000, $0x38;
	[tilespmem:$0x12180] =	vst v63  }
0xc7: {  	_ =	swait.ge [sflag:s22], $0x2000  }
0xc8: {  	[sflag:s22] =	ssyncset.done $0x0  }
0xc9: {  	[sflag:s22] =	ssyncadd.s32 $0xFFFFE000  }
0xca: {  	[tilespmem:s21], [sflag:$0x3] =	stream.linear.gather [spmem:s11], $0x2000, $0x38;
	[tilespmem:$0x12180] =	vst v63  }
0xcb: {  	_ =	swait.ge [sflag:s22], $0x2000  }
0xcc: {  	[sflag:s22] =	ssyncset.done $0x0  }
0xcd: {  	s16 =	rddreg [dreg:$0x4];
	[sflag:s22] =	ssyncadd.s32 $0xFFFFE000  }
0xce: {  	[hbm4b:s16+s3] =	stream.linear.scatter [tilespmem:s21], [sflag:$0x3], $0x2000, $0x38;
	[tilespmem:$0x12180] =	vst v63  }
0xcf: {  	_ =	swait.ge [sflag:s22], $0x2000  }
0xd0: {  	[sflag:s22] =	ssyncset.done $0x0  }
0xd1: {  	[sflag:s22] =	ssyncadd.s32 $0xFFFFE000  }
0xd2: {  	[tilespmem:s21], [sflag:$0x3] =	stream.linear.gather [spmem:s12], $0x2000, $0x38;
	[tilespmem:$0x12180] =	vst v63  }
0xd3: {  	_ =	swait.ge [sflag:s22], $0x2000  }
0xd4: {  	[sflag:s22] =	ssyncset.done $0x0  }
0xd5: {  	s17 =	rddreg [dreg:$0x5];
	[sflag:s22] =	ssyncadd.s32 $0xFFFFE000  }
0xd6: {  	[hbm4b:s17+s3] =	stream.linear.scatter [tilespmem:s21], [sflag:$0x3], $0x2000, $0x38;
	[tilespmem:$0x12180] =	vst v63  }
0xd7: {  	_ =	swait.ge [sflag:s22], $0x2000  }
0xd8: {  	[sflag:s22] =	ssyncset.done $0x0  }
0xd9: {  	[sflag:s22] =	ssyncadd.s32 $0xFFFFE000  }
0xda: {  	[tilespmem:s21], [sflag:$0x3] =	stream.linear.gather [spmem:s13], $0x2000, $0x38;
	[tilespmem:$0x12180] =	vst v63  }
0xdb: {  	_ =	swait.ge [sflag:s22], $0x2000  }
0xdc: {  	[sflag:s22] =	ssyncset.done $0x0  }
0xdd: {  	s18 =	rddreg [dreg:$0x6];
	[sflag:s22] =	ssyncadd.s32 $0xFFFFE000  }
0xde: {  	[hbm4b:s18+s3] =	stream.linear.scatter [tilespmem:s21], [sflag:$0x3], $0x2000, $0x38;
	[tilespmem:$0x12180] =	vst v63  }
0xdf: {  	_ =	swait.ge [sflag:s22], $0x2000  }
0xe0: {  	[sflag:s22] =	ssyncset.done $0x0  }
0xe1: {  	[sflag:s22] =	ssyncadd.s32 $0xFFFFE000  }
0xe2: {  	[tilespmem:s21], [sflag:$0x3] =	stream.linear.gather [spmem:s14], $0x2000, $0x38;
	[tilespmem:$0x12180] =	vst v63  }
0xe3: {  	_ =	swait.ge [sflag:s22], $0x2000  }
0xe4: {  	[sflag:s22] =	ssyncset.done $0x0  }
0xe5: {  	s19 =	rddreg [dreg:$0x7];
	[sflag:s22] =	ssyncadd.s32 $0xFFFFE000  }
0xe6: {  	[hbm4b:s19+s3] =	stream.linear.scatter [tilespmem:s21], [sflag:$0x3], $0x2000, $0x38;
	[tilespmem:$0x12180] =	vst v63  }
0xe7: {  	_ =	swait.ge [sflag:s22], $0x2000  }
0xe8: {  	s31 =	sadd.s32 $0x1, s31;
	s20 =	rddreg [dreg:$0x8]  }
0xe9: {  	p0 =	sne.s32 s31, s20  }
.Ltmp3:
0xea: {  	_ = 	snop;
	(pc) =	sbr.rel @p0 .LBB2_1-.Ltmp3, $3  }
0xeb: {  	_ =	sdelay $0x1  }
0xec: {  	[sflag:s22] =	ssyncset.done $0x0  }
0xed: {  	[sflag:s22] =	ssyncadd.s32 $0xFFFFE000  }
0xee: {  	_ =	sfence.sel $0x180000  }
0xef: {  	[bflag:$0x0] =	sbarrier.arrive $0xFFFF  }
0xf0: {  	_ =	strace $0x90000053  }
0xf1: {  	s0 =	stileid.u32;
	[bflag:$0x2] =	sbarrier.arrive $0xFFFF  }
0xf2: {  	p0 =	sne.s32 s0, $0x0;
	s0 =	rddreg [dreg:$0x2]  }
0xf3: {  	s0 =	sadd.s32 @!p0 $0x100000, s0  }
0xf4: {  	[sflag:s0] =	ssyncadd.tile.s32 @!p0 $0x1;
	_ =	shalt  }
.Lfunc_end2:
_tile_overlayer_lowered:
.L_overlay_start_2:
0xf5: {  	(tag) =	ssettag $0x2  }
0xf6: {  	s0 =	rddreg [dreg:$0x0];
	s2 =	stileid.u32  }
0xf7: {  	s1 =	rddreg [dreg:$0x1];
	p0 =	sne.s32 s2, $0x0  }
0xf8: {  	s3 =	rddreg [dreg:$0x2];
	[bflag:$0x3] =	sbarrier.arrive $0xFFFF;
	s2 =	simm.s32 @!p0 $0x1C03  }
0xf9: {  	[timem:s3], [sflag:s2] =	dma.local @!p0 [hbm:s0], s1  }
0xfa: {  	s0 =	simm.s32 @!p0 $0x3  }
0xfb: {  	_ =	swait.ge @!p0 [sflag:s0], s1  }
0xfc: {  	s1 =	ssub.s32 @!p0 $0x0, s1;
	[sflag:s0] =	ssyncset.done @!p0 $0x0  }
0xfd: {  	[sflag:s0] =	ssyncadd.s32 @!p0 s1  }
0xfe: {  	[bflag:$0x3] =	sbarrier.arrive $0xFFFF  }
0xff: {  	_ =	shalt  }

</sc_bundles>
